<compile_context>
chip_gen: v7x
topology: tpu7x:2x2x1
jax: 0.10.2.dev20260603
libtpu: 0.0.44.dev20260713+nightly
codegen_flags: <defaults>
</compile_context>

<pallas_src>
import dataclasses
import functools

import jax
import jax.numpy as jnp
from jax import lax
from jax.experimental import pallas as pl
from jax.experimental.pallas import tpu as pltpu
from jax.experimental.pallas import tpu_sc as plsc

B = 4
C = 96
PH = 96
PW = 384
CART = 384
HW = CART * CART
N = PH * PW
P = B * N

NC = 2
NS = 16
L = 16
NW = NC * NS
PPW = P // NW

K = 128
CV = C // L


def _tc_to_channel_minor(grid_feat):
    blk = 1024
    gfv = grid_feat.reshape(B, C, HW)

    def body(x_ref, o_ref):
        o_ref[0] = x_ref[0].T

    return pl.pallas_call(
        body,
        grid=(B, HW // blk),
        in_specs=[pl.BlockSpec((1, C, blk), lambda b, j: (b, 0, j))],
        out_specs=pl.BlockSpec((1, blk, C), lambda b, j: (b, j, 0)),
        out_shape=jax.ShapeDtypeStruct((B, HW, C), jnp.float32),
    )(gfv).reshape(B * HW, C)


def _tc_to_channel_major(rows):
    blk = 1024
    rv = rows.reshape(B, N, C)

    def body(x_ref, o_ref):
        o_ref[0] = x_ref[0].T

    return pl.pallas_call(
        body,
        grid=(B, N // blk),
        in_specs=[pl.BlockSpec((1, blk, C), lambda b, j: (b, j, 0))],
        out_specs=pl.BlockSpec((1, C, blk), lambda b, j: (b, 0, j)),
        out_shape=jax.ShapeDtypeStruct((B, C, N), jnp.float32),
    )(rv).reshape(B, C, PH, PW)


def _bcast(ref, pos):
    return plsc.load_gather(ref, [jnp.full((L,), pos, dtype=jnp.int32)])


def _sc_sample(table, gx, gy):
    mesh = plsc.VectorSubcoreMesh(core_axis_name="c", subcore_axis_name="s")

    cp = pltpu.CompilerParams()
    if "needs_layout_passes" in pltpu.CompilerParams.__dataclass_fields__:
        cp = dataclasses.replace(cp, needs_layout_passes=False)
    if "use_tc_tiling_on_sc" in pltpu.CompilerParams.__dataclass_fields__:
        cp = dataclasses.replace(cp, use_tc_tiling_on_sc=False)

    @functools.partial(
        pl.kernel,
        out_type=jax.ShapeDtypeStruct((P, C), jnp.float32),
        mesh=mesh,
        compiler_params=cp,
        scratch_types=[
            pltpu.VMEM((K,), jnp.float32),
            pltpu.VMEM((K,), jnp.float32),
            pltpu.VMEM((K,), jnp.int32),
            pltpu.VMEM((K,), jnp.int32),
            pltpu.VMEM((K,), jnp.int32),
            pltpu.VMEM((K,), jnp.int32),
            pltpu.VMEM((K,), jnp.float32),
            pltpu.VMEM((K,), jnp.float32),
            pltpu.VMEM((K,), jnp.float32),
            pltpu.VMEM((K,), jnp.float32),
            pltpu.VMEM((K, C), jnp.float32),
            pltpu.VMEM((K, C), jnp.float32),
            pltpu.VMEM((K, C), jnp.float32),
            pltpu.VMEM((K, C), jnp.float32),
            pltpu.VMEM((K, C), jnp.float32),
            pltpu.SemaphoreType.DMA,
        ],
    )
    def k(table_hbm, gx_hbm, gy_hbm, out_hbm,
          gxv, gyv, i00, i01, i10, i11, w00, w01, w10, w11,
          g00, g01, g10, g11, orow, sem):
        cid = lax.axis_index("c")
        sid = lax.axis_index("s")
        wid = sid * NC + cid
        base = wid * PPW
        boff = (wid // (NW // B)) * HW

        @pl.loop(0, PPW, step=K)
        def _(off):
            p0 = base + off
            pltpu.sync_copy(gx_hbm.at[pl.ds(p0, K)], gxv)
            pltpu.sync_copy(gy_hbm.at[pl.ds(p0, K)], gyv)

            @pl.loop(0, K, step=L)
            def _(q):
                sl = pl.ds(q, L)
                xv = (gxv[sl] + 1.0) * (CART - 1) / 2.0
                yv = (gyv[sl] + 1.0) * (CART - 1) / 2.0
                x0i = xv.astype(jnp.int32)
                y0i = yv.astype(jnp.int32)
                fx = xv - x0i.astype(jnp.float32)
                fy = yv - y0i.astype(jnp.float32)
                fx1 = jnp.where(x0i < CART - 1, fx, 0.0)
                fy1 = jnp.where(y0i < CART - 1, fy, 0.0)
                fx0 = 1.0 - fx
                fy0 = 1.0 - fy
                x1i = jnp.minimum(x0i + 1, CART - 1)
                y1i = jnp.minimum(y0i + 1, CART - 1)
                r00 = boff + y0i * CART + x0i
                i00[sl] = r00
                i01[sl] = r00 + (x1i - x0i)
                r10 = boff + y1i * CART + x0i
                i10[sl] = r10
                i11[sl] = r10 + (x1i - x0i)
                w00[sl] = fx0 * fy0
                w01[sl] = fx1 * fy0
                w10[sl] = fx0 * fy1
                w11[sl] = fx1 * fy1

            d0 = pltpu.async_copy(table_hbm.at[i00], g00, sem)
            d1 = pltpu.async_copy(table_hbm.at[i01], g01, sem)
            d2 = pltpu.async_copy(table_hbm.at[i10], g10, sem)
            d3 = pltpu.async_copy(table_hbm.at[i11], g11, sem)
            d0.wait()
            d1.wait()
            d2.wait()
            d3.wait()

            @pl.loop(0, K, step=L)
            def _(q):
                for j in range(L):
                    row = q + j
                    b00 = _bcast(w00, row)
                    b01 = _bcast(w01, row)
                    b10 = _bcast(w10, row)
                    b11 = _bcast(w11, row)
                    for cv in range(CV):
                        csl = pl.ds(cv * L, L)
                        orow[row, csl] = (b00 * g00[row, csl]
                                          + b01 * g01[row, csl]
                                          + b10 * g10[row, csl]
                                          + b11 * g11[row, csl])

            pltpu.sync_copy(orow, out_hbm.at[pl.ds(p0, K)])

    return k(table, gx, gy)


def kernel(grid_feat, ref_feat, grid_index, grid_xy):
    del ref_feat, grid_xy
    table = _tc_to_channel_minor(grid_feat)
    gx = grid_index[..., 0].reshape(P)
    gy = grid_index[..., 1].reshape(P)
    out_rows = _sc_sample(table, gx, gy)
    return _tc_to_channel_major(out_rows)

# --- scband reference (transcript-rebuilt; emitter-appended) ---
"""Pipeline reference for scband-cart2-polar-7043746365526 (READ-ONLY COPY).

The authoritative reference and input builder live on the scoring server;
editing this copy changes nothing except your own understanding.
"""

import jax, jax.numpy as jnp
import numpy as np

B = 4
C = 96
PH = 96
PW = 384
CART = 384
CDG = 3.0


def _make_grids():
    yy, xx = np.meshgrid(np.arange(PH, dtype=np.float32), np.arange(PW, dtype=np.float32), indexing='ij')
    theta = np.pi - xx / PW * np.pi * 2.0
    r = (PH - 0.5 - yy + CDG) / (PH + CDG) * (CART / 2.0)
    index_x = r * np.cos(theta) + CART / 2.0
    index_y = r * np.sin(theta) + CART / 2.0
    g = np.stack((index_x, index_y), axis=-1).reshape(-1, 2)[None, :, None, :] / CART * 2.0 - 1.0
    grid_index = np.repeat(g.astype(np.float32), B, axis=0)  # [B, PH*PW, 1, 2]
    yyi, xxi = np.meshgrid(np.arange(PH), np.arange(PW), indexing='ij')
    xy = np.stack((yyi, xxi), axis=-1).reshape(-1, 2)
    bi = np.repeat(np.arange(B), xy.shape[0])[:, None]
    grid_xy = np.concatenate([bi, np.tile(xy, (B, 1))], axis=1).astype(np.int32)  # [B*PH*PW, 3]
    return jnp.asarray(grid_index), jnp.asarray(grid_xy)


def setup_inputs(seed: int = 0):
    key = jax.random.key(seed)
    k1, k2 = jax.random.split(key)
    grid_feat = jax.random.normal(k1, (B, C, CART, CART), dtype=jnp.float32)
    ref_feat = jax.random.normal(k2, (B, C, PH, PW), dtype=jnp.float32)
    grid_index, grid_xy = _make_grids()
    return {"grid_feat": grid_feat, "ref_feat": ref_feat, "grid_index": grid_index, "grid_xy": grid_xy}


def _grid_sample_bilinear(img, grid):
    # img: [B, C, H, W]; grid: [B, N, 1, 2] with (x, y) in [-1, 1]; align_corners=True, zeros padding
    Bb, Cc, H, W = img.shape
    gx = grid[..., 0].reshape(Bb, -1)
    gy = grid[..., 1].reshape(Bb, -1)
    x = (gx + 1.0) * (W - 1) / 2.0
    y = (gy + 1.0) * (H - 1) / 2.0
    x0 = jnp.floor(x)
    x1 = x0 + 1.0
    y0 = jnp.floor(y)
    y1 = y0 + 1.0
    wx1 = x - x0
    wx0 = 1.0 - wx1
    wy1 = y - y0
    wy0 = 1.0 - wy1

    def in_bounds(xi, yi):
        return ((xi >= 0) & (xi <= W - 1) & (yi >= 0) & (yi <= H - 1)).astype(img.dtype)

    def per_batch(imb, x0b, x1b, y0b, y1b, wx0b, wx1b, wy0b, wy1b):
        def gather(xi, yi):
            xi_c = jnp.clip(xi, 0, W - 1).astype(jnp.int32)
            yi_c = jnp.clip(yi, 0, H - 1).astype(jnp.int32)
            return imb[:, yi_c, xi_c]  # [C, N]
        v = gather(x0b, y0b) * (wx0b * wy0b * in_bounds(x0b, y0b))
        v = v + gather(x1b, y0b) * (wx1b * wy0b * in_bounds(x1b, y0b))
        v = v + gather(x0b, y1b) * (wx0b * wy1b * in_bounds(x0b, y1b))
        v = v + gather(x1b, y1b) * (wx1b * wy1b * in_bounds(x1b, y1b))
        return v

    out = jax.vmap(per_batch)(img, x0, x1, y0, y1, wx0, wx1, wy0, wy1)  # [B, C, N]
    return out.reshape(Bb, Cc, -1, 1)


def reference(grid_feat, ref_feat, grid_index, grid_xy):
    Bb = ref_feat.shape[0]
    Cc = ref_feat.shape[1]
    sampled = _grid_sample_bilinear(grid_feat, grid_index[:Bb])  # [B, C, N, 1]
    vals = jnp.transpose(sampled, (0, 2, 1, 3)).reshape(-1, Cc)  # [B*N, C]
    length_per = grid_xy.shape[0] // grid_index.shape[0]
    length = length_per * Bb
    bi = grid_xy[:length, 0]
    yi = grid_xy[:length, 1]
    xi = grid_xy[:length, 2]
    polar_feat = ref_feat.at[bi, :, yi, xi].set(vals)
    return polar_feat

if __name__ == "__main__":
    import jax
    _d = setup_inputs()
    print(jax.jit(kernel)(*tuple(_d.values())))

</pallas_src>

<mosaic_0001>
#map = affine_map<(d0, d1) -> (0, 0)>
#map1 = affine_map<(d0, d1) -> (0)>
module attributes {stable_mosaic.version = 14 : i64} {
  func.func @k(%arg0: i32, %arg1: i32, %arg2: memref<589824x96xf32, #tpu.memory_space<hbm>>, %arg3: memref<147456xf32, #tpu.memory_space<hbm>>, %arg4: memref<147456xf32, #tpu.memory_space<hbm>>, %arg5: memref<147456x96xf32, #tpu.memory_space<hbm>>, %arg6: memref<128xf32, #tpu.memory_space<vmem>>, %arg7: memref<128xf32, #tpu.memory_space<vmem>>, %arg8: memref<128xi32, #tpu.memory_space<vmem>>, %arg9: memref<128xi32, #tpu.memory_space<vmem>>, %arg10: memref<128xi32, #tpu.memory_space<vmem>>, %arg11: memref<128xi32, #tpu.memory_space<vmem>>, %arg12: memref<128xf32, #tpu.memory_space<vmem>>, %arg13: memref<128xf32, #tpu.memory_space<vmem>>, %arg14: memref<128xf32, #tpu.memory_space<vmem>>, %arg15: memref<128xf32, #tpu.memory_space<vmem>>, %arg16: memref<128x96xf32, #tpu.memory_space<vmem>>, %arg17: memref<128x96xf32, #tpu.memory_space<vmem>>, %arg18: memref<128x96xf32, #tpu.memory_space<vmem>>, %arg19: memref<128x96xf32, #tpu.memory_space<vmem>>, %arg20: memref<128x96xf32, #tpu.memory_space<vmem>>, %arg21: memref<!tpu.dma_semaphore, #tpu.memory_space<semaphore_mem>>) attributes {dimension_semantics = [#tpu.dimension_semantics<core_parallel>, #tpu.dimension_semantics<subcore_parallel>], iteration_bounds = array<i64: 2, 16>, scalar_prefetch = 0 : i64, scratch_operands = 16 : i64, tpu.core_type = #tpu.core_type<sc_vector_subcore>, window_params = [{transform_indices = #map}, {transform_indices = #map1}, {transform_indices = #map1}, {transform_indices = #map}]} {
    %mul3A = arith.constant 2 : i32
    %mul3A_0 = arith.muli %arg1, %mul3A : i32
    %add3A = arith.addi %mul3A_0, %arg0 : i32
    %mul3A_1 = arith.constant 4608 : i32
    %mul3A_2 = arith.muli %add3A, %mul3A_1 : i32
    %jit3A = arith.constant 8 : i32
    %div3A = arith.divsi %add3A, %jit3A : i32
    %sign3A = arith.constant 0 : i32
    %sign3A_3 = arith.cmpi sgt, %add3A, %sign3A : i32
    %sign3A_4 = arith.extui %sign3A_3 : i1 to i32
    %sign3A_5 = arith.constant 0 : i32
    %sign3A_6 = arith.cmpi slt, %add3A, %sign3A_5 : i32
    %sign3A_7 = arith.extui %sign3A_6 : i1 to i32
    %sign3A_8 = arith.subi %sign3A_4, %sign3A_7 : i32
    %sign3A_9 = arith.constant 0 : i32
    %sign3A_10 = arith.cmpi sgt, %jit3A, %sign3A_9 : i32
    %sign3A_11 = arith.extui %sign3A_10 : i1 to i32
    %sign3A_12 = arith.constant 0 : i32
    %sign3A_13 = arith.cmpi slt, %jit3A, %sign3A_12 : i32
    %sign3A_14 = arith.extui %sign3A_13 : i1 to i32
    %sign3A_15 = arith.subi %sign3A_11, %sign3A_14 : i32
    %ne3A = arith.cmpi ne, %sign3A_8, %sign3A_15 : i32
    %rem3A = arith.remsi %add3A, %jit3A : i32
    %ne3A_16 = arith.constant 0 : i32
    %ne3A_17 = arith.cmpi ne, %rem3A, %ne3A_16 : i32
    %and3A = arith.andi %ne3A, %ne3A_17 : i1
    %sub3A = arith.constant 1 : i32
    %sub3A_18 = arith.subi %div3A, %sub3A : i32
    %select_n3A = arith.select %and3A, %sub3A_18, %div3A : i32
    %mul3A_19 = arith.constant 147456 : i32
    %mul3A_20 = arith.muli %select_n3A, %mul3A_19 : i32
    %scan3A = arith.constant 0 : i32
    %scan3A_21 = arith.constant 36 : i32
    %scan3A_22 = arith.addi %scan3A, %scan3A_21 : i32
    %scan3A_23 = arith.constant 1 : i32
    scf.for %scan3A_25 = %scan3A to %scan3A_22 step %scan3A_23  : i32 {
      %mul3A_26 = arith.constant 128 : i32
      %mul3A_27 = arith.muli %scan3A_25, %mul3A_26 : i32
      %add3A_28 = arith.constant 0 : i32
      %add3A_29 = arith.addi %add3A_28, %mul3A_27 : i32
      %add3A_30 = arith.addi %mul3A_2, %add3A_29 : i32
      "tpu.region"() ({
        %run_scoped3A = tpu.sem_alloc : memref<!tpu.dma_semaphore, #tpu.memory_space<semaphore_mem>>
        %dma_start3A_63 = tpu.memref_slice %arg3[%add3A_30] : memref<147456xf32, #tpu.memory_space<hbm>> -> memref<128xf32, #tpu.memory_space<hbm>>
        %dma_start3A_64 = tpu.memref_slice %arg3[%add3A_30] : memref<147456xf32, #tpu.memory_space<hbm>> -> memref<128xf32, #tpu.memory_space<hbm>>
        tpu.enqueue_dma source(%dma_start3A_64 : memref<128xf32, #tpu.memory_space<hbm>>) target(%arg6 : memref<128xf32, #tpu.memory_space<vmem>>) target_semaphore(%run_scoped3A : memref<!tpu.dma_semaphore, #tpu.memory_space<semaphore_mem>>)
        %dma_wait3A_65 = tpu.memref_slice %arg3[%add3A_30] : memref<147456xf32, #tpu.memory_space<hbm>> -> memref<128xf32, #tpu.memory_space<hbm>>
        %dma_wait3A_66 = tpu.memref_slice %arg3[%add3A_30] : memref<147456xf32, #tpu.memory_space<hbm>> -> memref<128xf32, #tpu.memory_space<hbm>>
        tpu.wait_dma2 semaphore(%run_scoped3A : memref<!tpu.dma_semaphore, #tpu.memory_space<semaphore_mem>>) src(%dma_wait3A_66 : memref<128xf32, #tpu.memory_space<hbm>>) dst(%arg6 : memref<128xf32, #tpu.memory_space<vmem>>)
        tpu.yield
      }) : () -> ()
      "tpu.region"() ({
        %run_scoped3A = tpu.sem_alloc : memref<!tpu.dma_semaphore, #tpu.memory_space<semaphore_mem>>
        %dma_start3A_63 = tpu.memref_slice %arg4[%add3A_30] : memref<147456xf32, #tpu.memory_space<hbm>> -> memref<128xf32, #tpu.memory_space<hbm>>
        %dma_start3A_64 = tpu.memref_slice %arg4[%add3A_30] : memref<147456xf32, #tpu.memory_space<hbm>> -> memref<128xf32, #tpu.memory_space<hbm>>
        tpu.enqueue_dma source(%dma_start3A_64 : memref<128xf32, #tpu.memory_space<hbm>>) target(%arg7 : memref<128xf32, #tpu.memory_space<vmem>>) target_semaphore(%run_scoped3A : memref<!tpu.dma_semaphore, #tpu.memory_space<semaphore_mem>>)
        %dma_wait3A_65 = tpu.memref_slice %arg4[%add3A_30] : memref<147456xf32, #tpu.memory_space<hbm>> -> memref<128xf32, #tpu.memory_space<hbm>>
        %dma_wait3A_66 = tpu.memref_slice %arg4[%add3A_30] : memref<147456xf32, #tpu.memory_space<hbm>> -> memref<128xf32, #tpu.memory_space<hbm>>
        tpu.wait_dma2 semaphore(%run_scoped3A : memref<!tpu.dma_semaphore, #tpu.memory_space<semaphore_mem>>) src(%dma_wait3A_66 : memref<128xf32, #tpu.memory_space<hbm>>) dst(%arg7 : memref<128xf32, #tpu.memory_space<vmem>>)
        tpu.yield
      }) : () -> ()
      %scan3A_31 = arith.constant 0 : i32
      %scan3A_32 = arith.constant 8 : i32
      %scan3A_33 = arith.addi %scan3A_31, %scan3A_32 : i32
      %scan3A_34 = arith.constant 1 : i32
      scf.for %scan3A_63 = %scan3A_31 to %scan3A_33 step %scan3A_34  : i32 {
        %mul3A_64 = arith.constant 16 : i32
        %mul3A_65 = arith.muli %scan3A_63, %mul3A_64 : i32
        %add3A_66 = arith.constant 0 : i32
        %add3A_67 = arith.addi %add3A_66, %mul3A_65 : i32
        %get3A = arith.index_cast %add3A_67 : i32 to index
        %get3A_68 = tpu.vector_load %arg6[%get3A] {strides = array<i32>} : memref<128xf32, #tpu.memory_space<vmem>>, vector<16xf32>,
        %add3A_69 = arith.constant 1.000000e+00 : f32
        %add3A_70 = vector.broadcast %add3A_69 : f32 to vector<16xf32>
        %add3A_71 = arith.addf %get3A_68, %add3A_70 : vector<16xf32>
        %mul3A_72 = arith.constant 3.830000e+02 : f32
        %mul3A_73 = vector.broadcast %mul3A_72 : f32 to vector<16xf32>
        %mul3A_74 = arith.mulf %add3A_71, %mul3A_73 : vector<16xf32>
        %div3A_75 = arith.constant 2.000000e+00 : f32
        %div3A_76 = vector.broadcast %div3A_75 : f32 to vector<16xf32>
        %div3A_77 = arith.divf %mul3A_74, %div3A_76 : vector<16xf32>
        %get3A_78 = arith.index_cast %add3A_67 : i32 to index
        %get3A_79 = tpu.vector_load %arg7[%get3A_78] {strides = array<i32>} : memref<128xf32, #tpu.memory_space<vmem>>, vector<16xf32>,
        %add3A_80 = arith.constant 1.000000e+00 : f32
        %add3A_81 = vector.broadcast %add3A_80 : f32 to vector<16xf32>
        %add3A_82 = arith.addf %get3A_79, %add3A_81 : vector<16xf32>
        %mul3A_83 = arith.constant 3.830000e+02 : f32
        %mul3A_84 = vector.broadcast %mul3A_83 : f32 to vector<16xf32>
        %mul3A_85 = arith.mulf %add3A_82, %mul3A_84 : vector<16xf32>
        %div3A_86 = arith.constant 2.000000e+00 : f32
        %div3A_87 = vector.broadcast %div3A_86 : f32 to vector<16xf32>
        %div3A_88 = arith.divf %mul3A_85, %div3A_87 : vector<16xf32>
        %convert_element_type3A = arith.fptosi %div3A_77 : vector<16xf32> to vector<16xi32>
        %convert_element_type3A_89 = arith.fptosi %div3A_88 : vector<16xf32> to vector<16xi32>
        %convert_element_type3A_90 = arith.sitofp %convert_element_type3A : vector<16xi32> to vector<16xf32>
        %sub3A_91 = arith.subf %div3A_77, %convert_element_type3A_90 : vector<16xf32>
        %convert_element_type3A_92 = arith.sitofp %convert_element_type3A_89 : vector<16xi32> to vector<16xf32>
        %sub3A_93 = arith.subf %div3A_88, %convert_element_type3A_92 : vector<16xf32>
        %lt3A = arith.constant 383 : i32
        %lt3A_94 = vector.broadcast %lt3A : i32 to vector<16xi32>
        %lt3A_95 = arith.cmpi slt, %convert_element_type3A, %lt3A_94 : vector<16xi32>
        %jit3A_96 = arith.constant 0.000000e+00 : f32
        %broadcast_in_dim3A = vector.broadcast %jit3A_96 : f32 to vector<16xf32>
        %select_n3A_97 = arith.select %lt3A_95, %sub3A_91, %broadcast_in_dim3A : vector<16xi1>, vector<16xf32>
        %lt3A_98 = arith.constant 383 : i32
        %lt3A_99 = vector.broadcast %lt3A_98 : i32 to vector<16xi32>
        %lt3A_100 = arith.cmpi slt, %convert_element_type3A_89, %lt3A_99 : vector<16xi32>
        %jit3A_101 = arith.constant 0.000000e+00 : f32
        %broadcast_in_dim3A_102 = vector.broadcast %jit3A_101 : f32 to vector<16xf32>
        %select_n3A_103 = arith.select %lt3A_100, %sub3A_93, %broadcast_in_dim3A_102 : vector<16xi1>, vector<16xf32>
        %sub3A_104 = arith.constant 1.000000e+00 : f32
        %sub3A_105 = vector.broadcast %sub3A_104 : f32 to vector<16xf32>
        %sub3A_106 = arith.subf %sub3A_105, %sub3A_91 : vector<16xf32>
        %sub3A_107 = arith.constant 1.000000e+00 : f32
        %sub3A_108 = vector.broadcast %sub3A_107 : f32 to vector<16xf32>
        %sub3A_109 = arith.subf %sub3A_108, %sub3A_93 : vector<16xf32>
        %add3A_110 = arith.constant 1 : i32
        %add3A_111 = vector.broadcast %add3A_110 : i32 to vector<16xi32>
        %add3A_112 = arith.addi %convert_element_type3A, %add3A_111 : vector<16xi32>
        %min3A = arith.constant 383 : i32
        %min3A_113 = vector.broadcast %min3A : i32 to vector<16xi32>
        %min3A_114 = arith.minsi %add3A_112, %min3A_113 : vector<16xi32>
        %add3A_115 = arith.constant 1 : i32
        %add3A_116 = vector.broadcast %add3A_115 : i32 to vector<16xi32>
        %add3A_117 = arith.addi %convert_element_type3A_89, %add3A_116 : vector<16xi32>
        %min3A_118 = arith.constant 383 : i32
        %min3A_119 = vector.broadcast %min3A_118 : i32 to vector<16xi32>
        %min3A_120 = arith.minsi %add3A_117, %min3A_119 : vector<16xi32>
        %mul3A_121 = arith.constant 384 : i32
        %mul3A_122 = vector.broadcast %mul3A_121 : i32 to vector<16xi32>
        %mul3A_123 = arith.muli %convert_element_type3A_89, %mul3A_122 : vector<16xi32>
        %add3A_124 = vector.broadcast %mul3A_20 : i32 to vector<16xi32>
        %add3A_125 = arith.addi %add3A_124, %mul3A_123 : vector<16xi32>
        %add3A_126 = arith.addi %add3A_125, %convert_element_type3A : vector<16xi32>
        %swap3A = arith.index_cast %add3A_67 : i32 to index
        %swap3A_127 = tpu.vector_load %arg8[%swap3A] {strides = array<i32>} : memref<128xi32, #tpu.memory_space<vmem>>, vector<16xi32>,
        tpu.vector_store %arg8[%swap3A], %add3A_126 {strides = array<i32>} : memref<128xi32, #tpu.memory_space<vmem>>, vector<16xi32>,
        %sub3A_128 = arith.subi %min3A_114, %convert_element_type3A : vector<16xi32>
        %add3A_129 = arith.addi %add3A_126, %sub3A_128 : vector<16xi32>
        %swap3A_130 = arith.index_cast %add3A_67 : i32 to index
        %swap3A_131 = tpu.vector_load %arg9[%swap3A_130] {strides = array<i32>} : memref<128xi32, #tpu.memory_space<vmem>>, vector<16xi32>,
        tpu.vector_store %arg9[%swap3A_130], %add3A_129 {strides = array<i32>} : memref<128xi32, #tpu.memory_space<vmem>>, vector<16xi32>,
        %mul3A_132 = arith.constant 384 : i32
        %mul3A_133 = vector.broadcast %mul3A_132 : i32 to vector<16xi32>
        %mul3A_134 = arith.muli %min3A_120, %mul3A_133 : vector<16xi32>
        %add3A_135 = vector.broadcast %mul3A_20 : i32 to vector<16xi32>
        %add3A_136 = arith.addi %add3A_135, %mul3A_134 : vector<16xi32>
        %add3A_137 = arith.addi %add3A_136, %convert_element_type3A : vector<16xi32>
        %swap3A_138 = arith.index_cast %add3A_67 : i32 to index
        %swap3A_139 = tpu.vector_load %arg10[%swap3A_138] {strides = array<i32>} : memref<128xi32, #tpu.memory_space<vmem>>, vector<16xi32>,
        tpu.vector_store %arg10[%swap3A_138], %add3A_137 {strides = array<i32>} : memref<128xi32, #tpu.memory_space<vmem>>, vector<16xi32>,
        %sub3A_140 = arith.subi %min3A_114, %convert_element_type3A : vector<16xi32>
        %add3A_141 = arith.addi %add3A_137, %sub3A_140 : vector<16xi32>
        %swap3A_142 = arith.index_cast %add3A_67 : i32 to index
        %swap3A_143 = tpu.vector_load %arg11[%swap3A_142] {strides = array<i32>} : memref<128xi32, #tpu.memory_space<vmem>>, vector<16xi32>,
        tpu.vector_store %arg11[%swap3A_142], %add3A_141 {strides = array<i32>} : memref<128xi32, #tpu.memory_space<vmem>>, vector<16xi32>,
        %mul3A_144 = arith.mulf %sub3A_106, %sub3A_109 : vector<16xf32>
        %swap3A_145 = arith.index_cast %add3A_67 : i32 to index
        %swap3A_146 = tpu.vector_load %arg12[%swap3A_145] {strides = array<i32>} : memref<128xf32, #tpu.memory_space<vmem>>, vector<16xf32>,
        tpu.vector_store %arg12[%swap3A_145], %mul3A_144 {strides = array<i32>} : memref<128xf32, #tpu.memory_space<vmem>>, vector<16xf32>,
        %mul3A_147 = arith.mulf %select_n3A_97, %sub3A_109 : vector<16xf32>
        %swap3A_148 = arith.index_cast %add3A_67 : i32 to index
        %swap3A_149 = tpu.vector_load %arg13[%swap3A_148] {strides = array<i32>} : memref<128xf32, #tpu.memory_space<vmem>>, vector<16xf32>,
        tpu.vector_store %arg13[%swap3A_148], %mul3A_147 {strides = array<i32>} : memref<128xf32, #tpu.memory_space<vmem>>, vector<16xf32>,
        %mul3A_150 = arith.mulf %sub3A_106, %select_n3A_103 : vector<16xf32>
        %swap3A_151 = arith.index_cast %add3A_67 : i32 to index
        %swap3A_152 = tpu.vector_load %arg14[%swap3A_151] {strides = array<i32>} : memref<128xf32, #tpu.memory_space<vmem>>, vector<16xf32>,
        tpu.vector_store %arg14[%swap3A_151], %mul3A_150 {strides = array<i32>} : memref<128xf32, #tpu.memory_space<vmem>>, vector<16xf32>,
        %mul3A_153 = arith.mulf %select_n3A_97, %select_n3A_103 : vector<16xf32>
        %swap3A_154 = arith.index_cast %add3A_67 : i32 to index
        %swap3A_155 = tpu.vector_load %arg15[%swap3A_154] {strides = array<i32>} : memref<128xf32, #tpu.memory_space<vmem>>, vector<16xf32>,
        tpu.vector_store %arg15[%swap3A_154], %mul3A_153 {strides = array<i32>} : memref<128xf32, #tpu.memory_space<vmem>>, vector<16xf32>,
      }
      %scan3A_35 = arith.constant 8 : i32
      %dma_start3A = arith.constant 0 : i32
      %dma_start3A_36 = arith.constant 0 : i32
      %dma_start3A_37 = tpu.memref_slice %arg2[%dma_start3A, %dma_start3A_36] : memref<589824x96xf32, #tpu.memory_space<hbm>> -> memref<589824x96xf32, #tpu.memory_space<hbm>>
      tpu.enqueue_indirect_dma source(%dma_start3A_37 : memref<589824x96xf32, #tpu.memory_space<hbm>>) target(%arg16 : memref<128x96xf32, #tpu.memory_space<vmem>>) offsets(%arg8 : memref<128xi32, #tpu.memory_space<vmem>>) semaphore(%arg21 : memref<!tpu.dma_semaphore, #tpu.memory_space<semaphore_mem>>)
      %dma_start3A_38 = arith.constant 0 : i32
      %dma_start3A_39 = arith.constant 0 : i32
      %dma_start3A_40 = tpu.memref_slice %arg2[%dma_start3A_38, %dma_start3A_39] : memref<589824x96xf32, #tpu.memory_space<hbm>> -> memref<589824x96xf32, #tpu.memory_space<hbm>>
      tpu.enqueue_indirect_dma source(%dma_start3A_40 : memref<589824x96xf32, #tpu.memory_space<hbm>>) target(%arg17 : memref<128x96xf32, #tpu.memory_space<vmem>>) offsets(%arg9 : memref<128xi32, #tpu.memory_space<vmem>>) semaphore(%arg21 : memref<!tpu.dma_semaphore, #tpu.memory_space<semaphore_mem>>)
      %dma_start3A_41 = arith.constant 0 : i32
      %dma_start3A_42 = arith.constant 0 : i32
      %dma_start3A_43 = tpu.memref_slice %arg2[%dma_start3A_41, %dma_start3A_42] : memref<589824x96xf32, #tpu.memory_space<hbm>> -> memref<589824x96xf32, #tpu.memory_space<hbm>>
      tpu.enqueue_indirect_dma source(%dma_start3A_43 : memref<589824x96xf32, #tpu.memory_space<hbm>>) target(%arg18 : memref<128x96xf32, #tpu.memory_space<vmem>>) offsets(%arg10 : memref<128xi32, #tpu.memory_space<vmem>>) semaphore(%arg21 : memref<!tpu.dma_semaphore, #tpu.memory_space<semaphore_mem>>)
      %dma_start3A_44 = arith.constant 0 : i32
      %dma_start3A_45 = arith.constant 0 : i32
      %dma_start3A_46 = tpu.memref_slice %arg2[%dma_start3A_44, %dma_start3A_45] : memref<589824x96xf32, #tpu.memory_space<hbm>> -> memref<589824x96xf32, #tpu.memory_space<hbm>>
      tpu.enqueue_indirect_dma source(%dma_start3A_46 : memref<589824x96xf32, #tpu.memory_space<hbm>>) target(%arg19 : memref<128x96xf32, #tpu.memory_space<vmem>>) offsets(%arg11 : memref<128xi32, #tpu.memory_space<vmem>>) semaphore(%arg21 : memref<!tpu.dma_semaphore, #tpu.memory_space<semaphore_mem>>)
      %dma_wait3A = arith.constant 0 : i32
      %dma_wait3A_47 = arith.constant 0 : i32
      %dma_wait3A_48 = tpu.memref_slice %arg2[%dma_wait3A, %dma_wait3A_47] : memref<589824x96xf32, #tpu.memory_space<hbm>> -> memref<589824x96xf32, #tpu.memory_space<hbm>>
      tpu.wait_indirect_dma semaphore(%arg21 : memref<!tpu.dma_semaphore, #tpu.memory_space<semaphore_mem>>) src(%dma_wait3A_48 : memref<589824x96xf32, #tpu.memory_space<hbm>>) dst(%arg16 : memref<128x96xf32, #tpu.memory_space<vmem>>)
      %dma_wait3A_49 = arith.constant 0 : i32
      %dma_wait3A_50 = arith.constant 0 : i32
      %dma_wait3A_51 = tpu.memref_slice %arg2[%dma_wait3A_49, %dma_wait3A_50] : memref<589824x96xf32, #tpu.memory_space<hbm>> -> memref<589824x96xf32, #tpu.memory_space<hbm>>
      tpu.wait_indirect_dma semaphore(%arg21 : memref<!tpu.dma_semaphore, #tpu.memory_space<semaphore_mem>>) src(%dma_wait3A_51 : memref<589824x96xf32, #tpu.memory_space<hbm>>) dst(%arg17 : memref<128x96xf32, #tpu.memory_space<vmem>>)
      %dma_wait3A_52 = arith.constant 0 : i32
      %dma_wait3A_53 = arith.constant 0 : i32
      %dma_wait3A_54 = tpu.memref_slice %arg2[%dma_wait3A_52, %dma_wait3A_53] : memref<589824x96xf32, #tpu.memory_space<hbm>> -> memref<589824x96xf32, #tpu.memory_space<hbm>>
      tpu.wait_indirect_dma semaphore(%arg21 : memref<!tpu.dma_semaphore, #tpu.memory_space<semaphore_mem>>) src(%dma_wait3A_54 : memref<589824x96xf32, #tpu.memory_space<hbm>>) dst(%arg18 : memref<128x96xf32, #tpu.memory_space<vmem>>)
      %dma_wait3A_55 = arith.constant 0 : i32
      %dma_wait3A_56 = arith.constant 0 : i32
      %dma_wait3A_57 = tpu.memref_slice %arg2[%dma_wait3A_55, %dma_wait3A_56] : memref<589824x96xf32, #tpu.memory_space<hbm>> -> memref<589824x96xf32, #tpu.memory_space<hbm>>
      tpu.wait_indirect_dma semaphore(%arg21 : memref<!tpu.dma_semaphore, #tpu.memory_space<semaphore_mem>>) src(%dma_wait3A_57 : memref<589824x96xf32, #tpu.memory_space<hbm>>) dst(%arg19 : memref<128x96xf32, #tpu.memory_space<vmem>>)
      %scan3A_58 = arith.constant 0 : i32
      %scan3A_59 = arith.constant 8 : i32
      %scan3A_60 = arith.addi %scan3A_58, %scan3A_59 : i32
      %scan3A_61 = arith.constant 1 : i32
      scf.for %scan3A_63 = %scan3A_58 to %scan3A_60 step %scan3A_61  : i32 {
        %mul3A_64 = arith.constant 16 : i32
        %mul3A_65 = arith.muli %scan3A_63, %mul3A_64 : i32
        %add3A_66 = arith.constant 0 : i32
        %add3A_67 = arith.addi %add3A_66, %mul3A_65 : i32
        %add3A_68 = arith.constant 0 : i32
        %add3A_69 = arith.addi %add3A_67, %add3A_68 : i32
        %broadcast_in_dim3A = vector.broadcast %add3A_69 : i32 to vector<16xi32>
        %gather3A = tpu.vector_load_idx %arg12[%broadcast_in_dim3A] : memref<128xf32, #tpu.memory_space<vmem>>[vector<16xi32>], vector<16xf32>,
        %broadcast_in_dim3A_70 = vector.broadcast %add3A_69 : i32 to vector<16xi32>
        %gather3A_71 = tpu.vector_load_idx %arg13[%broadcast_in_dim3A_70] : memref<128xf32, #tpu.memory_space<vmem>>[vector<16xi32>], vector<16xf32>,
        %broadcast_in_dim3A_72 = vector.broadcast %add3A_69 : i32 to vector<16xi32>
        %gather3A_73 = tpu.vector_load_idx %arg14[%broadcast_in_dim3A_72] : memref<128xf32, #tpu.memory_space<vmem>>[vector<16xi32>], vector<16xf32>,
        %broadcast_in_dim3A_74 = vector.broadcast %add3A_69 : i32 to vector<16xi32>
        %gather3A_75 = tpu.vector_load_idx %arg15[%broadcast_in_dim3A_74] : memref<128xf32, #tpu.memory_space<vmem>>[vector<16xi32>], vector<16xf32>,
        %get3A = arith.index_cast %add3A_69 : i32 to index
        %get3A_76 = arith.constant 0 : index
        %get3A_77 = tpu.vector_load %arg16[%get3A, %get3A_76] {strides = array<i32>} : memref<128x96xf32, #tpu.memory_space<vmem>>, vector<16xf32>,
        %mul3A_78 = arith.mulf %gather3A, %get3A_77 : vector<16xf32>
        %get3A_79 = arith.index_cast %add3A_69 : i32 to index
        %get3A_80 = arith.constant 0 : index
        %get3A_81 = tpu.vector_load %arg17[%get3A_79, %get3A_80] {strides = array<i32>} : memref<128x96xf32, #tpu.memory_space<vmem>>, vector<16xf32>,
        %mul3A_82 = arith.mulf %gather3A_71, %get3A_81 : vector<16xf32>
        %add3A_83 = arith.addf %mul3A_78, %mul3A_82 : vector<16xf32>
        %get3A_84 = arith.index_cast %add3A_69 : i32 to index
        %get3A_85 = arith.constant 0 : index
        %get3A_86 = tpu.vector_load %arg18[%get3A_84, %get3A_85] {strides = array<i32>} : memref<128x96xf32, #tpu.memory_space<vmem>>, vector<16xf32>,
        %mul3A_87 = arith.mulf %gather3A_73, %get3A_86 : vector<16xf32>
        %add3A_88 = arith.addf %add3A_83, %mul3A_87 : vector<16xf32>
        %get3A_89 = arith.index_cast %add3A_69 : i32 to index
        %get3A_90 = arith.constant 0 : index
        %get3A_91 = tpu.vector_load %arg19[%get3A_89, %get3A_90] {strides = array<i32>} : memref<128x96xf32, #tpu.memory_space<vmem>>, vector<16xf32>,
        %mul3A_92 = arith.mulf %gather3A_75, %get3A_91 : vector<16xf32>
        %add3A_93 = arith.addf %add3A_88, %mul3A_92 : vector<16xf32>
        %swap3A = arith.index_cast %add3A_69 : i32 to index
        %swap3A_94 = arith.constant 0 : index
        %swap3A_95 = tpu.vector_load %arg20[%swap3A, %swap3A_94] {strides = array<i32>} : memref<128x96xf32, #tpu.memory_space<vmem>>, vector<16xf32>,
        tpu.vector_store %arg20[%swap3A, %swap3A_94], %add3A_93 {strides = array<i32>} : memref<128x96xf32, #tpu.memory_space<vmem>>, vector<16xf32>,
        %get3A_96 = arith.index_cast %add3A_69 : i32 to index
        %get3A_97 = arith.constant 16 : index
        %get3A_98 = tpu.vector_load %arg16[%get3A_96, %get3A_97] {strides = array<i32>} : memref<128x96xf32, #tpu.memory_space<vmem>>, vector<16xf32>,
        %mul3A_99 = arith.mulf %gather3A, %get3A_98 : vector<16xf32>
        %get3A_100 = arith.index_cast %add3A_69 : i32 to index
        %get3A_101 = arith.constant 16 : index
        %get3A_102 = tpu.vector_load %arg17[%get3A_100, %get3A_101] {strides = array<i32>} : memref<128x96xf32, #tpu.memory_space<vmem>>, vector<16xf32>,
        %mul3A_103 = arith.mulf %gather3A_71, %get3A_102 : vector<16xf32>
        %add3A_104 = arith.addf %mul3A_99, %mul3A_103 : vector<16xf32>
        %get3A_105 = arith.index_cast %add3A_69 : i32 to index
        %get3A_106 = arith.constant 16 : index
        %get3A_107 = tpu.vector_load %arg18[%get3A_105, %get3A_106] {strides = array<i32>} : memref<128x96xf32, #tpu.memory_space<vmem>>, vector<16xf32>,
        %mul3A_108 = arith.mulf %gather3A_73, %get3A_107 : vector<16xf32>
        %add3A_109 = arith.addf %add3A_104, %mul3A_108 : vector<16xf32>
        %get3A_110 = arith.index_cast %add3A_69 : i32 to index
        %get3A_111 = arith.constant 16 : index
        %get3A_112 = tpu.vector_load %arg19[%get3A_110, %get3A_111] {strides = array<i32>} : memref<128x96xf32, #tpu.memory_space<vmem>>, vector<16xf32>,
        %mul3A_113 = arith.mulf %gather3A_75, %get3A_112 : vector<16xf32>
        %add3A_114 = arith.addf %add3A_109, %mul3A_113 : vector<16xf32>
        %swap3A_115 = arith.index_cast %add3A_69 : i32 to index
        %swap3A_116 = arith.constant 16 : index
        %swap3A_117 = tpu.vector_load %arg20[%swap3A_115, %swap3A_116] {strides = array<i32>} : memref<128x96xf32, #tpu.memory_space<vmem>>, vector<16xf32>,
        tpu.vector_store %arg20[%swap3A_115, %swap3A_116], %add3A_114 {strides = array<i32>} : memref<128x96xf32, #tpu.memory_space<vmem>>, vector<16xf32>,
        %get3A_118 = arith.index_cast %add3A_69 : i32 to index
        %get3A_119 = arith.constant 32 : index
        %get3A_120 = tpu.vector_load %arg16[%get3A_118, %get3A_119] {strides = array<i32>} : memref<128x96xf32, #tpu.memory_space<vmem>>, vector<16xf32>,
        %mul3A_121 = arith.mulf %gather3A, %get3A_120 : vector<16xf32>
        %get3A_122 = arith.index_cast %add3A_69 : i32 to index
        %get3A_123 = arith.constant 32 : index
        %get3A_124 = tpu.vector_load %arg17[%get3A_122, %get3A_123] {strides = array<i32>} : memref<128x96xf32, #tpu.memory_space<vmem>>, vector<16xf32>,
        %mul3A_125 = arith.mulf %gather3A_71, %get3A_124 : vector<16xf32>
        %add3A_126 = arith.addf %mul3A_121, %mul3A_125 : vector<16xf32>
        %get3A_127 = arith.index_cast %add3A_69 : i32 to index
        %get3A_128 = arith.constant 32 : index
        %get3A_129 = tpu.vector_load %arg18[%get3A_127, %get3A_128] {strides = array<i32>} : memref<128x96xf32, #tpu.memory_space<vmem>>, vector<16xf32>,
        %mul3A_130 = arith.mulf %gather3A_73, %get3A_129 : vector<16xf32>
        %add3A_131 = arith.addf %add3A_126, %mul3A_130 : vector<16xf32>
        %get3A_132 = arith.index_cast %add3A_69 : i32 to index
        %get3A_133 = arith.constant 32 : index
        %get3A_134 = tpu.vector_load %arg19[%get3A_132, %get3A_133] {strides = array<i32>} : memref<128x96xf32, #tpu.memory_space<vmem>>, vector<16xf32>,
        %mul3A_135 = arith.mulf %gather3A_75, %get3A_134 : vector<16xf32>
        %add3A_136 = arith.addf %add3A_131, %mul3A_135 : vector<16xf32>
        %swap3A_137 = arith.index_cast %add3A_69 : i32 to index
        %swap3A_138 = arith.constant 32 : index
        %swap3A_139 = tpu.vector_load %arg20[%swap3A_137, %swap3A_138] {strides = array<i32>} : memref<128x96xf32, #tpu.memory_space<vmem>>, vector<16xf32>,
        tpu.vector_store %arg20[%swap3A_137, %swap3A_138], %add3A_136 {strides = array<i32>} : memref<128x96xf32, #tpu.memory_space<vmem>>, vector<16xf32>,
        %get3A_140 = arith.index_cast %add3A_69 : i32 to index
        %get3A_141 = arith.constant 48 : index
        %get3A_142 = tpu.vector_load %arg16[%get3A_140, %get3A_141] {strides = array<i32>} : memref<128x96xf32, #tpu.memory_space<vmem>>, vector<16xf32>,
        %mul3A_143 = arith.mulf %gather3A, %get3A_142 : vector<16xf32>
        %get3A_144 = arith.index_cast %add3A_69 : i32 to index
        %get3A_145 = arith.constant 48 : index
        %get3A_146 = tpu.vector_load %arg17[%get3A_144, %get3A_145] {strides = array<i32>} : memref<128x96xf32, #tpu.memory_space<vmem>>, vector<16xf32>,
        %mul3A_147 = arith.mulf %gather3A_71, %get3A_146 : vector<16xf32>
        %add3A_148 = arith.addf %mul3A_143, %mul3A_147 : vector<16xf32>
        %get3A_149 = arith.index_cast %add3A_69 : i32 to index
        %get3A_150 = arith.constant 48 : index
        %get3A_151 = tpu.vector_load %arg18[%get3A_149, %get3A_150] {strides = array<i32>} : memref<128x96xf32, #tpu.memory_space<vmem>>, vector<16xf32>,
        %mul3A_152 = arith.mulf %gather3A_73, %get3A_151 : vector<16xf32>
        %add3A_153 = arith.addf %add3A_148, %mul3A_152 : vector<16xf32>
        %get3A_154 = arith.index_cast %add3A_69 : i32 to index
        %get3A_155 = arith.constant 48 : index
        %get3A_156 = tpu.vector_load %arg19[%get3A_154, %get3A_155] {strides = array<i32>} : memref<128x96xf32, #tpu.memory_space<vmem>>, vector<16xf32>,
        %mul3A_157 = arith.mulf %gather3A_75, %get3A_156 : vector<16xf32>
        %add3A_158 = arith.addf %add3A_153, %mul3A_157 : vector<16xf32>
        %swap3A_159 = arith.index_cast %add3A_69 : i32 to index
        %swap3A_160 = arith.constant 48 : index
        %swap3A_161 = tpu.vector_load %arg20[%swap3A_159, %swap3A_160] {strides = array<i32>} : memref<128x96xf32, #tpu.memory_space<vmem>>, vector<16xf32>,
        tpu.vector_store %arg20[%swap3A_159, %swap3A_160], %add3A_158 {strides = array<i32>} : memref<128x96xf32, #tpu.memory_space<vmem>>, vector<16xf32>,
        %get3A_162 = arith.index_cast %add3A_69 : i32 to index
        %get3A_163 = arith.constant 64 : index
        %get3A_164 = tpu.vector_load %arg16[%get3A_162, %get3A_163] {strides = array<i32>} : memref<128x96xf32, #tpu.memory_space<vmem>>, vector<16xf32>,
        %mul3A_165 = arith.mulf %gather3A, %get3A_164 : vector<16xf32>
        %get3A_166 = arith.index_cast %add3A_69 : i32 to index
        %get3A_167 = arith.constant 64 : index
        %get3A_168 = tpu.vector_load %arg17[%get3A_166, %get3A_167] {strides = array<i32>} : memref<128x96xf32, #tpu.memory_space<vmem>>, vector<16xf32>,
        %mul3A_169 = arith.mulf %gather3A_71, %get3A_168 : vector<16xf32>
        %add3A_170 = arith.addf %mul3A_165, %mul3A_169 : vector<16xf32>
        %get3A_171 = arith.index_cast %add3A_69 : i32 to index
        %get3A_172 = arith.constant 64 : index
        %get3A_173 = tpu.vector_load %arg18[%get3A_171, %get3A_172] {strides = array<i32>} : memref<128x96xf32, #tpu.memory_space<vmem>>, vector<16xf32>,
        %mul3A_174 = arith.mulf %gather3A_73, %get3A_173 : vector<16xf32>
        %add3A_175 = arith.addf %add3A_170, %mul3A_174 : vector<16xf32>
        %get3A_176 = arith.index_cast %add3A_69 : i32 to index
        %get3A_177 = arith.constant 64 : index
        %get3A_178 = tpu.vector_load %arg19[%get3A_176, %get3A_177] {strides = array<i32>} : memref<128x96xf32, #tpu.memory_space<vmem>>, vector<16xf32>,
        %mul3A_179 = arith.mulf %gather3A_75, %get3A_178 : vector<16xf32>
        %add3A_180 = arith.addf %add3A_175, %mul3A_179 : vector<16xf32>
        %swap3A_181 = arith.index_cast %add3A_69 : i32 to index
        %swap3A_182 = arith.constant 64 : index
        %swap3A_183 = tpu.vector_load %arg20[%swap3A_181, %swap3A_182] {strides = array<i32>} : memref<128x96xf32, #tpu.memory_space<vmem>>, vector<16xf32>,
        tpu.vector_store %arg20[%swap3A_181, %swap3A_182], %add3A_180 {strides = array<i32>} : memref<128x96xf32, #tpu.memory_space<vmem>>, vector<16xf32>,
        %get3A_184 = arith.index_cast %add3A_69 : i32 to index
        %get3A_185 = arith.constant 80 : index
        %get3A_186 = tpu.vector_load %arg16[%get3A_184, %get3A_185] {strides = array<i32>} : memref<128x96xf32, #tpu.memory_space<vmem>>, vector<16xf32>,
        %mul3A_187 = arith.mulf %gather3A, %get3A_186 : vector<16xf32>
        %get3A_188 = arith.index_cast %add3A_69 : i32 to index
        %get3A_189 = arith.constant 80 : index
        %get3A_190 = tpu.vector_load %arg17[%get3A_188, %get3A_189] {strides = array<i32>} : memref<128x96xf32, #tpu.memory_space<vmem>>, vector<16xf32>,
        %mul3A_191 = arith.mulf %gather3A_71, %get3A_190 : vector<16xf32>
        %add3A_192 = arith.addf %mul3A_187, %mul3A_191 : vector<16xf32>
        %get3A_193 = arith.index_cast %add3A_69 : i32 to index
        %get3A_194 = arith.constant 80 : index
        %get3A_195 = tpu.vector_load %arg18[%get3A_193, %get3A_194] {strides = array<i32>} : memref<128x96xf32, #tpu.memory_space<vmem>>, vector<16xf32>,
        %mul3A_196 = arith.mulf %gather3A_73, %get3A_195 : vector<16xf32>
        %add3A_197 = arith.addf %add3A_192, %mul3A_196 : vector<16xf32>
        %get3A_198 = arith.index_cast %add3A_69 : i32 to index
        %get3A_199 = arith.constant 80 : index
        %get3A_200 = tpu.vector_load %arg19[%get3A_198, %get3A_199] {strides = array<i32>} : memref<128x96xf32, #tpu.memory_space<vmem>>, vector<16xf32>,
        %mul3A_201 = arith.mulf %gather3A_75, %get3A_200 : vector<16xf32>
        %add3A_202 = arith.addf %add3A_197, %mul3A_201 : vector<16xf32>
        %swap3A_203 = arith.index_cast %add3A_69 : i32 to index
        %swap3A_204 = arith.constant 80 : index
        %swap3A_205 = tpu.vector_load %arg20[%swap3A_203, %swap3A_204] {strides = array<i32>} : memref<128x96xf32, #tpu.memory_space<vmem>>, vector<16xf32>,
        tpu.vector_store %arg20[%swap3A_203, %swap3A_204], %add3A_202 {strides = array<i32>} : memref<128x96xf32, #tpu.memory_space<vmem>>, vector<16xf32>,
        %add3A_206 = arith.constant 1 : i32
        %add3A_207 = arith.addi %add3A_67, %add3A_206 : i32
        %broadcast_in_dim3A_208 = vector.broadcast %add3A_207 : i32 to vector<16xi32>
        %gather3A_209 = tpu.vector_load_idx %arg12[%broadcast_in_dim3A_208] : memref<128xf32, #tpu.memory_space<vmem>>[vector<16xi32>], vector<16xf32>,
        %broadcast_in_dim3A_210 = vector.broadcast %add3A_207 : i32 to vector<16xi32>
        %gather3A_211 = tpu.vector_load_idx %arg13[%broadcast_in_dim3A_210] : memref<128xf32, #tpu.memory_space<vmem>>[vector<16xi32>], vector<16xf32>,
        %broadcast_in_dim3A_212 = vector.broadcast %add3A_207 : i32 to vector<16xi32>
        %gather3A_213 = tpu.vector_load_idx %arg14[%broadcast_in_dim3A_212] : memref<128xf32, #tpu.memory_space<vmem>>[vector<16xi32>], vector<16xf32>,
        %broadcast_in_dim3A_214 = vector.broadcast %add3A_207 : i32 to vector<16xi32>
        %gather3A_215 = tpu.vector_load_idx %arg15[%broadcast_in_dim3A_214] : memref<128xf32, #tpu.memory_space<vmem>>[vector<16xi32>], vector<16xf32>,
        %get3A_216 = arith.index_cast %add3A_207 : i32 to index
        %get3A_217 = arith.constant 0 : index
        %get3A_218 = tpu.vector_load %arg16[%get3A_216, %get3A_217] {strides = array<i32>} : memref<128x96xf32, #tpu.memory_space<vmem>>, vector<16xf32>,
        %mul3A_219 = arith.mulf %gather3A_209, %get3A_218 : vector<16xf32>
        %get3A_220 = arith.index_cast %add3A_207 : i32 to index
        %get3A_221 = arith.constant 0 : index
        %get3A_222 = tpu.vector_load %arg17[%get3A_220, %get3A_221] {strides = array<i32>} : memref<128x96xf32, #tpu.memory_space<vmem>>, vector<16xf32>,
        %mul3A_223 = arith.mulf %gather3A_211, %get3A_222 : vector<16xf32>
        %add3A_224 = arith.addf %mul3A_219, %mul3A_223 : vector<16xf32>
        %get3A_225 = arith.index_cast %add3A_207 : i32 to index
        %get3A_226 = arith.constant 0 : index
        %get3A_227 = tpu.vector_load %arg18[%get3A_225, %get3A_226] {strides = array<i32>} : memref<128x96xf32, #tpu.memory_space<vmem>>, vector<16xf32>,
        %mul3A_228 = arith.mulf %gather3A_213, %get3A_227 : vector<16xf32>
        %add3A_229 = arith.addf %add3A_224, %mul3A_228 : vector<16xf32>
        %get3A_230 = arith.index_cast %add3A_207 : i32 to index
        %get3A_231 = arith.constant 0 : index
        %get3A_232 = tpu.vector_load %arg19[%get3A_230, %get3A_231] {strides = array<i32>} : memref<128x96xf32, #tpu.memory_space<vmem>>, vector<16xf32>,
        %mul3A_233 = arith.mulf %gather3A_215, %get3A_232 : vector<16xf32>
        %add3A_234 = arith.addf %add3A_229, %mul3A_233 : vector<16xf32>
        %swap3A_235 = arith.index_cast %add3A_207 : i32 to index
        %swap3A_236 = arith.constant 0 : index
        %swap3A_237 = tpu.vector_load %arg20[%swap3A_235, %swap3A_236] {strides = array<i32>} : memref<128x96xf32, #tpu.memory_space<vmem>>, vector<16xf32>,
        tpu.vector_store %arg20[%swap3A_235, %swap3A_236], %add3A_234 {strides = array<i32>} : memref<128x96xf32, #tpu.memory_space<vmem>>, vector<16xf32>,
        %get3A_238 = arith.index_cast %add3A_207 : i32 to index
        %get3A_239 = arith.constant 16 : index
        %get3A_240 = tpu.vector_load %arg16[%get3A_238, %get3A_239] {strides = array<i32>} : memref<128x96xf32, #tpu.memory_space<vmem>>, vector<16xf32>,
        %mul3A_241 = arith.mulf %gather3A_209, %get3A_240 : vector<16xf32>
        %get3A_242 = arith.index_cast %add3A_207 : i32 to index
        %get3A_243 = arith.constant 16 : index
        %get3A_244 = tpu.vector_load %arg17[%get3A_242, %get3A_243] {strides = array<i32>} : memref<128x96xf32, #tpu.memory_space<vmem>>, vector<16xf32>,
        %mul3A_245 = arith.mulf %gather3A_211, %get3A_244 : vector<16xf32>
        %add3A_246 = arith.addf %mul3A_241, %mul3A_245 : vector<16xf32>
        %get3A_247 = arith.index_cast %add3A_207 : i32 to index
        %get3A_248 = arith.constant 16 : index
        %get3A_249 = tpu.vector_load %arg18[%get3A_247, %get3A_248] {strides = array<i32>} : memref<128x96xf32, #tpu.memory_space<vmem>>, vector<16xf32>,
        %mul3A_250 = arith.mulf %gather3A_213, %get3A_249 : vector<16xf32>
        %add3A_251 = arith.addf %add3A_246, %mul3A_250 : vector<16xf32>
        %get3A_252 = arith.index_cast %add3A_207 : i32 to index
        %get3A_253 = arith.constant 16 : index
        %get3A_254 = tpu.vector_load %arg19[%get3A_252, %get3A_253] {strides = array<i32>} : memref<128x96xf32, #tpu.memory_space<vmem>>, vector<16xf32>,
        %mul3A_255 = arith.mulf %gather3A_215, %get3A_254 : vector<16xf32>
        %add3A_256 = arith.addf %add3A_251, %mul3A_255 : vector<16xf32>
        %swap3A_257 = arith.index_cast %add3A_207 : i32 to index
        %swap3A_258 = arith.constant 16 : index
        %swap3A_259 = tpu.vector_load %arg20[%swap3A_257, %swap3A_258] {strides = array<i32>} : memref<128x96xf32, #tpu.memory_space<vmem>>, vector<16xf32>,
        tpu.vector_store %arg20[%swap3A_257, %swap3A_258], %add3A_256 {strides = array<i32>} : memref<128x96xf32, #tpu.memory_space<vmem>>, vector<16xf32>,
        %get3A_260 = arith.index_cast %add3A_207 : i32 to index
        %get3A_261 = arith.constant 32 : index
        %get3A_262 = tpu.vector_load %arg16[%get3A_260, %get3A_261] {strides = array<i32>} : memref<128x96xf32, #tpu.memory_space<vmem>>, vector<16xf32>,
        %mul3A_263 = arith.mulf %gather3A_209, %get3A_262 : vector<16xf32>
        %get3A_264 = arith.index_cast %add3A_207 : i32 to index
        %get3A_265 = arith.constant 32 : index
        %get3A_266 = tpu.vector_load %arg17[%get3A_264, %get3A_265] {strides = array<i32>} : memref<128x96xf32, #tpu.memory_space<vmem>>, vector<16xf32>,
        %mul3A_267 = arith.mulf %gather3A_211, %get3A_266 : vector<16xf32>
        %add3A_268 = arith.addf %mul3A_263, %mul3A_267 : vector<16xf32>
        %get3A_269 = arith.index_cast %add3A_207 : i32 to index
        %get3A_270 = arith.constant 32 : index
        %get3A_271 = tpu.vector_load %arg18[%get3A_269, %get3A_270] {strides = array<i32>} : memref<128x96xf32, #tpu.memory_space<vmem>>, vector<16xf32>,
        %mul3A_272 = arith.mulf %gather3A_213, %get3A_271 : vector<16xf32>
        %add3A_273 = arith.addf %add3A_268, %mul3A_272 : vector<16xf32>
        %get3A_274 = arith.index_cast %add3A_207 : i32 to index
        %get3A_275 = arith.constant 32 : index
        %get3A_276 = tpu.vector_load %arg19[%get3A_274, %get3A_275] {strides = array<i32>} : memref<128x96xf32, #tpu.memory_space<vmem>>, vector<16xf32>,
        %mul3A_277 = arith.mulf %gather3A_215, %get3A_276 : vector<16xf32>
        %add3A_278 = arith.addf %add3A_273, %mul3A_277 : vector<16xf32>
        %swap3A_279 = arith.index_cast %add3A_207 : i32 to index
        %swap3A_280 = arith.constant 32 : index
        %swap3A_281 = tpu.vector_load %arg20[%swap3A_279, %swap3A_280] {strides = array<i32>} : memref<128x96xf32, #tpu.memory_space<vmem>>, vector<16xf32>,
        tpu.vector_store %arg20[%swap3A_279, %swap3A_280], %add3A_278 {strides = array<i32>} : memref<128x96xf32, #tpu.memory_space<vmem>>, vector<16xf32>,
        %get3A_282 = arith.index_cast %add3A_207 : i32 to index
        %get3A_283 = arith.constant 48 : index
        %get3A_284 = tpu.vector_load %arg16[%get3A_282, %get3A_283] {strides = array<i32>} : memref<128x96xf32, #tpu.memory_space<vmem>>, vector<16xf32>,
        %mul3A_285 = arith.mulf %gather3A_209, %get3A_284 : vector<16xf32>
        %get3A_286 = arith.index_cast %add3A_207 : i32 to index
        %get3A_287 = arith.constant 48 : index
        %get3A_288 = tpu.vector_load %arg17[%get3A_286, %get3A_287] {strides = array<i32>} : memref<128x96xf32, #tpu.memory_space<vmem>>, vector<16xf32>,
        %mul3A_289 = arith.mulf %gather3A_211, %get3A_288 : vector<16xf32>
        %add3A_290 = arith.addf %mul3A_285, %mul3A_289 : vector<16xf32>
        %get3A_291 = arith.index_cast %add3A_207 : i32 to index
        %get3A_292 = arith.constant 48 : index
        %get3A_293 = tpu.vector_load %arg18[%get3A_291, %get3A_292] {strides = array<i32>} : memref<128x96xf32, #tpu.memory_space<vmem>>, vector<16xf32>,
        %mul3A_294 = arith.mulf %gather3A_213, %get3A_293 : vector<16xf32>
        %add3A_295 = arith.addf %add3A_290, %mul3A_294 : vector<16xf32>
        %get3A_296 = arith.index_cast %add3A_207 : i32 to index
        %get3A_297 = arith.constant 48 : index
        %get3A_298 = tpu.vector_load %arg19[%get3A_296, %get3A_297] {strides = array<i32>} : memref<128x96xf32, #tpu.memory_space<vmem>>, vector<16xf32>,
        %mul3A_299 = arith.mulf %gather3A_215, %get3A_298 : vector<16xf32>
        %add3A_300 = arith.addf %add3A_295, %mul3A_299 : vector<16xf32>
        %swap3A_301 = arith.index_cast %add3A_207 : i32 to index
        %swap3A_302 = arith.constant 48 : index
        %swap3A_303 = tpu.vector_load %arg20[%swap3A_301, %swap3A_302] {strides = array<i32>} : memref<128x96xf32, #tpu.memory_space<vmem>>, vector<16xf32>,
        tpu.vector_store %arg20[%swap3A_301, %swap3A_302], %add3A_300 {strides = array<i32>} : memref<128x96xf32, #tpu.memory_space<vmem>>, vector<16xf32>,
        %get3A_304 = arith.index_cast %add3A_207 : i32 to index
        %get3A_305 = arith.constant 64 : index
        %get3A_306 = tpu.vector_load %arg16[%get3A_304, %get3A_305] {strides = array<i32>} : memref<128x96xf32, #tpu.memory_space<vmem>>, vector<16xf32>,
        %mul3A_307 = arith.mulf %gather3A_209, %get3A_306 : vector<16xf32>
        %get3A_308 = arith.index_cast %add3A_207 : i32 to index
        %get3A_309 = arith.constant 64 : index
        %get3A_310 = tpu.vector_load %arg17[%get3A_308, %get3A_309] {strides = array<i32>} : memref<128x96xf32, #tpu.memory_space<vmem>>, vector<16xf32>,
        %mul3A_311 = arith.mulf %gather3A_211, %get3A_310 : vector<16xf32>
        %add3A_312 = arith.addf %mul3A_307, %mul3A_311 : vector<16xf32>
        %get3A_313 = arith.index_cast %add3A_207 : i32 to index
        %get3A_314 = arith.constant 64 : index
        %get3A_315 = tpu.vector_load %arg18[%get3A_313, %get3A_314] {strides = array<i32>} : memref<128x96xf32, #tpu.memory_space<vmem>>, vector<16xf32>,
        %mul3A_316 = arith.mulf %gather3A_213, %get3A_315 : vector<16xf32>
        %add3A_317 = arith.addf %add3A_312, %mul3A_316 : vector<16xf32>
        %get3A_318 = arith.index_cast %add3A_207 : i32 to index
        %get3A_319 = arith.constant 64 : index
        %get3A_320 = tpu.vector_load %arg19[%get3A_318, %get3A_319] {strides = array<i32>} : memref<128x96xf32, #tpu.memory_space<vmem>>, vector<16xf32>,
        %mul3A_321 = arith.mulf %gather3A_215, %get3A_320 : vector<16xf32>
        %add3A_322 = arith.addf %add3A_317, %mul3A_321 : vector<16xf32>
        %swap3A_323 = arith.index_cast %add3A_207 : i32 to index
        %swap3A_324 = arith.constant 64 : index
        %swap3A_325 = tpu.vector_load %arg20[%swap3A_323, %swap3A_324] {strides = array<i32>} : memref<128x96xf32, #tpu.memory_space<vmem>>, vector<16xf32>,
        tpu.vector_store %arg20[%swap3A_323, %swap3A_324], %add3A_322 {strides = array<i32>} : memref<128x96xf32, #tpu.memory_space<vmem>>, vector<16xf32>,
        %get3A_326 = arith.index_cast %add3A_207 : i32 to index
        %get3A_327 = arith.constant 80 : index
        %get3A_328 = tpu.vector_load %arg16[%get3A_326, %get3A_327] {strides = array<i32>} : memref<128x96xf32, #tpu.memory_space<vmem>>, vector<16xf32>,
        %mul3A_329 = arith.mulf %gather3A_209, %get3A_328 : vector<16xf32>
        %get3A_330 = arith.index_cast %add3A_207 : i32 to index
        %get3A_331 = arith.constant 80 : index
        %get3A_332 = tpu.vector_load %arg17[%get3A_330, %get3A_331] {strides = array<i32>} : memref<128x96xf32, #tpu.memory_space<vmem>>, vector<16xf32>,
        %mul3A_333 = arith.mulf %gather3A_211, %get3A_332 : vector<16xf32>
        %add3A_334 = arith.addf %mul3A_329, %mul3A_333 : vector<16xf32>
        %get3A_335 = arith.index_cast %add3A_207 : i32 to index
        %get3A_336 = arith.constant 80 : index
        %get3A_337 = tpu.vector_load %arg18[%get3A_335, %get3A_336] {strides = array<i32>} : memref<128x96xf32, #tpu.memory_space<vmem>>, vector<16xf32>,
        %mul3A_338 = arith.mulf %gather3A_213, %get3A_337 : vector<16xf32>
        %add3A_339 = arith.addf %add3A_334, %mul3A_338 : vector<16xf32>
        %get3A_340 = arith.index_cast %add3A_207 : i32 to index
        %get3A_341 = arith.constant 80 : index
        %get3A_342 = tpu.vector_load %arg19[%get3A_340, %get3A_341] {strides = array<i32>} : memref<128x96xf32, #tpu.memory_space<vmem>>, vector<16xf32>,
        %mul3A_343 = arith.mulf %gather3A_215, %get3A_342 : vector<16xf32>
        %add3A_344 = arith.addf %add3A_339, %mul3A_343 : vector<16xf32>
        %swap3A_345 = arith.index_cast %add3A_207 : i32 to index
        %swap3A_346 = arith.constant 80 : index
        %swap3A_347 = tpu.vector_load %arg20[%swap3A_345, %swap3A_346] {strides = array<i32>} : memref<128x96xf32, #tpu.memory_space<vmem>>, vector<16xf32>,
        tpu.vector_store %arg20[%swap3A_345, %swap3A_346], %add3A_344 {strides = array<i32>} : memref<128x96xf32, #tpu.memory_space<vmem>>, vector<16xf32>,
        %add3A_348 = arith.constant 2 : i32
        %add3A_349 = arith.addi %add3A_67, %add3A_348 : i32
        %broadcast_in_dim3A_350 = vector.broadcast %add3A_349 : i32 to vector<16xi32>
        %gather3A_351 = tpu.vector_load_idx %arg12[%broadcast_in_dim3A_350] : memref<128xf32, #tpu.memory_space<vmem>>[vector<16xi32>], vector<16xf32>,
        %broadcast_in_dim3A_352 = vector.broadcast %add3A_349 : i32 to vector<16xi32>
        %gather3A_353 = tpu.vector_load_idx %arg13[%broadcast_in_dim3A_352] : memref<128xf32, #tpu.memory_space<vmem>>[vector<16xi32>], vector<16xf32>,
        %broadcast_in_dim3A_354 = vector.broadcast %add3A_349 : i32 to vector<16xi32>
        %gather3A_355 = tpu.vector_load_idx %arg14[%broadcast_in_dim3A_354] : memref<128xf32, #tpu.memory_space<vmem>>[vector<16xi32>], vector<16xf32>,
        %broadcast_in_dim3A_356 = vector.broadcast %add3A_349 : i32 to vector<16xi32>
        %gather3A_357 = tpu.vector_load_idx %arg15[%broadcast_in_dim3A_356] : memref<128xf32, #tpu.memory_space<vmem>>[vector<16xi32>], vector<16xf32>,
        %get3A_358 = arith.index_cast %add3A_349 : i32 to index
        %get3A_359 = arith.constant 0 : index
        %get3A_360 = tpu.vector_load %arg16[%get3A_358, %get3A_359] {strides = array<i32>} : memref<128x96xf32, #tpu.memory_space<vmem>>, vector<16xf32>,
        %mul3A_361 = arith.mulf %gather3A_351, %get3A_360 : vector<16xf32>
        %get3A_362 = arith.index_cast %add3A_349 : i32 to index
        %get3A_363 = arith.constant 0 : index
        %get3A_364 = tpu.vector_load %arg17[%get3A_362, %get3A_363] {strides = array<i32>} : memref<128x96xf32, #tpu.memory_space<vmem>>, vector<16xf32>,
        %mul3A_365 = arith.mulf %gather3A_353, %get3A_364 : vector<16xf32>
        %add3A_366 = arith.addf %mul3A_361, %mul3A_365 : vector<16xf32>
        %get3A_367 = arith.index_cast %add3A_349 : i32 to index
        %get3A_368 = arith.constant 0 : index
        %get3A_369 = tpu.vector_load %arg18[%get3A_367, %get3A_368] {strides = array<i32>} : memref<128x96xf32, #tpu.memory_space<vmem>>, vector<16xf32>,
        %mul3A_370 = arith.mulf %gather3A_355, %get3A_369 : vector<16xf32>
        %add3A_371 = arith.addf %add3A_366, %mul3A_370 : vector<16xf32>
        %get3A_372 = arith.index_cast %add3A_349 : i32 to index
        %get3A_373 = arith.constant 0 : index
        %get3A_374 = tpu.vector_load %arg19[%get3A_372, %get3A_373] {strides = array<i32>} : memref<128x96xf32, #tpu.memory_space<vmem>>, vector<16xf32>,
        %mul3A_375 = arith.mulf %gather3A_357, %get3A_374 : vector<16xf32>
        %add3A_376 = arith.addf %add3A_371, %mul3A_375 : vector<16xf32>
        %swap3A_377 = arith.index_cast %add3A_349 : i32 to index
        %swap3A_378 = arith.constant 0 : index
        %swap3A_379 = tpu.vector_load %arg20[%swap3A_377, %swap3A_378] {strides = array<i32>} : memref<128x96xf32, #tpu.memory_space<vmem>>, vector<16xf32>,
        tpu.vector_store %arg20[%swap3A_377, %swap3A_378], %add3A_376 {strides = array<i32>} : memref<128x96xf32, #tpu.memory_space<vmem>>, vector<16xf32>,
        %get3A_380 = arith.index_cast %add3A_349 : i32 to index
        %get3A_381 = arith.constant 16 : index
        %get3A_382 = tpu.vector_load %arg16[%get3A_380, %get3A_381] {strides = array<i32>} : memref<128x96xf32, #tpu.memory_space<vmem>>, vector<16xf32>,
        %mul3A_383 = arith.mulf %gather3A_351, %get3A_382 : vector<16xf32>
        %get3A_384 = arith.index_cast %add3A_349 : i32 to index
        %get3A_385 = arith.constant 16 : index
        %get3A_386 = tpu.vector_load %arg17[%get3A_384, %get3A_385] {strides = array<i32>} : memref<128x96xf32, #tpu.memory_space<vmem>>, vector<16xf32>,
        %mul3A_387 = arith.mulf %gather3A_353, %get3A_386 : vector<16xf32>
        %add3A_388 = arith.addf %mul3A_383, %mul3A_387 : vector<16xf32>
        %get3A_389 = arith.index_cast %add3A_349 : i32 to index
        %get3A_390 = arith.constant 16 : index
        %get3A_391 = tpu.vector_load %arg18[%get3A_389, %get3A_390] {strides = array<i32>} : memref<128x96xf32, #tpu.memory_space<vmem>>, vector<16xf32>,
        %mul3A_392 = arith.mulf %gather3A_355, %get3A_391 : vector<16xf32>
        %add3A_393 = arith.addf %add3A_388, %mul3A_392 : vector<16xf32>
        %get3A_394 = arith.index_cast %add3A_349 : i32 to index
        %get3A_395 = arith.constant 16 : index
        %get3A_396 = tpu.vector_load %arg19[%get3A_394, %get3A_395] {strides = array<i32>} : memref<128x96xf32, #tpu.memory_space<vmem>>, vector<16xf32>,
        %mul3A_397 = arith.mulf %gather3A_357, %get3A_396 : vector<16xf32>
        %add3A_398 = arith.addf %add3A_393, %mul3A_397 : vector<16xf32>
        %swap3A_399 = arith.index_cast %add3A_349 : i32 to index
        %swap3A_400 = arith.constant 16 : index
        %swap3A_401 = tpu.vector_load %arg20[%swap3A_399, %swap3A_400] {strides = array<i32>} : memref<128x96xf32, #tpu.memory_space<vmem>>, vector<16xf32>,
        tpu.vector_store %arg20[%swap3A_399, %swap3A_400], %add3A_398 {strides = array<i32>} : memref<128x96xf32, #tpu.memory_space<vmem>>, vector<16xf32>,
        %get3A_402 = arith.index_cast %add3A_349 : i32 to index
        %get3A_403 = arith.constant 32 : index
        %get3A_404 = tpu.vector_load %arg16[%get3A_402, %get3A_403] {strides = array<i32>} : memref<128x96xf32, #tpu.memory_space<vmem>>, vector<16xf32>,
        %mul3A_405 = arith.mulf %gather3A_351, %get3A_404 : vector<16xf32>
        %get3A_406 = arith.index_cast %add3A_349 : i32 to index
        %get3A_407 = arith.constant 32 : index
        %get3A_408 = tpu.vector_load %arg17[%get3A_406, %get3A_407] {strides = array<i32>} : memref<128x96xf32, #tpu.memory_space<vmem>>, vector<16xf32>,
        %mul3A_409 = arith.mulf %gather3A_353, %get3A_408 : vector<16xf32>
        %add3A_410 = arith.addf %mul3A_405, %mul3A_409 : vector<16xf32>
        %get3A_411 = arith.index_cast %add3A_349 : i32 to index
        %get3A_412 = arith.constant 32 : index
        %get3A_413 = tpu.vector_load %arg18[%get3A_411, %get3A_412] {strides = array<i32>} : memref<128x96xf32, #tpu.memory_space<vmem>>, vector<16xf32>,
        %mul3A_414 = arith.mulf %gather3A_355, %get3A_413 : vector<16xf32>
        %add3A_415 = arith.addf %add3A_410, %mul3A_414 : vector<16xf32>
        %get3A_416 = arith.index_cast %add3A_349 : i32 to index
        %get3A_417 = arith.constant 32 : index
        %get3A_418 = tpu.vector_load %arg19[%get3A_416, %get3A_417] {strides = array<i32>} : memref<128x96xf32, #tpu.memory_space<vmem>>, vector<16xf32>,
        %mul3A_419 = arith.mulf %gather3A_357, %get3A_418 : vector<16xf32>
        %add3A_420 = arith.addf %add3A_415, %mul3A_419 : vector<16xf32>
        %swap3A_421 = arith.index_cast %add3A_349 : i32 to index
        %swap3A_422 = arith.constant 32 : index
        %swap3A_423 = tpu.vector_load %arg20[%swap3A_421, %swap3A_422] {strides = array<i32>} : memref<128x96xf32, #tpu.memory_space<vmem>>, vector<16xf32>,
        tpu.vector_store %arg20[%swap3A_421, %swap3A_422], %add3A_420 {strides = array<i32>} : memref<128x96xf32, #tpu.memory_space<vmem>>, vector<16xf32>,
        %get3A_424 = arith.index_cast %add3A_349 : i32 to index
        %get3A_425 = arith.constant 48 : index
        %get3A_426 = tpu.vector_load %arg16[%get3A_424, %get3A_425] {strides = array<i32>} : memref<128x96xf32, #tpu.memory_space<vmem>>, vector<16xf32>,
        %mul3A_427 = arith.mulf %gather3A_351, %get3A_426 : vector<16xf32>
        %get3A_428 = arith.index_cast %add3A_349 : i32 to index
        %get3A_429 = arith.constant 48 : index
        %get3A_430 = tpu.vector_load %arg17[%get3A_428, %get3A_429] {strides = array<i32>} : memref<128x96xf32, #tpu.memory_space<vmem>>, vector<16xf32>,
        %mul3A_431 = arith.mulf %gather3A_353, %get3A_430 : vector<16xf32>
        %add3A_432 = arith.addf %mul3A_427, %mul3A_431 : vector<16xf32>
        %get3A_433 = arith.index_cast %add3A_349 : i32 to index
        %get3A_434 = arith.constant 48 : index
        %get3A_435 = tpu.vector_load %arg18[%get3A_433, %get3A_434] {strides = array<i32>} : memref<128x96xf32, #tpu.memory_space<vmem>>, vector<16xf32>,
        %mul3A_436 = arith.mulf %gather3A_355, %get3A_435 : vector<16xf32>
        %add3A_437 = arith.addf %add3A_432, %mul3A_436 : vector<16xf32>
        %get3A_438 = arith.index_cast %add3A_349 : i32 to index
        %get3A_439 = arith.constant 48 : index
        %get3A_440 = tpu.vector_load %arg19[%get3A_438, %get3A_439] {strides = array<i32>} : memref<128x96xf32, #tpu.memory_space<vmem>>, vector<16xf32>,
        %mul3A_441 = arith.mulf %gather3A_357, %get3A_440 : vector<16xf32>
        %add3A_442 = arith.addf %add3A_437, %mul3A_441 : vector<16xf32>
        %swap3A_443 = arith.index_cast %add3A_349 : i32 to index
        %swap3A_444 = arith.constant 48 : index
        %swap3A_445 = tpu.vector_load %arg20[%swap3A_443, %swap3A_444] {strides = array<i32>} : memref<128x96xf32, #tpu.memory_space<vmem>>, vector<16xf32>,
        tpu.vector_store %arg20[%swap3A_443, %swap3A_444], %add3A_442 {strides = array<i32>} : memref<128x96xf32, #tpu.memory_space<vmem>>, vector<16xf32>,
        %get3A_446 = arith.index_cast %add3A_349 : i32 to index
        %get3A_447 = arith.constant 64 : index
        %get3A_448 = tpu.vector_load %arg16[%get3A_446, %get3A_447] {strides = array<i32>} : memref<128x96xf32, #tpu.memory_space<vmem>>, vector<16xf32>,
        %mul3A_449 = arith.mulf %gather3A_351, %get3A_448 : vector<16xf32>
        %get3A_450 = arith.index_cast %add3A_349 : i32 to index
        %get3A_451 = arith.constant 64 : index
        %get3A_452 = tpu.vector_load %arg17[%get3A_450, %get3A_451] {strides = array<i32>} : memref<128x96xf32, #tpu.memory_space<vmem>>, vector<16xf32>,
        %mul3A_453 = arith.mulf %gather3A_353, %get3A_452 : vector<16xf32>
        %add3A_454 = arith.addf %mul3A_449, %mul3A_453 : vector<16xf32>
        %get3A_455 = arith.index_cast %add3A_349 : i32 to index
        %get3A_456 = arith.constant 64 : index
        %get3A_457 = tpu.vector_load %arg18[%get3A_455, %get3A_456] {strides = array<i32>} : memref<128x96xf32, #tpu.memory_space<vmem>>, vector<16xf32>,
        %mul3A_458 = arith.mulf %gather3A_355, %get3A_457 : vector<16xf32>
        %add3A_459 = arith.addf %add3A_454, %mul3A_458 : vector<16xf32>
        %get3A_460 = arith.index_cast %add3A_349 : i32 to index
        %get3A_461 = arith.constant 64 : index
        %get3A_462 = tpu.vector_load %arg19[%get3A_460, %get3A_461] {strides = array<i32>} : memref<128x96xf32, #tpu.memory_space<vmem>>, vector<16xf32>,
        %mul3A_463 = arith.mulf %gather3A_357, %get3A_462 : vector<16xf32>
        %add3A_464 = arith.addf %add3A_459, %mul3A_463 : vector<16xf32>
        %swap3A_465 = arith.index_cast %add3A_349 : i32 to index
        %swap3A_466 = arith.constant 64 : index
        %swap3A_467 = tpu.vector_load %arg20[%swap3A_465, %swap3A_466] {strides = array<i32>} : memref<128x96xf32, #tpu.memory_space<vmem>>, vector<16xf32>,
        tpu.vector_store %arg20[%swap3A_465, %swap3A_466], %add3A_464 {strides = array<i32>} : memref<128x96xf32, #tpu.memory_space<vmem>>, vector<16xf32>,
        %get3A_468 = arith.index_cast %add3A_349 : i32 to index
        %get3A_469 = arith.constant 80 : index
        %get3A_470 = tpu.vector_load %arg16[%get3A_468, %get3A_469] {strides = array<i32>} : memref<128x96xf32, #tpu.memory_space<vmem>>, vector<16xf32>,
        %mul3A_471 = arith.mulf %gather3A_351, %get3A_470 : vector<16xf32>
        %get3A_472 = arith.index_cast %add3A_349 : i32 to index
        %get3A_473 = arith.constant 80 : index
        %get3A_474 = tpu.vector_load %arg17[%get3A_472, %get3A_473] {strides = array<i32>} : memref<128x96xf32, #tpu.memory_space<vmem>>, vector<16xf32>,
        %mul3A_475 = arith.mulf %gather3A_353, %get3A_474 : vector<16xf32>
        %add3A_476 = arith.addf %mul3A_471, %mul3A_475 : vector<16xf32>
        %get3A_477 = arith.index_cast %add3A_349 : i32 to index
        %get3A_478 = arith.constant 80 : index
        %get3A_479 = tpu.vector_load %arg18[%get3A_477, %get3A_478] {strides = array<i32>} : memref<128x96xf32, #tpu.memory_space<vmem>>, vector<16xf32>,
        %mul3A_480 = arith.mulf %gather3A_355, %get3A_479 : vector<16xf32>
        %add3A_481 = arith.addf %add3A_476, %mul3A_480 : vector<16xf32>
        %get3A_482 = arith.index_cast %add3A_349 : i32 to index
        %get3A_483 = arith.constant 80 : index
        %get3A_484 = tpu.vector_load %arg19[%get3A_482, %get3A_483] {strides = array<i32>} : memref<128x96xf32, #tpu.memory_space<vmem>>, vector<16xf32>,
        %mul3A_485 = arith.mulf %gather3A_357, %get3A_484 : vector<16xf32>
        %add3A_486 = arith.addf %add3A_481, %mul3A_485 : vector<16xf32>
        %swap3A_487 = arith.index_cast %add3A_349 : i32 to index
        %swap3A_488 = arith.constant 80 : index
        %swap3A_489 = tpu.vector_load %arg20[%swap3A_487, %swap3A_488] {strides = array<i32>} : memref<128x96xf32, #tpu.memory_space<vmem>>, vector<16xf32>,
        tpu.vector_store %arg20[%swap3A_487, %swap3A_488], %add3A_486 {strides = array<i32>} : memref<128x96xf32, #tpu.memory_space<vmem>>, vector<16xf32>,
        %add3A_490 = arith.constant 3 : i32
        %add3A_491 = arith.addi %add3A_67, %add3A_490 : i32
        %broadcast_in_dim3A_492 = vector.broadcast %add3A_491 : i32 to vector<16xi32>
        %gather3A_493 = tpu.vector_load_idx %arg12[%broadcast_in_dim3A_492] : memref<128xf32, #tpu.memory_space<vmem>>[vector<16xi32>], vector<16xf32>,
        %broadcast_in_dim3A_494 = vector.broadcast %add3A_491 : i32 to vector<16xi32>
        %gather3A_495 = tpu.vector_load_idx %arg13[%broadcast_in_dim3A_494] : memref<128xf32, #tpu.memory_space<vmem>>[vector<16xi32>], vector<16xf32>,
        %broadcast_in_dim3A_496 = vector.broadcast %add3A_491 : i32 to vector<16xi32>
        %gather3A_497 = tpu.vector_load_idx %arg14[%broadcast_in_dim3A_496] : memref<128xf32, #tpu.memory_space<vmem>>[vector<16xi32>], vector<16xf32>,
        %broadcast_in_dim3A_498 = vector.broadcast %add3A_491 : i32 to vector<16xi32>
        %gather3A_499 = tpu.vector_load_idx %arg15[%broadcast_in_dim3A_498] : memref<128xf32, #tpu.memory_space<vmem>>[vector<16xi32>], vector<16xf32>,
        %get3A_500 = arith.index_cast %add3A_491 : i32 to index
        %get3A_501 = arith.constant 0 : index
        %get3A_502 = tpu.vector_load %arg16[%get3A_500, %get3A_501] {strides = array<i32>} : memref<128x96xf32, #tpu.memory_space<vmem>>, vector<16xf32>,
        %mul3A_503 = arith.mulf %gather3A_493, %get3A_502 : vector<16xf32>
        %get3A_504 = arith.index_cast %add3A_491 : i32 to index
        %get3A_505 = arith.constant 0 : index
        %get3A_506 = tpu.vector_load %arg17[%get3A_504, %get3A_505] {strides = array<i32>} : memref<128x96xf32, #tpu.memory_space<vmem>>, vector<16xf32>,
        %mul3A_507 = arith.mulf %gather3A_495, %get3A_506 : vector<16xf32>
        %add3A_508 = arith.addf %mul3A_503, %mul3A_507 : vector<16xf32>
        %get3A_509 = arith.index_cast %add3A_491 : i32 to index
        %get3A_510 = arith.constant 0 : index
        %get3A_511 = tpu.vector_load %arg18[%get3A_509, %get3A_510] {strides = array<i32>} : memref<128x96xf32, #tpu.memory_space<vmem>>, vector<16xf32>,
        %mul3A_512 = arith.mulf %gather3A_497, %get3A_511 : vector<16xf32>
        %add3A_513 = arith.addf %add3A_508, %mul3A_512 : vector<16xf32>
        %get3A_514 = arith.index_cast %add3A_491 : i32 to index
        %get3A_515 = arith.constant 0 : index
        %get3A_516 = tpu.vector_load %arg19[%get3A_514, %get3A_515] {strides = array<i32>} : memref<128x96xf32, #tpu.memory_space<vmem>>, vector<16xf32>,
        %mul3A_517 = arith.mulf %gather3A_499, %get3A_516 : vector<16xf32>
        %add3A_518 = arith.addf %add3A_513, %mul3A_517 : vector<16xf32>
        %swap3A_519 = arith.index_cast %add3A_491 : i32 to index
        %swap3A_520 = arith.constant 0 : index
        %swap3A_521 = tpu.vector_load %arg20[%swap3A_519, %swap3A_520] {strides = array<i32>} : memref<128x96xf32, #tpu.memory_space<vmem>>, vector<16xf32>,
        tpu.vector_store %arg20[%swap3A_519, %swap3A_520], %add3A_518 {strides = array<i32>} : memref<128x96xf32, #tpu.memory_space<vmem>>, vector<16xf32>,
        %get3A_522 = arith.index_cast %add3A_491 : i32 to index
        %get3A_523 = arith.constant 16 : index
        %get3A_524 = tpu.vector_load %arg16[%get3A_522, %get3A_523] {strides = array<i32>} : memref<128x96xf32, #tpu.memory_space<vmem>>, vector<16xf32>,
        %mul3A_525 = arith.mulf %gather3A_493, %get3A_524 : vector<16xf32>
        %get3A_526 = arith.index_cast %add3A_491 : i32 to index
        %get3A_527 = arith.constant 16 : index
        %get3A_528 = tpu.vector_load %arg17[%get3A_526, %get3A_527] {strides = array<i32>} : memref<128x96xf32, #tpu.memory_space<vmem>>, vector<16xf32>,
        %mul3A_529 = arith.mulf %gather3A_495, %get3A_528 : vector<16xf32>
        %add3A_530 = arith.addf %mul3A_525, %mul3A_529 : vector<16xf32>
        %get3A_531 = arith.index_cast %add3A_491 : i32 to index
        %get3A_532 = arith.constant 16 : index
        %get3A_533 = tpu.vector_load %arg18[%get3A_531, %get3A_532] {strides = array<i32>} : memref<128x96xf32, #tpu.memory_space<vmem>>, vector<16xf32>,
        %mul3A_534 = arith.mulf %gather3A_497, %get3A_533 : vector<16xf32>
        %add3A_535 = arith.addf %add3A_530, %mul3A_534 : vector<16xf32>
        %get3A_536 = arith.index_cast %add3A_491 : i32 to index
        %get3A_537 = arith.constant 16 : index
        %get3A_538 = tpu.vector_load %arg19[%get3A_536, %get3A_537] {strides = array<i32>} : memref<128x96xf32, #tpu.memory_space<vmem>>, vector<16xf32>,
        %mul3A_539 = arith.mulf %gather3A_499, %get3A_538 : vector<16xf32>
        %add3A_540 = arith.addf %add3A_535, %mul3A_539 : vector<16xf32>
        %swap3A_541 = arith.index_cast %add3A_491 : i32 to index
        %swap3A_542 = arith.constant 16 : index
        %swap3A_543 = tpu.vector_load %arg20[%swap3A_541, %swap3A_542] {strides = array<i32>} : memref<128x96xf32, #tpu.memory_space<vmem>>, vector<16xf32>,
        tpu.vector_store %arg20[%swap3A_541, %swap3A_542], %add3A_540 {strides = array<i32>} : memref<128x96xf32, #tpu.memory_space<vmem>>, vector<16xf32>,
        %get3A_544 = arith.index_cast %add3A_491 : i32 to index
        %get3A_545 = arith.constant 32 : index
        %get3A_546 = tpu.vector_load %arg16[%get3A_544, %get3A_545] {strides = array<i32>} : memref<128x96xf32, #tpu.memory_space<vmem>>, vector<16xf32>,
        %mul3A_547 = arith.mulf %gather3A_493, %get3A_546 : vector<16xf32>
        %get3A_548 = arith.index_cast %add3A_491 : i32 to index
        %get3A_549 = arith.constant 32 : index
        %get3A_550 = tpu.vector_load %arg17[%get3A_548, %get3A_549] {strides = array<i32>} : memref<128x96xf32, #tpu.memory_space<vmem>>, vector<16xf32>,
        %mul3A_551 = arith.mulf %gather3A_495, %get3A_550 : vector<16xf32>
        %add3A_552 = arith.addf %mul3A_547, %mul3A_551 : vector<16xf32>
        %get3A_553 = arith.index_cast %add3A_491 : i32 to index
        %get3A_554 = arith.constant 32 : index
        %get3A_555 = tpu.vector_load %arg18[%get3A_553, %get3A_554] {strides = array<i32>} : memref<128x96xf32, #tpu.memory_space<vmem>>, vector<16xf32>,
        %mul3A_556 = arith.mulf %gather3A_497, %get3A_555 : vector<16xf32>
        %add3A_557 = arith.addf %add3A_552, %mul3A_556 : vector<16xf32>
        %get3A_558 = arith.index_cast %add3A_491 : i32 to index
        %get3A_559 = arith.constant 32 : index
        %get3A_560 = tpu.vector_load %arg19[%get3A_558, %get3A_559] {strides = array<i32>} : memref<128x96xf32, #tpu.memory_space<vmem>>, vector<16xf32>,
        %mul3A_561 = arith.mulf %gather3A_499, %get3A_560 : vector<16xf32>
        %add3A_562 = arith.addf %add3A_557, %mul3A_561 : vector<16xf32>
        %swap3A_563 = arith.index_cast %add3A_491 : i32 to index
        %swap3A_564 = arith.constant 32 : index
        %swap3A_565 = tpu.vector_load %arg20[%swap3A_563, %swap3A_564] {strides = array<i32>} : memref<128x96xf32, #tpu.memory_space<vmem>>, vector<16xf32>,
        tpu.vector_store %arg20[%swap3A_563, %swap3A_564], %add3A_562 {strides = array<i32>} : memref<128x96xf32, #tpu.memory_space<vmem>>, vector<16xf32>,
        %get3A_566 = arith.index_cast %add3A_491 : i32 to index
        %get3A_567 = arith.constant 48 : index
        %get3A_568 = tpu.vector_load %arg16[%get3A_566, %get3A_567] {strides = array<i32>} : memref<128x96xf32, #tpu.memory_space<vmem>>, vector<16xf32>,
        %mul3A_569 = arith.mulf %gather3A_493, %get3A_568 : vector<16xf32>
        %get3A_570 = arith.index_cast %add3A_491 : i32 to index
        %get3A_571 = arith.constant 48 : index
        %get3A_572 = tpu.vector_load %arg17[%get3A_570, %get3A_571] {strides = array<i32>} : memref<128x96xf32, #tpu.memory_space<vmem>>, vector<16xf32>,
        %mul3A_573 = arith.mulf %gather3A_495, %get3A_572 : vector<16xf32>
        %add3A_574 = arith.addf %mul3A_569, %mul3A_573 : vector<16xf32>
        %get3A_575 = arith.index_cast %add3A_491 : i32 to index
        %get3A_576 = arith.constant 48 : index
        %get3A_577 = tpu.vector_load %arg18[%get3A_575, %get3A_576] {strides = array<i32>} : memref<128x96xf32, #tpu.memory_space<vmem>>, vector<16xf32>,
        %mul3A_578 = arith.mulf %gather3A_497, %get3A_577 : vector<16xf32>
        %add3A_579 = arith.addf %add3A_574, %mul3A_578 : vector<16xf32>
        %get3A_580 = arith.index_cast %add3A_491 : i32 to index
        %get3A_581 = arith.constant 48 : index
        %get3A_582 = tpu.vector_load %arg19[%get3A_580, %get3A_581] {strides = array<i32>} : memref<128x96xf32, #tpu.memory_space<vmem>>, vector<16xf32>,
        %mul3A_583 = arith.mulf %gather3A_499, %get3A_582 : vector<16xf32>
        %add3A_584 = arith.addf %add3A_579, %mul3A_583 : vector<16xf32>
        %swap3A_585 = arith.index_cast %add3A_491 : i32 to index
        %swap3A_586 = arith.constant 48 : index
        %swap3A_587 = tpu.vector_load %arg20[%swap3A_585, %swap3A_586] {strides = array<i32>} : memref<128x96xf32, #tpu.memory_space<vmem>>, vector<16xf32>,
        tpu.vector_store %arg20[%swap3A_585, %swap3A_586], %add3A_584 {strides = array<i32>} : memref<128x96xf32, #tpu.memory_space<vmem>>, vector<16xf32>,
        %get3A_588 = arith.index_cast %add3A_491 : i32 to index
        %get3A_589 = arith.constant 64 : index
        %get3A_590 = tpu.vector_load %arg16[%get3A_588, %get3A_589] {strides = array<i32>} : memref<128x96xf32, #tpu.memory_space<vmem>>, vector<16xf32>,
        %mul3A_591 = arith.mulf %gather3A_493, %get3A_590 : vector<16xf32>
        %get3A_592 = arith.index_cast %add3A_491 : i32 to index
        %get3A_593 = arith.constant 64 : index
        %get3A_594 = tpu.vector_load %arg17[%get3A_592, %get3A_593] {strides = array<i32>} : memref<128x96xf32, #tpu.memory_space<vmem>>, vector<16xf32>,
        %mul3A_595 = arith.mulf %gather3A_495, %get3A_594 : vector<16xf32>
        %add3A_596 = arith.addf %mul3A_591, %mul3A_595 : vector<16xf32>
        %get3A_597 = arith.index_cast %add3A_491 : i32 to index
        %get3A_598 = arith.constant 64 : index
        %get3A_599 = tpu.vector_load %arg18[%get3A_597, %get3A_598] {strides = array<i32>} : memref<128x96xf32, #tpu.memory_space<vmem>>, vector<16xf32>,
        %mul3A_600 = arith.mulf %gather3A_497, %get3A_599 : vector<16xf32>
        %add3A_601 = arith.addf %add3A_596, %mul3A_600 : vector<16xf32>
        %get3A_602 = arith.index_cast %add3A_491 : i32 to index
        %get3A_603 = arith.constant 64 : index
        %get3A_604 = tpu.vector_load %arg19[%get3A_602, %get3A_603] {strides = array<i32>} : memref<128x96xf32, #tpu.memory_space<vmem>>, vector<16xf32>,
        %mul3A_605 = arith.mulf %gather3A_499, %get3A_604 : vector<16xf32>
        %add3A_606 = arith.addf %add3A_601, %mul3A_605 : vector<16xf32>
        %swap3A_607 = arith.index_cast %add3A_491 : i32 to index
        %swap3A_608 = arith.constant 64 : index
        %swap3A_609 = tpu.vector_load %arg20[%swap3A_607, %swap3A_608] {strides = array<i32>} : memref<128x96xf32, #tpu.memory_space<vmem>>, vector<16xf32>,
        tpu.vector_store %arg20[%swap3A_607, %swap3A_608], %add3A_606 {strides = array<i32>} : memref<128x96xf32, #tpu.memory_space<vmem>>, vector<16xf32>,
        %get3A_610 = arith.index_cast %add3A_491 : i32 to index
        %get3A_611 = arith.constant 80 : index
        %get3A_612 = tpu.vector_load %arg16[%get3A_610, %get3A_611] {strides = array<i32>} : memref<128x96xf32, #tpu.memory_space<vmem>>, vector<16xf32>,
        %mul3A_613 = arith.mulf %gather3A_493, %get3A_612 : vector<16xf32>
        %get3A_614 = arith.index_cast %add3A_491 : i32 to index
        %get3A_615 = arith.constant 80 : index
        %get3A_616 = tpu.vector_load %arg17[%get3A_614, %get3A_615] {strides = array<i32>} : memref<128x96xf32, #tpu.memory_space<vmem>>, vector<16xf32>,
        %mul3A_617 = arith.mulf %gather3A_495, %get3A_616 : vector<16xf32>
        %add3A_618 = arith.addf %mul3A_613, %mul3A_617 : vector<16xf32>
        %get3A_619 = arith.index_cast %add3A_491 : i32 to index
        %get3A_620 = arith.constant 80 : index
        %get3A_621 = tpu.vector_load %arg18[%get3A_619, %get3A_620] {strides = array<i32>} : memref<128x96xf32, #tpu.memory_space<vmem>>, vector<16xf32>,
        %mul3A_622 = arith.mulf %gather3A_497, %get3A_621 : vector<16xf32>
        %add3A_623 = arith.addf %add3A_618, %mul3A_622 : vector<16xf32>
        %get3A_624 = arith.index_cast %add3A_491 : i32 to index
        %get3A_625 = arith.constant 80 : index
        %get3A_626 = tpu.vector_load %arg19[%get3A_624, %get3A_625] {strides = array<i32>} : memref<128x96xf32, #tpu.memory_space<vmem>>, vector<16xf32>,
        %mul3A_627 = arith.mulf %gather3A_499, %get3A_626 : vector<16xf32>
        %add3A_628 = arith.addf %add3A_623, %mul3A_627 : vector<16xf32>
        %swap3A_629 = arith.index_cast %add3A_491 : i32 to index
        %swap3A_630 = arith.constant 80 : index
        %swap3A_631 = tpu.vector_load %arg20[%swap3A_629, %swap3A_630] {strides = array<i32>} : memref<128x96xf32, #tpu.memory_space<vmem>>, vector<16xf32>,
        tpu.vector_store %arg20[%swap3A_629, %swap3A_630], %add3A_628 {strides = array<i32>} : memref<128x96xf32, #tpu.memory_space<vmem>>, vector<16xf32>,
        %add3A_632 = arith.constant 4 : i32
        %add3A_633 = arith.addi %add3A_67, %add3A_632 : i32
        %broadcast_in_dim3A_634 = vector.broadcast %add3A_633 : i32 to vector<16xi32>
        %gather3A_635 = tpu.vector_load_idx %arg12[%broadcast_in_dim3A_634] : memref<128xf32, #tpu.memory_space<vmem>>[vector<16xi32>], vector<16xf32>,
        %broadcast_in_dim3A_636 = vector.broadcast %add3A_633 : i32 to vector<16xi32>
        %gather3A_637 = tpu.vector_load_idx %arg13[%broadcast_in_dim3A_636] : memref<128xf32, #tpu.memory_space<vmem>>[vector<16xi32>], vector<16xf32>,
        %broadcast_in_dim3A_638 = vector.broadcast %add3A_633 : i32 to vector<16xi32>
        %gather3A_639 = tpu.vector_load_idx %arg14[%broadcast_in_dim3A_638] : memref<128xf32, #tpu.memory_space<vmem>>[vector<16xi32>], vector<16xf32>,
        %broadcast_in_dim3A_640 = vector.broadcast %add3A_633 : i32 to vector<16xi32>
        %gather3A_641 = tpu.vector_load_idx %arg15[%broadcast_in_dim3A_640] : memref<128xf32, #tpu.memory_space<vmem>>[vector<16xi32>], vector<16xf32>,
        %get3A_642 = arith.index_cast %add3A_633 : i32 to index
        %get3A_643 = arith.constant 0 : index
        %get3A_644 = tpu.vector_load %arg16[%get3A_642, %get3A_643] {strides = array<i32>} : memref<128x96xf32, #tpu.memory_space<vmem>>, vector<16xf32>,
        %mul3A_645 = arith.mulf %gather3A_635, %get3A_644 : vector<16xf32>
        %get3A_646 = arith.index_cast %add3A_633 : i32 to index
        %get3A_647 = arith.constant 0 : index
        %get3A_648 = tpu.vector_load %arg17[%get3A_646, %get3A_647] {strides = array<i32>} : memref<128x96xf32, #tpu.memory_space<vmem>>, vector<16xf32>,
        %mul3A_649 = arith.mulf %gather3A_637, %get3A_648 : vector<16xf32>
        %add3A_650 = arith.addf %mul3A_645, %mul3A_649 : vector<16xf32>
        %get3A_651 = arith.index_cast %add3A_633 : i32 to index
        %get3A_652 = arith.constant 0 : index
        %get3A_653 = tpu.vector_load %arg18[%get3A_651, %get3A_652] {strides = array<i32>} : memref<128x96xf32, #tpu.memory_space<vmem>>, vector<16xf32>,
        %mul3A_654 = arith.mulf %gather3A_639, %get3A_653 : vector<16xf32>
        %add3A_655 = arith.addf %add3A_650, %mul3A_654 : vector<16xf32>
        %get3A_656 = arith.index_cast %add3A_633 : i32 to index
        %get3A_657 = arith.constant 0 : index
        %get3A_658 = tpu.vector_load %arg19[%get3A_656, %get3A_657] {strides = array<i32>} : memref<128x96xf32, #tpu.memory_space<vmem>>, vector<16xf32>,
        %mul3A_659 = arith.mulf %gather3A_641, %get3A_658 : vector<16xf32>
        %add3A_660 = arith.addf %add3A_655, %mul3A_659 : vector<16xf32>
        %swap3A_661 = arith.index_cast %add3A_633 : i32 to index
        %swap3A_662 = arith.constant 0 : index
        %swap3A_663 = tpu.vector_load %arg20[%swap3A_661, %swap3A_662] {strides = array<i32>} : memref<128x96xf32, #tpu.memory_space<vmem>>, vector<16xf32>,
        tpu.vector_store %arg20[%swap3A_661, %swap3A_662], %add3A_660 {strides = array<i32>} : memref<128x96xf32, #tpu.memory_space<vmem>>, vector<16xf32>,
        %get3A_664 = arith.index_cast %add3A_633 : i32 to index
        %get3A_665 = arith.constant 16 : index
        %get3A_666 = tpu.vector_load %arg16[%get3A_664, %get3A_665] {strides = array<i32>} : memref<128x96xf32, #tpu.memory_space<vmem>>, vector<16xf32>,
        %mul3A_667 = arith.mulf %gather3A_635, %get3A_666 : vector<16xf32>
        %get3A_668 = arith.index_cast %add3A_633 : i32 to index
        %get3A_669 = arith.constant 16 : index
        %get3A_670 = tpu.vector_load %arg17[%get3A_668, %get3A_669] {strides = array<i32>} : memref<128x96xf32, #tpu.memory_space<vmem>>, vector<16xf32>,
        %mul3A_671 = arith.mulf %gather3A_637, %get3A_670 : vector<16xf32>
        %add3A_672 = arith.addf %mul3A_667, %mul3A_671 : vector<16xf32>
        %get3A_673 = arith.index_cast %add3A_633 : i32 to index
        %get3A_674 = arith.constant 16 : index
        %get3A_675 = tpu.vector_load %arg18[%get3A_673, %get3A_674] {strides = array<i32>} : memref<128x96xf32, #tpu.memory_space<vmem>>, vector<16xf32>,
        %mul3A_676 = arith.mulf %gather3A_639, %get3A_675 : vector<16xf32>
        %add3A_677 = arith.addf %add3A_672, %mul3A_676 : vector<16xf32>
        %get3A_678 = arith.index_cast %add3A_633 : i32 to index
        %get3A_679 = arith.constant 16 : index
        %get3A_680 = tpu.vector_load %arg19[%get3A_678, %get3A_679] {strides = array<i32>} : memref<128x96xf32, #tpu.memory_space<vmem>>, vector<16xf32>,
        %mul3A_681 = arith.mulf %gather3A_641, %get3A_680 : vector<16xf32>
        %add3A_682 = arith.addf %add3A_677, %mul3A_681 : vector<16xf32>
        %swap3A_683 = arith.index_cast %add3A_633 : i32 to index
        %swap3A_684 = arith.constant 16 : index
        %swap3A_685 = tpu.vector_load %arg20[%swap3A_683, %swap3A_684] {strides = array<i32>} : memref<128x96xf32, #tpu.memory_space<vmem>>, vector<16xf32>,
        tpu.vector_store %arg20[%swap3A_683, %swap3A_684], %add3A_682 {strides = array<i32>} : memref<128x96xf32, #tpu.memory_space<vmem>>, vector<16xf32>,
        %get3A_686 = arith.index_cast %add3A_633 : i32 to index
        %get3A_687 = arith.constant 32 : index
        %get3A_688 = tpu.vector_load %arg16[%get3A_686, %get3A_687] {strides = array<i32>} : memref<128x96xf32, #tpu.memory_space<vmem>>, vector<16xf32>,
        %mul3A_689 = arith.mulf %gather3A_635, %get3A_688 : vector<16xf32>
        %get3A_690 = arith.index_cast %add3A_633 : i32 to index
        %get3A_691 = arith.constant 32 : index
        %get3A_692 = tpu.vector_load %arg17[%get3A_690, %get3A_691] {strides = array<i32>} : memref<128x96xf32, #tpu.memory_space<vmem>>, vector<16xf32>,
        %mul3A_693 = arith.mulf %gather3A_637, %get3A_692 : vector<16xf32>
        %add3A_694 = arith.addf %mul3A_689, %mul3A_693 : vector<16xf32>
        %get3A_695 = arith.index_cast %add3A_633 : i32 to index
        %get3A_696 = arith.constant 32 : index
        %get3A_697 = tpu.vector_load %arg18[%get3A_695, %get3A_696] {strides = array<i32>} : memref<128x96xf32, #tpu.memory_space<vmem>>, vector<16xf32>,
        %mul3A_698 = arith.mulf %gather3A_639, %get3A_697 : vector<16xf32>
        %add3A_699 = arith.addf %add3A_694, %mul3A_698 : vector<16xf32>
        %get3A_700 = arith.index_cast %add3A_633 : i32 to index
        %get3A_701 = arith.constant 32 : index
        %get3A_702 = tpu.vector_load %arg19[%get3A_700, %get3A_701] {strides = array<i32>} : memref<128x96xf32, #tpu.memory_space<vmem>>, vector<16xf32>,
        %mul3A_703 = arith.mulf %gather3A_641, %get3A_702 : vector<16xf32>
        %add3A_704 = arith.addf %add3A_699, %mul3A_703 : vector<16xf32>
        %swap3A_705 = arith.index_cast %add3A_633 : i32 to index
        %swap3A_706 = arith.constant 32 : index
        %swap3A_707 = tpu.vector_load %arg20[%swap3A_705, %swap3A_706] {strides = array<i32>} : memref<128x96xf32, #tpu.memory_space<vmem>>, vector<16xf32>,
        tpu.vector_store %arg20[%swap3A_705, %swap3A_706], %add3A_704 {strides = array<i32>} : memref<128x96xf32, #tpu.memory_space<vmem>>, vector<16xf32>,
        %get3A_708 = arith.index_cast %add3A_633 : i32 to index
        %get3A_709 = arith.constant 48 : index
        %get3A_710 = tpu.vector_load %arg16[%get3A_708, %get3A_709] {strides = array<i32>} : memref<128x96xf32, #tpu.memory_space<vmem>>, vector<16xf32>,
        %mul3A_711 = arith.mulf %gather3A_635, %get3A_710 : vector<16xf32>
        %get3A_712 = arith.index_cast %add3A_633 : i32 to index
        %get3A_713 = arith.constant 48 : index
        %get3A_714 = tpu.vector_load %arg17[%get3A_712, %get3A_713] {strides = array<i32>} : memref<128x96xf32, #tpu.memory_space<vmem>>, vector<16xf32>,
        %mul3A_715 = arith.mulf %gather3A_637, %get3A_714 : vector<16xf32>
        %add3A_716 = arith.addf %mul3A_711, %mul3A_715 : vector<16xf32>
        %get3A_717 = arith.index_cast %add3A_633 : i32 to index
        %get3A_718 = arith.constant 48 : index
        %get3A_719 = tpu.vector_load %arg18[%get3A_717, %get3A_718] {strides = array<i32>} : memref<128x96xf32, #tpu.memory_space<vmem>>, vector<16xf32>,
        %mul3A_720 = arith.mulf %gather3A_639, %get3A_719 : vector<16xf32>
        %add3A_721 = arith.addf %add3A_716, %mul3A_720 : vector<16xf32>
        %get3A_722 = arith.index_cast %add3A_633 : i32 to index
        %get3A_723 = arith.constant 48 : index
        %get3A_724 = tpu.vector_load %arg19[%get3A_722, %get3A_723] {strides = array<i32>} : memref<128x96xf32, #tpu.memory_space<vmem>>, vector<16xf32>,
        %mul3A_725 = arith.mulf %gather3A_641, %get3A_724 : vector<16xf32>
        %add3A_726 = arith.addf %add3A_721, %mul3A_725 : vector<16xf32>
        %swap3A_727 = arith.index_cast %add3A_633 : i32 to index
        %swap3A_728 = arith.constant 48 : index
        %swap3A_729 = tpu.vector_load %arg20[%swap3A_727, %swap3A_728] {strides = array<i32>} : memref<128x96xf32, #tpu.memory_space<vmem>>, vector<16xf32>,
        tpu.vector_store %arg20[%swap3A_727, %swap3A_728], %add3A_726 {strides = array<i32>} : memref<128x96xf32, #tpu.memory_space<vmem>>, vector<16xf32>,
        %get3A_730 = arith.index_cast %add3A_633 : i32 to index
        %get3A_731 = arith.constant 64 : index
        %get3A_732 = tpu.vector_load %arg16[%get3A_730, %get3A_731] {strides = array<i32>} : memref<128x96xf32, #tpu.memory_space<vmem>>, vector<16xf32>,
        %mul3A_733 = arith.mulf %gather3A_635, %get3A_732 : vector<16xf32>
        %get3A_734 = arith.index_cast %add3A_633 : i32 to index
        %get3A_735 = arith.constant 64 : index
        %get3A_736 = tpu.vector_load %arg17[%get3A_734, %get3A_735] {strides = array<i32>} : memref<128x96xf32, #tpu.memory_space<vmem>>, vector<16xf32>,
        %mul3A_737 = arith.mulf %gather3A_637, %get3A_736 : vector<16xf32>
        %add3A_738 = arith.addf %mul3A_733, %mul3A_737 : vector<16xf32>
        %get3A_739 = arith.index_cast %add3A_633 : i32 to index
        %get3A_740 = arith.constant 64 : index
        %get3A_741 = tpu.vector_load %arg18[%get3A_739, %get3A_740] {strides = array<i32>} : memref<128x96xf32, #tpu.memory_space<vmem>>, vector<16xf32>,
        %mul3A_742 = arith.mulf %gather3A_639, %get3A_741 : vector<16xf32>
        %add3A_743 = arith.addf %add3A_738, %mul3A_742 : vector<16xf32>
        %get3A_744 = arith.index_cast %add3A_633 : i32 to index
        %get3A_745 = arith.constant 64 : index
        %get3A_746 = tpu.vector_load %arg19[%get3A_744, %get3A_745] {strides = array<i32>} : memref<128x96xf32, #tpu.memory_space<vmem>>, vector<16xf32>,
        %mul3A_747 = arith.mulf %gather3A_641, %get3A_746 : vector<16xf32>
        %add3A_748 = arith.addf %add3A_743, %mul3A_747 : vector<16xf32>
        %swap3A_749 = arith.index_cast %add3A_633 : i32 to index
        %swap3A_750 = arith.constant 64 : index
        %swap3A_751 = tpu.vector_load %arg20[%swap3A_749, %swap3A_750] {strides = array<i32>} : memref<128x96xf32, #tpu.memory_space<vmem>>, vector<16xf32>,
        tpu.vector_store %arg20[%swap3A_749, %swap3A_750], %add3A_748 {strides = array<i32>} : memref<128x96xf32, #tpu.memory_space<vmem>>, vector<16xf32>,
        %get3A_752 = arith.index_cast %add3A_633 : i32 to index
        %get3A_753 = arith.constant 80 : index
        %get3A_754 = tpu.vector_load %arg16[%get3A_752, %get3A_753] {strides = array<i32>} : memref<128x96xf32, #tpu.memory_space<vmem>>, vector<16xf32>,
        %mul3A_755 = arith.mulf %gather3A_635, %get3A_754 : vector<16xf32>
        %get3A_756 = arith.index_cast %add3A_633 : i32 to index
        %get3A_757 = arith.constant 80 : index
        %get3A_758 = tpu.vector_load %arg17[%get3A_756, %get3A_757] {strides = array<i32>} : memref<128x96xf32, #tpu.memory_space<vmem>>, vector<16xf32>,
        %mul3A_759 = arith.mulf %gather3A_637, %get3A_758 : vector<16xf32>
        %add3A_760 = arith.addf %mul3A_755, %mul3A_759 : vector<16xf32>
        %get3A_761 = arith.index_cast %add3A_633 : i32 to index
        %get3A_762 = arith.constant 80 : index
        %get3A_763 = tpu.vector_load %arg18[%get3A_761, %get3A_762] {strides = array<i32>} : memref<128x96xf32, #tpu.memory_space<vmem>>, vector<16xf32>,
        %mul3A_764 = arith.mulf %gather3A_639, %get3A_763 : vector<16xf32>
        %add3A_765 = arith.addf %add3A_760, %mul3A_764 : vector<16xf32>
        %get3A_766 = arith.index_cast %add3A_633 : i32 to index
        %get3A_767 = arith.constant 80 : index
        %get3A_768 = tpu.vector_load %arg19[%get3A_766, %get3A_767] {strides = array<i32>} : memref<128x96xf32, #tpu.memory_space<vmem>>, vector<16xf32>,
        %mul3A_769 = arith.mulf %gather3A_641, %get3A_768 : vector<16xf32>
        %add3A_770 = arith.addf %add3A_765, %mul3A_769 : vector<16xf32>
        %swap3A_771 = arith.index_cast %add3A_633 : i32 to index
        %swap3A_772 = arith.constant 80 : index
        %swap3A_773 = tpu.vector_load %arg20[%swap3A_771, %swap3A_772] {strides = array<i32>} : memref<128x96xf32, #tpu.memory_space<vmem>>, vector<16xf32>,
        tpu.vector_store %arg20[%swap3A_771, %swap3A_772], %add3A_770 {strides = array<i32>} : memref<128x96xf32, #tpu.memory_space<vmem>>, vector<16xf32>,
        %add3A_774 = arith.constant 5 : i32
        %add3A_775 = arith.addi %add3A_67, %add3A_774 : i32
        %broadcast_in_dim3A_776 = vector.broadcast %add3A_775 : i32 to vector<16xi32>
        %gather3A_777 = tpu.vector_load_idx %arg12[%broadcast_in_dim3A_776] : memref<128xf32, #tpu.memory_space<vmem>>[vector<16xi32>], vector<16xf32>,
        %broadcast_in_dim3A_778 = vector.broadcast %add3A_775 : i32 to vector<16xi32>
        %gather3A_779 = tpu.vector_load_idx %arg13[%broadcast_in_dim3A_778] : memref<128xf32, #tpu.memory_space<vmem>>[vector<16xi32>], vector<16xf32>,
        %broadcast_in_dim3A_780 = vector.broadcast %add3A_775 : i32 to vector<16xi32>
        %gather3A_781 = tpu.vector_load_idx %arg14[%broadcast_in_dim3A_780] : memref<128xf32, #tpu.memory_space<vmem>>[vector<16xi32>], vector<16xf32>,
        %broadcast_in_dim3A_782 = vector.broadcast %add3A_775 : i32 to vector<16xi32>
        %gather3A_783 = tpu.vector_load_idx %arg15[%broadcast_in_dim3A_782] : memref<128xf32, #tpu.memory_space<vmem>>[vector<16xi32>], vector<16xf32>,
        %get3A_784 = arith.index_cast %add3A_775 : i32 to index
        %get3A_785 = arith.constant 0 : index
        %get3A_786 = tpu.vector_load %arg16[%get3A_784, %get3A_785] {strides = array<i32>} : memref<128x96xf32, #tpu.memory_space<vmem>>, vector<16xf32>,
        %mul3A_787 = arith.mulf %gather3A_777, %get3A_786 : vector<16xf32>
        %get3A_788 = arith.index_cast %add3A_775 : i32 to index
        %get3A_789 = arith.constant 0 : index
        %get3A_790 = tpu.vector_load %arg17[%get3A_788, %get3A_789] {strides = array<i32>} : memref<128x96xf32, #tpu.memory_space<vmem>>, vector<16xf32>,
        %mul3A_791 = arith.mulf %gather3A_779, %get3A_790 : vector<16xf32>
        %add3A_792 = arith.addf %mul3A_787, %mul3A_791 : vector<16xf32>
        %get3A_793 = arith.index_cast %add3A_775 : i32 to index
        %get3A_794 = arith.constant 0 : index
        %get3A_795 = tpu.vector_load %arg18[%get3A_793, %get3A_794] {strides = array<i32>} : memref<128x96xf32, #tpu.memory_space<vmem>>, vector<16xf32>,
        %mul3A_796 = arith.mulf %gather3A_781, %get3A_795 : vector<16xf32>
        %add3A_797 = arith.addf %add3A_792, %mul3A_796 : vector<16xf32>
        %get3A_798 = arith.index_cast %add3A_775 : i32 to index
        %get3A_799 = arith.constant 0 : index
        %get3A_800 = tpu.vector_load %arg19[%get3A_798, %get3A_799] {strides = array<i32>} : memref<128x96xf32, #tpu.memory_space<vmem>>, vector<16xf32>,
        %mul3A_801 = arith.mulf %gather3A_783, %get3A_800 : vector<16xf32>
        %add3A_802 = arith.addf %add3A_797, %mul3A_801 : vector<16xf32>
        %swap3A_803 = arith.index_cast %add3A_775 : i32 to index
        %swap3A_804 = arith.constant 0 : index
        %swap3A_805 = tpu.vector_load %arg20[%swap3A_803, %swap3A_804] {strides = array<i32>} : memref<128x96xf32, #tpu.memory_space<vmem>>, vector<16xf32>,
        tpu.vector_store %arg20[%swap3A_803, %swap3A_804], %add3A_802 {strides = array<i32>} : memref<128x96xf32, #tpu.memory_space<vmem>>, vector<16xf32>,
        %get3A_806 = arith.index_cast %add3A_775 : i32 to index
        %get3A_807 = arith.constant 16 : index
        %get3A_808 = tpu.vector_load %arg16[%get3A_806, %get3A_807] {strides = array<i32>} : memref<128x96xf32, #tpu.memory_space<vmem>>, vector<16xf32>,
        %mul3A_809 = arith.mulf %gather3A_777, %get3A_808 : vector<16xf32>
        %get3A_810 = arith.index_cast %add3A_775 : i32 to index
        %get3A_811 = arith.constant 16 : index
        %get3A_812 = tpu.vector_load %arg17[%get3A_810, %get3A_811] {strides = array<i32>} : memref<128x96xf32, #tpu.memory_space<vmem>>, vector<16xf32>,
        %mul3A_813 = arith.mulf %gather3A_779, %get3A_812 : vector<16xf32>
        %add3A_814 = arith.addf %mul3A_809, %mul3A_813 : vector<16xf32>
        %get3A_815 = arith.index_cast %add3A_775 : i32 to index
        %get3A_816 = arith.constant 16 : index
        %get3A_817 = tpu.vector_load %arg18[%get3A_815, %get3A_816] {strides = array<i32>} : memref<128x96xf32, #tpu.memory_space<vmem>>, vector<16xf32>,
        %mul3A_818 = arith.mulf %gather3A_781, %get3A_817 : vector<16xf32>
        %add3A_819 = arith.addf %add3A_814, %mul3A_818 : vector<16xf32>
        %get3A_820 = arith.index_cast %add3A_775 : i32 to index
        %get3A_821 = arith.constant 16 : index
        %get3A_822 = tpu.vector_load %arg19[%get3A_820, %get3A_821] {strides = array<i32>} : memref<128x96xf32, #tpu.memory_space<vmem>>, vector<16xf32>,
        %mul3A_823 = arith.mulf %gather3A_783, %get3A_822 : vector<16xf32>
        %add3A_824 = arith.addf %add3A_819, %mul3A_823 : vector<16xf32>
        %swap3A_825 = arith.index_cast %add3A_775 : i32 to index
        %swap3A_826 = arith.constant 16 : index
        %swap3A_827 = tpu.vector_load %arg20[%swap3A_825, %swap3A_826] {strides = array<i32>} : memref<128x96xf32, #tpu.memory_space<vmem>>, vector<16xf32>,
        tpu.vector_store %arg20[%swap3A_825, %swap3A_826], %add3A_824 {strides = array<i32>} : memref<128x96xf32, #tpu.memory_space<vmem>>, vector<16xf32>,
        %get3A_828 = arith.index_cast %add3A_775 : i32 to index
        %get3A_829 = arith.constant 32 : index
        %get3A_830 = tpu.vector_load %arg16[%get3A_828, %get3A_829] {strides = array<i32>} : memref<128x96xf32, #tpu.memory_space<vmem>>, vector<16xf32>,
        %mul3A_831 = arith.mulf %gather3A_777, %get3A_830 : vector<16xf32>
        %get3A_832 = arith.index_cast %add3A_775 : i32 to index
        %get3A_833 = arith.constant 32 : index
        %get3A_834 = tpu.vector_load %arg17[%get3A_832, %get3A_833] {strides = array<i32>} : memref<128x96xf32, #tpu.memory_space<vmem>>, vector<16xf32>,
        %mul3A_835 = arith.mulf %gather3A_779, %get3A_834 : vector<16xf32>
        %add3A_836 = arith.addf %mul3A_831, %mul3A_835 : vector<16xf32>
        %get3A_837 = arith.index_cast %add3A_775 : i32 to index
        %get3A_838 = arith.constant 32 : index
        %get3A_839 = tpu.vector_load %arg18[%get3A_837, %get3A_838] {strides = array<i32>} : memref<128x96xf32, #tpu.memory_space<vmem>>, vector<16xf32>,
        %mul3A_840 = arith.mulf %gather3A_781, %get3A_839 : vector<16xf32>
        %add3A_841 = arith.addf %add3A_836, %mul3A_840 : vector<16xf32>
        %get3A_842 = arith.index_cast %add3A_775 : i32 to index
        %get3A_843 = arith.constant 32 : index
        %get3A_844 = tpu.vector_load %arg19[%get3A_842, %get3A_843] {strides = array<i32>} : memref<128x96xf32, #tpu.memory_space<vmem>>, vector<16xf32>,
        %mul3A_845 = arith.mulf %gather3A_783, %get3A_844 : vector<16xf32>
        %add3A_846 = arith.addf %add3A_841, %mul3A_845 : vector<16xf32>
        %swap3A_847 = arith.index_cast %add3A_775 : i32 to index
        %swap3A_848 = arith.constant 32 : index
        %swap3A_849 = tpu.vector_load %arg20[%swap3A_847, %swap3A_848] {strides = array<i32>} : memref<128x96xf32, #tpu.memory_space<vmem>>, vector<16xf32>,
        tpu.vector_store %arg20[%swap3A_847, %swap3A_848], %add3A_846 {strides = array<i32>} : memref<128x96xf32, #tpu.memory_space<vmem>>, vector<16xf32>,
        %get3A_850 = arith.index_cast %add3A_775 : i32 to index
        %get3A_851 = arith.constant 48 : index
        %get3A_852 = tpu.vector_load %arg16[%get3A_850, %get3A_851] {strides = array<i32>} : memref<128x96xf32, #tpu.memory_space<vmem>>, vector<16xf32>,
        %mul3A_853 = arith.mulf %gather3A_777, %get3A_852 : vector<16xf32>
        %get3A_854 = arith.index_cast %add3A_775 : i32 to index
        %get3A_855 = arith.constant 48 : index
        %get3A_856 = tpu.vector_load %arg17[%get3A_854, %get3A_855] {strides = array<i32>} : memref<128x96xf32, #tpu.memory_space<vmem>>, vector<16xf32>,
        %mul3A_857 = arith.mulf %gather3A_779, %get3A_856 : vector<16xf32>
        %add3A_858 = arith.addf %mul3A_853, %mul3A_857 : vector<16xf32>
        %get3A_859 = arith.index_cast %add3A_775 : i32 to index
        %get3A_860 = arith.constant 48 : index
        %get3A_861 = tpu.vector_load %arg18[%get3A_859, %get3A_860] {strides = array<i32>} : memref<128x96xf32, #tpu.memory_space<vmem>>, vector<16xf32>,
        %mul3A_862 = arith.mulf %gather3A_781, %get3A_861 : vector<16xf32>
        %add3A_863 = arith.addf %add3A_858, %mul3A_862 : vector<16xf32>
        %get3A_864 = arith.index_cast %add3A_775 : i32 to index
        %get3A_865 = arith.constant 48 : index
        %get3A_866 = tpu.vector_load %arg19[%get3A_864, %get3A_865] {strides = array<i32>} : memref<128x96xf32, #tpu.memory_space<vmem>>, vector<16xf32>,
        %mul3A_867 = arith.mulf %gather3A_783, %get3A_866 : vector<16xf32>
        %add3A_868 = arith.addf %add3A_863, %mul3A_867 : vector<16xf32>
        %swap3A_869 = arith.index_cast %add3A_775 : i32 to index
        %swap3A_870 = arith.constant 48 : index
        %swap3A_871 = tpu.vector_load %arg20[%swap3A_869, %swap3A_870] {strides = array<i32>} : memref<128x96xf32, #tpu.memory_space<vmem>>, vector<16xf32>,
        tpu.vector_store %arg20[%swap3A_869, %swap3A_870], %add3A_868 {strides = array<i32>} : memref<128x96xf32, #tpu.memory_space<vmem>>, vector<16xf32>,
        %get3A_872 = arith.index_cast %add3A_775 : i32 to index
        %get3A_873 = arith.constant 64 : index
        %get3A_874 = tpu.vector_load %arg16[%get3A_872, %get3A_873] {strides = array<i32>} : memref<128x96xf32, #tpu.memory_space<vmem>>, vector<16xf32>,
        %mul3A_875 = arith.mulf %gather3A_777, %get3A_874 : vector<16xf32>
        %get3A_876 = arith.index_cast %add3A_775 : i32 to index
        %get3A_877 = arith.constant 64 : index
        %get3A_878 = tpu.vector_load %arg17[%get3A_876, %get3A_877] {strides = array<i32>} : memref<128x96xf32, #tpu.memory_space<vmem>>, vector<16xf32>,
        %mul3A_879 = arith.mulf %gather3A_779, %get3A_878 : vector<16xf32>
        %add3A_880 = arith.addf %mul3A_875, %mul3A_879 : vector<16xf32>
        %get3A_881 = arith.index_cast %add3A_775 : i32 to index
        %get3A_882 = arith.constant 64 : index
        %get3A_883 = tpu.vector_load %arg18[%get3A_881, %get3A_882] {strides = array<i32>} : memref<128x96xf32, #tpu.memory_space<vmem>>, vector<16xf32>,
        %mul3A_884 = arith.mulf %gather3A_781, %get3A_883 : vector<16xf32>
        %add3A_885 = arith.addf %add3A_880, %mul3A_884 : vector<16xf32>
        %get3A_886 = arith.index_cast %add3A_775 : i32 to index
        %get3A_887 = arith.constant 64 : index
        %get3A_888 = tpu.vector_load %arg19[%get3A_886, %get3A_887] {strides = array<i32>} : memref<128x96xf32, #tpu.memory_space<vmem>>, vector<16xf32>,
        %mul3A_889 = arith.mulf %gather3A_783, %get3A_888 : vector<16xf32>
        %add3A_890 = arith.addf %add3A_885, %mul3A_889 : vector<16xf32>
        %swap3A_891 = arith.index_cast %add3A_775 : i32 to index
        %swap3A_892 = arith.constant 64 : index
        %swap3A_893 = tpu.vector_load %arg20[%swap3A_891, %swap3A_892] {strides = array<i32>} : memref<128x96xf32, #tpu.memory_space<vmem>>, vector<16xf32>,
        tpu.vector_store %arg20[%swap3A_891, %swap3A_892], %add3A_890 {strides = array<i32>} : memref<128x96xf32, #tpu.memory_space<vmem>>, vector<16xf32>,
        %get3A_894 = arith.index_cast %add3A_775 : i32 to index
        %get3A_895 = arith.constant 80 : index
        %get3A_896 = tpu.vector_load %arg16[%get3A_894, %get3A_895] {strides = array<i32>} : memref<128x96xf32, #tpu.memory_space<vmem>>, vector<16xf32>,
        %mul3A_897 = arith.mulf %gather3A_777, %get3A_896 : vector<16xf32>
        %get3A_898 = arith.index_cast %add3A_775 : i32 to index
        %get3A_899 = arith.constant 80 : index
        %get3A_900 = tpu.vector_load %arg17[%get3A_898, %get3A_899] {strides = array<i32>} : memref<128x96xf32, #tpu.memory_space<vmem>>, vector<16xf32>,
        %mul3A_901 = arith.mulf %gather3A_779, %get3A_900 : vector<16xf32>
        %add3A_902 = arith.addf %mul3A_897, %mul3A_901 : vector<16xf32>
        %get3A_903 = arith.index_cast %add3A_775 : i32 to index
        %get3A_904 = arith.constant 80 : index
        %get3A_905 = tpu.vector_load %arg18[%get3A_903, %get3A_904] {strides = array<i32>} : memref<128x96xf32, #tpu.memory_space<vmem>>, vector<16xf32>,
        %mul3A_906 = arith.mulf %gather3A_781, %get3A_905 : vector<16xf32>
        %add3A_907 = arith.addf %add3A_902, %mul3A_906 : vector<16xf32>
        %get3A_908 = arith.index_cast %add3A_775 : i32 to index
        %get3A_909 = arith.constant 80 : index
        %get3A_910 = tpu.vector_load %arg19[%get3A_908, %get3A_909] {strides = array<i32>} : memref<128x96xf32, #tpu.memory_space<vmem>>, vector<16xf32>,
        %mul3A_911 = arith.mulf %gather3A_783, %get3A_910 : vector<16xf32>
        %add3A_912 = arith.addf %add3A_907, %mul3A_911 : vector<16xf32>
        %swap3A_913 = arith.index_cast %add3A_775 : i32 to index
        %swap3A_914 = arith.constant 80 : index
        %swap3A_915 = tpu.vector_load %arg20[%swap3A_913, %swap3A_914] {strides = array<i32>} : memref<128x96xf32, #tpu.memory_space<vmem>>, vector<16xf32>,
        tpu.vector_store %arg20[%swap3A_913, %swap3A_914], %add3A_912 {strides = array<i32>} : memref<128x96xf32, #tpu.memory_space<vmem>>, vector<16xf32>,
        %add3A_916 = arith.constant 6 : i32
        %add3A_917 = arith.addi %add3A_67, %add3A_916 : i32
        %broadcast_in_dim3A_918 = vector.broadcast %add3A_917 : i32 to vector<16xi32>
        %gather3A_919 = tpu.vector_load_idx %arg12[%broadcast_in_dim3A_918] : memref<128xf32, #tpu.memory_space<vmem>>[vector<16xi32>], vector<16xf32>,
        %broadcast_in_dim3A_920 = vector.broadcast %add3A_917 : i32 to vector<16xi32>
        %gather3A_921 = tpu.vector_load_idx %arg13[%broadcast_in_dim3A_920] : memref<128xf32, #tpu.memory_space<vmem>>[vector<16xi32>], vector<16xf32>,
        %broadcast_in_dim3A_922 = vector.broadcast %add3A_917 : i32 to vector<16xi32>
        %gather3A_923 = tpu.vector_load_idx %arg14[%broadcast_in_dim3A_922] : memref<128xf32, #tpu.memory_space<vmem>>[vector<16xi32>], vector<16xf32>,
        %broadcast_in_dim3A_924 = vector.broadcast %add3A_917 : i32 to vector<16xi32>
        %gather3A_925 = tpu.vector_load_idx %arg15[%broadcast_in_dim3A_924] : memref<128xf32, #tpu.memory_space<vmem>>[vector<16xi32>], vector<16xf32>,
        %get3A_926 = arith.index_cast %add3A_917 : i32 to index
        %get3A_927 = arith.constant 0 : index
        %get3A_928 = tpu.vector_load %arg16[%get3A_926, %get3A_927] {strides = array<i32>} : memref<128x96xf32, #tpu.memory_space<vmem>>, vector<16xf32>,
        %mul3A_929 = arith.mulf %gather3A_919, %get3A_928 : vector<16xf32>
        %get3A_930 = arith.index_cast %add3A_917 : i32 to index
        %get3A_931 = arith.constant 0 : index
        %get3A_932 = tpu.vector_load %arg17[%get3A_930, %get3A_931] {strides = array<i32>} : memref<128x96xf32, #tpu.memory_space<vmem>>, vector<16xf32>,
        %mul3A_933 = arith.mulf %gather3A_921, %get3A_932 : vector<16xf32>
        %add3A_934 = arith.addf %mul3A_929, %mul3A_933 : vector<16xf32>
        %get3A_935 = arith.index_cast %add3A_917 : i32 to index
        %get3A_936 = arith.constant 0 : index
        %get3A_937 = tpu.vector_load %arg18[%get3A_935, %get3A_936] {strides = array<i32>} : memref<128x96xf32, #tpu.memory_space<vmem>>, vector<16xf32>,
        %mul3A_938 = arith.mulf %gather3A_923, %get3A_937 : vector<16xf32>
        %add3A_939 = arith.addf %add3A_934, %mul3A_938 : vector<16xf32>
        %get3A_940 = arith.index_cast %add3A_917 : i32 to index
        %get3A_941 = arith.constant 0 : index
        %get3A_942 = tpu.vector_load %arg19[%get3A_940, %get3A_941] {strides = array<i32>} : memref<128x96xf32, #tpu.memory_space<vmem>>, vector<16xf32>,
        %mul3A_943 = arith.mulf %gather3A_925, %get3A_942 : vector<16xf32>
        %add3A_944 = arith.addf %add3A_939, %mul3A_943 : vector<16xf32>
        %swap3A_945 = arith.index_cast %add3A_917 : i32 to index
        %swap3A_946 = arith.constant 0 : index
        %swap3A_947 = tpu.vector_load %arg20[%swap3A_945, %swap3A_946] {strides = array<i32>} : memref<128x96xf32, #tpu.memory_space<vmem>>, vector<16xf32>,
        tpu.vector_store %arg20[%swap3A_945, %swap3A_946], %add3A_944 {strides = array<i32>} : memref<128x96xf32, #tpu.memory_space<vmem>>, vector<16xf32>,
        %get3A_948 = arith.index_cast %add3A_917 : i32 to index
        %get3A_949 = arith.constant 16 : index
        %get3A_950 = tpu.vector_load %arg16[%get3A_948, %get3A_949] {strides = array<i32>} : memref<128x96xf32, #tpu.memory_space<vmem>>, vector<16xf32>,
        %mul3A_951 = arith.mulf %gather3A_919, %get3A_950 : vector<16xf32>
        %get3A_952 = arith.index_cast %add3A_917 : i32 to index
        %get3A_953 = arith.constant 16 : index
        %get3A_954 = tpu.vector_load %arg17[%get3A_952, %get3A_953] {strides = array<i32>} : memref<128x96xf32, #tpu.memory_space<vmem>>, vector<16xf32>,
        %mul3A_955 = arith.mulf %gather3A_921, %get3A_954 : vector<16xf32>
        %add3A_956 = arith.addf %mul3A_951, %mul3A_955 : vector<16xf32>
        %get3A_957 = arith.index_cast %add3A_917 : i32 to index
        %get3A_958 = arith.constant 16 : index
        %get3A_959 = tpu.vector_load %arg18[%get3A_957, %get3A_958] {strides = array<i32>} : memref<128x96xf32, #tpu.memory_space<vmem>>, vector<16xf32>,
        %mul3A_960 = arith.mulf %gather3A_923, %get3A_959 : vector<16xf32>
        %add3A_961 = arith.addf %add3A_956, %mul3A_960 : vector<16xf32>
        %get3A_962 = arith.index_cast %add3A_917 : i32 to index
        %get3A_963 = arith.constant 16 : index
        %get3A_964 = tpu.vector_load %arg19[%get3A_962, %get3A_963] {strides = array<i32>} : memref<128x96xf32, #tpu.memory_space<vmem>>, vector<16xf32>,
        %mul3A_965 = arith.mulf %gather3A_925, %get3A_964 : vector<16xf32>
        %add3A_966 = arith.addf %add3A_961, %mul3A_965 : vector<16xf32>
        %swap3A_967 = arith.index_cast %add3A_917 : i32 to index
        %swap3A_968 = arith.constant 16 : index
        %swap3A_969 = tpu.vector_load %arg20[%swap3A_967, %swap3A_968] {strides = array<i32>} : memref<128x96xf32, #tpu.memory_space<vmem>>, vector<16xf32>,
        tpu.vector_store %arg20[%swap3A_967, %swap3A_968], %add3A_966 {strides = array<i32>} : memref<128x96xf32, #tpu.memory_space<vmem>>, vector<16xf32>,
        %get3A_970 = arith.index_cast %add3A_917 : i32 to index
        %get3A_971 = arith.constant 32 : index
        %get3A_972 = tpu.vector_load %arg16[%get3A_970, %get3A_971] {strides = array<i32>} : memref<128x96xf32, #tpu.memory_space<vmem>>, vector<16xf32>,
        %mul3A_973 = arith.mulf %gather3A_919, %get3A_972 : vector<16xf32>
        %get3A_974 = arith.index_cast %add3A_917 : i32 to index
        %get3A_975 = arith.constant 32 : index
        %get3A_976 = tpu.vector_load %arg17[%get3A_974, %get3A_975] {strides = array<i32>} : memref<128x96xf32, #tpu.memory_space<vmem>>, vector<16xf32>,
        %mul3A_977 = arith.mulf %gather3A_921, %get3A_976 : vector<16xf32>
        %add3A_978 = arith.addf %mul3A_973, %mul3A_977 : vector<16xf32>
        %get3A_979 = arith.index_cast %add3A_917 : i32 to index
        %get3A_980 = arith.constant 32 : index
        %get3A_981 = tpu.vector_load %arg18[%get3A_979, %get3A_980] {strides = array<i32>} : memref<128x96xf32, #tpu.memory_space<vmem>>, vector<16xf32>,
        %mul3A_982 = arith.mulf %gather3A_923, %get3A_981 : vector<16xf32>
        %add3A_983 = arith.addf %add3A_978, %mul3A_982 : vector<16xf32>
        %get3A_984 = arith.index_cast %add3A_917 : i32 to index
        %get3A_985 = arith.constant 32 : index
        %get3A_986 = tpu.vector_load %arg19[%get3A_984, %get3A_985] {strides = array<i32>} : memref<128x96xf32, #tpu.memory_space<vmem>>, vector<16xf32>,
        %mul3A_987 = arith.mulf %gather3A_925, %get3A_986 : vector<16xf32>
        %add3A_988 = arith.addf %add3A_983, %mul3A_987 : vector<16xf32>
        %swap3A_989 = arith.index_cast %add3A_917 : i32 to index
        %swap3A_990 = arith.constant 32 : index
        %swap3A_991 = tpu.vector_load %arg20[%swap3A_989, %swap3A_990] {strides = array<i32>} : memref<128x96xf32, #tpu.memory_space<vmem>>, vector<16xf32>,
        tpu.vector_store %arg20[%swap3A_989, %swap3A_990], %add3A_988 {strides = array<i32>} : memref<128x96xf32, #tpu.memory_space<vmem>>, vector<16xf32>,
        %get3A_992 = arith.index_cast %add3A_917 : i32 to index
        %get3A_993 = arith.constant 48 : index
        %get3A_994 = tpu.vector_load %arg16[%get3A_992, %get3A_993] {strides = array<i32>} : memref<128x96xf32, #tpu.memory_space<vmem>>, vector<16xf32>,
        %mul3A_995 = arith.mulf %gather3A_919, %get3A_994 : vector<16xf32>
        %get3A_996 = arith.index_cast %add3A_917 : i32 to index
        %get3A_997 = arith.constant 48 : index
        %get3A_998 = tpu.vector_load %arg17[%get3A_996, %get3A_997] {strides = array<i32>} : memref<128x96xf32, #tpu.memory_space<vmem>>, vector<16xf32>,
        %mul3A_999 = arith.mulf %gather3A_921, %get3A_998 : vector<16xf32>
        %add3A_1000 = arith.addf %mul3A_995, %mul3A_999 : vector<16xf32>
        %get3A_1001 = arith.index_cast %add3A_917 : i32 to index
        %get3A_1002 = arith.constant 48 : index
        %get3A_1003 = tpu.vector_load %arg18[%get3A_1001, %get3A_1002] {strides = array<i32>} : memref<128x96xf32, #tpu.memory_space<vmem>>, vector<16xf32>,
        %mul3A_1004 = arith.mulf %gather3A_923, %get3A_1003 : vector<16xf32>
        %add3A_1005 = arith.addf %add3A_1000, %mul3A_1004 : vector<16xf32>
        %get3A_1006 = arith.index_cast %add3A_917 : i32 to index
        %get3A_1007 = arith.constant 48 : index
        %get3A_1008 = tpu.vector_load %arg19[%get3A_1006, %get3A_1007] {strides = array<i32>} : memref<128x96xf32, #tpu.memory_space<vmem>>, vector<16xf32>,
        %mul3A_1009 = arith.mulf %gather3A_925, %get3A_1008 : vector<16xf32>
        %add3A_1010 = arith.addf %add3A_1005, %mul3A_1009 : vector<16xf32>
        %swap3A_1011 = arith.index_cast %add3A_917 : i32 to index
        %swap3A_1012 = arith.constant 48 : index
        %swap3A_1013 = tpu.vector_load %arg20[%swap3A_1011, %swap3A_1012] {strides = array<i32>} : memref<128x96xf32, #tpu.memory_space<vmem>>, vector<16xf32>,
        tpu.vector_store %arg20[%swap3A_1011, %swap3A_1012], %add3A_1010 {strides = array<i32>} : memref<128x96xf32, #tpu.memory_space<vmem>>, vector<16xf32>,
        %get3A_1014 = arith.index_cast %add3A_917 : i32 to index
        %get3A_1015 = arith.constant 64 : index
        %get3A_1016 = tpu.vector_load %arg16[%get3A_1014, %get3A_1015] {strides = array<i32>} : memref<128x96xf32, #tpu.memory_space<vmem>>, vector<16xf32>,
        %mul3A_1017 = arith.mulf %gather3A_919, %get3A_1016 : vector<16xf32>
        %get3A_1018 = arith.index_cast %add3A_917 : i32 to index
        %get3A_1019 = arith.constant 64 : index
        %get3A_1020 = tpu.vector_load %arg17[%get3A_1018, %get3A_1019] {strides = array<i32>} : memref<128x96xf32, #tpu.memory_space<vmem>>, vector<16xf32>,
        %mul3A_1021 = arith.mulf %gather3A_921, %get3A_1020 : vector<16xf32>
        %add3A_1022 = arith.addf %mul3A_1017, %mul3A_1021 : vector<16xf32>
        %get3A_1023 = arith.index_cast %add3A_917 : i32 to index
        %get3A_1024 = arith.constant 64 : index
        %get3A_1025 = tpu.vector_load %arg18[%get3A_1023, %get3A_1024] {strides = array<i32>} : memref<128x96xf32, #tpu.memory_space<vmem>>, vector<16xf32>,
        %mul3A_1026 = arith.mulf %gather3A_923, %get3A_1025 : vector<16xf32>
        %add3A_1027 = arith.addf %add3A_1022, %mul3A_1026 : vector<16xf32>
        %get3A_1028 = arith.index_cast %add3A_917 : i32 to index
        %get3A_1029 = arith.constant 64 : index
        %get3A_1030 = tpu.vector_load %arg19[%get3A_1028, %get3A_1029] {strides = array<i32>} : memref<128x96xf32, #tpu.memory_space<vmem>>, vector<16xf32>,
        %mul3A_1031 = arith.mulf %gather3A_925, %get3A_1030 : vector<16xf32>
        %add3A_1032 = arith.addf %add3A_1027, %mul3A_1031 : vector<16xf32>
        %swap3A_1033 = arith.index_cast %add3A_917 : i32 to index
        %swap3A_1034 = arith.constant 64 : index
        %swap3A_1035 = tpu.vector_load %arg20[%swap3A_1033, %swap3A_1034] {strides = array<i32>} : memref<128x96xf32, #tpu.memory_space<vmem>>, vector<16xf32>,
        tpu.vector_store %arg20[%swap3A_1033, %swap3A_1034], %add3A_1032 {strides = array<i32>} : memref<128x96xf32, #tpu.memory_space<vmem>>, vector<16xf32>,
        %get3A_1036 = arith.index_cast %add3A_917 : i32 to index
        %get3A_1037 = arith.constant 80 : index
        %get3A_1038 = tpu.vector_load %arg16[%get3A_1036, %get3A_1037] {strides = array<i32>} : memref<128x96xf32, #tpu.memory_space<vmem>>, vector<16xf32>,
        %mul3A_1039 = arith.mulf %gather3A_919, %get3A_1038 : vector<16xf32>
        %get3A_1040 = arith.index_cast %add3A_917 : i32 to index
        %get3A_1041 = arith.constant 80 : index
        %get3A_1042 = tpu.vector_load %arg17[%get3A_1040, %get3A_1041] {strides = array<i32>} : memref<128x96xf32, #tpu.memory_space<vmem>>, vector<16xf32>,
        %mul3A_1043 = arith.mulf %gather3A_921, %get3A_1042 : vector<16xf32>
        %add3A_1044 = arith.addf %mul3A_1039, %mul3A_1043 : vector<16xf32>
        %get3A_1045 = arith.index_cast %add3A_917 : i32 to index
        %get3A_1046 = arith.constant 80 : index
        %get3A_1047 = tpu.vector_load %arg18[%get3A_1045, %get3A_1046] {strides = array<i32>} : memref<128x96xf32, #tpu.memory_space<vmem>>, vector<16xf32>,
        %mul3A_1048 = arith.mulf %gather3A_923, %get3A_1047 : vector<16xf32>
        %add3A_1049 = arith.addf %add3A_1044, %mul3A_1048 : vector<16xf32>
        %get3A_1050 = arith.index_cast %add3A_917 : i32 to index
        %get3A_1051 = arith.constant 80 : index
        %get3A_1052 = tpu.vector_load %arg19[%get3A_1050, %get3A_1051] {strides = array<i32>} : memref<128x96xf32, #tpu.memory_space<vmem>>, vector<16xf32>,
        %mul3A_1053 = arith.mulf %gather3A_925, %get3A_1052 : vector<16xf32>
        %add3A_1054 = arith.addf %add3A_1049, %mul3A_1053 : vector<16xf32>
        %swap3A_1055 = arith.index_cast %add3A_917 : i32 to index
        %swap3A_1056 = arith.constant 80 : index
        %swap3A_1057 = tpu.vector_load %arg20[%swap3A_1055, %swap3A_1056] {strides = array<i32>} : memref<128x96xf32, #tpu.memory_space<vmem>>, vector<16xf32>,
        tpu.vector_store %arg20[%swap3A_1055, %swap3A_1056], %add3A_1054 {strides = array<i32>} : memref<128x96xf32, #tpu.memory_space<vmem>>, vector<16xf32>,
        %add3A_1058 = arith.constant 7 : i32
        %add3A_1059 = arith.addi %add3A_67, %add3A_1058 : i32
        %broadcast_in_dim3A_1060 = vector.broadcast %add3A_1059 : i32 to vector<16xi32>
        %gather3A_1061 = tpu.vector_load_idx %arg12[%broadcast_in_dim3A_1060] : memref<128xf32, #tpu.memory_space<vmem>>[vector<16xi32>], vector<16xf32>,
        %broadcast_in_dim3A_1062 = vector.broadcast %add3A_1059 : i32 to vector<16xi32>
        %gather3A_1063 = tpu.vector_load_idx %arg13[%broadcast_in_dim3A_1062] : memref<128xf32, #tpu.memory_space<vmem>>[vector<16xi32>], vector<16xf32>,
        %broadcast_in_dim3A_1064 = vector.broadcast %add3A_1059 : i32 to vector<16xi32>
        %gather3A_1065 = tpu.vector_load_idx %arg14[%broadcast_in_dim3A_1064] : memref<128xf32, #tpu.memory_space<vmem>>[vector<16xi32>], vector<16xf32>,
        %broadcast_in_dim3A_1066 = vector.broadcast %add3A_1059 : i32 to vector<16xi32>
        %gather3A_1067 = tpu.vector_load_idx %arg15[%broadcast_in_dim3A_1066] : memref<128xf32, #tpu.memory_space<vmem>>[vector<16xi32>], vector<16xf32>,
        %get3A_1068 = arith.index_cast %add3A_1059 : i32 to index
        %get3A_1069 = arith.constant 0 : index
        %get3A_1070 = tpu.vector_load %arg16[%get3A_1068, %get3A_1069] {strides = array<i32>} : memref<128x96xf32, #tpu.memory_space<vmem>>, vector<16xf32>,
        %mul3A_1071 = arith.mulf %gather3A_1061, %get3A_1070 : vector<16xf32>
        %get3A_1072 = arith.index_cast %add3A_1059 : i32 to index
        %get3A_1073 = arith.constant 0 : index
        %get3A_1074 = tpu.vector_load %arg17[%get3A_1072, %get3A_1073] {strides = array<i32>} : memref<128x96xf32, #tpu.memory_space<vmem>>, vector<16xf32>,
        %mul3A_1075 = arith.mulf %gather3A_1063, %get3A_1074 : vector<16xf32>
        %add3A_1076 = arith.addf %mul3A_1071, %mul3A_1075 : vector<16xf32>
        %get3A_1077 = arith.index_cast %add3A_1059 : i32 to index
        %get3A_1078 = arith.constant 0 : index
        %get3A_1079 = tpu.vector_load %arg18[%get3A_1077, %get3A_1078] {strides = array<i32>} : memref<128x96xf32, #tpu.memory_space<vmem>>, vector<16xf32>,
        %mul3A_1080 = arith.mulf %gather3A_1065, %get3A_1079 : vector<16xf32>
        %add3A_1081 = arith.addf %add3A_1076, %mul3A_1080 : vector<16xf32>
        %get3A_1082 = arith.index_cast %add3A_1059 : i32 to index
        %get3A_1083 = arith.constant 0 : index
        %get3A_1084 = tpu.vector_load %arg19[%get3A_1082, %get3A_1083] {strides = array<i32>} : memref<128x96xf32, #tpu.memory_space<vmem>>, vector<16xf32>,
        %mul3A_1085 = arith.mulf %gather3A_1067, %get3A_1084 : vector<16xf32>
        %add3A_1086 = arith.addf %add3A_1081, %mul3A_1085 : vector<16xf32>
        %swap3A_1087 = arith.index_cast %add3A_1059 : i32 to index
        %swap3A_1088 = arith.constant 0 : index
        %swap3A_1089 = tpu.vector_load %arg20[%swap3A_1087, %swap3A_1088] {strides = array<i32>} : memref<128x96xf32, #tpu.memory_space<vmem>>, vector<16xf32>,
        tpu.vector_store %arg20[%swap3A_1087, %swap3A_1088], %add3A_1086 {strides = array<i32>} : memref<128x96xf32, #tpu.memory_space<vmem>>, vector<16xf32>,
        %get3A_1090 = arith.index_cast %add3A_1059 : i32 to index
        %get3A_1091 = arith.constant 16 : index
        %get3A_1092 = tpu.vector_load %arg16[%get3A_1090, %get3A_1091] {strides = array<i32>} : memref<128x96xf32, #tpu.memory_space<vmem>>, vector<16xf32>,
        %mul3A_1093 = arith.mulf %gather3A_1061, %get3A_1092 : vector<16xf32>
        %get3A_1094 = arith.index_cast %add3A_1059 : i32 to index
        %get3A_1095 = arith.constant 16 : index
        %get3A_1096 = tpu.vector_load %arg17[%get3A_1094, %get3A_1095] {strides = array<i32>} : memref<128x96xf32, #tpu.memory_space<vmem>>, vector<16xf32>,
        %mul3A_1097 = arith.mulf %gather3A_1063, %get3A_1096 : vector<16xf32>
        %add3A_1098 = arith.addf %mul3A_1093, %mul3A_1097 : vector<16xf32>
        %get3A_1099 = arith.index_cast %add3A_1059 : i32 to index
        %get3A_1100 = arith.constant 16 : index
        %get3A_1101 = tpu.vector_load %arg18[%get3A_1099, %get3A_1100] {strides = array<i32>} : memref<128x96xf32, #tpu.memory_space<vmem>>, vector<16xf32>,
        %mul3A_1102 = arith.mulf %gather3A_1065, %get3A_1101 : vector<16xf32>
        %add3A_1103 = arith.addf %add3A_1098, %mul3A_1102 : vector<16xf32>
        %get3A_1104 = arith.index_cast %add3A_1059 : i32 to index
        %get3A_1105 = arith.constant 16 : index
        %get3A_1106 = tpu.vector_load %arg19[%get3A_1104, %get3A_1105] {strides = array<i32>} : memref<128x96xf32, #tpu.memory_space<vmem>>, vector<16xf32>,
        %mul3A_1107 = arith.mulf %gather3A_1067, %get3A_1106 : vector<16xf32>
        %add3A_1108 = arith.addf %add3A_1103, %mul3A_1107 : vector<16xf32>
        %swap3A_1109 = arith.index_cast %add3A_1059 : i32 to index
        %swap3A_1110 = arith.constant 16 : index
        %swap3A_1111 = tpu.vector_load %arg20[%swap3A_1109, %swap3A_1110] {strides = array<i32>} : memref<128x96xf32, #tpu.memory_space<vmem>>, vector<16xf32>,
        tpu.vector_store %arg20[%swap3A_1109, %swap3A_1110], %add3A_1108 {strides = array<i32>} : memref<128x96xf32, #tpu.memory_space<vmem>>, vector<16xf32>,
        %get3A_1112 = arith.index_cast %add3A_1059 : i32 to index
        %get3A_1113 = arith.constant 32 : index
        %get3A_1114 = tpu.vector_load %arg16[%get3A_1112, %get3A_1113] {strides = array<i32>} : memref<128x96xf32, #tpu.memory_space<vmem>>, vector<16xf32>,
        %mul3A_1115 = arith.mulf %gather3A_1061, %get3A_1114 : vector<16xf32>
        %get3A_1116 = arith.index_cast %add3A_1059 : i32 to index
        %get3A_1117 = arith.constant 32 : index
        %get3A_1118 = tpu.vector_load %arg17[%get3A_1116, %get3A_1117] {strides = array<i32>} : memref<128x96xf32, #tpu.memory_space<vmem>>, vector<16xf32>,
        %mul3A_1119 = arith.mulf %gather3A_1063, %get3A_1118 : vector<16xf32>
        %add3A_1120 = arith.addf %mul3A_1115, %mul3A_1119 : vector<16xf32>
        %get3A_1121 = arith.index_cast %add3A_1059 : i32 to index
        %get3A_1122 = arith.constant 32 : index
        %get3A_1123 = tpu.vector_load %arg18[%get3A_1121, %get3A_1122] {strides = array<i32>} : memref<128x96xf32, #tpu.memory_space<vmem>>, vector<16xf32>,
        %mul3A_1124 = arith.mulf %gather3A_1065, %get3A_1123 : vector<16xf32>
        %add3A_1125 = arith.addf %add3A_1120, %mul3A_1124 : vector<16xf32>
        %get3A_1126 = arith.index_cast %add3A_1059 : i32 to index
        %get3A_1127 = arith.constant 32 : index
        %get3A_1128 = tpu.vector_load %arg19[%get3A_1126, %get3A_1127] {strides = array<i32>} : memref<128x96xf32, #tpu.memory_space<vmem>>, vector<16xf32>,
        %mul3A_1129 = arith.mulf %gather3A_1067, %get3A_1128 : vector<16xf32>
        %add3A_1130 = arith.addf %add3A_1125, %mul3A_1129 : vector<16xf32>
        %swap3A_1131 = arith.index_cast %add3A_1059 : i32 to index
        %swap3A_1132 = arith.constant 32 : index
        %swap3A_1133 = tpu.vector_load %arg20[%swap3A_1131, %swap3A_1132] {strides = array<i32>} : memref<128x96xf32, #tpu.memory_space<vmem>>, vector<16xf32>,
        tpu.vector_store %arg20[%swap3A_1131, %swap3A_1132], %add3A_1130 {strides = array<i32>} : memref<128x96xf32, #tpu.memory_space<vmem>>, vector<16xf32>,
        %get3A_1134 = arith.index_cast %add3A_1059 : i32 to index
        %get3A_1135 = arith.constant 48 : index
        %get3A_1136 = tpu.vector_load %arg16[%get3A_1134, %get3A_1135] {strides = array<i32>} : memref<128x96xf32, #tpu.memory_space<vmem>>, vector<16xf32>,
        %mul3A_1137 = arith.mulf %gather3A_1061, %get3A_1136 : vector<16xf32>
        %get3A_1138 = arith.index_cast %add3A_1059 : i32 to index
        %get3A_1139 = arith.constant 48 : index
        %get3A_1140 = tpu.vector_load %arg17[%get3A_1138, %get3A_1139] {strides = array<i32>} : memref<128x96xf32, #tpu.memory_space<vmem>>, vector<16xf32>,
        %mul3A_1141 = arith.mulf %gather3A_1063, %get3A_1140 : vector<16xf32>
        %add3A_1142 = arith.addf %mul3A_1137, %mul3A_1141 : vector<16xf32>
        %get3A_1143 = arith.index_cast %add3A_1059 : i32 to index
        %get3A_1144 = arith.constant 48 : index
        %get3A_1145 = tpu.vector_load %arg18[%get3A_1143, %get3A_1144] {strides = array<i32>} : memref<128x96xf32, #tpu.memory_space<vmem>>, vector<16xf32>,
        %mul3A_1146 = arith.mulf %gather3A_1065, %get3A_1145 : vector<16xf32>
        %add3A_1147 = arith.addf %add3A_1142, %mul3A_1146 : vector<16xf32>
        %get3A_1148 = arith.index_cast %add3A_1059 : i32 to index
        %get3A_1149 = arith.constant 48 : index
        %get3A_1150 = tpu.vector_load %arg19[%get3A_1148, %get3A_1149] {strides = array<i32>} : memref<128x96xf32, #tpu.memory_space<vmem>>, vector<16xf32>,
        %mul3A_1151 = arith.mulf %gather3A_1067, %get3A_1150 : vector<16xf32>
        %add3A_1152 = arith.addf %add3A_1147, %mul3A_1151 : vector<16xf32>
        %swap3A_1153 = arith.index_cast %add3A_1059 : i32 to index
        %swap3A_1154 = arith.constant 48 : index
        %swap3A_1155 = tpu.vector_load %arg20[%swap3A_1153, %swap3A_1154] {strides = array<i32>} : memref<128x96xf32, #tpu.memory_space<vmem>>, vector<16xf32>,
        tpu.vector_store %arg20[%swap3A_1153, %swap3A_1154], %add3A_1152 {strides = array<i32>} : memref<128x96xf32, #tpu.memory_space<vmem>>, vector<16xf32>,
        %get3A_1156 = arith.index_cast %add3A_1059 : i32 to index
        %get3A_1157 = arith.constant 64 : index
        %get3A_1158 = tpu.vector_load %arg16[%get3A_1156, %get3A_1157] {strides = array<i32>} : memref<128x96xf32, #tpu.memory_space<vmem>>, vector<16xf32>,
        %mul3A_1159 = arith.mulf %gather3A_1061, %get3A_1158 : vector<16xf32>
        %get3A_1160 = arith.index_cast %add3A_1059 : i32 to index
        %get3A_1161 = arith.constant 64 : index
        %get3A_1162 = tpu.vector_load %arg17[%get3A_1160, %get3A_1161] {strides = array<i32>} : memref<128x96xf32, #tpu.memory_space<vmem>>, vector<16xf32>,
        %mul3A_1163 = arith.mulf %gather3A_1063, %get3A_1162 : vector<16xf32>
        %add3A_1164 = arith.addf %mul3A_1159, %mul3A_1163 : vector<16xf32>
        %get3A_1165 = arith.index_cast %add3A_1059 : i32 to index
        %get3A_1166 = arith.constant 64 : index
        %get3A_1167 = tpu.vector_load %arg18[%get3A_1165, %get3A_1166] {strides = array<i32>} : memref<128x96xf32, #tpu.memory_space<vmem>>, vector<16xf32>,
        %mul3A_1168 = arith.mulf %gather3A_1065, %get3A_1167 : vector<16xf32>
        %add3A_1169 = arith.addf %add3A_1164, %mul3A_1168 : vector<16xf32>
        %get3A_1170 = arith.index_cast %add3A_1059 : i32 to index
        %get3A_1171 = arith.constant 64 : index
        %get3A_1172 = tpu.vector_load %arg19[%get3A_1170, %get3A_1171] {strides = array<i32>} : memref<128x96xf32, #tpu.memory_space<vmem>>, vector<16xf32>,
        %mul3A_1173 = arith.mulf %gather3A_1067, %get3A_1172 : vector<16xf32>
        %add3A_1174 = arith.addf %add3A_1169, %mul3A_1173 : vector<16xf32>
        %swap3A_1175 = arith.index_cast %add3A_1059 : i32 to index
        %swap3A_1176 = arith.constant 64 : index
        %swap3A_1177 = tpu.vector_load %arg20[%swap3A_1175, %swap3A_1176] {strides = array<i32>} : memref<128x96xf32, #tpu.memory_space<vmem>>, vector<16xf32>,
        tpu.vector_store %arg20[%swap3A_1175, %swap3A_1176], %add3A_1174 {strides = array<i32>} : memref<128x96xf32, #tpu.memory_space<vmem>>, vector<16xf32>,
        %get3A_1178 = arith.index_cast %add3A_1059 : i32 to index
        %get3A_1179 = arith.constant 80 : index
        %get3A_1180 = tpu.vector_load %arg16[%get3A_1178, %get3A_1179] {strides = array<i32>} : memref<128x96xf32, #tpu.memory_space<vmem>>, vector<16xf32>,
        %mul3A_1181 = arith.mulf %gather3A_1061, %get3A_1180 : vector<16xf32>
        %get3A_1182 = arith.index_cast %add3A_1059 : i32 to index
        %get3A_1183 = arith.constant 80 : index
        %get3A_1184 = tpu.vector_load %arg17[%get3A_1182, %get3A_1183] {strides = array<i32>} : memref<128x96xf32, #tpu.memory_space<vmem>>, vector<16xf32>,
        %mul3A_1185 = arith.mulf %gather3A_1063, %get3A_1184 : vector<16xf32>
        %add3A_1186 = arith.addf %mul3A_1181, %mul3A_1185 : vector<16xf32>
        %get3A_1187 = arith.index_cast %add3A_1059 : i32 to index
        %get3A_1188 = arith.constant 80 : index
        %get3A_1189 = tpu.vector_load %arg18[%get3A_1187, %get3A_1188] {strides = array<i32>} : memref<128x96xf32, #tpu.memory_space<vmem>>, vector<16xf32>,
        %mul3A_1190 = arith.mulf %gather3A_1065, %get3A_1189 : vector<16xf32>
        %add3A_1191 = arith.addf %add3A_1186, %mul3A_1190 : vector<16xf32>
        %get3A_1192 = arith.index_cast %add3A_1059 : i32 to index
        %get3A_1193 = arith.constant 80 : index
        %get3A_1194 = tpu.vector_load %arg19[%get3A_1192, %get3A_1193] {strides = array<i32>} : memref<128x96xf32, #tpu.memory_space<vmem>>, vector<16xf32>,
        %mul3A_1195 = arith.mulf %gather3A_1067, %get3A_1194 : vector<16xf32>
        %add3A_1196 = arith.addf %add3A_1191, %mul3A_1195 : vector<16xf32>
        %swap3A_1197 = arith.index_cast %add3A_1059 : i32 to index
        %swap3A_1198 = arith.constant 80 : index
        %swap3A_1199 = tpu.vector_load %arg20[%swap3A_1197, %swap3A_1198] {strides = array<i32>} : memref<128x96xf32, #tpu.memory_space<vmem>>, vector<16xf32>,
        tpu.vector_store %arg20[%swap3A_1197, %swap3A_1198], %add3A_1196 {strides = array<i32>} : memref<128x96xf32, #tpu.memory_space<vmem>>, vector<16xf32>,
        %add3A_1200 = arith.constant 8 : i32
        %add3A_1201 = arith.addi %add3A_67, %add3A_1200 : i32
        %broadcast_in_dim3A_1202 = vector.broadcast %add3A_1201 : i32 to vector<16xi32>
        %gather3A_1203 = tpu.vector_load_idx %arg12[%broadcast_in_dim3A_1202] : memref<128xf32, #tpu.memory_space<vmem>>[vector<16xi32>], vector<16xf32>,
        %broadcast_in_dim3A_1204 = vector.broadcast %add3A_1201 : i32 to vector<16xi32>
        %gather3A_1205 = tpu.vector_load_idx %arg13[%broadcast_in_dim3A_1204] : memref<128xf32, #tpu.memory_space<vmem>>[vector<16xi32>], vector<16xf32>,
        %broadcast_in_dim3A_1206 = vector.broadcast %add3A_1201 : i32 to vector<16xi32>
        %gather3A_1207 = tpu.vector_load_idx %arg14[%broadcast_in_dim3A_1206] : memref<128xf32, #tpu.memory_space<vmem>>[vector<16xi32>], vector<16xf32>,
        %broadcast_in_dim3A_1208 = vector.broadcast %add3A_1201 : i32 to vector<16xi32>
        %gather3A_1209 = tpu.vector_load_idx %arg15[%broadcast_in_dim3A_1208] : memref<128xf32, #tpu.memory_space<vmem>>[vector<16xi32>], vector<16xf32>,
        %get3A_1210 = arith.index_cast %add3A_1201 : i32 to index
        %get3A_1211 = arith.constant 0 : index
        %get3A_1212 = tpu.vector_load %arg16[%get3A_1210, %get3A_1211] {strides = array<i32>} : memref<128x96xf32, #tpu.memory_space<vmem>>, vector<16xf32>,
        %mul3A_1213 = arith.mulf %gather3A_1203, %get3A_1212 : vector<16xf32>
        %get3A_1214 = arith.index_cast %add3A_1201 : i32 to index
        %get3A_1215 = arith.constant 0 : index
        %get3A_1216 = tpu.vector_load %arg17[%get3A_1214, %get3A_1215] {strides = array<i32>} : memref<128x96xf32, #tpu.memory_space<vmem>>, vector<16xf32>,
        %mul3A_1217 = arith.mulf %gather3A_1205, %get3A_1216 : vector<16xf32>
        %add3A_1218 = arith.addf %mul3A_1213, %mul3A_1217 : vector<16xf32>
        %get3A_1219 = arith.index_cast %add3A_1201 : i32 to index
        %get3A_1220 = arith.constant 0 : index
        %get3A_1221 = tpu.vector_load %arg18[%get3A_1219, %get3A_1220] {strides = array<i32>} : memref<128x96xf32, #tpu.memory_space<vmem>>, vector<16xf32>,
        %mul3A_1222 = arith.mulf %gather3A_1207, %get3A_1221 : vector<16xf32>
        %add3A_1223 = arith.addf %add3A_1218, %mul3A_1222 : vector<16xf32>
        %get3A_1224 = arith.index_cast %add3A_1201 : i32 to index
        %get3A_1225 = arith.constant 0 : index
        %get3A_1226 = tpu.vector_load %arg19[%get3A_1224, %get3A_1225] {strides = array<i32>} : memref<128x96xf32, #tpu.memory_space<vmem>>, vector<16xf32>,
        %mul3A_1227 = arith.mulf %gather3A_1209, %get3A_1226 : vector<16xf32>
        %add3A_1228 = arith.addf %add3A_1223, %mul3A_1227 : vector<16xf32>
        %swap3A_1229 = arith.index_cast %add3A_1201 : i32 to index
        %swap3A_1230 = arith.constant 0 : index
        %swap3A_1231 = tpu.vector_load %arg20[%swap3A_1229, %swap3A_1230] {strides = array<i32>} : memref<128x96xf32, #tpu.memory_space<vmem>>, vector<16xf32>,
        tpu.vector_store %arg20[%swap3A_1229, %swap3A_1230], %add3A_1228 {strides = array<i32>} : memref<128x96xf32, #tpu.memory_space<vmem>>, vector<16xf32>,
        %get3A_1232 = arith.index_cast %add3A_1201 : i32 to index
        %get3A_1233 = arith.constant 16 : index
        %get3A_1234 = tpu.vector_load %arg16[%get3A_1232, %get3A_1233] {strides = array<i32>} : memref<128x96xf32, #tpu.memory_space<vmem>>, vector<16xf32>,
        %mul3A_1235 = arith.mulf %gather3A_1203, %get3A_1234 : vector<16xf32>
        %get3A_1236 = arith.index_cast %add3A_1201 : i32 to index
        %get3A_1237 = arith.constant 16 : index
        %get3A_1238 = tpu.vector_load %arg17[%get3A_1236, %get3A_1237] {strides = array<i32>} : memref<128x96xf32, #tpu.memory_space<vmem>>, vector<16xf32>,
        %mul3A_1239 = arith.mulf %gather3A_1205, %get3A_1238 : vector<16xf32>
        %add3A_1240 = arith.addf %mul3A_1235, %mul3A_1239 : vector<16xf32>
        %get3A_1241 = arith.index_cast %add3A_1201 : i32 to index
        %get3A_1242 = arith.constant 16 : index
        %get3A_1243 = tpu.vector_load %arg18[%get3A_1241, %get3A_1242] {strides = array<i32>} : memref<128x96xf32, #tpu.memory_space<vmem>>, vector<16xf32>,
        %mul3A_1244 = arith.mulf %gather3A_1207, %get3A_1243 : vector<16xf32>
        %add3A_1245 = arith.addf %add3A_1240, %mul3A_1244 : vector<16xf32>
        %get3A_1246 = arith.index_cast %add3A_1201 : i32 to index
        %get3A_1247 = arith.constant 16 : index
        %get3A_1248 = tpu.vector_load %arg19[%get3A_1246, %get3A_1247] {strides = array<i32>} : memref<128x96xf32, #tpu.memory_space<vmem>>, vector<16xf32>,
        %mul3A_1249 = arith.mulf %gather3A_1209, %get3A_1248 : vector<16xf32>
        %add3A_1250 = arith.addf %add3A_1245, %mul3A_1249 : vector<16xf32>
        %swap3A_1251 = arith.index_cast %add3A_1201 : i32 to index
        %swap3A_1252 = arith.constant 16 : index
        %swap3A_1253 = tpu.vector_load %arg20[%swap3A_1251, %swap3A_1252] {strides = array<i32>} : memref<128x96xf32, #tpu.memory_space<vmem>>, vector<16xf32>,
        tpu.vector_store %arg20[%swap3A_1251, %swap3A_1252], %add3A_1250 {strides = array<i32>} : memref<128x96xf32, #tpu.memory_space<vmem>>, vector<16xf32>,
        %get3A_1254 = arith.index_cast %add3A_1201 : i32 to index
        %get3A_1255 = arith.constant 32 : index
        %get3A_1256 = tpu.vector_load %arg16[%get3A_1254, %get3A_1255] {strides = array<i32>} : memref<128x96xf32, #tpu.memory_space<vmem>>, vector<16xf32>,
        %mul3A_1257 = arith.mulf %gather3A_1203, %get3A_1256 : vector<16xf32>
        %get3A_1258 = arith.index_cast %add3A_1201 : i32 to index
        %get3A_1259 = arith.constant 32 : index
        %get3A_1260 = tpu.vector_load %arg17[%get3A_1258, %get3A_1259] {strides = array<i32>} : memref<128x96xf32, #tpu.memory_space<vmem>>, vector<16xf32>,
        %mul3A_1261 = arith.mulf %gather3A_1205, %get3A_1260 : vector<16xf32>
        %add3A_1262 = arith.addf %mul3A_1257, %mul3A_1261 : vector<16xf32>
        %get3A_1263 = arith.index_cast %add3A_1201 : i32 to index
        %get3A_1264 = arith.constant 32 : index
        %get3A_1265 = tpu.vector_load %arg18[%get3A_1263, %get3A_1264] {strides = array<i32>} : memref<128x96xf32, #tpu.memory_space<vmem>>, vector<16xf32>,
        %mul3A_1266 = arith.mulf %gather3A_1207, %get3A_1265 : vector<16xf32>
        %add3A_1267 = arith.addf %add3A_1262, %mul3A_1266 : vector<16xf32>
        %get3A_1268 = arith.index_cast %add3A_1201 : i32 to index
        %get3A_1269 = arith.constant 32 : index
        %get3A_1270 = tpu.vector_load %arg19[%get3A_1268, %get3A_1269] {strides = array<i32>} : memref<128x96xf32, #tpu.memory_space<vmem>>, vector<16xf32>,
        %mul3A_1271 = arith.mulf %gather3A_1209, %get3A_1270 : vector<16xf32>
        %add3A_1272 = arith.addf %add3A_1267, %mul3A_1271 : vector<16xf32>
        %swap3A_1273 = arith.index_cast %add3A_1201 : i32 to index
        %swap3A_1274 = arith.constant 32 : index
        %swap3A_1275 = tpu.vector_load %arg20[%swap3A_1273, %swap3A_1274] {strides = array<i32>} : memref<128x96xf32, #tpu.memory_space<vmem>>, vector<16xf32>,
        tpu.vector_store %arg20[%swap3A_1273, %swap3A_1274], %add3A_1272 {strides = array<i32>} : memref<128x96xf32, #tpu.memory_space<vmem>>, vector<16xf32>,
        %get3A_1276 = arith.index_cast %add3A_1201 : i32 to index
        %get3A_1277 = arith.constant 48 : index
        %get3A_1278 = tpu.vector_load %arg16[%get3A_1276, %get3A_1277] {strides = array<i32>} : memref<128x96xf32, #tpu.memory_space<vmem>>, vector<16xf32>,
        %mul3A_1279 = arith.mulf %gather3A_1203, %get3A_1278 : vector<16xf32>
        %get3A_1280 = arith.index_cast %add3A_1201 : i32 to index
        %get3A_1281 = arith.constant 48 : index
        %get3A_1282 = tpu.vector_load %arg17[%get3A_1280, %get3A_1281] {strides = array<i32>} : memref<128x96xf32, #tpu.memory_space<vmem>>, vector<16xf32>,
        %mul3A_1283 = arith.mulf %gather3A_1205, %get3A_1282 : vector<16xf32>
        %add3A_1284 = arith.addf %mul3A_1279, %mul3A_1283 : vector<16xf32>
        %get3A_1285 = arith.index_cast %add3A_1201 : i32 to index
        %get3A_1286 = arith.constant 48 : index
        %get3A_1287 = tpu.vector_load %arg18[%get3A_1285, %get3A_1286] {strides = array<i32>} : memref<128x96xf32, #tpu.memory_space<vmem>>, vector<16xf32>,
        %mul3A_1288 = arith.mulf %gather3A_1207, %get3A_1287 : vector<16xf32>
        %add3A_1289 = arith.addf %add3A_1284, %mul3A_1288 : vector<16xf32>
        %get3A_1290 = arith.index_cast %add3A_1201 : i32 to index
        %get3A_1291 = arith.constant 48 : index
        %get3A_1292 = tpu.vector_load %arg19[%get3A_1290, %get3A_1291] {strides = array<i32>} : memref<128x96xf32, #tpu.memory_space<vmem>>, vector<16xf32>,
        %mul3A_1293 = arith.mulf %gather3A_1209, %get3A_1292 : vector<16xf32>
        %add3A_1294 = arith.addf %add3A_1289, %mul3A_1293 : vector<16xf32>
        %swap3A_1295 = arith.index_cast %add3A_1201 : i32 to index
        %swap3A_1296 = arith.constant 48 : index
        %swap3A_1297 = tpu.vector_load %arg20[%swap3A_1295, %swap3A_1296] {strides = array<i32>} : memref<128x96xf32, #tpu.memory_space<vmem>>, vector<16xf32>,
        tpu.vector_store %arg20[%swap3A_1295, %swap3A_1296], %add3A_1294 {strides = array<i32>} : memref<128x96xf32, #tpu.memory_space<vmem>>, vector<16xf32>,
        %get3A_1298 = arith.index_cast %add3A_1201 : i32 to index
        %get3A_1299 = arith.constant 64 : index
        %get3A_1300 = tpu.vector_load %arg16[%get3A_1298, %get3A_1299] {strides = array<i32>} : memref<128x96xf32, #tpu.memory_space<vmem>>, vector<16xf32>,
        %mul3A_1301 = arith.mulf %gather3A_1203, %get3A_1300 : vector<16xf32>
        %get3A_1302 = arith.index_cast %add3A_1201 : i32 to index
        %get3A_1303 = arith.constant 64 : index
        %get3A_1304 = tpu.vector_load %arg17[%get3A_1302, %get3A_1303] {strides = array<i32>} : memref<128x96xf32, #tpu.memory_space<vmem>>, vector<16xf32>,
        %mul3A_1305 = arith.mulf %gather3A_1205, %get3A_1304 : vector<16xf32>
        %add3A_1306 = arith.addf %mul3A_1301, %mul3A_1305 : vector<16xf32>
        %get3A_1307 = arith.index_cast %add3A_1201 : i32 to index
        %get3A_1308 = arith.constant 64 : index
        %get3A_1309 = tpu.vector_load %arg18[%get3A_1307, %get3A_1308] {strides = array<i32>} : memref<128x96xf32, #tpu.memory_space<vmem>>, vector<16xf32>,
        %mul3A_1310 = arith.mulf %gather3A_1207, %get3A_1309 : vector<16xf32>
        %add3A_1311 = arith.addf %add3A_1306, %mul3A_1310 : vector<16xf32>
        %get3A_1312 = arith.index_cast %add3A_1201 : i32 to index
        %get3A_1313 = arith.constant 64 : index
        %get3A_1314 = tpu.vector_load %arg19[%get3A_1312, %get3A_1313] {strides = array<i32>} : memref<128x96xf32, #tpu.memory_space<vmem>>, vector<16xf32>,
        %mul3A_1315 = arith.mulf %gather3A_1209, %get3A_1314 : vector<16xf32>
        %add3A_1316 = arith.addf %add3A_1311, %mul3A_1315 : vector<16xf32>
        %swap3A_1317 = arith.index_cast %add3A_1201 : i32 to index
        %swap3A_1318 = arith.constant 64 : index
        %swap3A_1319 = tpu.vector_load %arg20[%swap3A_1317, %swap3A_1318] {strides = array<i32>} : memref<128x96xf32, #tpu.memory_space<vmem>>, vector<16xf32>,
        tpu.vector_store %arg20[%swap3A_1317, %swap3A_1318], %add3A_1316 {strides = array<i32>} : memref<128x96xf32, #tpu.memory_space<vmem>>, vector<16xf32>,
        %get3A_1320 = arith.index_cast %add3A_1201 : i32 to index
        %get3A_1321 = arith.constant 80 : index
        %get3A_1322 = tpu.vector_load %arg16[%get3A_1320, %get3A_1321] {strides = array<i32>} : memref<128x96xf32, #tpu.memory_space<vmem>>, vector<16xf32>,
        %mul3A_1323 = arith.mulf %gather3A_1203, %get3A_1322 : vector<16xf32>
        %get3A_1324 = arith.index_cast %add3A_1201 : i32 to index
        %get3A_1325 = arith.constant 80 : index
        %get3A_1326 = tpu.vector_load %arg17[%get3A_1324, %get3A_1325] {strides = array<i32>} : memref<128x96xf32, #tpu.memory_space<vmem>>, vector<16xf32>,
        %mul3A_1327 = arith.mulf %gather3A_1205, %get3A_1326 : vector<16xf32>
        %add3A_1328 = arith.addf %mul3A_1323, %mul3A_1327 : vector<16xf32>
        %get3A_1329 = arith.index_cast %add3A_1201 : i32 to index
        %get3A_1330 = arith.constant 80 : index
        %get3A_1331 = tpu.vector_load %arg18[%get3A_1329, %get3A_1330] {strides = array<i32>} : memref<128x96xf32, #tpu.memory_space<vmem>>, vector<16xf32>,
        %mul3A_1332 = arith.mulf %gather3A_1207, %get3A_1331 : vector<16xf32>
        %add3A_1333 = arith.addf %add3A_1328, %mul3A_1332 : vector<16xf32>
        %get3A_1334 = arith.index_cast %add3A_1201 : i32 to index
        %get3A_1335 = arith.constant 80 : index
        %get3A_1336 = tpu.vector_load %arg19[%get3A_1334, %get3A_1335] {strides = array<i32>} : memref<128x96xf32, #tpu.memory_space<vmem>>, vector<16xf32>,
        %mul3A_1337 = arith.mulf %gather3A_1209, %get3A_1336 : vector<16xf32>
        %add3A_1338 = arith.addf %add3A_1333, %mul3A_1337 : vector<16xf32>
        %swap3A_1339 = arith.index_cast %add3A_1201 : i32 to index
        %swap3A_1340 = arith.constant 80 : index
        %swap3A_1341 = tpu.vector_load %arg20[%swap3A_1339, %swap3A_1340] {strides = array<i32>} : memref<128x96xf32, #tpu.memory_space<vmem>>, vector<16xf32>,
        tpu.vector_store %arg20[%swap3A_1339, %swap3A_1340], %add3A_1338 {strides = array<i32>} : memref<128x96xf32, #tpu.memory_space<vmem>>, vector<16xf32>,
        %add3A_1342 = arith.constant 9 : i32
        %add3A_1343 = arith.addi %add3A_67, %add3A_1342 : i32
        %broadcast_in_dim3A_1344 = vector.broadcast %add3A_1343 : i32 to vector<16xi32>
        %gather3A_1345 = tpu.vector_load_idx %arg12[%broadcast_in_dim3A_1344] : memref<128xf32, #tpu.memory_space<vmem>>[vector<16xi32>], vector<16xf32>,
        %broadcast_in_dim3A_1346 = vector.broadcast %add3A_1343 : i32 to vector<16xi32>
        %gather3A_1347 = tpu.vector_load_idx %arg13[%broadcast_in_dim3A_1346] : memref<128xf32, #tpu.memory_space<vmem>>[vector<16xi32>], vector<16xf32>,
        %broadcast_in_dim3A_1348 = vector.broadcast %add3A_1343 : i32 to vector<16xi32>
        %gather3A_1349 = tpu.vector_load_idx %arg14[%broadcast_in_dim3A_1348] : memref<128xf32, #tpu.memory_space<vmem>>[vector<16xi32>], vector<16xf32>,
        %broadcast_in_dim3A_1350 = vector.broadcast %add3A_1343 : i32 to vector<16xi32>
        %gather3A_1351 = tpu.vector_load_idx %arg15[%broadcast_in_dim3A_1350] : memref<128xf32, #tpu.memory_space<vmem>>[vector<16xi32>], vector<16xf32>,
        %get3A_1352 = arith.index_cast %add3A_1343 : i32 to index
        %get3A_1353 = arith.constant 0 : index
        %get3A_1354 = tpu.vector_load %arg16[%get3A_1352, %get3A_1353] {strides = array<i32>} : memref<128x96xf32, #tpu.memory_space<vmem>>, vector<16xf32>,
        %mul3A_1355 = arith.mulf %gather3A_1345, %get3A_1354 : vector<16xf32>
        %get3A_1356 = arith.index_cast %add3A_1343 : i32 to index
        %get3A_1357 = arith.constant 0 : index
        %get3A_1358 = tpu.vector_load %arg17[%get3A_1356, %get3A_1357] {strides = array<i32>} : memref<128x96xf32, #tpu.memory_space<vmem>>, vector<16xf32>,
        %mul3A_1359 = arith.mulf %gather3A_1347, %get3A_1358 : vector<16xf32>
        %add3A_1360 = arith.addf %mul3A_1355, %mul3A_1359 : vector<16xf32>
        %get3A_1361 = arith.index_cast %add3A_1343 : i32 to index
        %get3A_1362 = arith.constant 0 : index
        %get3A_1363 = tpu.vector_load %arg18[%get3A_1361, %get3A_1362] {strides = array<i32>} : memref<128x96xf32, #tpu.memory_space<vmem>>, vector<16xf32>,
        %mul3A_1364 = arith.mulf %gather3A_1349, %get3A_1363 : vector<16xf32>
        %add3A_1365 = arith.addf %add3A_1360, %mul3A_1364 : vector<16xf32>
        %get3A_1366 = arith.index_cast %add3A_1343 : i32 to index
        %get3A_1367 = arith.constant 0 : index
        %get3A_1368 = tpu.vector_load %arg19[%get3A_1366, %get3A_1367] {strides = array<i32>} : memref<128x96xf32, #tpu.memory_space<vmem>>, vector<16xf32>,
        %mul3A_1369 = arith.mulf %gather3A_1351, %get3A_1368 : vector<16xf32>
        %add3A_1370 = arith.addf %add3A_1365, %mul3A_1369 : vector<16xf32>
        %swap3A_1371 = arith.index_cast %add3A_1343 : i32 to index
        %swap3A_1372 = arith.constant 0 : index
        %swap3A_1373 = tpu.vector_load %arg20[%swap3A_1371, %swap3A_1372] {strides = array<i32>} : memref<128x96xf32, #tpu.memory_space<vmem>>, vector<16xf32>,
        tpu.vector_store %arg20[%swap3A_1371, %swap3A_1372], %add3A_1370 {strides = array<i32>} : memref<128x96xf32, #tpu.memory_space<vmem>>, vector<16xf32>,
        %get3A_1374 = arith.index_cast %add3A_1343 : i32 to index
        %get3A_1375 = arith.constant 16 : index
        %get3A_1376 = tpu.vector_load %arg16[%get3A_1374, %get3A_1375] {strides = array<i32>} : memref<128x96xf32, #tpu.memory_space<vmem>>, vector<16xf32>,
        %mul3A_1377 = arith.mulf %gather3A_1345, %get3A_1376 : vector<16xf32>
        %get3A_1378 = arith.index_cast %add3A_1343 : i32 to index
        %get3A_1379 = arith.constant 16 : index
        %get3A_1380 = tpu.vector_load %arg17[%get3A_1378, %get3A_1379] {strides = array<i32>} : memref<128x96xf32, #tpu.memory_space<vmem>>, vector<16xf32>,
        %mul3A_1381 = arith.mulf %gather3A_1347, %get3A_1380 : vector<16xf32>
        %add3A_1382 = arith.addf %mul3A_1377, %mul3A_1381 : vector<16xf32>
        %get3A_1383 = arith.index_cast %add3A_1343 : i32 to index
        %get3A_1384 = arith.constant 16 : index
        %get3A_1385 = tpu.vector_load %arg18[%get3A_1383, %get3A_1384] {strides = array<i32>} : memref<128x96xf32, #tpu.memory_space<vmem>>, vector<16xf32>,
        %mul3A_1386 = arith.mulf %gather3A_1349, %get3A_1385 : vector<16xf32>
        %add3A_1387 = arith.addf %add3A_1382, %mul3A_1386 : vector<16xf32>
        %get3A_1388 = arith.index_cast %add3A_1343 : i32 to index
        %get3A_1389 = arith.constant 16 : index
        %get3A_1390 = tpu.vector_load %arg19[%get3A_1388, %get3A_1389] {strides = array<i32>} : memref<128x96xf32, #tpu.memory_space<vmem>>, vector<16xf32>,
        %mul3A_1391 = arith.mulf %gather3A_1351, %get3A_1390 : vector<16xf32>
        %add3A_1392 = arith.addf %add3A_1387, %mul3A_1391 : vector<16xf32>
        %swap3A_1393 = arith.index_cast %add3A_1343 : i32 to index
        %swap3A_1394 = arith.constant 16 : index
        %swap3A_1395 = tpu.vector_load %arg20[%swap3A_1393, %swap3A_1394] {strides = array<i32>} : memref<128x96xf32, #tpu.memory_space<vmem>>, vector<16xf32>,
        tpu.vector_store %arg20[%swap3A_1393, %swap3A_1394], %add3A_1392 {strides = array<i32>} : memref<128x96xf32, #tpu.memory_space<vmem>>, vector<16xf32>,
        %get3A_1396 = arith.index_cast %add3A_1343 : i32 to index
        %get3A_1397 = arith.constant 32 : index
        %get3A_1398 = tpu.vector_load %arg16[%get3A_1396, %get3A_1397] {strides = array<i32>} : memref<128x96xf32, #tpu.memory_space<vmem>>, vector<16xf32>,
        %mul3A_1399 = arith.mulf %gather3A_1345, %get3A_1398 : vector<16xf32>
        %get3A_1400 = arith.index_cast %add3A_1343 : i32 to index
        %get3A_1401 = arith.constant 32 : index
        %get3A_1402 = tpu.vector_load %arg17[%get3A_1400, %get3A_1401] {strides = array<i32>} : memref<128x96xf32, #tpu.memory_space<vmem>>, vector<16xf32>,
        %mul3A_1403 = arith.mulf %gather3A_1347, %get3A_1402 : vector<16xf32>
        %add3A_1404 = arith.addf %mul3A_1399, %mul3A_1403 : vector<16xf32>
        %get3A_1405 = arith.index_cast %add3A_1343 : i32 to index
        %get3A_1406 = arith.constant 32 : index
        %get3A_1407 = tpu.vector_load %arg18[%get3A_1405, %get3A_1406] {strides = array<i32>} : memref<128x96xf32, #tpu.memory_space<vmem>>, vector<16xf32>,
        %mul3A_1408 = arith.mulf %gather3A_1349, %get3A_1407 : vector<16xf32>
        %add3A_1409 = arith.addf %add3A_1404, %mul3A_1408 : vector<16xf32>
        %get3A_1410 = arith.index_cast %add3A_1343 : i32 to index
        %get3A_1411 = arith.constant 32 : index
        %get3A_1412 = tpu.vector_load %arg19[%get3A_1410, %get3A_1411] {strides = array<i32>} : memref<128x96xf32, #tpu.memory_space<vmem>>, vector<16xf32>,
        %mul3A_1413 = arith.mulf %gather3A_1351, %get3A_1412 : vector<16xf32>
        %add3A_1414 = arith.addf %add3A_1409, %mul3A_1413 : vector<16xf32>
        %swap3A_1415 = arith.index_cast %add3A_1343 : i32 to index
        %swap3A_1416 = arith.constant 32 : index
        %swap3A_1417 = tpu.vector_load %arg20[%swap3A_1415, %swap3A_1416] {strides = array<i32>} : memref<128x96xf32, #tpu.memory_space<vmem>>, vector<16xf32>,
        tpu.vector_store %arg20[%swap3A_1415, %swap3A_1416], %add3A_1414 {strides = array<i32>} : memref<128x96xf32, #tpu.memory_space<vmem>>, vector<16xf32>,
        %get3A_1418 = arith.index_cast %add3A_1343 : i32 to index
        %get3A_1419 = arith.constant 48 : index
        %get3A_1420 = tpu.vector_load %arg16[%get3A_1418, %get3A_1419] {strides = array<i32>} : memref<128x96xf32, #tpu.memory_space<vmem>>, vector<16xf32>,
        %mul3A_1421 = arith.mulf %gather3A_1345, %get3A_1420 : vector<16xf32>
        %get3A_1422 = arith.index_cast %add3A_1343 : i32 to index
        %get3A_1423 = arith.constant 48 : index
        %get3A_1424 = tpu.vector_load %arg17[%get3A_1422, %get3A_1423] {strides = array<i32>} : memref<128x96xf32, #tpu.memory_space<vmem>>, vector<16xf32>,
        %mul3A_1425 = arith.mulf %gather3A_1347, %get3A_1424 : vector<16xf32>
        %add3A_1426 = arith.addf %mul3A_1421, %mul3A_1425 : vector<16xf32>
        %get3A_1427 = arith.index_cast %add3A_1343 : i32 to index
        %get3A_1428 = arith.constant 48 : index
        %get3A_1429 = tpu.vector_load %arg18[%get3A_1427, %get3A_1428] {strides = array<i32>} : memref<128x96xf32, #tpu.memory_space<vmem>>, vector<16xf32>,
        %mul3A_1430 = arith.mulf %gather3A_1349, %get3A_1429 : vector<16xf32>
        %add3A_1431 = arith.addf %add3A_1426, %mul3A_1430 : vector<16xf32>
        %get3A_1432 = arith.index_cast %add3A_1343 : i32 to index
        %get3A_1433 = arith.constant 48 : index
        %get3A_1434 = tpu.vector_load %arg19[%get3A_1432, %get3A_1433] {strides = array<i32>} : memref<128x96xf32, #tpu.memory_space<vmem>>, vector<16xf32>,
        %mul3A_1435 = arith.mulf %gather3A_1351, %get3A_1434 : vector<16xf32>
        %add3A_1436 = arith.addf %add3A_1431, %mul3A_1435 : vector<16xf32>
        %swap3A_1437 = arith.index_cast %add3A_1343 : i32 to index
        %swap3A_1438 = arith.constant 48 : index
        %swap3A_1439 = tpu.vector_load %arg20[%swap3A_1437, %swap3A_1438] {strides = array<i32>} : memref<128x96xf32, #tpu.memory_space<vmem>>, vector<16xf32>,
        tpu.vector_store %arg20[%swap3A_1437, %swap3A_1438], %add3A_1436 {strides = array<i32>} : memref<128x96xf32, #tpu.memory_space<vmem>>, vector<16xf32>,
        %get3A_1440 = arith.index_cast %add3A_1343 : i32 to index
        %get3A_1441 = arith.constant 64 : index
        %get3A_1442 = tpu.vector_load %arg16[%get3A_1440, %get3A_1441] {strides = array<i32>} : memref<128x96xf32, #tpu.memory_space<vmem>>, vector<16xf32>,
        %mul3A_1443 = arith.mulf %gather3A_1345, %get3A_1442 : vector<16xf32>
        %get3A_1444 = arith.index_cast %add3A_1343 : i32 to index
        %get3A_1445 = arith.constant 64 : index
        %get3A_1446 = tpu.vector_load %arg17[%get3A_1444, %get3A_1445] {strides = array<i32>} : memref<128x96xf32, #tpu.memory_space<vmem>>, vector<16xf32>,
        %mul3A_1447 = arith.mulf %gather3A_1347, %get3A_1446 : vector<16xf32>
        %add3A_1448 = arith.addf %mul3A_1443, %mul3A_1447 : vector<16xf32>
        %get3A_1449 = arith.index_cast %add3A_1343 : i32 to index
        %get3A_1450 = arith.constant 64 : index
        %get3A_1451 = tpu.vector_load %arg18[%get3A_1449, %get3A_1450] {strides = array<i32>} : memref<128x96xf32, #tpu.memory_space<vmem>>, vector<16xf32>,
        %mul3A_1452 = arith.mulf %gather3A_1349, %get3A_1451 : vector<16xf32>
        %add3A_1453 = arith.addf %add3A_1448, %mul3A_1452 : vector<16xf32>
        %get3A_1454 = arith.index_cast %add3A_1343 : i32 to index
        %get3A_1455 = arith.constant 64 : index
        %get3A_1456 = tpu.vector_load %arg19[%get3A_1454, %get3A_1455] {strides = array<i32>} : memref<128x96xf32, #tpu.memory_space<vmem>>, vector<16xf32>,
        %mul3A_1457 = arith.mulf %gather3A_1351, %get3A_1456 : vector<16xf32>
        %add3A_1458 = arith.addf %add3A_1453, %mul3A_1457 : vector<16xf32>
        %swap3A_1459 = arith.index_cast %add3A_1343 : i32 to index
        %swap3A_1460 = arith.constant 64 : index
        %swap3A_1461 = tpu.vector_load %arg20[%swap3A_1459, %swap3A_1460] {strides = array<i32>} : memref<128x96xf32, #tpu.memory_space<vmem>>, vector<16xf32>,
        tpu.vector_store %arg20[%swap3A_1459, %swap3A_1460], %add3A_1458 {strides = array<i32>} : memref<128x96xf32, #tpu.memory_space<vmem>>, vector<16xf32>,
        %get3A_1462 = arith.index_cast %add3A_1343 : i32 to index
        %get3A_1463 = arith.constant 80 : index
        %get3A_1464 = tpu.vector_load %arg16[%get3A_1462, %get3A_1463] {strides = array<i32>} : memref<128x96xf32, #tpu.memory_space<vmem>>, vector<16xf32>,
        %mul3A_1465 = arith.mulf %gather3A_1345, %get3A_1464 : vector<16xf32>
        %get3A_1466 = arith.index_cast %add3A_1343 : i32 to index
        %get3A_1467 = arith.constant 80 : index
        %get3A_1468 = tpu.vector_load %arg17[%get3A_1466, %get3A_1467] {strides = array<i32>} : memref<128x96xf32, #tpu.memory_space<vmem>>, vector<16xf32>,
        %mul3A_1469 = arith.mulf %gather3A_1347, %get3A_1468 : vector<16xf32>
        %add3A_1470 = arith.addf %mul3A_1465, %mul3A_1469 : vector<16xf32>
        %get3A_1471 = arith.index_cast %add3A_1343 : i32 to index
        %get3A_1472 = arith.constant 80 : index
        %get3A_1473 = tpu.vector_load %arg18[%get3A_1471, %get3A_1472] {strides = array<i32>} : memref<128x96xf32, #tpu.memory_space<vmem>>, vector<16xf32>,
        %mul3A_1474 = arith.mulf %gather3A_1349, %get3A_1473 : vector<16xf32>
        %add3A_1475 = arith.addf %add3A_1470, %mul3A_1474 : vector<16xf32>
        %get3A_1476 = arith.index_cast %add3A_1343 : i32 to index
        %get3A_1477 = arith.constant 80 : index
        %get3A_1478 = tpu.vector_load %arg19[%get3A_1476, %get3A_1477] {strides = array<i32>} : memref<128x96xf32, #tpu.memory_space<vmem>>, vector<16xf32>,
        %mul3A_1479 = arith.mulf %gather3A_1351, %get3A_1478 : vector<16xf32>
        %add3A_1480 = arith.addf %add3A_1475, %mul3A_1479 : vector<16xf32>
        %swap3A_1481 = arith.index_cast %add3A_1343 : i32 to index
        %swap3A_1482 = arith.constant 80 : index
        %swap3A_1483 = tpu.vector_load %arg20[%swap3A_1481, %swap3A_1482] {strides = array<i32>} : memref<128x96xf32, #tpu.memory_space<vmem>>, vector<16xf32>,
        tpu.vector_store %arg20[%swap3A_1481, %swap3A_1482], %add3A_1480 {strides = array<i32>} : memref<128x96xf32, #tpu.memory_space<vmem>>, vector<16xf32>,
        %add3A_1484 = arith.constant 10 : i32
        %add3A_1485 = arith.addi %add3A_67, %add3A_1484 : i32
        %broadcast_in_dim3A_1486 = vector.broadcast %add3A_1485 : i32 to vector<16xi32>
        %gather3A_1487 = tpu.vector_load_idx %arg12[%broadcast_in_dim3A_1486] : memref<128xf32, #tpu.memory_space<vmem>>[vector<16xi32>], vector<16xf32>,
        %broadcast_in_dim3A_1488 = vector.broadcast %add3A_1485 : i32 to vector<16xi32>
        %gather3A_1489 = tpu.vector_load_idx %arg13[%broadcast_in_dim3A_1488] : memref<128xf32, #tpu.memory_space<vmem>>[vector<16xi32>], vector<16xf32>,
        %broadcast_in_dim3A_1490 = vector.broadcast %add3A_1485 : i32 to vector<16xi32>
        %gather3A_1491 = tpu.vector_load_idx %arg14[%broadcast_in_dim3A_1490] : memref<128xf32, #tpu.memory_space<vmem>>[vector<16xi32>], vector<16xf32>,
        %broadcast_in_dim3A_1492 = vector.broadcast %add3A_1485 : i32 to vector<16xi32>
        %gather3A_1493 = tpu.vector_load_idx %arg15[%broadcast_in_dim3A_1492] : memref<128xf32, #tpu.memory_space<vmem>>[vector<16xi32>], vector<16xf32>,
        %get3A_1494 = arith.index_cast %add3A_1485 : i32 to index
        %get3A_1495 = arith.constant 0 : index
        %get3A_1496 = tpu.vector_load %arg16[%get3A_1494, %get3A_1495] {strides = array<i32>} : memref<128x96xf32, #tpu.memory_space<vmem>>, vector<16xf32>,
        %mul3A_1497 = arith.mulf %gather3A_1487, %get3A_1496 : vector<16xf32>
        %get3A_1498 = arith.index_cast %add3A_1485 : i32 to index
        %get3A_1499 = arith.constant 0 : index
        %get3A_1500 = tpu.vector_load %arg17[%get3A_1498, %get3A_1499] {strides = array<i32>} : memref<128x96xf32, #tpu.memory_space<vmem>>, vector<16xf32>,
        %mul3A_1501 = arith.mulf %gather3A_1489, %get3A_1500 : vector<16xf32>
        %add3A_1502 = arith.addf %mul3A_1497, %mul3A_1501 : vector<16xf32>
        %get3A_1503 = arith.index_cast %add3A_1485 : i32 to index
        %get3A_1504 = arith.constant 0 : index
        %get3A_1505 = tpu.vector_load %arg18[%get3A_1503, %get3A_1504] {strides = array<i32>} : memref<128x96xf32, #tpu.memory_space<vmem>>, vector<16xf32>,
        %mul3A_1506 = arith.mulf %gather3A_1491, %get3A_1505 : vector<16xf32>
        %add3A_1507 = arith.addf %add3A_1502, %mul3A_1506 : vector<16xf32>
        %get3A_1508 = arith.index_cast %add3A_1485 : i32 to index
        %get3A_1509 = arith.constant 0 : index
        %get3A_1510 = tpu.vector_load %arg19[%get3A_1508, %get3A_1509] {strides = array<i32>} : memref<128x96xf32, #tpu.memory_space<vmem>>, vector<16xf32>,
        %mul3A_1511 = arith.mulf %gather3A_1493, %get3A_1510 : vector<16xf32>
        %add3A_1512 = arith.addf %add3A_1507, %mul3A_1511 : vector<16xf32>
        %swap3A_1513 = arith.index_cast %add3A_1485 : i32 to index
        %swap3A_1514 = arith.constant 0 : index
        %swap3A_1515 = tpu.vector_load %arg20[%swap3A_1513, %swap3A_1514] {strides = array<i32>} : memref<128x96xf32, #tpu.memory_space<vmem>>, vector<16xf32>,
        tpu.vector_store %arg20[%swap3A_1513, %swap3A_1514], %add3A_1512 {strides = array<i32>} : memref<128x96xf32, #tpu.memory_space<vmem>>, vector<16xf32>,
        %get3A_1516 = arith.index_cast %add3A_1485 : i32 to index
        %get3A_1517 = arith.constant 16 : index
        %get3A_1518 = tpu.vector_load %arg16[%get3A_1516, %get3A_1517] {strides = array<i32>} : memref<128x96xf32, #tpu.memory_space<vmem>>, vector<16xf32>,
        %mul3A_1519 = arith.mulf %gather3A_1487, %get3A_1518 : vector<16xf32>
        %get3A_1520 = arith.index_cast %add3A_1485 : i32 to index
        %get3A_1521 = arith.constant 16 : index
        %get3A_1522 = tpu.vector_load %arg17[%get3A_1520, %get3A_1521] {strides = array<i32>} : memref<128x96xf32, #tpu.memory_space<vmem>>, vector<16xf32>,
        %mul3A_1523 = arith.mulf %gather3A_1489, %get3A_1522 : vector<16xf32>
        %add3A_1524 = arith.addf %mul3A_1519, %mul3A_1523 : vector<16xf32>
        %get3A_1525 = arith.index_cast %add3A_1485 : i32 to index
        %get3A_1526 = arith.constant 16 : index
        %get3A_1527 = tpu.vector_load %arg18[%get3A_1525, %get3A_1526] {strides = array<i32>} : memref<128x96xf32, #tpu.memory_space<vmem>>, vector<16xf32>,
        %mul3A_1528 = arith.mulf %gather3A_1491, %get3A_1527 : vector<16xf32>
        %add3A_1529 = arith.addf %add3A_1524, %mul3A_1528 : vector<16xf32>
        %get3A_1530 = arith.index_cast %add3A_1485 : i32 to index
        %get3A_1531 = arith.constant 16 : index
        %get3A_1532 = tpu.vector_load %arg19[%get3A_1530, %get3A_1531] {strides = array<i32>} : memref<128x96xf32, #tpu.memory_space<vmem>>, vector<16xf32>,
        %mul3A_1533 = arith.mulf %gather3A_1493, %get3A_1532 : vector<16xf32>
        %add3A_1534 = arith.addf %add3A_1529, %mul3A_1533 : vector<16xf32>
        %swap3A_1535 = arith.index_cast %add3A_1485 : i32 to index
        %swap3A_1536 = arith.constant 16 : index
        %swap3A_1537 = tpu.vector_load %arg20[%swap3A_1535, %swap3A_1536] {strides = array<i32>} : memref<128x96xf32, #tpu.memory_space<vmem>>, vector<16xf32>,
        tpu.vector_store %arg20[%swap3A_1535, %swap3A_1536], %add3A_1534 {strides = array<i32>} : memref<128x96xf32, #tpu.memory_space<vmem>>, vector<16xf32>,
        %get3A_1538 = arith.index_cast %add3A_1485 : i32 to index
        %get3A_1539 = arith.constant 32 : index
        %get3A_1540 = tpu.vector_load %arg16[%get3A_1538, %get3A_1539] {strides = array<i32>} : memref<128x96xf32, #tpu.memory_space<vmem>>, vector<16xf32>,
        %mul3A_1541 = arith.mulf %gather3A_1487, %get3A_1540 : vector<16xf32>
        %get3A_1542 = arith.index_cast %add3A_1485 : i32 to index
        %get3A_1543 = arith.constant 32 : index
        %get3A_1544 = tpu.vector_load %arg17[%get3A_1542, %get3A_1543] {strides = array<i32>} : memref<128x96xf32, #tpu.memory_space<vmem>>, vector<16xf32>,
        %mul3A_1545 = arith.mulf %gather3A_1489, %get3A_1544 : vector<16xf32>
        %add3A_1546 = arith.addf %mul3A_1541, %mul3A_1545 : vector<16xf32>
        %get3A_1547 = arith.index_cast %add3A_1485 : i32 to index
        %get3A_1548 = arith.constant 32 : index
        %get3A_1549 = tpu.vector_load %arg18[%get3A_1547, %get3A_1548] {strides = array<i32>} : memref<128x96xf32, #tpu.memory_space<vmem>>, vector<16xf32>,
        %mul3A_1550 = arith.mulf %gather3A_1491, %get3A_1549 : vector<16xf32>
        %add3A_1551 = arith.addf %add3A_1546, %mul3A_1550 : vector<16xf32>
        %get3A_1552 = arith.index_cast %add3A_1485 : i32 to index
        %get3A_1553 = arith.constant 32 : index
        %get3A_1554 = tpu.vector_load %arg19[%get3A_1552, %get3A_1553] {strides = array<i32>} : memref<128x96xf32, #tpu.memory_space<vmem>>, vector<16xf32>,
        %mul3A_1555 = arith.mulf %gather3A_1493, %get3A_1554 : vector<16xf32>
        %add3A_1556 = arith.addf %add3A_1551, %mul3A_1555 : vector<16xf32>
        %swap3A_1557 = arith.index_cast %add3A_1485 : i32 to index
        %swap3A_1558 = arith.constant 32 : index
        %swap3A_1559 = tpu.vector_load %arg20[%swap3A_1557, %swap3A_1558] {strides = array<i32>} : memref<128x96xf32, #tpu.memory_space<vmem>>, vector<16xf32>,
        tpu.vector_store %arg20[%swap3A_1557, %swap3A_1558], %add3A_1556 {strides = array<i32>} : memref<128x96xf32, #tpu.memory_space<vmem>>, vector<16xf32>,
        %get3A_1560 = arith.index_cast %add3A_1485 : i32 to index
        %get3A_1561 = arith.constant 48 : index
        %get3A_1562 = tpu.vector_load %arg16[%get3A_1560, %get3A_1561] {strides = array<i32>} : memref<128x96xf32, #tpu.memory_space<vmem>>, vector<16xf32>,
        %mul3A_1563 = arith.mulf %gather3A_1487, %get3A_1562 : vector<16xf32>
        %get3A_1564 = arith.index_cast %add3A_1485 : i32 to index
        %get3A_1565 = arith.constant 48 : index
        %get3A_1566 = tpu.vector_load %arg17[%get3A_1564, %get3A_1565] {strides = array<i32>} : memref<128x96xf32, #tpu.memory_space<vmem>>, vector<16xf32>,
        %mul3A_1567 = arith.mulf %gather3A_1489, %get3A_1566 : vector<16xf32>
        %add3A_1568 = arith.addf %mul3A_1563, %mul3A_1567 : vector<16xf32>
        %get3A_1569 = arith.index_cast %add3A_1485 : i32 to index
        %get3A_1570 = arith.constant 48 : index
        %get3A_1571 = tpu.vector_load %arg18[%get3A_1569, %get3A_1570] {strides = array<i32>} : memref<128x96xf32, #tpu.memory_space<vmem>>, vector<16xf32>,
        %mul3A_1572 = arith.mulf %gather3A_1491, %get3A_1571 : vector<16xf32>
        %add3A_1573 = arith.addf %add3A_1568, %mul3A_1572 : vector<16xf32>
        %get3A_1574 = arith.index_cast %add3A_1485 : i32 to index
        %get3A_1575 = arith.constant 48 : index
        %get3A_1576 = tpu.vector_load %arg19[%get3A_1574, %get3A_1575] {strides = array<i32>} : memref<128x96xf32, #tpu.memory_space<vmem>>, vector<16xf32>,
        %mul3A_1577 = arith.mulf %gather3A_1493, %get3A_1576 : vector<16xf32>
        %add3A_1578 = arith.addf %add3A_1573, %mul3A_1577 : vector<16xf32>
        %swap3A_1579 = arith.index_cast %add3A_1485 : i32 to index
        %swap3A_1580 = arith.constant 48 : index
        %swap3A_1581 = tpu.vector_load %arg20[%swap3A_1579, %swap3A_1580] {strides = array<i32>} : memref<128x96xf32, #tpu.memory_space<vmem>>, vector<16xf32>,
        tpu.vector_store %arg20[%swap3A_1579, %swap3A_1580], %add3A_1578 {strides = array<i32>} : memref<128x96xf32, #tpu.memory_space<vmem>>, vector<16xf32>,
        %get3A_1582 = arith.index_cast %add3A_1485 : i32 to index
        %get3A_1583 = arith.constant 64 : index
        %get3A_1584 = tpu.vector_load %arg16[%get3A_1582, %get3A_1583] {strides = array<i32>} : memref<128x96xf32, #tpu.memory_space<vmem>>, vector<16xf32>,
        %mul3A_1585 = arith.mulf %gather3A_1487, %get3A_1584 : vector<16xf32>
        %get3A_1586 = arith.index_cast %add3A_1485 : i32 to index
        %get3A_1587 = arith.constant 64 : index
        %get3A_1588 = tpu.vector_load %arg17[%get3A_1586, %get3A_1587] {strides = array<i32>} : memref<128x96xf32, #tpu.memory_space<vmem>>, vector<16xf32>,
        %mul3A_1589 = arith.mulf %gather3A_1489, %get3A_1588 : vector<16xf32>
        %add3A_1590 = arith.addf %mul3A_1585, %mul3A_1589 : vector<16xf32>
        %get3A_1591 = arith.index_cast %add3A_1485 : i32 to index
        %get3A_1592 = arith.constant 64 : index
        %get3A_1593 = tpu.vector_load %arg18[%get3A_1591, %get3A_1592] {strides = array<i32>} : memref<128x96xf32, #tpu.memory_space<vmem>>, vector<16xf32>,
        %mul3A_1594 = arith.mulf %gather3A_1491, %get3A_1593 : vector<16xf32>
        %add3A_1595 = arith.addf %add3A_1590, %mul3A_1594 : vector<16xf32>
        %get3A_1596 = arith.index_cast %add3A_1485 : i32 to index
        %get3A_1597 = arith.constant 64 : index
        %get3A_1598 = tpu.vector_load %arg19[%get3A_1596, %get3A_1597] {strides = array<i32>} : memref<128x96xf32, #tpu.memory_space<vmem>>, vector<16xf32>,
        %mul3A_1599 = arith.mulf %gather3A_1493, %get3A_1598 : vector<16xf32>
        %add3A_1600 = arith.addf %add3A_1595, %mul3A_1599 : vector<16xf32>
        %swap3A_1601 = arith.index_cast %add3A_1485 : i32 to index
        %swap3A_1602 = arith.constant 64 : index
        %swap3A_1603 = tpu.vector_load %arg20[%swap3A_1601, %swap3A_1602] {strides = array<i32>} : memref<128x96xf32, #tpu.memory_space<vmem>>, vector<16xf32>,
        tpu.vector_store %arg20[%swap3A_1601, %swap3A_1602], %add3A_1600 {strides = array<i32>} : memref<128x96xf32, #tpu.memory_space<vmem>>, vector<16xf32>,
        %get3A_1604 = arith.index_cast %add3A_1485 : i32 to index
        %get3A_1605 = arith.constant 80 : index
        %get3A_1606 = tpu.vector_load %arg16[%get3A_1604, %get3A_1605] {strides = array<i32>} : memref<128x96xf32, #tpu.memory_space<vmem>>, vector<16xf32>,
        %mul3A_1607 = arith.mulf %gather3A_1487, %get3A_1606 : vector<16xf32>
        %get3A_1608 = arith.index_cast %add3A_1485 : i32 to index
        %get3A_1609 = arith.constant 80 : index
        %get3A_1610 = tpu.vector_load %arg17[%get3A_1608, %get3A_1609] {strides = array<i32>} : memref<128x96xf32, #tpu.memory_space<vmem>>, vector<16xf32>,
        %mul3A_1611 = arith.mulf %gather3A_1489, %get3A_1610 : vector<16xf32>
        %add3A_1612 = arith.addf %mul3A_1607, %mul3A_1611 : vector<16xf32>
        %get3A_1613 = arith.index_cast %add3A_1485 : i32 to index
        %get3A_1614 = arith.constant 80 : index
        %get3A_1615 = tpu.vector_load %arg18[%get3A_1613, %get3A_1614] {strides = array<i32>} : memref<128x96xf32, #tpu.memory_space<vmem>>, vector<16xf32>,
        %mul3A_1616 = arith.mulf %gather3A_1491, %get3A_1615 : vector<16xf32>
        %add3A_1617 = arith.addf %add3A_1612, %mul3A_1616 : vector<16xf32>
        %get3A_1618 = arith.index_cast %add3A_1485 : i32 to index
        %get3A_1619 = arith.constant 80 : index
        %get3A_1620 = tpu.vector_load %arg19[%get3A_1618, %get3A_1619] {strides = array<i32>} : memref<128x96xf32, #tpu.memory_space<vmem>>, vector<16xf32>,
        %mul3A_1621 = arith.mulf %gather3A_1493, %get3A_1620 : vector<16xf32>
        %add3A_1622 = arith.addf %add3A_1617, %mul3A_1621 : vector<16xf32>
        %swap3A_1623 = arith.index_cast %add3A_1485 : i32 to index
        %swap3A_1624 = arith.constant 80 : index
        %swap3A_1625 = tpu.vector_load %arg20[%swap3A_1623, %swap3A_1624] {strides = array<i32>} : memref<128x96xf32, #tpu.memory_space<vmem>>, vector<16xf32>,
        tpu.vector_store %arg20[%swap3A_1623, %swap3A_1624], %add3A_1622 {strides = array<i32>} : memref<128x96xf32, #tpu.memory_space<vmem>>, vector<16xf32>,
        %add3A_1626 = arith.constant 11 : i32
        %add3A_1627 = arith.addi %add3A_67, %add3A_1626 : i32
        %broadcast_in_dim3A_1628 = vector.broadcast %add3A_1627 : i32 to vector<16xi32>
        %gather3A_1629 = tpu.vector_load_idx %arg12[%broadcast_in_dim3A_1628] : memref<128xf32, #tpu.memory_space<vmem>>[vector<16xi32>], vector<16xf32>,
        %broadcast_in_dim3A_1630 = vector.broadcast %add3A_1627 : i32 to vector<16xi32>
        %gather3A_1631 = tpu.vector_load_idx %arg13[%broadcast_in_dim3A_1630] : memref<128xf32, #tpu.memory_space<vmem>>[vector<16xi32>], vector<16xf32>,
        %broadcast_in_dim3A_1632 = vector.broadcast %add3A_1627 : i32 to vector<16xi32>
        %gather3A_1633 = tpu.vector_load_idx %arg14[%broadcast_in_dim3A_1632] : memref<128xf32, #tpu.memory_space<vmem>>[vector<16xi32>], vector<16xf32>,
        %broadcast_in_dim3A_1634 = vector.broadcast %add3A_1627 : i32 to vector<16xi32>
        %gather3A_1635 = tpu.vector_load_idx %arg15[%broadcast_in_dim3A_1634] : memref<128xf32, #tpu.memory_space<vmem>>[vector<16xi32>], vector<16xf32>,
        %get3A_1636 = arith.index_cast %add3A_1627 : i32 to index
        %get3A_1637 = arith.constant 0 : index
        %get3A_1638 = tpu.vector_load %arg16[%get3A_1636, %get3A_1637] {strides = array<i32>} : memref<128x96xf32, #tpu.memory_space<vmem>>, vector<16xf32>,
        %mul3A_1639 = arith.mulf %gather3A_1629, %get3A_1638 : vector<16xf32>
        %get3A_1640 = arith.index_cast %add3A_1627 : i32 to index
        %get3A_1641 = arith.constant 0 : index
        %get3A_1642 = tpu.vector_load %arg17[%get3A_1640, %get3A_1641] {strides = array<i32>} : memref<128x96xf32, #tpu.memory_space<vmem>>, vector<16xf32>,
        %mul3A_1643 = arith.mulf %gather3A_1631, %get3A_1642 : vector<16xf32>
        %add3A_1644 = arith.addf %mul3A_1639, %mul3A_1643 : vector<16xf32>
        %get3A_1645 = arith.index_cast %add3A_1627 : i32 to index
        %get3A_1646 = arith.constant 0 : index
        %get3A_1647 = tpu.vector_load %arg18[%get3A_1645, %get3A_1646] {strides = array<i32>} : memref<128x96xf32, #tpu.memory_space<vmem>>, vector<16xf32>,
        %mul3A_1648 = arith.mulf %gather3A_1633, %get3A_1647 : vector<16xf32>
        %add3A_1649 = arith.addf %add3A_1644, %mul3A_1648 : vector<16xf32>
        %get3A_1650 = arith.index_cast %add3A_1627 : i32 to index
        %get3A_1651 = arith.constant 0 : index
        %get3A_1652 = tpu.vector_load %arg19[%get3A_1650, %get3A_1651] {strides = array<i32>} : memref<128x96xf32, #tpu.memory_space<vmem>>, vector<16xf32>,
        %mul3A_1653 = arith.mulf %gather3A_1635, %get3A_1652 : vector<16xf32>
        %add3A_1654 = arith.addf %add3A_1649, %mul3A_1653 : vector<16xf32>
        %swap3A_1655 = arith.index_cast %add3A_1627 : i32 to index
        %swap3A_1656 = arith.constant 0 : index
        %swap3A_1657 = tpu.vector_load %arg20[%swap3A_1655, %swap3A_1656] {strides = array<i32>} : memref<128x96xf32, #tpu.memory_space<vmem>>, vector<16xf32>,
        tpu.vector_store %arg20[%swap3A_1655, %swap3A_1656], %add3A_1654 {strides = array<i32>} : memref<128x96xf32, #tpu.memory_space<vmem>>, vector<16xf32>,
        %get3A_1658 = arith.index_cast %add3A_1627 : i32 to index
        %get3A_1659 = arith.constant 16 : index
        %get3A_1660 = tpu.vector_load %arg16[%get3A_1658, %get3A_1659] {strides = array<i32>} : memref<128x96xf32, #tpu.memory_space<vmem>>, vector<16xf32>,
        %mul3A_1661 = arith.mulf %gather3A_1629, %get3A_1660 : vector<16xf32>
        %get3A_1662 = arith.index_cast %add3A_1627 : i32 to index
        %get3A_1663 = arith.constant 16 : index
        %get3A_1664 = tpu.vector_load %arg17[%get3A_1662, %get3A_1663] {strides = array<i32>} : memref<128x96xf32, #tpu.memory_space<vmem>>, vector<16xf32>,
        %mul3A_1665 = arith.mulf %gather3A_1631, %get3A_1664 : vector<16xf32>
        %add3A_1666 = arith.addf %mul3A_1661, %mul3A_1665 : vector<16xf32>
        %get3A_1667 = arith.index_cast %add3A_1627 : i32 to index
        %get3A_1668 = arith.constant 16 : index
        %get3A_1669 = tpu.vector_load %arg18[%get3A_1667, %get3A_1668] {strides = array<i32>} : memref<128x96xf32, #tpu.memory_space<vmem>>, vector<16xf32>,
        %mul3A_1670 = arith.mulf %gather3A_1633, %get3A_1669 : vector<16xf32>
        %add3A_1671 = arith.addf %add3A_1666, %mul3A_1670 : vector<16xf32>
        %get3A_1672 = arith.index_cast %add3A_1627 : i32 to index
        %get3A_1673 = arith.constant 16 : index
        %get3A_1674 = tpu.vector_load %arg19[%get3A_1672, %get3A_1673] {strides = array<i32>} : memref<128x96xf32, #tpu.memory_space<vmem>>, vector<16xf32>,
        %mul3A_1675 = arith.mulf %gather3A_1635, %get3A_1674 : vector<16xf32>
        %add3A_1676 = arith.addf %add3A_1671, %mul3A_1675 : vector<16xf32>
        %swap3A_1677 = arith.index_cast %add3A_1627 : i32 to index
        %swap3A_1678 = arith.constant 16 : index
        %swap3A_1679 = tpu.vector_load %arg20[%swap3A_1677, %swap3A_1678] {strides = array<i32>} : memref<128x96xf32, #tpu.memory_space<vmem>>, vector<16xf32>,
        tpu.vector_store %arg20[%swap3A_1677, %swap3A_1678], %add3A_1676 {strides = array<i32>} : memref<128x96xf32, #tpu.memory_space<vmem>>, vector<16xf32>,
        %get3A_1680 = arith.index_cast %add3A_1627 : i32 to index
        %get3A_1681 = arith.constant 32 : index
        %get3A_1682 = tpu.vector_load %arg16[%get3A_1680, %get3A_1681] {strides = array<i32>} : memref<128x96xf32, #tpu.memory_space<vmem>>, vector<16xf32>,
        %mul3A_1683 = arith.mulf %gather3A_1629, %get3A_1682 : vector<16xf32>
        %get3A_1684 = arith.index_cast %add3A_1627 : i32 to index
        %get3A_1685 = arith.constant 32 : index
        %get3A_1686 = tpu.vector_load %arg17[%get3A_1684, %get3A_1685] {strides = array<i32>} : memref<128x96xf32, #tpu.memory_space<vmem>>, vector<16xf32>,
        %mul3A_1687 = arith.mulf %gather3A_1631, %get3A_1686 : vector<16xf32>
        %add3A_1688 = arith.addf %mul3A_1683, %mul3A_1687 : vector<16xf32>
        %get3A_1689 = arith.index_cast %add3A_1627 : i32 to index
        %get3A_1690 = arith.constant 32 : index
        %get3A_1691 = tpu.vector_load %arg18[%get3A_1689, %get3A_1690] {strides = array<i32>} : memref<128x96xf32, #tpu.memory_space<vmem>>, vector<16xf32>,
        %mul3A_1692 = arith.mulf %gather3A_1633, %get3A_1691 : vector<16xf32>
        %add3A_1693 = arith.addf %add3A_1688, %mul3A_1692 : vector<16xf32>
        %get3A_1694 = arith.index_cast %add3A_1627 : i32 to index
        %get3A_1695 = arith.constant 32 : index
        %get3A_1696 = tpu.vector_load %arg19[%get3A_1694, %get3A_1695] {strides = array<i32>} : memref<128x96xf32, #tpu.memory_space<vmem>>, vector<16xf32>,
        %mul3A_1697 = arith.mulf %gather3A_1635, %get3A_1696 : vector<16xf32>
        %add3A_1698 = arith.addf %add3A_1693, %mul3A_1697 : vector<16xf32>
        %swap3A_1699 = arith.index_cast %add3A_1627 : i32 to index
        %swap3A_1700 = arith.constant 32 : index
        %swap3A_1701 = tpu.vector_load %arg20[%swap3A_1699, %swap3A_1700] {strides = array<i32>} : memref<128x96xf32, #tpu.memory_space<vmem>>, vector<16xf32>,
        tpu.vector_store %arg20[%swap3A_1699, %swap3A_1700], %add3A_1698 {strides = array<i32>} : memref<128x96xf32, #tpu.memory_space<vmem>>, vector<16xf32>,
        %get3A_1702 = arith.index_cast %add3A_1627 : i32 to index
        %get3A_1703 = arith.constant 48 : index
        %get3A_1704 = tpu.vector_load %arg16[%get3A_1702, %get3A_1703] {strides = array<i32>} : memref<128x96xf32, #tpu.memory_space<vmem>>, vector<16xf32>,
        %mul3A_1705 = arith.mulf %gather3A_1629, %get3A_1704 : vector<16xf32>
        %get3A_1706 = arith.index_cast %add3A_1627 : i32 to index
        %get3A_1707 = arith.constant 48 : index
        %get3A_1708 = tpu.vector_load %arg17[%get3A_1706, %get3A_1707] {strides = array<i32>} : memref<128x96xf32, #tpu.memory_space<vmem>>, vector<16xf32>,
        %mul3A_1709 = arith.mulf %gather3A_1631, %get3A_1708 : vector<16xf32>
        %add3A_1710 = arith.addf %mul3A_1705, %mul3A_1709 : vector<16xf32>
        %get3A_1711 = arith.index_cast %add3A_1627 : i32 to index
        %get3A_1712 = arith.constant 48 : index
        %get3A_1713 = tpu.vector_load %arg18[%get3A_1711, %get3A_1712] {strides = array<i32>} : memref<128x96xf32, #tpu.memory_space<vmem>>, vector<16xf32>,
        %mul3A_1714 = arith.mulf %gather3A_1633, %get3A_1713 : vector<16xf32>
        %add3A_1715 = arith.addf %add3A_1710, %mul3A_1714 : vector<16xf32>
        %get3A_1716 = arith.index_cast %add3A_1627 : i32 to index
        %get3A_1717 = arith.constant 48 : index
        %get3A_1718 = tpu.vector_load %arg19[%get3A_1716, %get3A_1717] {strides = array<i32>} : memref<128x96xf32, #tpu.memory_space<vmem>>, vector<16xf32>,
        %mul3A_1719 = arith.mulf %gather3A_1635, %get3A_1718 : vector<16xf32>
        %add3A_1720 = arith.addf %add3A_1715, %mul3A_1719 : vector<16xf32>
        %swap3A_1721 = arith.index_cast %add3A_1627 : i32 to index
        %swap3A_1722 = arith.constant 48 : index
        %swap3A_1723 = tpu.vector_load %arg20[%swap3A_1721, %swap3A_1722] {strides = array<i32>} : memref<128x96xf32, #tpu.memory_space<vmem>>, vector<16xf32>,
        tpu.vector_store %arg20[%swap3A_1721, %swap3A_1722], %add3A_1720 {strides = array<i32>} : memref<128x96xf32, #tpu.memory_space<vmem>>, vector<16xf32>,
        %get3A_1724 = arith.index_cast %add3A_1627 : i32 to index
        %get3A_1725 = arith.constant 64 : index
        %get3A_1726 = tpu.vector_load %arg16[%get3A_1724, %get3A_1725] {strides = array<i32>} : memref<128x96xf32, #tpu.memory_space<vmem>>, vector<16xf32>,
        %mul3A_1727 = arith.mulf %gather3A_1629, %get3A_1726 : vector<16xf32>
        %get3A_1728 = arith.index_cast %add3A_1627 : i32 to index
        %get3A_1729 = arith.constant 64 : index
        %get3A_1730 = tpu.vector_load %arg17[%get3A_1728, %get3A_1729] {strides = array<i32>} : memref<128x96xf32, #tpu.memory_space<vmem>>, vector<16xf32>,
        %mul3A_1731 = arith.mulf %gather3A_1631, %get3A_1730 : vector<16xf32>
        %add3A_1732 = arith.addf %mul3A_1727, %mul3A_1731 : vector<16xf32>
        %get3A_1733 = arith.index_cast %add3A_1627 : i32 to index
        %get3A_1734 = arith.constant 64 : index
        %get3A_1735 = tpu.vector_load %arg18[%get3A_1733, %get3A_1734] {strides = array<i32>} : memref<128x96xf32, #tpu.memory_space<vmem>>, vector<16xf32>,
        %mul3A_1736 = arith.mulf %gather3A_1633, %get3A_1735 : vector<16xf32>
        %add3A_1737 = arith.addf %add3A_1732, %mul3A_1736 : vector<16xf32>
        %get3A_1738 = arith.index_cast %add3A_1627 : i32 to index
        %get3A_1739 = arith.constant 64 : index
        %get3A_1740 = tpu.vector_load %arg19[%get3A_1738, %get3A_1739] {strides = array<i32>} : memref<128x96xf32, #tpu.memory_space<vmem>>, vector<16xf32>,
        %mul3A_1741 = arith.mulf %gather3A_1635, %get3A_1740 : vector<16xf32>
        %add3A_1742 = arith.addf %add3A_1737, %mul3A_1741 : vector<16xf32>
        %swap3A_1743 = arith.index_cast %add3A_1627 : i32 to index
        %swap3A_1744 = arith.constant 64 : index
        %swap3A_1745 = tpu.vector_load %arg20[%swap3A_1743, %swap3A_1744] {strides = array<i32>} : memref<128x96xf32, #tpu.memory_space<vmem>>, vector<16xf32>,
        tpu.vector_store %arg20[%swap3A_1743, %swap3A_1744], %add3A_1742 {strides = array<i32>} : memref<128x96xf32, #tpu.memory_space<vmem>>, vector<16xf32>,
        %get3A_1746 = arith.index_cast %add3A_1627 : i32 to index
        %get3A_1747 = arith.constant 80 : index
        %get3A_1748 = tpu.vector_load %arg16[%get3A_1746, %get3A_1747] {strides = array<i32>} : memref<128x96xf32, #tpu.memory_space<vmem>>, vector<16xf32>,
        %mul3A_1749 = arith.mulf %gather3A_1629, %get3A_1748 : vector<16xf32>
        %get3A_1750 = arith.index_cast %add3A_1627 : i32 to index
        %get3A_1751 = arith.constant 80 : index
        %get3A_1752 = tpu.vector_load %arg17[%get3A_1750, %get3A_1751] {strides = array<i32>} : memref<128x96xf32, #tpu.memory_space<vmem>>, vector<16xf32>,
        %mul3A_1753 = arith.mulf %gather3A_1631, %get3A_1752 : vector<16xf32>
        %add3A_1754 = arith.addf %mul3A_1749, %mul3A_1753 : vector<16xf32>
        %get3A_1755 = arith.index_cast %add3A_1627 : i32 to index
        %get3A_1756 = arith.constant 80 : index
        %get3A_1757 = tpu.vector_load %arg18[%get3A_1755, %get3A_1756] {strides = array<i32>} : memref<128x96xf32, #tpu.memory_space<vmem>>, vector<16xf32>,
        %mul3A_1758 = arith.mulf %gather3A_1633, %get3A_1757 : vector<16xf32>
        %add3A_1759 = arith.addf %add3A_1754, %mul3A_1758 : vector<16xf32>
        %get3A_1760 = arith.index_cast %add3A_1627 : i32 to index
        %get3A_1761 = arith.constant 80 : index
        %get3A_1762 = tpu.vector_load %arg19[%get3A_1760, %get3A_1761] {strides = array<i32>} : memref<128x96xf32, #tpu.memory_space<vmem>>, vector<16xf32>,
        %mul3A_1763 = arith.mulf %gather3A_1635, %get3A_1762 : vector<16xf32>
        %add3A_1764 = arith.addf %add3A_1759, %mul3A_1763 : vector<16xf32>
        %swap3A_1765 = arith.index_cast %add3A_1627 : i32 to index
        %swap3A_1766 = arith.constant 80 : index
        %swap3A_1767 = tpu.vector_load %arg20[%swap3A_1765, %swap3A_1766] {strides = array<i32>} : memref<128x96xf32, #tpu.memory_space<vmem>>, vector<16xf32>,
        tpu.vector_store %arg20[%swap3A_1765, %swap3A_1766], %add3A_1764 {strides = array<i32>} : memref<128x96xf32, #tpu.memory_space<vmem>>, vector<16xf32>,
        %add3A_1768 = arith.constant 12 : i32
        %add3A_1769 = arith.addi %add3A_67, %add3A_1768 : i32
        %broadcast_in_dim3A_1770 = vector.broadcast %add3A_1769 : i32 to vector<16xi32>
        %gather3A_1771 = tpu.vector_load_idx %arg12[%broadcast_in_dim3A_1770] : memref<128xf32, #tpu.memory_space<vmem>>[vector<16xi32>], vector<16xf32>,
        %broadcast_in_dim3A_1772 = vector.broadcast %add3A_1769 : i32 to vector<16xi32>
        %gather3A_1773 = tpu.vector_load_idx %arg13[%broadcast_in_dim3A_1772] : memref<128xf32, #tpu.memory_space<vmem>>[vector<16xi32>], vector<16xf32>,
        %broadcast_in_dim3A_1774 = vector.broadcast %add3A_1769 : i32 to vector<16xi32>
        %gather3A_1775 = tpu.vector_load_idx %arg14[%broadcast_in_dim3A_1774] : memref<128xf32, #tpu.memory_space<vmem>>[vector<16xi32>], vector<16xf32>,
        %broadcast_in_dim3A_1776 = vector.broadcast %add3A_1769 : i32 to vector<16xi32>
        %gather3A_1777 = tpu.vector_load_idx %arg15[%broadcast_in_dim3A_1776] : memref<128xf32, #tpu.memory_space<vmem>>[vector<16xi32>], vector<16xf32>,
        %get3A_1778 = arith.index_cast %add3A_1769 : i32 to index
        %get3A_1779 = arith.constant 0 : index
        %get3A_1780 = tpu.vector_load %arg16[%get3A_1778, %get3A_1779] {strides = array<i32>} : memref<128x96xf32, #tpu.memory_space<vmem>>, vector<16xf32>,
        %mul3A_1781 = arith.mulf %gather3A_1771, %get3A_1780 : vector<16xf32>
        %get3A_1782 = arith.index_cast %add3A_1769 : i32 to index
        %get3A_1783 = arith.constant 0 : index
        %get3A_1784 = tpu.vector_load %arg17[%get3A_1782, %get3A_1783] {strides = array<i32>} : memref<128x96xf32, #tpu.memory_space<vmem>>, vector<16xf32>,
        %mul3A_1785 = arith.mulf %gather3A_1773, %get3A_1784 : vector<16xf32>
        %add3A_1786 = arith.addf %mul3A_1781, %mul3A_1785 : vector<16xf32>
        %get3A_1787 = arith.index_cast %add3A_1769 : i32 to index
        %get3A_1788 = arith.constant 0 : index
        %get3A_1789 = tpu.vector_load %arg18[%get3A_1787, %get3A_1788] {strides = array<i32>} : memref<128x96xf32, #tpu.memory_space<vmem>>, vector<16xf32>,
        %mul3A_1790 = arith.mulf %gather3A_1775, %get3A_1789 : vector<16xf32>
        %add3A_1791 = arith.addf %add3A_1786, %mul3A_1790 : vector<16xf32>
        %get3A_1792 = arith.index_cast %add3A_1769 : i32 to index
        %get3A_1793 = arith.constant 0 : index
        %get3A_1794 = tpu.vector_load %arg19[%get3A_1792, %get3A_1793] {strides = array<i32>} : memref<128x96xf32, #tpu.memory_space<vmem>>, vector<16xf32>,
        %mul3A_1795 = arith.mulf %gather3A_1777, %get3A_1794 : vector<16xf32>
        %add3A_1796 = arith.addf %add3A_1791, %mul3A_1795 : vector<16xf32>
        %swap3A_1797 = arith.index_cast %add3A_1769 : i32 to index
        %swap3A_1798 = arith.constant 0 : index
        %swap3A_1799 = tpu.vector_load %arg20[%swap3A_1797, %swap3A_1798] {strides = array<i32>} : memref<128x96xf32, #tpu.memory_space<vmem>>, vector<16xf32>,
        tpu.vector_store %arg20[%swap3A_1797, %swap3A_1798], %add3A_1796 {strides = array<i32>} : memref<128x96xf32, #tpu.memory_space<vmem>>, vector<16xf32>,
        %get3A_1800 = arith.index_cast %add3A_1769 : i32 to index
        %get3A_1801 = arith.constant 16 : index
        %get3A_1802 = tpu.vector_load %arg16[%get3A_1800, %get3A_1801] {strides = array<i32>} : memref<128x96xf32, #tpu.memory_space<vmem>>, vector<16xf32>,
        %mul3A_1803 = arith.mulf %gather3A_1771, %get3A_1802 : vector<16xf32>
        %get3A_1804 = arith.index_cast %add3A_1769 : i32 to index
        %get3A_1805 = arith.constant 16 : index
        %get3A_1806 = tpu.vector_load %arg17[%get3A_1804, %get3A_1805] {strides = array<i32>} : memref<128x96xf32, #tpu.memory_space<vmem>>, vector<16xf32>,
        %mul3A_1807 = arith.mulf %gather3A_1773, %get3A_1806 : vector<16xf32>
        %add3A_1808 = arith.addf %mul3A_1803, %mul3A_1807 : vector<16xf32>
        %get3A_1809 = arith.index_cast %add3A_1769 : i32 to index
        %get3A_1810 = arith.constant 16 : index
        %get3A_1811 = tpu.vector_load %arg18[%get3A_1809, %get3A_1810] {strides = array<i32>} : memref<128x96xf32, #tpu.memory_space<vmem>>, vector<16xf32>,
        %mul3A_1812 = arith.mulf %gather3A_1775, %get3A_1811 : vector<16xf32>
        %add3A_1813 = arith.addf %add3A_1808, %mul3A_1812 : vector<16xf32>
        %get3A_1814 = arith.index_cast %add3A_1769 : i32 to index
        %get3A_1815 = arith.constant 16 : index
        %get3A_1816 = tpu.vector_load %arg19[%get3A_1814, %get3A_1815] {strides = array<i32>} : memref<128x96xf32, #tpu.memory_space<vmem>>, vector<16xf32>,
        %mul3A_1817 = arith.mulf %gather3A_1777, %get3A_1816 : vector<16xf32>
        %add3A_1818 = arith.addf %add3A_1813, %mul3A_1817 : vector<16xf32>
        %swap3A_1819 = arith.index_cast %add3A_1769 : i32 to index
        %swap3A_1820 = arith.constant 16 : index
        %swap3A_1821 = tpu.vector_load %arg20[%swap3A_1819, %swap3A_1820] {strides = array<i32>} : memref<128x96xf32, #tpu.memory_space<vmem>>, vector<16xf32>,
        tpu.vector_store %arg20[%swap3A_1819, %swap3A_1820], %add3A_1818 {strides = array<i32>} : memref<128x96xf32, #tpu.memory_space<vmem>>, vector<16xf32>,
        %get3A_1822 = arith.index_cast %add3A_1769 : i32 to index
        %get3A_1823 = arith.constant 32 : index
        %get3A_1824 = tpu.vector_load %arg16[%get3A_1822, %get3A_1823] {strides = array<i32>} : memref<128x96xf32, #tpu.memory_space<vmem>>, vector<16xf32>,
        %mul3A_1825 = arith.mulf %gather3A_1771, %get3A_1824 : vector<16xf32>
        %get3A_1826 = arith.index_cast %add3A_1769 : i32 to index
        %get3A_1827 = arith.constant 32 : index
        %get3A_1828 = tpu.vector_load %arg17[%get3A_1826, %get3A_1827] {strides = array<i32>} : memref<128x96xf32, #tpu.memory_space<vmem>>, vector<16xf32>,
        %mul3A_1829 = arith.mulf %gather3A_1773, %get3A_1828 : vector<16xf32>
        %add3A_1830 = arith.addf %mul3A_1825, %mul3A_1829 : vector<16xf32>
        %get3A_1831 = arith.index_cast %add3A_1769 : i32 to index
        %get3A_1832 = arith.constant 32 : index
        %get3A_1833 = tpu.vector_load %arg18[%get3A_1831, %get3A_1832] {strides = array<i32>} : memref<128x96xf32, #tpu.memory_space<vmem>>, vector<16xf32>,
        %mul3A_1834 = arith.mulf %gather3A_1775, %get3A_1833 : vector<16xf32>
        %add3A_1835 = arith.addf %add3A_1830, %mul3A_1834 : vector<16xf32>
        %get3A_1836 = arith.index_cast %add3A_1769 : i32 to index
        %get3A_1837 = arith.constant 32 : index
        %get3A_1838 = tpu.vector_load %arg19[%get3A_1836, %get3A_1837] {strides = array<i32>} : memref<128x96xf32, #tpu.memory_space<vmem>>, vector<16xf32>,
        %mul3A_1839 = arith.mulf %gather3A_1777, %get3A_1838 : vector<16xf32>
        %add3A_1840 = arith.addf %add3A_1835, %mul3A_1839 : vector<16xf32>
        %swap3A_1841 = arith.index_cast %add3A_1769 : i32 to index
        %swap3A_1842 = arith.constant 32 : index
        %swap3A_1843 = tpu.vector_load %arg20[%swap3A_1841, %swap3A_1842] {strides = array<i32>} : memref<128x96xf32, #tpu.memory_space<vmem>>, vector<16xf32>,
        tpu.vector_store %arg20[%swap3A_1841, %swap3A_1842], %add3A_1840 {strides = array<i32>} : memref<128x96xf32, #tpu.memory_space<vmem>>, vector<16xf32>,
        %get3A_1844 = arith.index_cast %add3A_1769 : i32 to index
        %get3A_1845 = arith.constant 48 : index
        %get3A_1846 = tpu.vector_load %arg16[%get3A_1844, %get3A_1845] {strides = array<i32>} : memref<128x96xf32, #tpu.memory_space<vmem>>, vector<16xf32>,
        %mul3A_1847 = arith.mulf %gather3A_1771, %get3A_1846 : vector<16xf32>
        %get3A_1848 = arith.index_cast %add3A_1769 : i32 to index
        %get3A_1849 = arith.constant 48 : index
        %get3A_1850 = tpu.vector_load %arg17[%get3A_1848, %get3A_1849] {strides = array<i32>} : memref<128x96xf32, #tpu.memory_space<vmem>>, vector<16xf32>,
        %mul3A_1851 = arith.mulf %gather3A_1773, %get3A_1850 : vector<16xf32>
        %add3A_1852 = arith.addf %mul3A_1847, %mul3A_1851 : vector<16xf32>
        %get3A_1853 = arith.index_cast %add3A_1769 : i32 to index
        %get3A_1854 = arith.constant 48 : index
        %get3A_1855 = tpu.vector_load %arg18[%get3A_1853, %get3A_1854] {strides = array<i32>} : memref<128x96xf32, #tpu.memory_space<vmem>>, vector<16xf32>,
        %mul3A_1856 = arith.mulf %gather3A_1775, %get3A_1855 : vector<16xf32>
        %add3A_1857 = arith.addf %add3A_1852, %mul3A_1856 : vector<16xf32>
        %get3A_1858 = arith.index_cast %add3A_1769 : i32 to index
        %get3A_1859 = arith.constant 48 : index
        %get3A_1860 = tpu.vector_load %arg19[%get3A_1858, %get3A_1859] {strides = array<i32>} : memref<128x96xf32, #tpu.memory_space<vmem>>, vector<16xf32>,
        %mul3A_1861 = arith.mulf %gather3A_1777, %get3A_1860 : vector<16xf32>
        %add3A_1862 = arith.addf %add3A_1857, %mul3A_1861 : vector<16xf32>
        %swap3A_1863 = arith.index_cast %add3A_1769 : i32 to index
        %swap3A_1864 = arith.constant 48 : index
        %swap3A_1865 = tpu.vector_load %arg20[%swap3A_1863, %swap3A_1864] {strides = array<i32>} : memref<128x96xf32, #tpu.memory_space<vmem>>, vector<16xf32>,
        tpu.vector_store %arg20[%swap3A_1863, %swap3A_1864], %add3A_1862 {strides = array<i32>} : memref<128x96xf32, #tpu.memory_space<vmem>>, vector<16xf32>,
        %get3A_1866 = arith.index_cast %add3A_1769 : i32 to index
        %get3A_1867 = arith.constant 64 : index
        %get3A_1868 = tpu.vector_load %arg16[%get3A_1866, %get3A_1867] {strides = array<i32>} : memref<128x96xf32, #tpu.memory_space<vmem>>, vector<16xf32>,
        %mul3A_1869 = arith.mulf %gather3A_1771, %get3A_1868 : vector<16xf32>
        %get3A_1870 = arith.index_cast %add3A_1769 : i32 to index
        %get3A_1871 = arith.constant 64 : index
        %get3A_1872 = tpu.vector_load %arg17[%get3A_1870, %get3A_1871] {strides = array<i32>} : memref<128x96xf32, #tpu.memory_space<vmem>>, vector<16xf32>,
        %mul3A_1873 = arith.mulf %gather3A_1773, %get3A_1872 : vector<16xf32>
        %add3A_1874 = arith.addf %mul3A_1869, %mul3A_1873 : vector<16xf32>
        %get3A_1875 = arith.index_cast %add3A_1769 : i32 to index
        %get3A_1876 = arith.constant 64 : index
        %get3A_1877 = tpu.vector_load %arg18[%get3A_1875, %get3A_1876] {strides = array<i32>} : memref<128x96xf32, #tpu.memory_space<vmem>>, vector<16xf32>,
        %mul3A_1878 = arith.mulf %gather3A_1775, %get3A_1877 : vector<16xf32>
        %add3A_1879 = arith.addf %add3A_1874, %mul3A_1878 : vector<16xf32>
        %get3A_1880 = arith.index_cast %add3A_1769 : i32 to index
        %get3A_1881 = arith.constant 64 : index
        %get3A_1882 = tpu.vector_load %arg19[%get3A_1880, %get3A_1881] {strides = array<i32>} : memref<128x96xf32, #tpu.memory_space<vmem>>, vector<16xf32>,
        %mul3A_1883 = arith.mulf %gather3A_1777, %get3A_1882 : vector<16xf32>
        %add3A_1884 = arith.addf %add3A_1879, %mul3A_1883 : vector<16xf32>
        %swap3A_1885 = arith.index_cast %add3A_1769 : i32 to index
        %swap3A_1886 = arith.constant 64 : index
        %swap3A_1887 = tpu.vector_load %arg20[%swap3A_1885, %swap3A_1886] {strides = array<i32>} : memref<128x96xf32, #tpu.memory_space<vmem>>, vector<16xf32>,
        tpu.vector_store %arg20[%swap3A_1885, %swap3A_1886], %add3A_1884 {strides = array<i32>} : memref<128x96xf32, #tpu.memory_space<vmem>>, vector<16xf32>,
        %get3A_1888 = arith.index_cast %add3A_1769 : i32 to index
        %get3A_1889 = arith.constant 80 : index
        %get3A_1890 = tpu.vector_load %arg16[%get3A_1888, %get3A_1889] {strides = array<i32>} : memref<128x96xf32, #tpu.memory_space<vmem>>, vector<16xf32>,
        %mul3A_1891 = arith.mulf %gather3A_1771, %get3A_1890 : vector<16xf32>
        %get3A_1892 = arith.index_cast %add3A_1769 : i32 to index
        %get3A_1893 = arith.constant 80 : index
        %get3A_1894 = tpu.vector_load %arg17[%get3A_1892, %get3A_1893] {strides = array<i32>} : memref<128x96xf32, #tpu.memory_space<vmem>>, vector<16xf32>,
        %mul3A_1895 = arith.mulf %gather3A_1773, %get3A_1894 : vector<16xf32>
        %add3A_1896 = arith.addf %mul3A_1891, %mul3A_1895 : vector<16xf32>
        %get3A_1897 = arith.index_cast %add3A_1769 : i32 to index
        %get3A_1898 = arith.constant 80 : index
        %get3A_1899 = tpu.vector_load %arg18[%get3A_1897, %get3A_1898] {strides = array<i32>} : memref<128x96xf32, #tpu.memory_space<vmem>>, vector<16xf32>,
        %mul3A_1900 = arith.mulf %gather3A_1775, %get3A_1899 : vector<16xf32>
        %add3A_1901 = arith.addf %add3A_1896, %mul3A_1900 : vector<16xf32>
        %get3A_1902 = arith.index_cast %add3A_1769 : i32 to index
        %get3A_1903 = arith.constant 80 : index
        %get3A_1904 = tpu.vector_load %arg19[%get3A_1902, %get3A_1903] {strides = array<i32>} : memref<128x96xf32, #tpu.memory_space<vmem>>, vector<16xf32>,
        %mul3A_1905 = arith.mulf %gather3A_1777, %get3A_1904 : vector<16xf32>
        %add3A_1906 = arith.addf %add3A_1901, %mul3A_1905 : vector<16xf32>
        %swap3A_1907 = arith.index_cast %add3A_1769 : i32 to index
        %swap3A_1908 = arith.constant 80 : index
        %swap3A_1909 = tpu.vector_load %arg20[%swap3A_1907, %swap3A_1908] {strides = array<i32>} : memref<128x96xf32, #tpu.memory_space<vmem>>, vector<16xf32>,
        tpu.vector_store %arg20[%swap3A_1907, %swap3A_1908], %add3A_1906 {strides = array<i32>} : memref<128x96xf32, #tpu.memory_space<vmem>>, vector<16xf32>,
        %add3A_1910 = arith.constant 13 : i32
        %add3A_1911 = arith.addi %add3A_67, %add3A_1910 : i32
        %broadcast_in_dim3A_1912 = vector.broadcast %add3A_1911 : i32 to vector<16xi32>
        %gather3A_1913 = tpu.vector_load_idx %arg12[%broadcast_in_dim3A_1912] : memref<128xf32, #tpu.memory_space<vmem>>[vector<16xi32>], vector<16xf32>,
        %broadcast_in_dim3A_1914 = vector.broadcast %add3A_1911 : i32 to vector<16xi32>
        %gather3A_1915 = tpu.vector_load_idx %arg13[%broadcast_in_dim3A_1914] : memref<128xf32, #tpu.memory_space<vmem>>[vector<16xi32>], vector<16xf32>,
        %broadcast_in_dim3A_1916 = vector.broadcast %add3A_1911 : i32 to vector<16xi32>
        %gather3A_1917 = tpu.vector_load_idx %arg14[%broadcast_in_dim3A_1916] : memref<128xf32, #tpu.memory_space<vmem>>[vector<16xi32>], vector<16xf32>,
        %broadcast_in_dim3A_1918 = vector.broadcast %add3A_1911 : i32 to vector<16xi32>
        %gather3A_1919 = tpu.vector_load_idx %arg15[%broadcast_in_dim3A_1918] : memref<128xf32, #tpu.memory_space<vmem>>[vector<16xi32>], vector<16xf32>,
        %get3A_1920 = arith.index_cast %add3A_1911 : i32 to index
        %get3A_1921 = arith.constant 0 : index
        %get3A_1922 = tpu.vector_load %arg16[%get3A_1920, %get3A_1921] {strides = array<i32>} : memref<128x96xf32, #tpu.memory_space<vmem>>, vector<16xf32>,
        %mul3A_1923 = arith.mulf %gather3A_1913, %get3A_1922 : vector<16xf32>
        %get3A_1924 = arith.index_cast %add3A_1911 : i32 to index
        %get3A_1925 = arith.constant 0 : index
        %get3A_1926 = tpu.vector_load %arg17[%get3A_1924, %get3A_1925] {strides = array<i32>} : memref<128x96xf32, #tpu.memory_space<vmem>>, vector<16xf32>,
        %mul3A_1927 = arith.mulf %gather3A_1915, %get3A_1926 : vector<16xf32>
        %add3A_1928 = arith.addf %mul3A_1923, %mul3A_1927 : vector<16xf32>
        %get3A_1929 = arith.index_cast %add3A_1911 : i32 to index
        %get3A_1930 = arith.constant 0 : index
        %get3A_1931 = tpu.vector_load %arg18[%get3A_1929, %get3A_1930] {strides = array<i32>} : memref<128x96xf32, #tpu.memory_space<vmem>>, vector<16xf32>,
        %mul3A_1932 = arith.mulf %gather3A_1917, %get3A_1931 : vector<16xf32>
        %add3A_1933 = arith.addf %add3A_1928, %mul3A_1932 : vector<16xf32>
        %get3A_1934 = arith.index_cast %add3A_1911 : i32 to index
        %get3A_1935 = arith.constant 0 : index
        %get3A_1936 = tpu.vector_load %arg19[%get3A_1934, %get3A_1935] {strides = array<i32>} : memref<128x96xf32, #tpu.memory_space<vmem>>, vector<16xf32>,
        %mul3A_1937 = arith.mulf %gather3A_1919, %get3A_1936 : vector<16xf32>
        %add3A_1938 = arith.addf %add3A_1933, %mul3A_1937 : vector<16xf32>
        %swap3A_1939 = arith.index_cast %add3A_1911 : i32 to index
        %swap3A_1940 = arith.constant 0 : index
        %swap3A_1941 = tpu.vector_load %arg20[%swap3A_1939, %swap3A_1940] {strides = array<i32>} : memref<128x96xf32, #tpu.memory_space<vmem>>, vector<16xf32>,
        tpu.vector_store %arg20[%swap3A_1939, %swap3A_1940], %add3A_1938 {strides = array<i32>} : memref<128x96xf32, #tpu.memory_space<vmem>>, vector<16xf32>,
        %get3A_1942 = arith.index_cast %add3A_1911 : i32 to index
        %get3A_1943 = arith.constant 16 : index
        %get3A_1944 = tpu.vector_load %arg16[%get3A_1942, %get3A_1943] {strides = array<i32>} : memref<128x96xf32, #tpu.memory_space<vmem>>, vector<16xf32>,
        %mul3A_1945 = arith.mulf %gather3A_1913, %get3A_1944 : vector<16xf32>
        %get3A_1946 = arith.index_cast %add3A_1911 : i32 to index
        %get3A_1947 = arith.constant 16 : index
        %get3A_1948 = tpu.vector_load %arg17[%get3A_1946, %get3A_1947] {strides = array<i32>} : memref<128x96xf32, #tpu.memory_space<vmem>>, vector<16xf32>,
        %mul3A_1949 = arith.mulf %gather3A_1915, %get3A_1948 : vector<16xf32>
        %add3A_1950 = arith.addf %mul3A_1945, %mul3A_1949 : vector<16xf32>
        %get3A_1951 = arith.index_cast %add3A_1911 : i32 to index
        %get3A_1952 = arith.constant 16 : index
        %get3A_1953 = tpu.vector_load %arg18[%get3A_1951, %get3A_1952] {strides = array<i32>} : memref<128x96xf32, #tpu.memory_space<vmem>>, vector<16xf32>,
        %mul3A_1954 = arith.mulf %gather3A_1917, %get3A_1953 : vector<16xf32>
        %add3A_1955 = arith.addf %add3A_1950, %mul3A_1954 : vector<16xf32>
        %get3A_1956 = arith.index_cast %add3A_1911 : i32 to index
        %get3A_1957 = arith.constant 16 : index
        %get3A_1958 = tpu.vector_load %arg19[%get3A_1956, %get3A_1957] {strides = array<i32>} : memref<128x96xf32, #tpu.memory_space<vmem>>, vector<16xf32>,
        %mul3A_1959 = arith.mulf %gather3A_1919, %get3A_1958 : vector<16xf32>
        %add3A_1960 = arith.addf %add3A_1955, %mul3A_1959 : vector<16xf32>
        %swap3A_1961 = arith.index_cast %add3A_1911 : i32 to index
        %swap3A_1962 = arith.constant 16 : index
        %swap3A_1963 = tpu.vector_load %arg20[%swap3A_1961, %swap3A_1962] {strides = array<i32>} : memref<128x96xf32, #tpu.memory_space<vmem>>, vector<16xf32>,
        tpu.vector_store %arg20[%swap3A_1961, %swap3A_1962], %add3A_1960 {strides = array<i32>} : memref<128x96xf32, #tpu.memory_space<vmem>>, vector<16xf32>,
        %get3A_1964 = arith.index_cast %add3A_1911 : i32 to index
        %get3A_1965 = arith.constant 32 : index
        %get3A_1966 = tpu.vector_load %arg16[%get3A_1964, %get3A_1965] {strides = array<i32>} : memref<128x96xf32, #tpu.memory_space<vmem>>, vector<16xf32>,
        %mul3A_1967 = arith.mulf %gather3A_1913, %get3A_1966 : vector<16xf32>
        %get3A_1968 = arith.index_cast %add3A_1911 : i32 to index
        %get3A_1969 = arith.constant 32 : index
        %get3A_1970 = tpu.vector_load %arg17[%get3A_1968, %get3A_1969] {strides = array<i32>} : memref<128x96xf32, #tpu.memory_space<vmem>>, vector<16xf32>,
        %mul3A_1971 = arith.mulf %gather3A_1915, %get3A_1970 : vector<16xf32>
        %add3A_1972 = arith.addf %mul3A_1967, %mul3A_1971 : vector<16xf32>
        %get3A_1973 = arith.index_cast %add3A_1911 : i32 to index
        %get3A_1974 = arith.constant 32 : index
        %get3A_1975 = tpu.vector_load %arg18[%get3A_1973, %get3A_1974] {strides = array<i32>} : memref<128x96xf32, #tpu.memory_space<vmem>>, vector<16xf32>,
        %mul3A_1976 = arith.mulf %gather3A_1917, %get3A_1975 : vector<16xf32>
        %add3A_1977 = arith.addf %add3A_1972, %mul3A_1976 : vector<16xf32>
        %get3A_1978 = arith.index_cast %add3A_1911 : i32 to index
        %get3A_1979 = arith.constant 32 : index
        %get3A_1980 = tpu.vector_load %arg19[%get3A_1978, %get3A_1979] {strides = array<i32>} : memref<128x96xf32, #tpu.memory_space<vmem>>, vector<16xf32>,
        %mul3A_1981 = arith.mulf %gather3A_1919, %get3A_1980 : vector<16xf32>
        %add3A_1982 = arith.addf %add3A_1977, %mul3A_1981 : vector<16xf32>
        %swap3A_1983 = arith.index_cast %add3A_1911 : i32 to index
        %swap3A_1984 = arith.constant 32 : index
        %swap3A_1985 = tpu.vector_load %arg20[%swap3A_1983, %swap3A_1984] {strides = array<i32>} : memref<128x96xf32, #tpu.memory_space<vmem>>, vector<16xf32>,
        tpu.vector_store %arg20[%swap3A_1983, %swap3A_1984], %add3A_1982 {strides = array<i32>} : memref<128x96xf32, #tpu.memory_space<vmem>>, vector<16xf32>,
        %get3A_1986 = arith.index_cast %add3A_1911 : i32 to index
        %get3A_1987 = arith.constant 48 : index
        %get3A_1988 = tpu.vector_load %arg16[%get3A_1986, %get3A_1987] {strides = array<i32>} : memref<128x96xf32, #tpu.memory_space<vmem>>, vector<16xf32>,
        %mul3A_1989 = arith.mulf %gather3A_1913, %get3A_1988 : vector<16xf32>
        %get3A_1990 = arith.index_cast %add3A_1911 : i32 to index
        %get3A_1991 = arith.constant 48 : index
        %get3A_1992 = tpu.vector_load %arg17[%get3A_1990, %get3A_1991] {strides = array<i32>} : memref<128x96xf32, #tpu.memory_space<vmem>>, vector<16xf32>,
        %mul3A_1993 = arith.mulf %gather3A_1915, %get3A_1992 : vector<16xf32>
        %add3A_1994 = arith.addf %mul3A_1989, %mul3A_1993 : vector<16xf32>
        %get3A_1995 = arith.index_cast %add3A_1911 : i32 to index
        %get3A_1996 = arith.constant 48 : index
        %get3A_1997 = tpu.vector_load %arg18[%get3A_1995, %get3A_1996] {strides = array<i32>} : memref<128x96xf32, #tpu.memory_space<vmem>>, vector<16xf32>,
        %mul3A_1998 = arith.mulf %gather3A_1917, %get3A_1997 : vector<16xf32>
        %add3A_1999 = arith.addf %add3A_1994, %mul3A_1998 : vector<16xf32>
        %get3A_2000 = arith.index_cast %add3A_1911 : i32 to index
        %get3A_2001 = arith.constant 48 : index
        %get3A_2002 = tpu.vector_load %arg19[%get3A_2000, %get3A_2001] {strides = array<i32>} : memref<128x96xf32, #tpu.memory_space<vmem>>, vector<16xf32>,
        %mul3A_2003 = arith.mulf %gather3A_1919, %get3A_2002 : vector<16xf32>
        %add3A_2004 = arith.addf %add3A_1999, %mul3A_2003 : vector<16xf32>
        %swap3A_2005 = arith.index_cast %add3A_1911 : i32 to index
        %swap3A_2006 = arith.constant 48 : index
        %swap3A_2007 = tpu.vector_load %arg20[%swap3A_2005, %swap3A_2006] {strides = array<i32>} : memref<128x96xf32, #tpu.memory_space<vmem>>, vector<16xf32>,
        tpu.vector_store %arg20[%swap3A_2005, %swap3A_2006], %add3A_2004 {strides = array<i32>} : memref<128x96xf32, #tpu.memory_space<vmem>>, vector<16xf32>,
        %get3A_2008 = arith.index_cast %add3A_1911 : i32 to index
        %get3A_2009 = arith.constant 64 : index
        %get3A_2010 = tpu.vector_load %arg16[%get3A_2008, %get3A_2009] {strides = array<i32>} : memref<128x96xf32, #tpu.memory_space<vmem>>, vector<16xf32>,
        %mul3A_2011 = arith.mulf %gather3A_1913, %get3A_2010 : vector<16xf32>
        %get3A_2012 = arith.index_cast %add3A_1911 : i32 to index
        %get3A_2013 = arith.constant 64 : index
        %get3A_2014 = tpu.vector_load %arg17[%get3A_2012, %get3A_2013] {strides = array<i32>} : memref<128x96xf32, #tpu.memory_space<vmem>>, vector<16xf32>,
        %mul3A_2015 = arith.mulf %gather3A_1915, %get3A_2014 : vector<16xf32>
        %add3A_2016 = arith.addf %mul3A_2011, %mul3A_2015 : vector<16xf32>
        %get3A_2017 = arith.index_cast %add3A_1911 : i32 to index
        %get3A_2018 = arith.constant 64 : index
        %get3A_2019 = tpu.vector_load %arg18[%get3A_2017, %get3A_2018] {strides = array<i32>} : memref<128x96xf32, #tpu.memory_space<vmem>>, vector<16xf32>,
        %mul3A_2020 = arith.mulf %gather3A_1917, %get3A_2019 : vector<16xf32>
        %add3A_2021 = arith.addf %add3A_2016, %mul3A_2020 : vector<16xf32>
        %get3A_2022 = arith.index_cast %add3A_1911 : i32 to index
        %get3A_2023 = arith.constant 64 : index
        %get3A_2024 = tpu.vector_load %arg19[%get3A_2022, %get3A_2023] {strides = array<i32>} : memref<128x96xf32, #tpu.memory_space<vmem>>, vector<16xf32>,
        %mul3A_2025 = arith.mulf %gather3A_1919, %get3A_2024 : vector<16xf32>
        %add3A_2026 = arith.addf %add3A_2021, %mul3A_2025 : vector<16xf32>
        %swap3A_2027 = arith.index_cast %add3A_1911 : i32 to index
        %swap3A_2028 = arith.constant 64 : index
        %swap3A_2029 = tpu.vector_load %arg20[%swap3A_2027, %swap3A_2028] {strides = array<i32>} : memref<128x96xf32, #tpu.memory_space<vmem>>, vector<16xf32>,
        tpu.vector_store %arg20[%swap3A_2027, %swap3A_2028], %add3A_2026 {strides = array<i32>} : memref<128x96xf32, #tpu.memory_space<vmem>>, vector<16xf32>,
        %get3A_2030 = arith.index_cast %add3A_1911 : i32 to index
        %get3A_2031 = arith.constant 80 : index
        %get3A_2032 = tpu.vector_load %arg16[%get3A_2030, %get3A_2031] {strides = array<i32>} : memref<128x96xf32, #tpu.memory_space<vmem>>, vector<16xf32>,
        %mul3A_2033 = arith.mulf %gather3A_1913, %get3A_2032 : vector<16xf32>
        %get3A_2034 = arith.index_cast %add3A_1911 : i32 to index
        %get3A_2035 = arith.constant 80 : index
        %get3A_2036 = tpu.vector_load %arg17[%get3A_2034, %get3A_2035] {strides = array<i32>} : memref<128x96xf32, #tpu.memory_space<vmem>>, vector<16xf32>,
        %mul3A_2037 = arith.mulf %gather3A_1915, %get3A_2036 : vector<16xf32>
        %add3A_2038 = arith.addf %mul3A_2033, %mul3A_2037 : vector<16xf32>
        %get3A_2039 = arith.index_cast %add3A_1911 : i32 to index
        %get3A_2040 = arith.constant 80 : index
        %get3A_2041 = tpu.vector_load %arg18[%get3A_2039, %get3A_2040] {strides = array<i32>} : memref<128x96xf32, #tpu.memory_space<vmem>>, vector<16xf32>,
        %mul3A_2042 = arith.mulf %gather3A_1917, %get3A_2041 : vector<16xf32>
        %add3A_2043 = arith.addf %add3A_2038, %mul3A_2042 : vector<16xf32>
        %get3A_2044 = arith.index_cast %add3A_1911 : i32 to index
        %get3A_2045 = arith.constant 80 : index
        %get3A_2046 = tpu.vector_load %arg19[%get3A_2044, %get3A_2045] {strides = array<i32>} : memref<128x96xf32, #tpu.memory_space<vmem>>, vector<16xf32>,
        %mul3A_2047 = arith.mulf %gather3A_1919, %get3A_2046 : vector<16xf32>
        %add3A_2048 = arith.addf %add3A_2043, %mul3A_2047 : vector<16xf32>
        %swap3A_2049 = arith.index_cast %add3A_1911 : i32 to index
        %swap3A_2050 = arith.constant 80 : index
        %swap3A_2051 = tpu.vector_load %arg20[%swap3A_2049, %swap3A_2050] {strides = array<i32>} : memref<128x96xf32, #tpu.memory_space<vmem>>, vector<16xf32>,
        tpu.vector_store %arg20[%swap3A_2049, %swap3A_2050], %add3A_2048 {strides = array<i32>} : memref<128x96xf32, #tpu.memory_space<vmem>>, vector<16xf32>,
        %add3A_2052 = arith.constant 14 : i32
        %add3A_2053 = arith.addi %add3A_67, %add3A_2052 : i32
        %broadcast_in_dim3A_2054 = vector.broadcast %add3A_2053 : i32 to vector<16xi32>
        %gather3A_2055 = tpu.vector_load_idx %arg12[%broadcast_in_dim3A_2054] : memref<128xf32, #tpu.memory_space<vmem>>[vector<16xi32>], vector<16xf32>,
        %broadcast_in_dim3A_2056 = vector.broadcast %add3A_2053 : i32 to vector<16xi32>
        %gather3A_2057 = tpu.vector_load_idx %arg13[%broadcast_in_dim3A_2056] : memref<128xf32, #tpu.memory_space<vmem>>[vector<16xi32>], vector<16xf32>,
        %broadcast_in_dim3A_2058 = vector.broadcast %add3A_2053 : i32 to vector<16xi32>
        %gather3A_2059 = tpu.vector_load_idx %arg14[%broadcast_in_dim3A_2058] : memref<128xf32, #tpu.memory_space<vmem>>[vector<16xi32>], vector<16xf32>,
        %broadcast_in_dim3A_2060 = vector.broadcast %add3A_2053 : i32 to vector<16xi32>
        %gather3A_2061 = tpu.vector_load_idx %arg15[%broadcast_in_dim3A_2060] : memref<128xf32, #tpu.memory_space<vmem>>[vector<16xi32>], vector<16xf32>,
        %get3A_2062 = arith.index_cast %add3A_2053 : i32 to index
        %get3A_2063 = arith.constant 0 : index
        %get3A_2064 = tpu.vector_load %arg16[%get3A_2062, %get3A_2063] {strides = array<i32>} : memref<128x96xf32, #tpu.memory_space<vmem>>, vector<16xf32>,
        %mul3A_2065 = arith.mulf %gather3A_2055, %get3A_2064 : vector<16xf32>
        %get3A_2066 = arith.index_cast %add3A_2053 : i32 to index
        %get3A_2067 = arith.constant 0 : index
        %get3A_2068 = tpu.vector_load %arg17[%get3A_2066, %get3A_2067] {strides = array<i32>} : memref<128x96xf32, #tpu.memory_space<vmem>>, vector<16xf32>,
        %mul3A_2069 = arith.mulf %gather3A_2057, %get3A_2068 : vector<16xf32>
        %add3A_2070 = arith.addf %mul3A_2065, %mul3A_2069 : vector<16xf32>
        %get3A_2071 = arith.index_cast %add3A_2053 : i32 to index
        %get3A_2072 = arith.constant 0 : index
        %get3A_2073 = tpu.vector_load %arg18[%get3A_2071, %get3A_2072] {strides = array<i32>} : memref<128x96xf32, #tpu.memory_space<vmem>>, vector<16xf32>,
        %mul3A_2074 = arith.mulf %gather3A_2059, %get3A_2073 : vector<16xf32>
        %add3A_2075 = arith.addf %add3A_2070, %mul3A_2074 : vector<16xf32>
        %get3A_2076 = arith.index_cast %add3A_2053 : i32 to index
        %get3A_2077 = arith.constant 0 : index
        %get3A_2078 = tpu.vector_load %arg19[%get3A_2076, %get3A_2077] {strides = array<i32>} : memref<128x96xf32, #tpu.memory_space<vmem>>, vector<16xf32>,
        %mul3A_2079 = arith.mulf %gather3A_2061, %get3A_2078 : vector<16xf32>
        %add3A_2080 = arith.addf %add3A_2075, %mul3A_2079 : vector<16xf32>
        %swap3A_2081 = arith.index_cast %add3A_2053 : i32 to index
        %swap3A_2082 = arith.constant 0 : index
        %swap3A_2083 = tpu.vector_load %arg20[%swap3A_2081, %swap3A_2082] {strides = array<i32>} : memref<128x96xf32, #tpu.memory_space<vmem>>, vector<16xf32>,
        tpu.vector_store %arg20[%swap3A_2081, %swap3A_2082], %add3A_2080 {strides = array<i32>} : memref<128x96xf32, #tpu.memory_space<vmem>>, vector<16xf32>,
        %get3A_2084 = arith.index_cast %add3A_2053 : i32 to index
        %get3A_2085 = arith.constant 16 : index
        %get3A_2086 = tpu.vector_load %arg16[%get3A_2084, %get3A_2085] {strides = array<i32>} : memref<128x96xf32, #tpu.memory_space<vmem>>, vector<16xf32>,
        %mul3A_2087 = arith.mulf %gather3A_2055, %get3A_2086 : vector<16xf32>
        %get3A_2088 = arith.index_cast %add3A_2053 : i32 to index
        %get3A_2089 = arith.constant 16 : index
        %get3A_2090 = tpu.vector_load %arg17[%get3A_2088, %get3A_2089] {strides = array<i32>} : memref<128x96xf32, #tpu.memory_space<vmem>>, vector<16xf32>,
        %mul3A_2091 = arith.mulf %gather3A_2057, %get3A_2090 : vector<16xf32>
        %add3A_2092 = arith.addf %mul3A_2087, %mul3A_2091 : vector<16xf32>
        %get3A_2093 = arith.index_cast %add3A_2053 : i32 to index
        %get3A_2094 = arith.constant 16 : index
        %get3A_2095 = tpu.vector_load %arg18[%get3A_2093, %get3A_2094] {strides = array<i32>} : memref<128x96xf32, #tpu.memory_space<vmem>>, vector<16xf32>,
        %mul3A_2096 = arith.mulf %gather3A_2059, %get3A_2095 : vector<16xf32>
        %add3A_2097 = arith.addf %add3A_2092, %mul3A_2096 : vector<16xf32>
        %get3A_2098 = arith.index_cast %add3A_2053 : i32 to index
        %get3A_2099 = arith.constant 16 : index
        %get3A_2100 = tpu.vector_load %arg19[%get3A_2098, %get3A_2099] {strides = array<i32>} : memref<128x96xf32, #tpu.memory_space<vmem>>, vector<16xf32>,
        %mul3A_2101 = arith.mulf %gather3A_2061, %get3A_2100 : vector<16xf32>
        %add3A_2102 = arith.addf %add3A_2097, %mul3A_2101 : vector<16xf32>
        %swap3A_2103 = arith.index_cast %add3A_2053 : i32 to index
        %swap3A_2104 = arith.constant 16 : index
        %swap3A_2105 = tpu.vector_load %arg20[%swap3A_2103, %swap3A_2104] {strides = array<i32>} : memref<128x96xf32, #tpu.memory_space<vmem>>, vector<16xf32>,
        tpu.vector_store %arg20[%swap3A_2103, %swap3A_2104], %add3A_2102 {strides = array<i32>} : memref<128x96xf32, #tpu.memory_space<vmem>>, vector<16xf32>,
        %get3A_2106 = arith.index_cast %add3A_2053 : i32 to index
        %get3A_2107 = arith.constant 32 : index
        %get3A_2108 = tpu.vector_load %arg16[%get3A_2106, %get3A_2107] {strides = array<i32>} : memref<128x96xf32, #tpu.memory_space<vmem>>, vector<16xf32>,
        %mul3A_2109 = arith.mulf %gather3A_2055, %get3A_2108 : vector<16xf32>
        %get3A_2110 = arith.index_cast %add3A_2053 : i32 to index
        %get3A_2111 = arith.constant 32 : index
        %get3A_2112 = tpu.vector_load %arg17[%get3A_2110, %get3A_2111] {strides = array<i32>} : memref<128x96xf32, #tpu.memory_space<vmem>>, vector<16xf32>,
        %mul3A_2113 = arith.mulf %gather3A_2057, %get3A_2112 : vector<16xf32>
        %add3A_2114 = arith.addf %mul3A_2109, %mul3A_2113 : vector<16xf32>
        %get3A_2115 = arith.index_cast %add3A_2053 : i32 to index
        %get3A_2116 = arith.constant 32 : index
        %get3A_2117 = tpu.vector_load %arg18[%get3A_2115, %get3A_2116] {strides = array<i32>} : memref<128x96xf32, #tpu.memory_space<vmem>>, vector<16xf32>,
        %mul3A_2118 = arith.mulf %gather3A_2059, %get3A_2117 : vector<16xf32>
        %add3A_2119 = arith.addf %add3A_2114, %mul3A_2118 : vector<16xf32>
        %get3A_2120 = arith.index_cast %add3A_2053 : i32 to index
        %get3A_2121 = arith.constant 32 : index
        %get3A_2122 = tpu.vector_load %arg19[%get3A_2120, %get3A_2121] {strides = array<i32>} : memref<128x96xf32, #tpu.memory_space<vmem>>, vector<16xf32>,
        %mul3A_2123 = arith.mulf %gather3A_2061, %get3A_2122 : vector<16xf32>
        %add3A_2124 = arith.addf %add3A_2119, %mul3A_2123 : vector<16xf32>
        %swap3A_2125 = arith.index_cast %add3A_2053 : i32 to index
        %swap3A_2126 = arith.constant 32 : index
        %swap3A_2127 = tpu.vector_load %arg20[%swap3A_2125, %swap3A_2126] {strides = array<i32>} : memref<128x96xf32, #tpu.memory_space<vmem>>, vector<16xf32>,
        tpu.vector_store %arg20[%swap3A_2125, %swap3A_2126], %add3A_2124 {strides = array<i32>} : memref<128x96xf32, #tpu.memory_space<vmem>>, vector<16xf32>,
        %get3A_2128 = arith.index_cast %add3A_2053 : i32 to index
        %get3A_2129 = arith.constant 48 : index
        %get3A_2130 = tpu.vector_load %arg16[%get3A_2128, %get3A_2129] {strides = array<i32>} : memref<128x96xf32, #tpu.memory_space<vmem>>, vector<16xf32>,
        %mul3A_2131 = arith.mulf %gather3A_2055, %get3A_2130 : vector<16xf32>
        %get3A_2132 = arith.index_cast %add3A_2053 : i32 to index
        %get3A_2133 = arith.constant 48 : index
        %get3A_2134 = tpu.vector_load %arg17[%get3A_2132, %get3A_2133] {strides = array<i32>} : memref<128x96xf32, #tpu.memory_space<vmem>>, vector<16xf32>,
        %mul3A_2135 = arith.mulf %gather3A_2057, %get3A_2134 : vector<16xf32>
        %add3A_2136 = arith.addf %mul3A_2131, %mul3A_2135 : vector<16xf32>
        %get3A_2137 = arith.index_cast %add3A_2053 : i32 to index
        %get3A_2138 = arith.constant 48 : index
        %get3A_2139 = tpu.vector_load %arg18[%get3A_2137, %get3A_2138] {strides = array<i32>} : memref<128x96xf32, #tpu.memory_space<vmem>>, vector<16xf32>,
        %mul3A_2140 = arith.mulf %gather3A_2059, %get3A_2139 : vector<16xf32>
        %add3A_2141 = arith.addf %add3A_2136, %mul3A_2140 : vector<16xf32>
        %get3A_2142 = arith.index_cast %add3A_2053 : i32 to index
        %get3A_2143 = arith.constant 48 : index
        %get3A_2144 = tpu.vector_load %arg19[%get3A_2142, %get3A_2143] {strides = array<i32>} : memref<128x96xf32, #tpu.memory_space<vmem>>, vector<16xf32>,
        %mul3A_2145 = arith.mulf %gather3A_2061, %get3A_2144 : vector<16xf32>
        %add3A_2146 = arith.addf %add3A_2141, %mul3A_2145 : vector<16xf32>
        %swap3A_2147 = arith.index_cast %add3A_2053 : i32 to index
        %swap3A_2148 = arith.constant 48 : index
        %swap3A_2149 = tpu.vector_load %arg20[%swap3A_2147, %swap3A_2148] {strides = array<i32>} : memref<128x96xf32, #tpu.memory_space<vmem>>, vector<16xf32>,
        tpu.vector_store %arg20[%swap3A_2147, %swap3A_2148], %add3A_2146 {strides = array<i32>} : memref<128x96xf32, #tpu.memory_space<vmem>>, vector<16xf32>,
        %get3A_2150 = arith.index_cast %add3A_2053 : i32 to index
        %get3A_2151 = arith.constant 64 : index
        %get3A_2152 = tpu.vector_load %arg16[%get3A_2150, %get3A_2151] {strides = array<i32>} : memref<128x96xf32, #tpu.memory_space<vmem>>, vector<16xf32>,
        %mul3A_2153 = arith.mulf %gather3A_2055, %get3A_2152 : vector<16xf32>
        %get3A_2154 = arith.index_cast %add3A_2053 : i32 to index
        %get3A_2155 = arith.constant 64 : index
        %get3A_2156 = tpu.vector_load %arg17[%get3A_2154, %get3A_2155] {strides = array<i32>} : memref<128x96xf32, #tpu.memory_space<vmem>>, vector<16xf32>,
        %mul3A_2157 = arith.mulf %gather3A_2057, %get3A_2156 : vector<16xf32>
        %add3A_2158 = arith.addf %mul3A_2153, %mul3A_2157 : vector<16xf32>
        %get3A_2159 = arith.index_cast %add3A_2053 : i32 to index
        %get3A_2160 = arith.constant 64 : index
        %get3A_2161 = tpu.vector_load %arg18[%get3A_2159, %get3A_2160] {strides = array<i32>} : memref<128x96xf32, #tpu.memory_space<vmem>>, vector<16xf32>,
        %mul3A_2162 = arith.mulf %gather3A_2059, %get3A_2161 : vector<16xf32>
        %add3A_2163 = arith.addf %add3A_2158, %mul3A_2162 : vector<16xf32>
        %get3A_2164 = arith.index_cast %add3A_2053 : i32 to index
        %get3A_2165 = arith.constant 64 : index
        %get3A_2166 = tpu.vector_load %arg19[%get3A_2164, %get3A_2165] {strides = array<i32>} : memref<128x96xf32, #tpu.memory_space<vmem>>, vector<16xf32>,
        %mul3A_2167 = arith.mulf %gather3A_2061, %get3A_2166 : vector<16xf32>
        %add3A_2168 = arith.addf %add3A_2163, %mul3A_2167 : vector<16xf32>
        %swap3A_2169 = arith.index_cast %add3A_2053 : i32 to index
        %swap3A_2170 = arith.constant 64 : index
        %swap3A_2171 = tpu.vector_load %arg20[%swap3A_2169, %swap3A_2170] {strides = array<i32>} : memref<128x96xf32, #tpu.memory_space<vmem>>, vector<16xf32>,
        tpu.vector_store %arg20[%swap3A_2169, %swap3A_2170], %add3A_2168 {strides = array<i32>} : memref<128x96xf32, #tpu.memory_space<vmem>>, vector<16xf32>,
        %get3A_2172 = arith.index_cast %add3A_2053 : i32 to index
        %get3A_2173 = arith.constant 80 : index
        %get3A_2174 = tpu.vector_load %arg16[%get3A_2172, %get3A_2173] {strides = array<i32>} : memref<128x96xf32, #tpu.memory_space<vmem>>, vector<16xf32>,
        %mul3A_2175 = arith.mulf %gather3A_2055, %get3A_2174 : vector<16xf32>
        %get3A_2176 = arith.index_cast %add3A_2053 : i32 to index
        %get3A_2177 = arith.constant 80 : index
        %get3A_2178 = tpu.vector_load %arg17[%get3A_2176, %get3A_2177] {strides = array<i32>} : memref<128x96xf32, #tpu.memory_space<vmem>>, vector<16xf32>,
        %mul3A_2179 = arith.mulf %gather3A_2057, %get3A_2178 : vector<16xf32>
        %add3A_2180 = arith.addf %mul3A_2175, %mul3A_2179 : vector<16xf32>
        %get3A_2181 = arith.index_cast %add3A_2053 : i32 to index
        %get3A_2182 = arith.constant 80 : index
        %get3A_2183 = tpu.vector_load %arg18[%get3A_2181, %get3A_2182] {strides = array<i32>} : memref<128x96xf32, #tpu.memory_space<vmem>>, vector<16xf32>,
        %mul3A_2184 = arith.mulf %gather3A_2059, %get3A_2183 : vector<16xf32>
        %add3A_2185 = arith.addf %add3A_2180, %mul3A_2184 : vector<16xf32>
        %get3A_2186 = arith.index_cast %add3A_2053 : i32 to index
        %get3A_2187 = arith.constant 80 : index
        %get3A_2188 = tpu.vector_load %arg19[%get3A_2186, %get3A_2187] {strides = array<i32>} : memref<128x96xf32, #tpu.memory_space<vmem>>, vector<16xf32>,
        %mul3A_2189 = arith.mulf %gather3A_2061, %get3A_2188 : vector<16xf32>
        %add3A_2190 = arith.addf %add3A_2185, %mul3A_2189 : vector<16xf32>
        %swap3A_2191 = arith.index_cast %add3A_2053 : i32 to index
        %swap3A_2192 = arith.constant 80 : index
        %swap3A_2193 = tpu.vector_load %arg20[%swap3A_2191, %swap3A_2192] {strides = array<i32>} : memref<128x96xf32, #tpu.memory_space<vmem>>, vector<16xf32>,
        tpu.vector_store %arg20[%swap3A_2191, %swap3A_2192], %add3A_2190 {strides = array<i32>} : memref<128x96xf32, #tpu.memory_space<vmem>>, vector<16xf32>,
        %add3A_2194 = arith.constant 15 : i32
        %add3A_2195 = arith.addi %add3A_67, %add3A_2194 : i32
        %broadcast_in_dim3A_2196 = vector.broadcast %add3A_2195 : i32 to vector<16xi32>
        %gather3A_2197 = tpu.vector_load_idx %arg12[%broadcast_in_dim3A_2196] : memref<128xf32, #tpu.memory_space<vmem>>[vector<16xi32>], vector<16xf32>,
        %broadcast_in_dim3A_2198 = vector.broadcast %add3A_2195 : i32 to vector<16xi32>
        %gather3A_2199 = tpu.vector_load_idx %arg13[%broadcast_in_dim3A_2198] : memref<128xf32, #tpu.memory_space<vmem>>[vector<16xi32>], vector<16xf32>,
        %broadcast_in_dim3A_2200 = vector.broadcast %add3A_2195 : i32 to vector<16xi32>
        %gather3A_2201 = tpu.vector_load_idx %arg14[%broadcast_in_dim3A_2200] : memref<128xf32, #tpu.memory_space<vmem>>[vector<16xi32>], vector<16xf32>,
        %broadcast_in_dim3A_2202 = vector.broadcast %add3A_2195 : i32 to vector<16xi32>
        %gather3A_2203 = tpu.vector_load_idx %arg15[%broadcast_in_dim3A_2202] : memref<128xf32, #tpu.memory_space<vmem>>[vector<16xi32>], vector<16xf32>,
        %get3A_2204 = arith.index_cast %add3A_2195 : i32 to index
        %get3A_2205 = arith.constant 0 : index
        %get3A_2206 = tpu.vector_load %arg16[%get3A_2204, %get3A_2205] {strides = array<i32>} : memref<128x96xf32, #tpu.memory_space<vmem>>, vector<16xf32>,
        %mul3A_2207 = arith.mulf %gather3A_2197, %get3A_2206 : vector<16xf32>
        %get3A_2208 = arith.index_cast %add3A_2195 : i32 to index
        %get3A_2209 = arith.constant 0 : index
        %get3A_2210 = tpu.vector_load %arg17[%get3A_2208, %get3A_2209] {strides = array<i32>} : memref<128x96xf32, #tpu.memory_space<vmem>>, vector<16xf32>,
        %mul3A_2211 = arith.mulf %gather3A_2199, %get3A_2210 : vector<16xf32>
        %add3A_2212 = arith.addf %mul3A_2207, %mul3A_2211 : vector<16xf32>
        %get3A_2213 = arith.index_cast %add3A_2195 : i32 to index
        %get3A_2214 = arith.constant 0 : index
        %get3A_2215 = tpu.vector_load %arg18[%get3A_2213, %get3A_2214] {strides = array<i32>} : memref<128x96xf32, #tpu.memory_space<vmem>>, vector<16xf32>,
        %mul3A_2216 = arith.mulf %gather3A_2201, %get3A_2215 : vector<16xf32>
        %add3A_2217 = arith.addf %add3A_2212, %mul3A_2216 : vector<16xf32>
        %get3A_2218 = arith.index_cast %add3A_2195 : i32 to index
        %get3A_2219 = arith.constant 0 : index
        %get3A_2220 = tpu.vector_load %arg19[%get3A_2218, %get3A_2219] {strides = array<i32>} : memref<128x96xf32, #tpu.memory_space<vmem>>, vector<16xf32>,
        %mul3A_2221 = arith.mulf %gather3A_2203, %get3A_2220 : vector<16xf32>
        %add3A_2222 = arith.addf %add3A_2217, %mul3A_2221 : vector<16xf32>
        %swap3A_2223 = arith.index_cast %add3A_2195 : i32 to index
        %swap3A_2224 = arith.constant 0 : index
        %swap3A_2225 = tpu.vector_load %arg20[%swap3A_2223, %swap3A_2224] {strides = array<i32>} : memref<128x96xf32, #tpu.memory_space<vmem>>, vector<16xf32>,
        tpu.vector_store %arg20[%swap3A_2223, %swap3A_2224], %add3A_2222 {strides = array<i32>} : memref<128x96xf32, #tpu.memory_space<vmem>>, vector<16xf32>,
        %get3A_2226 = arith.index_cast %add3A_2195 : i32 to index
        %get3A_2227 = arith.constant 16 : index
        %get3A_2228 = tpu.vector_load %arg16[%get3A_2226, %get3A_2227] {strides = array<i32>} : memref<128x96xf32, #tpu.memory_space<vmem>>, vector<16xf32>,
        %mul3A_2229 = arith.mulf %gather3A_2197, %get3A_2228 : vector<16xf32>
        %get3A_2230 = arith.index_cast %add3A_2195 : i32 to index
        %get3A_2231 = arith.constant 16 : index
        %get3A_2232 = tpu.vector_load %arg17[%get3A_2230, %get3A_2231] {strides = array<i32>} : memref<128x96xf32, #tpu.memory_space<vmem>>, vector<16xf32>,
        %mul3A_2233 = arith.mulf %gather3A_2199, %get3A_2232 : vector<16xf32>
        %add3A_2234 = arith.addf %mul3A_2229, %mul3A_2233 : vector<16xf32>
        %get3A_2235 = arith.index_cast %add3A_2195 : i32 to index
        %get3A_2236 = arith.constant 16 : index
        %get3A_2237 = tpu.vector_load %arg18[%get3A_2235, %get3A_2236] {strides = array<i32>} : memref<128x96xf32, #tpu.memory_space<vmem>>, vector<16xf32>,
        %mul3A_2238 = arith.mulf %gather3A_2201, %get3A_2237 : vector<16xf32>
        %add3A_2239 = arith.addf %add3A_2234, %mul3A_2238 : vector<16xf32>
        %get3A_2240 = arith.index_cast %add3A_2195 : i32 to index
        %get3A_2241 = arith.constant 16 : index
        %get3A_2242 = tpu.vector_load %arg19[%get3A_2240, %get3A_2241] {strides = array<i32>} : memref<128x96xf32, #tpu.memory_space<vmem>>, vector<16xf32>,
        %mul3A_2243 = arith.mulf %gather3A_2203, %get3A_2242 : vector<16xf32>
        %add3A_2244 = arith.addf %add3A_2239, %mul3A_2243 : vector<16xf32>
        %swap3A_2245 = arith.index_cast %add3A_2195 : i32 to index
        %swap3A_2246 = arith.constant 16 : index
        %swap3A_2247 = tpu.vector_load %arg20[%swap3A_2245, %swap3A_2246] {strides = array<i32>} : memref<128x96xf32, #tpu.memory_space<vmem>>, vector<16xf32>,
        tpu.vector_store %arg20[%swap3A_2245, %swap3A_2246], %add3A_2244 {strides = array<i32>} : memref<128x96xf32, #tpu.memory_space<vmem>>, vector<16xf32>,
        %get3A_2248 = arith.index_cast %add3A_2195 : i32 to index
        %get3A_2249 = arith.constant 32 : index
        %get3A_2250 = tpu.vector_load %arg16[%get3A_2248, %get3A_2249] {strides = array<i32>} : memref<128x96xf32, #tpu.memory_space<vmem>>, vector<16xf32>,
        %mul3A_2251 = arith.mulf %gather3A_2197, %get3A_2250 : vector<16xf32>
        %get3A_2252 = arith.index_cast %add3A_2195 : i32 to index
        %get3A_2253 = arith.constant 32 : index
        %get3A_2254 = tpu.vector_load %arg17[%get3A_2252, %get3A_2253] {strides = array<i32>} : memref<128x96xf32, #tpu.memory_space<vmem>>, vector<16xf32>,
        %mul3A_2255 = arith.mulf %gather3A_2199, %get3A_2254 : vector<16xf32>
        %add3A_2256 = arith.addf %mul3A_2251, %mul3A_2255 : vector<16xf32>
        %get3A_2257 = arith.index_cast %add3A_2195 : i32 to index
        %get3A_2258 = arith.constant 32 : index
        %get3A_2259 = tpu.vector_load %arg18[%get3A_2257, %get3A_2258] {strides = array<i32>} : memref<128x96xf32, #tpu.memory_space<vmem>>, vector<16xf32>,
        %mul3A_2260 = arith.mulf %gather3A_2201, %get3A_2259 : vector<16xf32>
        %add3A_2261 = arith.addf %add3A_2256, %mul3A_2260 : vector<16xf32>
        %get3A_2262 = arith.index_cast %add3A_2195 : i32 to index
        %get3A_2263 = arith.constant 32 : index
        %get3A_2264 = tpu.vector_load %arg19[%get3A_2262, %get3A_2263] {strides = array<i32>} : memref<128x96xf32, #tpu.memory_space<vmem>>, vector<16xf32>,
        %mul3A_2265 = arith.mulf %gather3A_2203, %get3A_2264 : vector<16xf32>
        %add3A_2266 = arith.addf %add3A_2261, %mul3A_2265 : vector<16xf32>
        %swap3A_2267 = arith.index_cast %add3A_2195 : i32 to index
        %swap3A_2268 = arith.constant 32 : index
        %swap3A_2269 = tpu.vector_load %arg20[%swap3A_2267, %swap3A_2268] {strides = array<i32>} : memref<128x96xf32, #tpu.memory_space<vmem>>, vector<16xf32>,
        tpu.vector_store %arg20[%swap3A_2267, %swap3A_2268], %add3A_2266 {strides = array<i32>} : memref<128x96xf32, #tpu.memory_space<vmem>>, vector<16xf32>,
        %get3A_2270 = arith.index_cast %add3A_2195 : i32 to index
        %get3A_2271 = arith.constant 48 : index
        %get3A_2272 = tpu.vector_load %arg16[%get3A_2270, %get3A_2271] {strides = array<i32>} : memref<128x96xf32, #tpu.memory_space<vmem>>, vector<16xf32>,
        %mul3A_2273 = arith.mulf %gather3A_2197, %get3A_2272 : vector<16xf32>
        %get3A_2274 = arith.index_cast %add3A_2195 : i32 to index
        %get3A_2275 = arith.constant 48 : index
        %get3A_2276 = tpu.vector_load %arg17[%get3A_2274, %get3A_2275] {strides = array<i32>} : memref<128x96xf32, #tpu.memory_space<vmem>>, vector<16xf32>,
        %mul3A_2277 = arith.mulf %gather3A_2199, %get3A_2276 : vector<16xf32>
        %add3A_2278 = arith.addf %mul3A_2273, %mul3A_2277 : vector<16xf32>
        %get3A_2279 = arith.index_cast %add3A_2195 : i32 to index
        %get3A_2280 = arith.constant 48 : index
        %get3A_2281 = tpu.vector_load %arg18[%get3A_2279, %get3A_2280] {strides = array<i32>} : memref<128x96xf32, #tpu.memory_space<vmem>>, vector<16xf32>,
        %mul3A_2282 = arith.mulf %gather3A_2201, %get3A_2281 : vector<16xf32>
        %add3A_2283 = arith.addf %add3A_2278, %mul3A_2282 : vector<16xf32>
        %get3A_2284 = arith.index_cast %add3A_2195 : i32 to index
        %get3A_2285 = arith.constant 48 : index
        %get3A_2286 = tpu.vector_load %arg19[%get3A_2284, %get3A_2285] {strides = array<i32>} : memref<128x96xf32, #tpu.memory_space<vmem>>, vector<16xf32>,
        %mul3A_2287 = arith.mulf %gather3A_2203, %get3A_2286 : vector<16xf32>
        %add3A_2288 = arith.addf %add3A_2283, %mul3A_2287 : vector<16xf32>
        %swap3A_2289 = arith.index_cast %add3A_2195 : i32 to index
        %swap3A_2290 = arith.constant 48 : index
        %swap3A_2291 = tpu.vector_load %arg20[%swap3A_2289, %swap3A_2290] {strides = array<i32>} : memref<128x96xf32, #tpu.memory_space<vmem>>, vector<16xf32>,
        tpu.vector_store %arg20[%swap3A_2289, %swap3A_2290], %add3A_2288 {strides = array<i32>} : memref<128x96xf32, #tpu.memory_space<vmem>>, vector<16xf32>,
        %get3A_2292 = arith.index_cast %add3A_2195 : i32 to index
        %get3A_2293 = arith.constant 64 : index
        %get3A_2294 = tpu.vector_load %arg16[%get3A_2292, %get3A_2293] {strides = array<i32>} : memref<128x96xf32, #tpu.memory_space<vmem>>, vector<16xf32>,
        %mul3A_2295 = arith.mulf %gather3A_2197, %get3A_2294 : vector<16xf32>
        %get3A_2296 = arith.index_cast %add3A_2195 : i32 to index
        %get3A_2297 = arith.constant 64 : index
        %get3A_2298 = tpu.vector_load %arg17[%get3A_2296, %get3A_2297] {strides = array<i32>} : memref<128x96xf32, #tpu.memory_space<vmem>>, vector<16xf32>,
        %mul3A_2299 = arith.mulf %gather3A_2199, %get3A_2298 : vector<16xf32>
        %add3A_2300 = arith.addf %mul3A_2295, %mul3A_2299 : vector<16xf32>
        %get3A_2301 = arith.index_cast %add3A_2195 : i32 to index
        %get3A_2302 = arith.constant 64 : index
        %get3A_2303 = tpu.vector_load %arg18[%get3A_2301, %get3A_2302] {strides = array<i32>} : memref<128x96xf32, #tpu.memory_space<vmem>>, vector<16xf32>,
        %mul3A_2304 = arith.mulf %gather3A_2201, %get3A_2303 : vector<16xf32>
        %add3A_2305 = arith.addf %add3A_2300, %mul3A_2304 : vector<16xf32>
        %get3A_2306 = arith.index_cast %add3A_2195 : i32 to index
        %get3A_2307 = arith.constant 64 : index
        %get3A_2308 = tpu.vector_load %arg19[%get3A_2306, %get3A_2307] {strides = array<i32>} : memref<128x96xf32, #tpu.memory_space<vmem>>, vector<16xf32>,
        %mul3A_2309 = arith.mulf %gather3A_2203, %get3A_2308 : vector<16xf32>
        %add3A_2310 = arith.addf %add3A_2305, %mul3A_2309 : vector<16xf32>
        %swap3A_2311 = arith.index_cast %add3A_2195 : i32 to index
        %swap3A_2312 = arith.constant 64 : index
        %swap3A_2313 = tpu.vector_load %arg20[%swap3A_2311, %swap3A_2312] {strides = array<i32>} : memref<128x96xf32, #tpu.memory_space<vmem>>, vector<16xf32>,
        tpu.vector_store %arg20[%swap3A_2311, %swap3A_2312], %add3A_2310 {strides = array<i32>} : memref<128x96xf32, #tpu.memory_space<vmem>>, vector<16xf32>,
        %get3A_2314 = arith.index_cast %add3A_2195 : i32 to index
        %get3A_2315 = arith.constant 80 : index
        %get3A_2316 = tpu.vector_load %arg16[%get3A_2314, %get3A_2315] {strides = array<i32>} : memref<128x96xf32, #tpu.memory_space<vmem>>, vector<16xf32>,
        %mul3A_2317 = arith.mulf %gather3A_2197, %get3A_2316 : vector<16xf32>
        %get3A_2318 = arith.index_cast %add3A_2195 : i32 to index
        %get3A_2319 = arith.constant 80 : index
        %get3A_2320 = tpu.vector_load %arg17[%get3A_2318, %get3A_2319] {strides = array<i32>} : memref<128x96xf32, #tpu.memory_space<vmem>>, vector<16xf32>,
        %mul3A_2321 = arith.mulf %gather3A_2199, %get3A_2320 : vector<16xf32>
        %add3A_2322 = arith.addf %mul3A_2317, %mul3A_2321 : vector<16xf32>
        %get3A_2323 = arith.index_cast %add3A_2195 : i32 to index
        %get3A_2324 = arith.constant 80 : index
        %get3A_2325 = tpu.vector_load %arg18[%get3A_2323, %get3A_2324] {strides = array<i32>} : memref<128x96xf32, #tpu.memory_space<vmem>>, vector<16xf32>,
        %mul3A_2326 = arith.mulf %gather3A_2201, %get3A_2325 : vector<16xf32>
        %add3A_2327 = arith.addf %add3A_2322, %mul3A_2326 : vector<16xf32>
        %get3A_2328 = arith.index_cast %add3A_2195 : i32 to index
        %get3A_2329 = arith.constant 80 : index
        %get3A_2330 = tpu.vector_load %arg19[%get3A_2328, %get3A_2329] {strides = array<i32>} : memref<128x96xf32, #tpu.memory_space<vmem>>, vector<16xf32>,
        %mul3A_2331 = arith.mulf %gather3A_2203, %get3A_2330 : vector<16xf32>
        %add3A_2332 = arith.addf %add3A_2327, %mul3A_2331 : vector<16xf32>
        %swap3A_2333 = arith.index_cast %add3A_2195 : i32 to index
        %swap3A_2334 = arith.constant 80 : index
        %swap3A_2335 = tpu.vector_load %arg20[%swap3A_2333, %swap3A_2334] {strides = array<i32>} : memref<128x96xf32, #tpu.memory_space<vmem>>, vector<16xf32>,
        tpu.vector_store %arg20[%swap3A_2333, %swap3A_2334], %add3A_2332 {strides = array<i32>} : memref<128x96xf32, #tpu.memory_space<vmem>>, vector<16xf32>,
      }
      %scan3A_62 = arith.constant 8 : i32
      "tpu.region"() ({
        %run_scoped3A = tpu.sem_alloc : memref<!tpu.dma_semaphore, #tpu.memory_space<semaphore_mem>>
        %dma_start3A_63 = arith.constant 0 : i32
        %dma_start3A_64 = tpu.memref_slice %arg5[%add3A_30, %dma_start3A_63] : memref<147456x96xf32, #tpu.memory_space<hbm>> -> memref<128x96xf32, #tpu.memory_space<hbm>>
        %dma_start3A_65 = arith.constant 0 : i32
        %dma_start3A_66 = tpu.memref_slice %arg5[%add3A_30, %dma_start3A_65] : memref<147456x96xf32, #tpu.memory_space<hbm>> -> memref<128x96xf32, #tpu.memory_space<hbm>>
        tpu.enqueue_dma source(%arg20 : memref<128x96xf32, #tpu.memory_space<vmem>>) target(%dma_start3A_66 : memref<128x96xf32, #tpu.memory_space<hbm>>) target_semaphore(%run_scoped3A : memref<!tpu.dma_semaphore, #tpu.memory_space<semaphore_mem>>)
        %dma_wait3A_67 = arith.constant 0 : i32
        %dma_wait3A_68 = tpu.memref_slice %arg5[%add3A_30, %dma_wait3A_67] : memref<147456x96xf32, #tpu.memory_space<hbm>> -> memref<128x96xf32, #tpu.memory_space<hbm>>
        %dma_wait3A_69 = arith.constant 0 : i32
        %dma_wait3A_70 = tpu.memref_slice %arg5[%add3A_30, %dma_wait3A_69] : memref<147456x96xf32, #tpu.memory_space<hbm>> -> memref<128x96xf32, #tpu.memory_space<hbm>>
        tpu.wait_dma2 semaphore(%run_scoped3A : memref<!tpu.dma_semaphore, #tpu.memory_space<semaphore_mem>>) src(%arg20 : memref<128x96xf32, #tpu.memory_space<vmem>>) dst(%dma_wait3A_70 : memref<128x96xf32, #tpu.memory_space<hbm>>)
        tpu.yield
      }) : () -> ()
    }
    %scan3A_24 = arith.constant 36 : i32
    return
  }
}

module attributes {stable_mosaic.version = 14 : i64} {
  func.func @body(%arg0: i32, %arg1: i32, %arg2: memref<1x96x1024xf32, #tpu.memory_space<vmem>>, %arg3: memref<1x1024x96xf32, #tpu.memory_space<vmem>>) attributes {dimension_semantics = [#tpu.dimension_semantics<arbitrary>, #tpu.dimension_semantics<arbitrary>], iteration_bounds = array<i64: 4, 144>, scalar_prefetch = 0 : i64, scratch_operands = 0 : i64, tpu.core_type = #tpu.core_type<tc>, window_params = [{transform_indices = @transform_0, window_bounds = array<i64: 1, 96, 1024>}, {transform_indices = @transform_1, window_bounds = array<i64: 1, 1024, 96>}]} {
    %get3A = arith.constant 0 : index
    %get3A_0 = arith.constant 0 : index
    %get3A_1 = arith.constant 0 : index
    %get3A_2 = vector.load %arg2[%get3A, %get3A_0, %get3A_1] : memref<1x96x1024xf32, #tpu.memory_space<vmem>>, vector<1x96x1024xf32>
    %get3A_3 = vector.shape_cast %get3A_2 : vector<1x96x1024xf32> to vector<96x1024xf32>
    %transpose3A = tpu.transpose %get3A_3, [1, 0] : vector<96x1024xf32> -> vector<1024x96xf32>
    %swap3A = arith.constant 0 : index
    %swap3A_4 = arith.constant 0 : index
    %swap3A_5 = arith.constant 0 : index
    %swap3A_6 = vector.load %arg3[%swap3A, %swap3A_4, %swap3A_5] : memref<1x1024x96xf32, #tpu.memory_space<vmem>>, vector<1x1024x96xf32>
    %swap3A_7 = vector.shape_cast %swap3A_6 : vector<1x1024x96xf32> to vector<1024x96xf32>
    %swap3A_8 = vector.shape_cast %transpose3A : vector<1024x96xf32> to vector<1x1024x96xf32>
    tpu.vector_store %arg3[%swap3A, %swap3A_4, %swap3A_5], %swap3A_8 {strides = array<i32>} : memref<1x1024x96xf32, #tpu.memory_space<vmem>>, vector<1x1024x96xf32>,
    return
  }
  func.func @transform_0(%arg0: i32, %arg1: i32) -> (i32, i32, i32) {
    %c0_i32 = arith.constant 0 : i32
    %c0_i32_0 = arith.constant 0 : i32
    return %arg0, %c0_i32, %arg1 : i32, i32, i32
  }
  func.func @transform_1(%arg0: i32, %arg1: i32) -> (i32, i32, i32) {
    %c0_i32 = arith.constant 0 : i32
    %c0_i32_0 = arith.constant 0 : i32
    return %arg0, %arg1, %c0_i32 : i32, i32, i32
  }
}

module attributes {stable_mosaic.version = 14 : i64} {
  func.func @body(%arg0: i32, %arg1: i32, %arg2: memref<1x1024x96xf32, #tpu.memory_space<vmem>>, %arg3: memref<1x96x1024xf32, #tpu.memory_space<vmem>>) attributes {dimension_semantics = [#tpu.dimension_semantics<arbitrary>, #tpu.dimension_semantics<arbitrary>], iteration_bounds = array<i64: 4, 36>, scalar_prefetch = 0 : i64, scratch_operands = 0 : i64, tpu.core_type = #tpu.core_type<tc>, window_params = [{transform_indices = @transform_0, window_bounds = array<i64: 1, 1024, 96>}, {transform_indices = @transform_1, window_bounds = array<i64: 1, 96, 1024>}]} {
    %get3A = arith.constant 0 : index
    %get3A_0 = arith.constant 0 : index
    %get3A_1 = arith.constant 0 : index
    %get3A_2 = vector.load %arg2[%get3A, %get3A_0, %get3A_1] : memref<1x1024x96xf32, #tpu.memory_space<vmem>>, vector<1x1024x96xf32>
    %get3A_3 = vector.shape_cast %get3A_2 : vector<1x1024x96xf32> to vector<1024x96xf32>
    %transpose3A = tpu.transpose %get3A_3, [1, 0] : vector<1024x96xf32> -> vector<96x1024xf32>
    %swap3A = arith.constant 0 : index
    %swap3A_4 = arith.constant 0 : index
    %swap3A_5 = arith.constant 0 : index
    %swap3A_6 = vector.load %arg3[%swap3A, %swap3A_4, %swap3A_5] : memref<1x96x1024xf32, #tpu.memory_space<vmem>>, vector<1x96x1024xf32>
    %swap3A_7 = vector.shape_cast %swap3A_6 : vector<1x96x1024xf32> to vector<96x1024xf32>
    %swap3A_8 = vector.shape_cast %transpose3A : vector<96x1024xf32> to vector<1x96x1024xf32>
    tpu.vector_store %arg3[%swap3A, %swap3A_4, %swap3A_5], %swap3A_8 {strides = array<i32>} : memref<1x96x1024xf32, #tpu.memory_space<vmem>>, vector<1x96x1024xf32>,
    return
  }
  func.func @transform_0(%arg0: i32, %arg1: i32) -> (i32, i32, i32) {
    %c0_i32 = arith.constant 0 : i32
    %c0_i32_0 = arith.constant 0 : i32
    return %arg0, %arg1, %c0_i32 : i32, i32, i32
  }
  func.func @transform_1(%arg0: i32, %arg1: i32) -> (i32, i32, i32) {
    %c0_i32 = arith.constant 0 : i32
    %c0_i32_0 = arith.constant 0 : i32
    return %arg0, %c0_i32, %arg1 : i32, i32, i32
  }
}

</mosaic_0001>

<sc_bundles>
// kernel: kernel.5.cloned.1.call-start
scs
__scs_entry_jumppad:
0x0: {  	(pc) =	sbr.rel $0x88, $3  }
0x1: {  	(tag) =	ssettag $0x0;
	lr =	simm.s32 $0x1  }
0x2: {  	[smem:$0x3F9F] =	sst lr;
	_ =	strace $0xD0000000  }
0x3: {  	_ = 	snop  }
0x4: {  	_ = 	snop  }
0x5: {  	_ = 	snop  }
0x6: {  	_ = 	snop  }
0x7: {  	_ = 	snop  }
__scs_overlays_trampoline_lowered:
0x8: {  	[smem:$0x3FAE] =	sst s0  }
0x9: {  	[smem:$0x3FAF] =	sst s1  }
0xa: {  	[smem:$0x3FB0] =	sst s2  }
0xb: {  	[smem:$0x3FB1] =	sst s3  }
0xc: {  	[smem:$0x3FB2] =	sst s4  }
0xd: {  	[smem:$0x3FB3] =	sst s5  }
0xe: {  	[smem:$0x3FB4] =	sst s6  }
0xf: {  	[smem:$0x3FB5] =	sst s7  }
0x10: {  	[smem:$0x3FB6] =	sst s8  }
0x11: {  	[smem:$0x3FB7] =	sst s9;
	s0 =	simm.s32 @!p0 $0x0  }
0x12: {  	s1 =	sld [smem:$0x3F9D];
	s0 =	simm.s32 @p0 $0x1  }
0x13: {  	[smem:$0x3FB8] =	sst s0;
	s0 =	simm.s32 @!p1 $0x0  }
0x14: {  	s2 =	sld [smem:$0x3F9C];
	s0 =	simm.s32 @p1 $0x1  }
0x15: {  	[smem:$0x3FB9] =	sst s0;
	s0 =	simm.s32 @!p2 $0x0  }
0x16: {  	s3 =	sld [smem:$0x3FDB];
	s0 =	simm.s32 @p2 $0x1  }
0x17: {  	s4 =	simm.s32 $0x1BF5;
	[smem:$0x3FBB] =	sst s0  }
0x18: {  	s0 =	sld [smem:$0x3F9E];
	_ =	swait.ge [sflag:s4], $0x0  }
0x19: {  	s7 =	sld [smem:$0x3F9F]  }
0x1a: {  	s8 =	sadd.s32 $0xFFFFE003, lr  }
0x1b: {  	s9 =	sadd.s32 $0xFFFFFEF7, lr;
	s5 =	simm.s32 $0xFFFFFFFF;
	p2 =	slt.u32 s8, $0xFFFFF086  }
0x1c: {  	p1 =	slt.u32 s9, $0xF7A;
	s5 =	simm.s32 @!p2 $0x0  }
0x1d: {  	s5 =	simm.s32 @p1 $0x1;
	p0 =	seq.s32 s7, s2  }
0x1e: {  	s7 =	smul.u32 @!p0 $0xF7A, s2;
	p2 =	seq.s32 @!p0 s5, $0x0  }
0x1f: {  	s9 =	smul.u32 $0xF7A, s1;
	s8 =	simm.s32 @!p0 $0x1BF5;
	p2 =	por !p2, p0  }
0x20: {  	[sflag:s8] =	ssyncset.s32 @!p0 $0xFFFFF086;
	s6 =	sadd.s32 @!p0 s3, s7;
	s7 =	simm.s32 @!p0 $0x108  }
0x21: {  	s3 =	sadd.s32 s3, s9;
	s6 =	sadd.s32 @!p0 $0x88, s6;
	s7 =	simm.s32 @p2 $0x1082  }
0x22: {  	[simem:s7], [sflag:s8] =	dma.local @!p0 [hbm:s6], $0xF7A  }
0x23: {  	s9 =	sor.u32 $0xD0000000, s2;
	s6 =	simm.s32 $0x108;
	_ =	swait.ge @!p0 [sflag:s8], $0x0  }
0x24: {  	s3 =	sadd.s32 $0x88, s3;
	s6 =	simm.s32 @!p1 $0x1082;
	[sflag:s4] =	ssyncset.s32 $0xFFFFF086  }
0x25: {  	[simem:s6], [sflag:s4] =	dma.local [hbm:s3], $0xF7A  }
0x26: {  	[smem:$0x3F9F] =	sst s1;
	(tag) =	ssettag s2;
	_ =	strace s9  }
0x27: {  	s1 =	sld [smem:$0x3FAF]  }
0x28: {  	s2 =	sld [smem:$0x3FB0]  }
0x29: {  	s4 =	sld [smem:$0x3FB2]  }
0x2a: {  	p0 =	seq.s32 s5, $0x0;
	s5 =	sld [smem:$0x3FB3]  }
0x2b: {  	s6 =	sld [smem:$0x3FB4]  }
0x2c: {  	s7 =	sld [smem:$0x3FB5]  }
0x2d: {  	s3 =	simm.s32 $0x108;
	s8 =	sld [smem:$0x3FB6]  }
0x2e: {  	s3 =	simm.s32 @!p0 $0x1082;
	s9 =	sld [smem:$0x3FB7]  }
0x2f: {  	lr =	sadd.s32 s0, s3;
	s0 =	sld [smem:$0x3FAE]  }
0x30: {  	s3 =	sld [smem:$0x3FB1]  }
0x31: {  	[smem:$0x3FBA] =	sst s10  }
0x32: {  	s10 =	sld [smem:$0x3FB8];
	_ =	sdelay $0x3  }
0x33: {  	p0 =	seq.s32 s10, $0x1;
	s10 =	sld [smem:$0x3FBA];
	_ =	sdelay $0x3  }
0x34: {  	[smem:$0x3FBA] =	sst s10  }
0x35: {  	s10 =	sld [smem:$0x3FB9];
	_ =	sdelay $0x3  }
0x36: {  	p1 =	seq.s32 s10, $0x1;
	s10 =	sld [smem:$0x3FBA];
	_ =	sdelay $0x3  }
0x37: {  	[smem:$0x3FBA] =	sst s10  }
0x38: {  	s10 =	sld [smem:$0x3FBB]  }
0x39: {  	_ = 	snop;
	(pc) =	sbr.ind lr, $3  }
0x3a: {  	_ = 	snop  }
0x3b: {  	_ = 	snop  }
0x3c: {  	p2 =	seq.s32 s10, $0x1;
	s10 =	sld [smem:$0x3FBA]  }
0x3d: {  	_ =	shalt  }
0x3e: {  	_ =	shalt  }
0x3f: {  	_ =	shalt  }
0x40: {  	_ =	shalt  }
0x41: {  	_ =	shalt  }
0x42: {  	_ =	shalt  }
0x43: {  	_ =	shalt  }
0x44: {  	_ =	shalt  }
0x45: {  	_ =	shalt  }
0x46: {  	_ =	shalt  }
0x47: {  	_ =	shalt  }
0x48: {  	_ =	shalt  }
0x49: {  	_ =	shalt  }
0x4a: {  	_ =	shalt  }
0x4b: {  	_ =	shalt  }
0x4c: {  	_ =	shalt  }
0x4d: {  	_ =	shalt  }
0x4e: {  	_ =	shalt  }
0x4f: {  	_ =	shalt  }
0x50: {  	_ =	shalt  }
0x51: {  	_ =	shalt  }
0x52: {  	_ =	shalt  }
0x53: {  	_ =	shalt  }
0x54: {  	_ =	shalt  }
0x55: {  	_ =	shalt  }
0x56: {  	_ =	shalt  }
0x57: {  	_ =	shalt  }
0x58: {  	_ =	shalt  }
0x59: {  	_ =	shalt  }
0x5a: {  	_ =	shalt  }
0x5b: {  	_ =	shalt  }
0x5c: {  	_ =	shalt  }
0x5d: {  	_ =	shalt  }
0x5e: {  	_ =	shalt  }
0x5f: {  	_ =	shalt  }
0x60: {  	_ =	shalt  }
0x61: {  	_ =	shalt  }
0x62: {  	_ =	shalt  }
0x63: {  	_ =	shalt  }
0x64: {  	_ =	shalt  }
0x65: {  	_ =	shalt  }
0x66: {  	_ =	shalt  }
0x67: {  	_ =	shalt  }
0x68: {  	_ =	shalt  }
0x69: {  	_ =	shalt  }
0x6a: {  	_ =	shalt  }
0x6b: {  	_ =	shalt  }
0x6c: {  	_ =	shalt  }
0x6d: {  	_ =	shalt  }
0x6e: {  	_ =	shalt  }
0x6f: {  	_ =	shalt  }
0x70: {  	_ =	shalt  }
0x71: {  	_ =	shalt  }
0x72: {  	_ =	shalt  }
0x73: {  	_ =	shalt  }
0x74: {  	_ =	shalt  }
0x75: {  	_ =	shalt  }
0x76: {  	_ =	shalt  }
0x77: {  	_ =	shalt  }
0x78: {  	_ =	shalt  }
0x79: {  	_ =	shalt  }
0x7a: {  	_ =	shalt  }
0x7b: {  	_ =	shalt  }
0x7c: {  	_ =	shalt  }
0x7d: {  	_ =	shalt  }
0x7e: {  	_ =	shalt  }
0x7f: {  	_ =	shalt  }
0x80: {  	_ =	shalt  }
0x81: {  	_ =	shalt  }
0x82: {  	_ =	shalt  }
0x83: {  	_ =	shalt  }
0x84: {  	_ =	shalt  }
0x85: {  	_ =	shalt  }
0x86: {  	_ =	shalt  }
0x87: {  	_ =	shalt  }
.Lfunc_end0:
.L_simem_size_0:
called_computation.1_lowered:
.L_overlay_start_0:
0x88: {  	s2 =	sld [smem:$0x3FD9]  }
0x89: {  	s3 =	sld [smem:$0x3FFE];
	_ =	sdelay $0x1  }
0x8a: {  	s1 =	srdreg.scid  }
0x8b: {  	s0 =	sand.u32 $0x1, s1  }
0x8c: {  	s17 =	sshll.u32 s0, $0xA;
	s2 =	sadd.s32 s3, s2  }
0x8d: {  	s2 =	sadd.s32 s2, s17  }
0x8e: {  	[smem:$0x3FC6] =	sst s2  }
0x8f: {  	_ = 	snop  }
0x90: {  	s2 =	sld [smem:$0x3FD0];
	(tm) =	ssettm $0x1  }
0x91: {  	s18 =	sld [smem:$0x3FFB];
	_ =	sdelay $0x3  }
0x92: {  	_ =	strace s18  }
0x93: {  	s3 =	sld [smem:$0x3FFC];
	_ =	sdelay $0x3  }
0x94: {  	_ =	strace s3  }
0x95: {  	s3 =	sld [smem:$0x3FFD];
	_ =	sdelay $0x3  }
0x96: {  	_ =	strace s3  }
0x97: {  	_ =	strace $0x8FFFFFFF  }
0x98: {  	s19 =	sld [smem:$0x3FDB];
	_ =	sdelay $0x1  }
0x99: {  	s4 =	simm.s32 $_scs_section_size  }
0x9a: {  	s5 =	simm.s32 $_size__tile_overlayer_lowered;
	s6 =	simm.s32 $_tile_overlayer_lowered  }
0x9b: {  	s22 =	simm.s32 $0x1BFF;
	s21 =	sshll.u32 s6, $0x1;
	s3 =	sadd.s32 s4, s19  }
0x9c: {  	s7 =	simm.s32 $0x0;
	s20 =	sshll.u32 s5, $0x1;
	s5 =	sadd.s32 s21, s3  }
0x9d: {  	[timem:s7], [sflag:s22] =	dma.local [hbm:s5], s20  }
0x9e: {  	_ =	swait.ge [sflag:s22], s20  }
0x9f: {  	s4 =	ssub.s32 $0x0, s20;
	[sflag:s22] =	ssyncset.done $0x0  }
0xa0: {  	[sflag:s22] =	ssyncadd.s32 s4;
	_ =	sdelay $0x1  }
0xa1: {  	s23 =	simm.s32 $0x1B8B  }
0xa2: {  	_ =	swait.ge [sflag:s23], $0x1  }
0xa3: {  	[sflag:s23] =	ssyncset.done $0x0  }
0xa4: {  	s25 =	simm.s32 $0x1B8E;
	s24 =	sld [smem:$0x3FFE];
	[sflag:s23] =	ssyncadd.s32 $0xFFFFFFFF  }
0xa5: {  	s26 =	simm.s32 $execute0_lowered;
	[smem:$0x3FD2] =	sst s25  }
0xa6: {  	s5 =	sshll.u32 s26, $0x1;
	_ =	strace $0x80000046;
	[dreg:$0x1] =	wrdreg $0xFFFFFFFF  }
0xa7: {  	s28 =	simm.s32 $_size_execute0_lowered;
	s3 =	sadd.s32 s3, s5;
	[dreg:$0x0] =	wrdreg $0x0  }
0xa8: {  	s5 =	sshll.u32 s28, $0x1;
	[dreg:$0x2] =	wrdreg s3  }
0xa9: {  	[dreg:$0x3] =	wrdreg s5  }
0xaa: {  	[dreg:$0x4] =	wrdreg $0xC0  }
0xab: {  	_ =	task [dreg:s7], $0x5FFFF  }
0xac: {  	[dreg:$0x1] =	wrdreg $0xFFFFFFFF  }
0xad: {  	[dreg:$0x0] =	wrdreg $0x60  }
0xae: {  	[dreg:$0x2] =	wrdreg s24  }
0xaf: {  	[dreg:$0x3] =	wrdreg s2  }
0xb0: {  	[dreg:$0x4] =	wrdreg $0x9  }
0xb1: {  	_ =	task.clear_ibuf [dreg:s7], $0x5FFFF;
	_ =	strace $0x90000046  }
0xb2: {  	s29 =	simm.s32 $0x9;
	_ =	strace $0x80000048  }
0xb3: {  	_ =	swait.ge [sflag:s29], $0x1  }
0xb4: {  	[sflag:s29] =	ssyncadd.s32 $0xFFFFFFFF  }
0xb5: {  	_ =	strace $0x90000048  }
0xb6: {  	_ =	sfence  }
0xb7: {  	s30 =	sld [smem:$0x0];
	_ =	sdelay $0x2  }
0xb8: {  	s31 =	sshll.u32 s1, $0xD;
	s1 =	sshrl.u32 s1, $0x2  }
0xb9: {  	s3 =	sand.u32 $0x4000, s31;
	s1 =	sadd.s32 s1, s30  }
0xba: {  	s0 =	sor.u32 s3, s0;
	s1 =	sshll.u32 s1, $0x11  }
0xbb: {  	s0 =	sor.u32 s1, s0  }
0xbc: {  	s0 =	sadd.s32 $0x8F2B, s0  }
0xbd: {  	[sflag:s0] =	ssyncadd.remote.s32 $0x1  }
0xbe: {  	_ =	sfence.sel $0xFFFF  }
0xbf: {  	[dreg:$0x0] =	wrdreg $0xFFFFFFFF;
	(pc) =	sbr.abs _section_cstart, $3  }
0xc0: {  	[dreg:$0x1] =	wrdreg $0xFFFFFFFF  }
0xc1: {  	_ =	task.clear_ibuf [dreg:s7], $0x2FFFF;
	_ =	strace $0x9FFFFFFF  }
0xc2: {  	(tm) =	ssettm $0x7FFFFFFF  }
0xc3: {  	_ =	shalt  }
tec
execute0_lowered:
.L_overlay_start_1:
0x0: {  	(tag) =	ssettag $0x1  }
0x1: {  	s0 =	rddreg [dreg:$0x0]  }
0x2: {  	s1 =	rddreg [dreg:$0x1];
	s3 =	simm.s32 $0x0  }
0x3: {  	[smem:$0x7FF] =	sst s3  }
0x4: {  	s5 =	srdreg.scid;
	s2 =	stileid.u32;
	v0 =	vimm.f32 $2.000000000e+00;
	_ =	strace $0x80000047  }
0x5: {  	s11 =	simm.s32 $0x100;
	s12 =	simm.s32 $0x500;
	s13 =	simm.s32 $0x180;
	(erf) = vrcp.f32 v0  }
0x6: {  	s14 =	simm.s32 $0x3500;
	s15 =	simm.s32 $0x200;
	s16 =	simm.s32 $0x6500  }
0x7: {  	s17 =	simm.s32 $0x280;
	s18 =	simm.s32 $0x9500;
	s19 =	simm.s32 $0x1  }
0x8: {  	s20 =	simm.s32 $0x300;
	s21 =	simm.s32 $0x380;
	s22 =	simm.s32 $0x400  }
0x9: {  	s24 =	simm.s32 $0xC500;
	s25 =	simm.s32 $0x0;
	s4 =	sadd.s32 $0xC00, s0  }
0xa: {  	s6 =	sand.u32 $0x1, s5;
	s7 =	sshll.u32 s2, $0x1;
	s5 =	sadd.s32 $0x6C5400, s0  }
0xb: {  	s10 =	sshrl.u32 s2, $0x2;
	s8 =	ssub.s32 $0x2, s6;
	s6 =	sor.u32 s6, s7  }
0xc: {  	s7 =	sadd.s32 $0x6C0C00, s0;
	s23 =	smul.u32 $0x24000, s10;
	s9 =	sshrl.u32 s8, $0x1  }
0xd: {  	v2 =	vimm.s32 $0x0;
	vm0 =	vcmask $0x300;
	s10 =	simm.s32 $0x80;
	s6 =	smul.u32 $0x1200, s6;
	s31 =	ssub.s32 s8, s9  }
0xe: {  	v2 =	vsel vm0, $0x3, v2;
	s9 =	simm.s32 $0x2;
	v1 =	vmov s23;
	s23 =	simm.s32 $0x480;
	s8 =	smax.u32 s31, $0x1;
	v0 =	vpop (erf)  }
.LBB2_1:
0xf: {  	s26 =	simm.s32 $0x0  }
.LBB2_2:
0x10: {  	s0 =	sshll.u32 s26, $0x7  }
0x11: {  	s28 =	sadd.s32 s6, s0  }
0x12: {  	s0 =	sshrl.u32 s28, $0x3  }
0x13: {  	s30 =	simm.s32 $0x0;
	s29 =	sadd.s32 s5, s0  }
0x14: {  	[tilespmem:s30], [sflag:$0x2] =	stream.linear.gather [hbm4b:s29+s30], $0x80, $0x38;
	[tilespmem:$0xF500] =	vst v63  }
0x15: {  	_ =	swait.ge [sflag:s9], $0x80  }
0x16: {  	[sflag:s9] =	ssyncset.done $0x0  }
0x17: {  	s0 =	sadd.s32 s7, s0;
	[sflag:s9] =	ssyncadd.s32 $0xFFFFFF80  }
0x18: {  	[tilespmem:s10], [sflag:$0x2] =	stream.linear.gather [hbm4b:s0+s30], $0x80, $0x38;
	[tilespmem:$0xF500] =	vst v63  }
0x19: {  	_ =	swait.ge [sflag:s9], $0x80  }
0x1a: {  	[sflag:s9] =	ssyncset.done $0x0  }
0x1b: {  	s30 =	simm.s32 $0x0;
	[sflag:s9] =	ssyncadd.s32 $0xFFFFFF80  }
0x1c: {  	v3 =	vld [tilespmem:s30+$0x0]  }
0x1d: {  	v4 =	vld [tilespmem:s30+$0x80];
	_ =	sdelay $0x3  }
0x1e: {  	v3 =	vadd.f32 $1.000000000e+00, v3  }
0x1f: {  	v4 =	vadd.f32 $1.000000000e+00, v4  }
0x20: {  	s29 =	simm.s32 $0x10;
	v3 =	vmul.f32 $3.830000000e+02, v3  }
0x21: {  	v6 =	vld [tilespmem:s29+$0x0];
	v4 =	vmul.f32 $3.830000000e+02, v4  }
0x22: {  	v7 =	vld [tilespmem:s29+$0x80];
	v3 =	vmul.f32 v3, v0  }
0x23: {  	v4 =	vmul.f32 v4, v0  }
0x24: {  	v5 =	vtrunc.f32 v3  }
0x25: {  	v8 =	vcvt.f32.s32 v5;
	v5 =	vtrunc.f32 v4  }
0x26: {  	v5 =	vcvt.f32.s32 v5  }
0x27: {  	v6 =	vadd.f32 $1.000000000e+00, v6;
	v7 =	vadd.f32 $1.000000000e+00, v7;
	v9 =	vcvt.s32.f32 v8  }
0x28: {  	v10 =	vadd.s32 $0x1, v8;
	v11 =	vcvt.s32.f32 v5;
	v12 =	vadd.s32 $0x1, v5  }
0x29: {  	v13 =	vmul.u32 $0x180, v5;
	vm1 =	vlt.s32 v10, $0x17F;
	v3 =	vsub.f32 v3, v9  }
0x2a: {  	vm15 =	vlt.s32 v5, $0x17F;
	vm2 =	vlt.s32 v12, $0x17F;
	v9 =	vsub.f32 v4, v11  }
0x2b: {  	v4 =	vnsel vm1, $0x17F, v10;
	v10 =	vnsel vm2, $0x17F, v12;
	v5 =	vsub.f32 $1.000000000e+00, v3  }
0x2c: {  	v6 =	vmul.f32 $3.830000000e+02, v6;
	v10 =	vmul.u32 $0x180, v10;
	v11 =	vnsel vm15, $0x0, v9  }
0x2d: {  	v7 =	vmul.f32 $3.830000000e+02, v7;
	v9 =	vsub.f32 $1.000000000e+00, v9;
	v62 =	vmul.f32 v11, v5  }
0x2e: {  	v6 =	vmul.f32 v6, v0;
	vm0 =	vlt.s32 v8, $0x17F;
	v10 =	vadd.s32 v1, v10  }
0x2f: {  	v3 =	vnsel vm0, $0x0, v3;
	v14 =	vmul.f32 v9, v5;
	v63 =	vadd.s32 v8, v10;
	[tilespmem:s30+$0x400] =	vst v62  }
0x30: {  	v15 =	vmul.f32 v9, v3;
	v5 =	vmul.f32 v7, v0;
	v9 =	vadd.s32 v1, v13;
	[tilespmem:s30+$0x200] =	vst v63  }
0x31: {  	v7 =	vmul.f32 v11, v3;
	v3 =	vtrunc.f32 v6;
	v10 =	vadd.s32 v4, v10;
	[tilespmem:s30+$0x300] =	vst v14  }
0x32: {  	s31 =	simm.s32 $0x20;
	s0 =	simm.s32 $0xC0;
	v3 =	vcvt.f32.s32 v3;
	v8 =	vadd.s32 v8, v9;
	[tilespmem:s30+$0x380] =	vst v15;
	v11 =	vtrunc.f32 v5  }
.LBB2_3:
0x33: {  	p0 =	sne.s32 s0, $0x1C0;
	v12 =	vld [tilespmem:s31+$0x0];
	v11 =	vcvt.f32.s32 v11;
	v4 =	vadd.s32 v4, v9;
	[tilespmem:s30+$0x280] =	vst v10  }
0x34: {  	v9 =	vld [tilespmem:s31+$0x80];
	v10 =	vcvt.s32.f32 v3;
	vm0 =	vlt.s32 v3, $0x17F;
	v13 =	vadd.s32 $0x1, v3;
	[tilespmem:s30+$0x480] =	vst v7  }
0x35: {  	v7 =	vcvt.s32.f32 v11;
	v14 =	vadd.s32 $0x1, v11;
	v15 =	vmul.u32 $0x180, v11;
	[tilespmem:s30+$0x100] =	vst v8  }
0x36: {  	vm1 =	vlt.s32 v13, $0x17F;
	v6 =	vsub.f32 v6, v10;
	vm2 =	vlt.s32 v14, $0x17F;
	[tilespmem:s30+$0x180] =	vst v4;
	s30 =	smov.u32 s29;
	s29 =	smov.u32 s31  }
0x37: {  	v4 =	vnsel vm1, $0x17F, v13;
	v5 =	vsub.f32 v5, v7;
	v7 =	vnsel vm2, $0x17F, v14  }
0x38: {  	vm1 =	vlt.s32 v11, $0x17F;
	v8 =	vadd.f32 $1.000000000e+00, v12;
	v10 =	vsub.f32 $1.000000000e+00, v6  }
0x39: {  	v9 =	vadd.f32 $1.000000000e+00, v9;
	v11 =	vnsel vm1, $0x0, v5;
	v5 =	vsub.f32 $1.000000000e+00, v5  }
0x3a: {  	v7 =	vmul.u32 $0x180, v7;
	v8 =	vmul.f32 $3.830000000e+02, v8;
	v12 =	vmul.f32 v11, v10  }
.Ltmp0:
0x3b: {  	v13 =	vnsel vm0, $0x0, v6;
	v9 =	vmul.f32 $3.830000000e+02, v9;
	v10 =	vmul.f32 v5, v10;
	(pc) =	sbr.rel @p0 .LBB2_3-.Ltmp0, $4  }
0x3c: {  	v14 =	vmul.f32 v5, v13;
	v6 =	vmul.f32 v8, v0;
	v8 =	vadd.s32 v1, v7;
	[tilespmem:s30+$0x400] =	vst v12  }
0x3d: {  	v7 =	vmul.f32 v11, v13;
	v5 =	vmul.f32 v9, v0;
	v9 =	vadd.s32 v1, v15;
	[tilespmem:s30+$0x300] =	vst v10  }
0x3e: {  	v13 =	vadd.s32 v3, v8;
	v10 =	vadd.s32 v4, v8;
	v12 =	vtrunc.f32 v6;
	[tilespmem:s30+$0x380] =	vst v14  }
0x3f: {  	s31 =	sshra.s32 s0, $0x2;
	s0 =	sadd.s32 $0x40, s0;
	v8 =	vadd.s32 v3, v9;
	v11 =	vtrunc.f32 v5;
	v3 =	vcvt.f32.s32 v12;
	[tilespmem:s30+$0x200] =	vst v13  }
0x40: {  	v12 =	vld [tilespmem:s31+$0x0];
	[tilespmem:s30+$0x280] =	vst v10  }
0x41: {  	v11 =	vcvt.f32.s32 v11;
	v4 =	vadd.s32 v4, v9;
	v10 =	vld [tilespmem:s31+$0x80]  }
0x42: {  	v33 =	vcvt.s32.f32 v3;
	vm0 =	vlt.s32 v3, $0x17F;
	v13 =	vadd.s32 $0x1, v3  }
0x43: {  	v14 =	vcvt.s32.f32 v11;
	v15 =	vadd.s32 $0x1, v11;
	v16 =	vmul.u32 $0x180, v11  }
0x44: {  	vm1 =	vlt.s32 v13, $0x17F;
	vm11 =	vlt.s32 v11, $0x17F;
	v6 =	vsub.f32 v6, v33  }
0x45: {  	vm2 =	vlt.s32 v15, $0x17F;
	v36 =	vnsel vm1, $0x17F, v13;
	v12 =	vadd.f32 $1.000000000e+00, v12  }
0x46: {  	v5 =	vsub.f32 v5, v14;
	v38 =	vnsel vm2, $0x17F, v15;
	v34 =	vadd.f32 $1.000000000e+00, v10  }
0x47: {  	v48 =	vadd.s32 v1, v16;
	v37 =	vsub.f32 $1.000000000e+00, v6;
	v35 =	vmul.f32 $3.830000000e+02, v12  }
0x48: {  	v44 =	vnsel vm0, $0x0, v6;
	v14 =	vnsel vm11, $0x0, v5;
	v9 =	vmul.f32 $3.830000000e+02, v34  }
0x49: {  	v5 =	vsub.f32 $1.000000000e+00, v5;
	v39 =	vmul.f32 v14, v37;
	v10 =	vmul.f32 v35, v0  }
0x4a: {  	[tilespmem:s30+$0x180] =	vst v4;
	v41 =	vmul.u32 $0x180, v38;
	v4 =	vmul.f32 v14, v44;
	v9 =	vmul.f32 v9, v0  }
0x4b: {  	[tilespmem:s30+$0x480] =	vst v7;
	v52 =	vadd.s32 v36, v48;
	v45 =	vmul.f32 v5, v37;
	v40 =	vtrunc.f32 v10  }
0x4c: {  	[tilespmem:s30+$0x100] =	vst v8;
	v8 =	vadd.s32 v1, v41;
	v42 =	vcvt.f32.s32 v40;
	v43 =	vtrunc.f32 v9  }
0x4d: {  	[tilespmem:s29+$0x180] =	vst v52;
	v5 =	vmul.f32 v5, v44;
	v50 =	vadd.s32 v3, v8;
	v46 =	vcvt.f32.s32 v43  }
0x4e: {  	v8 =	vadd.s32 v36, v8;
	v3 =	vadd.s32 v3, v48;
	[tilespmem:s29+$0x400] =	vst v39;
	v47 =	vcvt.s32.f32 v42  }
0x4f: {  	[tilespmem:s29+$0x200] =	vst v50;
	v58 =	vadd.s32 $0x1, v42;
	v49 =	vcvt.s32.f32 v46;
	v53 =	vadd.s32 $0x1, v46  }
0x50: {  	[tilespmem:s29+$0x280] =	vst v8;
	vm12 =	vlt.s32 v46, $0x17F;
	vm15 =	vlt.s32 v58, $0x17F;
	v51 =	vsub.f32 v10, v47  }
0x51: {  	[tilespmem:s29+$0x480] =	vst v4;
	v59 =	vmul.u32 $0x180, v46;
	vm13 =	vlt.s32 v53, $0x17F;
	v6 =	vsub.f32 v9, v49  }
0x52: {  	[tilespmem:s29+$0x100] =	vst v3;
	v60 =	vnsel vm15, $0x17F, v58;
	v3 =	vnsel vm13, $0x17F, v53;
	v54 =	vsub.f32 $1.000000000e+00, v51  }
0x53: {  	[tilespmem:s29+$0x300] =	vst v45;
	v62 =	vadd.s32 v1, v59;
	v3 =	vmul.u32 $0x180, v3;
	v55 =	vnsel vm12, $0x0, v6  }
0x54: {  	[tilespmem:s29+$0x380] =	vst v5;
	v63 =	vadd.s32 v60, v62;
	v56 =	vmul.f32 v55, v54  }
0x55: {  	vm14 =	vlt.s32 v42, $0x17F;
	[tilespmem:s31+$0x180] =	vst v63;
	v3 =	vadd.s32 v1, v3  }
0x56: {  	v5 =	vnsel vm14, $0x0, v51;
	v6 =	vsub.f32 $1.000000000e+00, v6;
	v61 =	vadd.s32 v42, v3;
	[tilespmem:s31+$0x400] =	vst v56  }
0x57: {  	v4 =	vmul.f32 v55, v5;
	v3 =	vadd.s32 v60, v3;
	[tilespmem:s31+$0x200] =	vst v61  }
0x58: {  	v57 =	vmul.f32 v6, v54;
	[tilespmem:s31+$0x280] =	vst v3  }
0x59: {  	v6 =	vmul.f32 v6, v5;
	[tilespmem:s31+$0x480] =	vst v4  }
0x5a: {  	[tilespmem:s31+$0x300] =	vst v57  }
0x5b: {  	v3 =	vadd.s32 v42, v62;
	[tilespmem:s31+$0x380] =	vst v6  }
0x5c: {  	[tilespmem:s31+$0x100] =	vst v3  }
0x5d: {  	[tilespmem:s12], [sflag:$0x1] =	stream.indirect.gather [hbm4b:s4+s10], $0x60, s11, s10, $0xb8;
	[tilespmem:$0xF500] =	vst v63  }
0x5e: {  	_ = 	snop  }
0x5f: {  	[tilespmem:s14], [sflag:$0x1] =	stream.indirect.gather [hbm4b:s4+s10], $0x60, s13, s10, $0xb8;
	[tilespmem:$0xF500] =	vst v63  }
0x60: {  	_ = 	snop  }
0x61: {  	[tilespmem:s16], [sflag:$0x1] =	stream.indirect.gather [hbm4b:s4+s10], $0x60, s15, s10, $0xb8;
	[tilespmem:$0xF500] =	vst v63  }
0x62: {  	_ = 	snop  }
0x63: {  	[tilespmem:s18], [sflag:$0x1] =	stream.indirect.gather [hbm4b:s4+s10], $0x60, s17, s10, $0xb8;
	[tilespmem:$0xF500] =	vst v63  }
0x64: {  	_ =	swait.ge [sflag:s19], $0x3000  }
0x65: {  	[sflag:s19] =	ssyncset.done $0x0  }
0x66: {  	[sflag:s19] =	ssyncadd.s32 $0xFFFFD000  }
0x67: {  	_ =	swait.ge [sflag:s19], $0x3000  }
0x68: {  	[sflag:s19] =	ssyncset.done $0x0  }
0x69: {  	[sflag:s19] =	ssyncadd.s32 $0xFFFFD000  }
0x6a: {  	_ =	swait.ge [sflag:s19], $0x3000  }
0x6b: {  	[sflag:s19] =	ssyncset.done $0x0  }
0x6c: {  	[sflag:s19] =	ssyncadd.s32 $0xFFFFD000  }
0x6d: {  	_ =	swait.ge [sflag:s19], $0x3000  }
0x6e: {  	[sflag:s19] =	ssyncset.done $0x0  }
0x6f: {  	s29 =	simm.s32 $0x0;
	[sflag:s19] =	ssyncadd.s32 $0xFFFFD000  }
.LBB2_5:
0x70: {  	s31 =	smul.u32 $0x600, s29;
	_ =	sdelay $0x1  }
0x71: {  	v7 =	vld [tilespmem:s31+$0x500]  }
0x72: {  	v8 =	vld [tilespmem:s31+$0x3500]  }
0x73: {  	s30 =	sshll.u32 s29, $0x4;
	v9 =	vld [tilespmem:s31+$0x6500]  }
0x74: {  	v3 =	vmov s30;
	v10 =	vld [tilespmem:s31+$0x9500]  }
0x75: {  	v3 =	vshrl.u32 v3, $0x3;
	v11 =	vld [tilespmem:s31+$0x510]  }
0x76: {  	v12 =	vld [tilespmem:s31+$0x3510];
	v3 =	vshll.u32 v3, v2  }
0x77: {  	v13 =	vld [tilespmem:s31+$0x6510];
	v3 =	vbroadcast v3, $0x0  }
0x78: {  	v14 =	vld [tilespmem:s31+$0x9510]  }
0x79: {  	v15 =	vld [tilespmem:s31+$0x520]  }
0x7a: {  	v16 =	vld [tilespmem:s31+$0x3520]  }
0x7b: {  	v17 =	vld [tilespmem:s31+$0x6520]  }
0x7c: {  	v18 =	vld [tilespmem:s31+$0x9520]  }
0x7d: {  	v4 =	vld.idx.msk [tilespmem:v3+s20+$0x0], $0xffff  }
0x7e: {  	v5 =	vld.idx.msk [tilespmem:v3+s21+$0x0], $0xffff  }
0x7f: {  	v19 =	vld [tilespmem:s31+$0x530]  }
0x80: {  	v6 =	vld.idx.msk [tilespmem:v3+s22+$0x0], $0xffff  }
0x81: {  	v3 =	vld.idx.msk [tilespmem:v3+s23+$0x0], $0xffff  }
0x82: {  	v20 =	vld [tilespmem:s31+$0x3530]  }
0x83: {  	v21 =	vld [tilespmem:s31+$0x6530];
	v7 =	vmul.f32 v7, v4;
	v8 =	vmul.f32 v8, v5  }
0x84: {  	v57 =	vld [tilespmem:s31+$0x9530];
	v11 =	vmul.f32 v11, v4;
	v12 =	vmul.f32 v12, v5  }
0x85: {  	v60 =	vld [tilespmem:s31+$0x3540];
	v55 =	vmul.f32 v15, v4;
	v56 =	vmul.f32 v16, v5  }
0x86: {  	v25 =	vld [tilespmem:s31+$0x3550];
	v9 =	vmul.f32 v9, v6;
	v10 =	vmul.f32 v10, v3  }
0x87: {  	v28 =	vld [tilespmem:s31+$0x6540];
	v13 =	vmul.f32 v13, v6;
	v59 =	vmul.f32 v17, v6  }
0x88: {  	s0 =	sor.u32 $0x1, s30;
	v58 =	vld [tilespmem:s31+$0x540];
	v61 =	vmul.f32 v19, v4;
	v62 =	vmul.f32 v20, v5  }
0x89: {  	v63 =	vld [tilespmem:s31+$0x550];
	v35 =	vmov s0;
	v24 =	vmul.f32 v14, v3;
	v26 =	vmul.f32 v18, v3  }
0x8a: {  	v30 =	vld [tilespmem:s31+$0x6550];
	v36 =	vshrl.u32 v35, $0x3;
	v27 =	vmul.f32 v21, v6;
	v31 =	vmul.f32 v57, v3  }
0x8b: {  	v32 =	vld [tilespmem:s31+$0x9540];
	v33 =	vmul.f32 v60, v5;
	v5 =	vmul.f32 v25, v5;
	v7 =	vadd.f32 v8, v7  }
0x8c: {  	v37 =	vmul.f32 v28, v6;
	v11 =	vadd.f32 v12, v11;
	v8 =	vadd.f32 v56, v55  }
0x8d: {  	v14 =	vshll.u32 v36, v2;
	v12 =	vmul.f32 v58, v4;
	v7 =	vadd.f32 v9, v7  }
0x8e: {  	v34 =	vld [tilespmem:s31+$0x9550];
	v4 =	vmul.f32 v63, v4;
	v11 =	vadd.f32 v13, v11;
	v8 =	vadd.f32 v59, v8  }
0x8f: {  	v38 =	vmul.f32 v30, v6;
	v9 =	vadd.f32 v62, v61;
	v12 =	vadd.f32 v33, v12  }
0x90: {  	v41 =	vmul.f32 v32, v3;
	v4 =	vadd.f32 v5, v4;
	v7 =	vadd.f32 v10, v7  }
0x91: {  	v39 =	vor.u32 $0x1, v14;
	v29 =	vadd.f32 v24, v11;
	v9 =	vadd.f32 v27, v9  }
0x92: {  	v6 =	vbroadcast v39, $0x0;
	v8 =	vadd.f32 v26, v8;
	v40 =	vadd.f32 v37, v12;
	[tilespmem:s31+$0xC500] =	vst v7  }
0x93: {  	v3 =	vmul.f32 v34, v3;
	v4 =	vadd.f32 v38, v4;
	[tilespmem:s31+$0xC510] =	vst v29;
	v9 =	vadd.f32 v31, v9  }
0x94: {  	[tilespmem:s31+$0xC520] =	vst v8;
	v42 =	vadd.f32 v41, v40  }
0x95: {  	v3 =	vadd.f32 v3, v4;
	[tilespmem:s31+$0xC530] =	vst v9  }
0x96: {  	[tilespmem:s31+$0xC540] =	vst v42  }
0x97: {  	[tilespmem:s31+$0xC550] =	vst v3  }
0x98: {  	s31 =	smul.u32 $0x60, s0;
	v3 =	vld.idx.msk [tilespmem:v6+s20+$0x0], $0xffff  }
0x99: {  	v43 =	vld.idx.msk [tilespmem:v6+s21+$0x0], $0xffff  }
0x9a: {  	v5 =	vld [tilespmem:s31+$0x500]  }
0x9b: {  	v44 =	vld [tilespmem:s31+$0x3500]  }
0x9c: {  	v8 =	vld.idx.msk [tilespmem:v6+s22+$0x0], $0xffff  }
0x9d: {  	v9 =	vld [tilespmem:s31+$0x6500]  }
0x9e: {  	v6 =	vld.idx.msk [tilespmem:v6+s23+$0x0], $0xffff  }
0x9f: {  	v10 =	vld [tilespmem:s31+$0x9500]  }
0xa0: {  	v5 =	vmul.f32 v5, v3;
	v7 =	vmul.f32 v44, v43;
	_ =	sdelay $0x1  }
0xa1: {  	v45 =	vmul.f32 v9, v8;
	v5 =	vadd.f32 v7, v5;
	_ =	sdelay $0x1  }
0xa2: {  	v46 =	vmul.f32 v10, v6;
	v5 =	vadd.f32 v45, v5;
	_ =	sdelay $0x1  }
0xa3: {  	v5 =	vadd.f32 v46, v5;
	_ =	sdelay $0x1  }
0xa4: {  	v47 =	vld [tilespmem:s31+$0x510];
	[tilespmem:s31+$0xC500] =	vst v5  }
0xa5: {  	v48 =	vld [tilespmem:s31+$0x3510]  }
0xa6: {  	v49 =	vld [tilespmem:s31+$0x6510]  }
0xa7: {  	v50 =	vld [tilespmem:s31+$0x9510]  }
0xa8: {  	v51 =	vld [tilespmem:s31+$0x520]  }
0xa9: {  	v52 =	vld [tilespmem:s31+$0x3520]  }
0xaa: {  	v53 =	vld [tilespmem:s31+$0x6520]  }
0xab: {  	v54 =	vld [tilespmem:s31+$0x9520]  }
0xac: {  	v55 =	vld [tilespmem:s31+$0x530]  }
0xad: {  	v56 =	vld [tilespmem:s31+$0x3530]  }
0xae: {  	v57 =	vld [tilespmem:s31+$0x6530]  }
0xaf: {  	v58 =	vld [tilespmem:s31+$0x9530]  }
0xb0: {  	v59 =	vld [tilespmem:s31+$0x540]  }
0xb1: {  	v5 =	vmul.f32 v47, v3;
	v61 =	vld [tilespmem:s31+$0x3540]  }
0xb2: {  	v21 =	vld [tilespmem:s31+$0x3550];
	v7 =	vmul.f32 v48, v43;
	v11 =	vmul.f32 v51, v3  }
0xb3: {  	v25 =	vld [tilespmem:s31+$0x6540];
	v12 =	vmul.f32 v52, v43;
	v9 =	vmul.f32 v49, v8  }
0xb4: {  	v26 =	vld [tilespmem:s31+$0x6550];
	v60 =	vmul.f32 v53, v8;
	v15 =	vmul.f32 v55, v3  }
0xb5: {  	v29 =	vld [tilespmem:s31+$0x9540];
	v16 =	vmul.f32 v56, v43;
	v63 =	vmul.f32 v50, v6  }
0xb6: {  	s0 =	sor.u32 $0x2, s30;
	v62 =	vld [tilespmem:s31+$0x550];
	v22 =	vmul.f32 v54, v6;
	v24 =	vmul.f32 v57, v8  }
0xb7: {  	v31 =	vmov s0;
	v28 =	vmul.f32 v58, v6;
	v13 =	vmul.f32 v61, v43  }
0xb8: {  	v32 =	vshrl.u32 v31, $0x3;
	v4 =	vmul.f32 v21, v43;
	v33 =	vmul.f32 v25, v8  }
0xb9: {  	v34 =	vmul.f32 v26, v8;
	v5 =	vadd.f32 v7, v5;
	v11 =	vadd.f32 v12, v11  }
0xba: {  	v30 =	vld [tilespmem:s31+$0x9550];
	v36 =	vmul.f32 v29, v6;
	v23 =	vadd.f32 v16, v15;
	v7 =	vmul.f32 v59, v3  }
0xbb: {  	v3 =	vmul.f32 v62, v3;
	v5 =	vadd.f32 v9, v5;
	v20 =	vadd.f32 v60, v11  }
0xbc: {  	v27 =	vadd.f32 v24, v23;
	v7 =	vadd.f32 v13, v7;
	v11 =	vshll.u32 v32, v2  }
0xbd: {  	v3 =	vadd.f32 v4, v3;
	v35 =	vadd.s32 $0x2, v11;
	v5 =	vadd.f32 v63, v5  }
0xbe: {  	v10 =	vadd.f32 v22, v20;
	v7 =	vadd.f32 v33, v7;
	v8 =	vbroadcast v35, $0x0  }
0xbf: {  	v38 =	vmul.f32 v30, v6;
	v37 =	vadd.f32 v28, v27;
	v3 =	vadd.f32 v34, v3;
	[tilespmem:s31+$0xC510] =	vst v5  }
0xc0: {  	[tilespmem:s31+$0xC520] =	vst v10;
	v39 =	vadd.f32 v36, v7  }
0xc1: {  	[tilespmem:s31+$0xC530] =	vst v37;
	v3 =	vadd.f32 v38, v3  }
0xc2: {  	[tilespmem:s31+$0xC540] =	vst v39  }
0xc3: {  	[tilespmem:s31+$0xC550] =	vst v3  }
0xc4: {  	v3 =	vld.idx.msk [tilespmem:v8+s20+$0x0], $0xffff  }
0xc5: {  	v40 =	vld.idx.msk [tilespmem:v8+s21+$0x0], $0xffff  }
0xc6: {  	s31 =	smul.u32 $0x60, s0;
	v5 =	vld.idx.msk [tilespmem:v8+s22+$0x0], $0xffff  }
0xc7: {  	v6 =	vld.idx.msk [tilespmem:v8+s23+$0x0], $0xffff  }
0xc8: {  	v41 =	vld [tilespmem:s31+$0x500]  }
0xc9: {  	v42 =	vld [tilespmem:s31+$0x3500]  }
0xca: {  	v43 =	vld [tilespmem:s31+$0x6500]  }
0xcb: {  	v10 =	vld [tilespmem:s31+$0x9500]  }
0xcc: {  	v44 =	vld [tilespmem:s31+$0x510]  }
0xcd: {  	v45 =	vld [tilespmem:s31+$0x3510]  }
0xce: {  	v46 =	vld [tilespmem:s31+$0x6510]  }
0xcf: {  	v47 =	vld [tilespmem:s31+$0x9510]  }
0xd0: {  	v48 =	vld [tilespmem:s31+$0x520]  }
0xd1: {  	v49 =	vld [tilespmem:s31+$0x3520]  }
0xd2: {  	v50 =	vld [tilespmem:s31+$0x6520]  }
0xd3: {  	v51 =	vld [tilespmem:s31+$0x9520]  }
0xd4: {  	v52 =	vld [tilespmem:s31+$0x530]  }
0xd5: {  	v53 =	vld [tilespmem:s31+$0x3530]  }
0xd6: {  	v54 =	vld [tilespmem:s31+$0x6530];
	v7 =	vmul.f32 v41, v3;
	v8 =	vmul.f32 v42, v40  }
0xd7: {  	v57 =	vld [tilespmem:s31+$0x9530];
	v11 =	vmul.f32 v44, v3;
	v12 =	vmul.f32 v45, v40  }
0xd8: {  	s0 =	sor.u32 $0x3, s30;
	v58 =	vld [tilespmem:s31+$0x540];
	v55 =	vmul.f32 v48, v3;
	v56 =	vmul.f32 v49, v40  }
0xd9: {  	v33 =	vmov s0;
	v60 =	vld [tilespmem:s31+$0x3540];
	v9 =	vmul.f32 v43, v5;
	v10 =	vmul.f32 v10, v6  }
0xda: {  	v23 =	vld [tilespmem:s31+$0x3550];
	v34 =	vshrl.u32 v33, $0x3;
	v13 =	vmul.f32 v46, v5;
	v59 =	vmul.f32 v50, v5  }
0xdb: {  	v63 =	vld [tilespmem:s31+$0x550];
	v14 =	vshll.u32 v34, v2;
	v61 =	vmul.f32 v52, v3;
	v62 =	vmul.f32 v53, v40  }
0xdc: {  	v26 =	vld [tilespmem:s31+$0x6540];
	v37 =	vadd.s32 $0x3, v14;
	v22 =	vmul.f32 v47, v6;
	v24 =	vmul.f32 v51, v6  }
0xdd: {  	v28 =	vld [tilespmem:s31+$0x6550];
	v25 =	vmul.f32 v54, v5;
	v29 =	vmul.f32 v57, v6;
	v7 =	vadd.f32 v8, v7  }
0xde: {  	v30 =	vld [tilespmem:s31+$0x9540];
	v31 =	vmul.f32 v60, v40;
	v11 =	vadd.f32 v12, v11;
	v8 =	vadd.f32 v56, v55  }
0xdf: {  	v4 =	vmul.f32 v23, v40;
	v12 =	vmul.f32 v58, v3;
	v7 =	vadd.f32 v9, v7  }
0xe0: {  	v32 =	vld [tilespmem:s31+$0x9550];
	v3 =	vmul.f32 v63, v3;
	v11 =	vadd.f32 v13, v11;
	v8 =	vadd.f32 v59, v8  }
0xe1: {  	v35 =	vmul.f32 v26, v5;
	v9 =	vadd.f32 v62, v61;
	v12 =	vadd.f32 v31, v12  }
0xe2: {  	v36 =	vmul.f32 v28, v5;
	v3 =	vadd.f32 v4, v3;
	v7 =	vadd.f32 v10, v7  }
0xe3: {  	v39 =	vmul.f32 v30, v6;
	v27 =	vadd.f32 v22, v11;
	v9 =	vadd.f32 v25, v9  }
0xe4: {  	v5 =	vbroadcast v37, $0x0;
	v8 =	vadd.f32 v24, v8;
	v38 =	vadd.f32 v35, v12;
	[tilespmem:s31+$0xC500] =	vst v7  }
0xe5: {  	v40 =	vmul.f32 v32, v6;
	v3 =	vadd.f32 v36, v3;
	[tilespmem:s31+$0xC510] =	vst v27;
	v9 =	vadd.f32 v29, v9  }
0xe6: {  	[tilespmem:s31+$0xC520] =	vst v8;
	v41 =	vadd.f32 v39, v38  }
0xe7: {  	v3 =	vadd.f32 v40, v3;
	[tilespmem:s31+$0xC530] =	vst v9  }
0xe8: {  	[tilespmem:s31+$0xC540] =	vst v41  }
0xe9: {  	[tilespmem:s31+$0xC550] =	vst v3  }
0xea: {  	v3 =	vld.idx.msk [tilespmem:v5+s20+$0x0], $0xffff  }
0xeb: {  	v42 =	vld.idx.msk [tilespmem:v5+s21+$0x0], $0xffff  }
0xec: {  	s31 =	smul.u32 $0x60, s0;
	v6 =	vld.idx.msk [tilespmem:v5+s22+$0x0], $0xffff  }
0xed: {  	v5 =	vld.idx.msk [tilespmem:v5+s23+$0x0], $0xffff  }
0xee: {  	v43 =	vld [tilespmem:s31+$0x500]  }
0xef: {  	v8 =	vld [tilespmem:s31+$0x3500]  }
0xf0: {  	v9 =	vld [tilespmem:s31+$0x6500]  }
0xf1: {  	v10 =	vld [tilespmem:s31+$0x9500]  }
0xf2: {  	v44 =	vld [tilespmem:s31+$0x510]  }
0xf3: {  	v45 =	vld [tilespmem:s31+$0x3510]  }
0xf4: {  	v46 =	vld [tilespmem:s31+$0x6510]  }
0xf5: {  	v47 =	vld [tilespmem:s31+$0x9510]  }
0xf6: {  	v48 =	vld [tilespmem:s31+$0x520]  }
0xf7: {  	v49 =	vld [tilespmem:s31+$0x3520]  }
0xf8: {  	v50 =	vld [tilespmem:s31+$0x6520]  }
0xf9: {  	v51 =	vld [tilespmem:s31+$0x9520]  }
0xfa: {  	v52 =	vld [tilespmem:s31+$0x530]  }
0xfb: {  	v53 =	vld [tilespmem:s31+$0x3530]  }
0xfc: {  	v54 =	vld [tilespmem:s31+$0x6530];
	v7 =	vmul.f32 v43, v3;
	v8 =	vmul.f32 v8, v42  }
0xfd: {  	v57 =	vld [tilespmem:s31+$0x9530];
	v11 =	vmul.f32 v44, v3;
	v12 =	vmul.f32 v45, v42  }
0xfe: {  	s0 =	sor.u32 $0x4, s30;
	v58 =	vld [tilespmem:s31+$0x540];
	v55 =	vmul.f32 v48, v3;
	v56 =	vmul.f32 v49, v42  }
0xff: {  	v35 =	vmov s0;
	v60 =	vld [tilespmem:s31+$0x3540];
	v9 =	vmul.f32 v9, v6;
	v10 =	vmul.f32 v10, v5  }
0x100: {  	v25 =	vld [tilespmem:s31+$0x3550];
	v36 =	vshrl.u32 v35, $0x3;
	v13 =	vmul.f32 v46, v6;
	v59 =	vmul.f32 v50, v6  }
0x101: {  	v63 =	vld [tilespmem:s31+$0x550];
	v14 =	vshll.u32 v36, v2;
	v61 =	vmul.f32 v52, v3;
	v62 =	vmul.f32 v53, v42  }
0x102: {  	v28 =	vld [tilespmem:s31+$0x6540];
	v39 =	vadd.s32 $0x4, v14;
	v24 =	vmul.f32 v47, v5;
	v26 =	vmul.f32 v51, v5  }
0x103: {  	v30 =	vld [tilespmem:s31+$0x6550];
	v27 =	vmul.f32 v54, v6;
	v31 =	vmul.f32 v57, v5;
	v7 =	vadd.f32 v8, v7  }
0x104: {  	v32 =	vld [tilespmem:s31+$0x9540];
	v33 =	vmul.f32 v60, v42;
	v11 =	vadd.f32 v12, v11;
	v8 =	vadd.f32 v56, v55  }
0x105: {  	v4 =	vmul.f32 v25, v42;
	v12 =	vmul.f32 v58, v3;
	v7 =	vadd.f32 v9, v7  }
0x106: {  	v34 =	vld [tilespmem:s31+$0x9550];
	v3 =	vmul.f32 v63, v3;
	v11 =	vadd.f32 v13, v11;
	v8 =	vadd.f32 v59, v8  }
0x107: {  	v37 =	vmul.f32 v28, v6;
	v9 =	vadd.f32 v62, v61;
	v12 =	vadd.f32 v33, v12  }
0x108: {  	v38 =	vmul.f32 v30, v6;
	v3 =	vadd.f32 v4, v3;
	v7 =	vadd.f32 v10, v7  }
0x109: {  	v41 =	vmul.f32 v32, v5;
	v29 =	vadd.f32 v24, v11;
	v9 =	vadd.f32 v27, v9  }
0x10a: {  	v6 =	vbroadcast v39, $0x0;
	v8 =	vadd.f32 v26, v8;
	v40 =	vadd.f32 v37, v12;
	[tilespmem:s31+$0xC500] =	vst v7  }
0x10b: {  	v42 =	vmul.f32 v34, v5;
	v3 =	vadd.f32 v38, v3;
	[tilespmem:s31+$0xC510] =	vst v29;
	v9 =	vadd.f32 v31, v9  }
0x10c: {  	[tilespmem:s31+$0xC520] =	vst v8;
	v43 =	vadd.f32 v41, v40  }
0x10d: {  	v3 =	vadd.f32 v42, v3;
	[tilespmem:s31+$0xC530] =	vst v9  }
0x10e: {  	[tilespmem:s31+$0xC540] =	vst v43  }
0x10f: {  	[tilespmem:s31+$0xC550] =	vst v3  }
0x110: {  	v3 =	vld.idx.msk [tilespmem:v6+s20+$0x0], $0xffff  }
0x111: {  	v44 =	vld.idx.msk [tilespmem:v6+s21+$0x0], $0xffff  }
0x112: {  	s31 =	smul.u32 $0x60, s0;
	v5 =	vld.idx.msk [tilespmem:v6+s22+$0x0], $0xffff  }
0x113: {  	v6 =	vld.idx.msk [tilespmem:v6+s23+$0x0], $0xffff  }
0x114: {  	v45 =	vld [tilespmem:s31+$0x500]  }
0x115: {  	v8 =	vld [tilespmem:s31+$0x3500]  }
0x116: {  	v9 =	vld [tilespmem:s31+$0x6500]  }
0x117: {  	v10 =	vld [tilespmem:s31+$0x9500]  }
0x118: {  	v46 =	vld [tilespmem:s31+$0x510]  }
0x119: {  	v47 =	vld [tilespmem:s31+$0x3510]  }
0x11a: {  	v48 =	vld [tilespmem:s31+$0x6510]  }
0x11b: {  	v49 =	vld [tilespmem:s31+$0x9510]  }
0x11c: {  	v50 =	vld [tilespmem:s31+$0x520]  }
0x11d: {  	v51 =	vld [tilespmem:s31+$0x3520]  }
0x11e: {  	v52 =	vld [tilespmem:s31+$0x6520]  }
0x11f: {  	v53 =	vld [tilespmem:s31+$0x9520]  }
0x120: {  	v54 =	vld [tilespmem:s31+$0x530]  }
0x121: {  	v55 =	vld [tilespmem:s31+$0x3530]  }
0x122: {  	v56 =	vld [tilespmem:s31+$0x6530];
	v7 =	vmul.f32 v45, v3;
	v8 =	vmul.f32 v8, v44  }
0x123: {  	v59 =	vld [tilespmem:s31+$0x9530];
	v11 =	vmul.f32 v46, v3;
	v12 =	vmul.f32 v47, v44  }
0x124: {  	s0 =	sor.u32 $0x5, s30;
	v60 =	vld [tilespmem:s31+$0x540];
	v57 =	vmul.f32 v50, v3;
	v58 =	vmul.f32 v51, v44  }
0x125: {  	v37 =	vmov s0;
	v62 =	vld [tilespmem:s31+$0x3540];
	v9 =	vmul.f32 v9, v5;
	v10 =	vmul.f32 v10, v6  }
0x126: {  	v27 =	vld [tilespmem:s31+$0x3550];
	v38 =	vshrl.u32 v37, $0x3;
	v13 =	vmul.f32 v48, v5;
	v61 =	vmul.f32 v52, v5  }
0x127: {  	v25 =	vld [tilespmem:s31+$0x550];
	v14 =	vshll.u32 v38, v2;
	v63 =	vmul.f32 v54, v3;
	v24 =	vmul.f32 v55, v44  }
0x128: {  	v30 =	vld [tilespmem:s31+$0x6540];
	v41 =	vadd.s32 $0x5, v14;
	v26 =	vmul.f32 v49, v6;
	v28 =	vmul.f32 v53, v6  }
0x129: {  	v32 =	vld [tilespmem:s31+$0x6550];
	v29 =	vmul.f32 v56, v5;
	v33 =	vmul.f32 v59, v6;
	v7 =	vadd.f32 v8, v7  }
0x12a: {  	v34 =	vld [tilespmem:s31+$0x9540];
	v35 =	vmul.f32 v62, v44;
	v11 =	vadd.f32 v12, v11;
	v8 =	vadd.f32 v58, v57  }
0x12b: {  	v4 =	vmul.f32 v27, v44;
	v12 =	vmul.f32 v60, v3;
	v7 =	vadd.f32 v9, v7  }
0x12c: {  	v36 =	vld [tilespmem:s31+$0x9550];
	v3 =	vmul.f32 v25, v3;
	v11 =	vadd.f32 v13, v11;
	v8 =	vadd.f32 v61, v8  }
0x12d: {  	v39 =	vmul.f32 v30, v5;
	v9 =	vadd.f32 v24, v63;
	v12 =	vadd.f32 v35, v12  }
0x12e: {  	v40 =	vmul.f32 v32, v5;
	v3 =	vadd.f32 v4, v3;
	v7 =	vadd.f32 v10, v7  }
0x12f: {  	v43 =	vmul.f32 v34, v6;
	v31 =	vadd.f32 v26, v11;
	v9 =	vadd.f32 v29, v9  }
0x130: {  	v5 =	vbroadcast v41, $0x0;
	v8 =	vadd.f32 v28, v8;
	v42 =	vadd.f32 v39, v12;
	[tilespmem:s31+$0xC500] =	vst v7  }
0x131: {  	v44 =	vmul.f32 v36, v6;
	v3 =	vadd.f32 v40, v3;
	[tilespmem:s31+$0xC510] =	vst v31;
	v9 =	vadd.f32 v33, v9  }
0x132: {  	[tilespmem:s31+$0xC520] =	vst v8;
	v45 =	vadd.f32 v43, v42  }
0x133: {  	v3 =	vadd.f32 v44, v3;
	[tilespmem:s31+$0xC530] =	vst v9  }
0x134: {  	[tilespmem:s31+$0xC540] =	vst v45  }
0x135: {  	[tilespmem:s31+$0xC550] =	vst v3  }
0x136: {  	v3 =	vld.idx.msk [tilespmem:v5+s20+$0x0], $0xffff  }
0x137: {  	v46 =	vld.idx.msk [tilespmem:v5+s21+$0x0], $0xffff  }
0x138: {  	s31 =	smul.u32 $0x60, s0;
	v6 =	vld.idx.msk [tilespmem:v5+s22+$0x0], $0xffff  }
0x139: {  	v5 =	vld.idx.msk [tilespmem:v5+s23+$0x0], $0xffff  }
0x13a: {  	v47 =	vld [tilespmem:s31+$0x500]  }
0x13b: {  	v8 =	vld [tilespmem:s31+$0x3500]  }
0x13c: {  	v9 =	vld [tilespmem:s31+$0x6500]  }
0x13d: {  	v10 =	vld [tilespmem:s31+$0x9500]  }
0x13e: {  	v48 =	vld [tilespmem:s31+$0x510]  }
0x13f: {  	v49 =	vld [tilespmem:s31+$0x3510]  }
0x140: {  	v50 =	vld [tilespmem:s31+$0x6510]  }
0x141: {  	v51 =	vld [tilespmem:s31+$0x9510]  }
0x142: {  	v52 =	vld [tilespmem:s31+$0x520]  }
0x143: {  	v53 =	vld [tilespmem:s31+$0x3520]  }
0x144: {  	v54 =	vld [tilespmem:s31+$0x6520]  }
0x145: {  	v55 =	vld [tilespmem:s31+$0x9520]  }
0x146: {  	v56 =	vld [tilespmem:s31+$0x530]  }
0x147: {  	v57 =	vld [tilespmem:s31+$0x3530]  }
0x148: {  	v58 =	vld [tilespmem:s31+$0x6530];
	v7 =	vmul.f32 v47, v3;
	v8 =	vmul.f32 v8, v46  }
0x149: {  	v61 =	vld [tilespmem:s31+$0x9530];
	v11 =	vmul.f32 v48, v3;
	v12 =	vmul.f32 v49, v46  }
0x14a: {  	s0 =	sor.u32 $0x6, s30;
	v62 =	vld [tilespmem:s31+$0x540];
	v59 =	vmul.f32 v52, v3;
	v60 =	vmul.f32 v53, v46  }
0x14b: {  	v39 =	vmov s0;
	v24 =	vld [tilespmem:s31+$0x3540];
	v9 =	vmul.f32 v9, v6;
	v10 =	vmul.f32 v10, v5  }
0x14c: {  	v29 =	vld [tilespmem:s31+$0x3550];
	v40 =	vshrl.u32 v39, $0x3;
	v13 =	vmul.f32 v50, v6;
	v63 =	vmul.f32 v54, v6  }
0x14d: {  	v27 =	vld [tilespmem:s31+$0x550];
	v14 =	vshll.u32 v40, v2;
	v25 =	vmul.f32 v56, v3;
	v26 =	vmul.f32 v57, v46  }
0x14e: {  	v32 =	vld [tilespmem:s31+$0x6540];
	v43 =	vadd.s32 $0x6, v14;
	v28 =	vmul.f32 v51, v5;
	v30 =	vmul.f32 v55, v5  }
0x14f: {  	v34 =	vld [tilespmem:s31+$0x6550];
	v31 =	vmul.f32 v58, v6;
	v35 =	vmul.f32 v61, v5;
	v7 =	vadd.f32 v8, v7  }
0x150: {  	v36 =	vld [tilespmem:s31+$0x9540];
	v37 =	vmul.f32 v24, v46;
	v11 =	vadd.f32 v12, v11;
	v8 =	vadd.f32 v60, v59  }
0x151: {  	v4 =	vmul.f32 v29, v46;
	v12 =	vmul.f32 v62, v3;
	v7 =	vadd.f32 v9, v7  }
0x152: {  	v38 =	vld [tilespmem:s31+$0x9550];
	v3 =	vmul.f32 v27, v3;
	v11 =	vadd.f32 v13, v11;
	v8 =	vadd.f32 v63, v8  }
0x153: {  	v41 =	vmul.f32 v32, v6;
	v9 =	vadd.f32 v26, v25;
	v12 =	vadd.f32 v37, v12  }
0x154: {  	v42 =	vmul.f32 v34, v6;
	v3 =	vadd.f32 v4, v3;
	v7 =	vadd.f32 v10, v7  }
0x155: {  	v45 =	vmul.f32 v36, v5;
	v33 =	vadd.f32 v28, v11;
	v9 =	vadd.f32 v31, v9  }
0x156: {  	v6 =	vbroadcast v43, $0x0;
	v8 =	vadd.f32 v30, v8;
	v44 =	vadd.f32 v41, v12;
	[tilespmem:s31+$0xC500] =	vst v7  }
0x157: {  	v46 =	vmul.f32 v38, v5;
	v3 =	vadd.f32 v42, v3;
	[tilespmem:s31+$0xC510] =	vst v33;
	v9 =	vadd.f32 v35, v9  }
0x158: {  	[tilespmem:s31+$0xC520] =	vst v8;
	v47 =	vadd.f32 v45, v44  }
0x159: {  	v3 =	vadd.f32 v46, v3;
	[tilespmem:s31+$0xC530] =	vst v9  }
0x15a: {  	[tilespmem:s31+$0xC540] =	vst v47  }
0x15b: {  	[tilespmem:s31+$0xC550] =	vst v3  }
0x15c: {  	v3 =	vld.idx.msk [tilespmem:v6+s20+$0x0], $0xffff  }
0x15d: {  	v48 =	vld.idx.msk [tilespmem:v6+s21+$0x0], $0xffff  }
0x15e: {  	s31 =	smul.u32 $0x60, s0;
	v5 =	vld.idx.msk [tilespmem:v6+s22+$0x0], $0xffff  }
0x15f: {  	v6 =	vld.idx.msk [tilespmem:v6+s23+$0x0], $0xffff  }
0x160: {  	v49 =	vld [tilespmem:s31+$0x500]  }
0x161: {  	v8 =	vld [tilespmem:s31+$0x3500]  }
0x162: {  	v9 =	vld [tilespmem:s31+$0x6500]  }
0x163: {  	v10 =	vld [tilespmem:s31+$0x9500]  }
0x164: {  	v50 =	vld [tilespmem:s31+$0x510]  }
0x165: {  	v51 =	vld [tilespmem:s31+$0x3510]  }
0x166: {  	v52 =	vld [tilespmem:s31+$0x6510]  }
0x167: {  	v53 =	vld [tilespmem:s31+$0x9510]  }
0x168: {  	v54 =	vld [tilespmem:s31+$0x520]  }
0x169: {  	v55 =	vld [tilespmem:s31+$0x3520]  }
0x16a: {  	v56 =	vld [tilespmem:s31+$0x6520]  }
0x16b: {  	v57 =	vld [tilespmem:s31+$0x9520]  }
0x16c: {  	v58 =	vld [tilespmem:s31+$0x530]  }
0x16d: {  	v59 =	vld [tilespmem:s31+$0x3530]  }
0x16e: {  	v60 =	vld [tilespmem:s31+$0x6530];
	v7 =	vmul.f32 v49, v3;
	v8 =	vmul.f32 v8, v48  }
0x16f: {  	v63 =	vld [tilespmem:s31+$0x9530];
	v11 =	vmul.f32 v50, v3;
	v12 =	vmul.f32 v51, v48  }
0x170: {  	s0 =	sor.u32 $0x7, s30;
	v24 =	vld [tilespmem:s31+$0x540];
	v61 =	vmul.f32 v54, v3;
	v62 =	vmul.f32 v55, v48  }
0x171: {  	v41 =	vmov s0;
	v26 =	vld [tilespmem:s31+$0x3540];
	v9 =	vmul.f32 v9, v5;
	v10 =	vmul.f32 v10, v6  }
0x172: {  	v31 =	vld [tilespmem:s31+$0x3550];
	v42 =	vshrl.u32 v41, $0x3;
	v13 =	vmul.f32 v52, v5;
	v25 =	vmul.f32 v56, v5  }
0x173: {  	v29 =	vld [tilespmem:s31+$0x550];
	v14 =	vshll.u32 v42, v2;
	v27 =	vmul.f32 v58, v3;
	v28 =	vmul.f32 v59, v48  }
0x174: {  	v34 =	vld [tilespmem:s31+$0x6540];
	v45 =	vadd.s32 $0x7, v14;
	v30 =	vmul.f32 v53, v6;
	v32 =	vmul.f32 v57, v6  }
0x175: {  	v36 =	vld [tilespmem:s31+$0x6550];
	v33 =	vmul.f32 v60, v5;
	v37 =	vmul.f32 v63, v6;
	v7 =	vadd.f32 v8, v7  }
0x176: {  	v38 =	vld [tilespmem:s31+$0x9540];
	v39 =	vmul.f32 v26, v48;
	v11 =	vadd.f32 v12, v11;
	v8 =	vadd.f32 v62, v61  }
0x177: {  	v4 =	vmul.f32 v31, v48;
	v12 =	vmul.f32 v24, v3;
	v7 =	vadd.f32 v9, v7  }
0x178: {  	v40 =	vld [tilespmem:s31+$0x9550];
	v3 =	vmul.f32 v29, v3;
	v11 =	vadd.f32 v13, v11;
	v8 =	vadd.f32 v25, v8  }
0x179: {  	v43 =	vmul.f32 v34, v5;
	v9 =	vadd.f32 v28, v27;
	v12 =	vadd.f32 v39, v12  }
0x17a: {  	v44 =	vmul.f32 v36, v5;
	v3 =	vadd.f32 v4, v3;
	v7 =	vadd.f32 v10, v7  }
0x17b: {  	v47 =	vmul.f32 v38, v6;
	v35 =	vadd.f32 v30, v11;
	v9 =	vadd.f32 v33, v9  }
0x17c: {  	v5 =	vbroadcast v45, $0x0;
	v8 =	vadd.f32 v32, v8;
	v46 =	vadd.f32 v43, v12;
	[tilespmem:s31+$0xC500] =	vst v7  }
0x17d: {  	v48 =	vmul.f32 v40, v6;
	v3 =	vadd.f32 v44, v3;
	[tilespmem:s31+$0xC510] =	vst v35;
	v9 =	vadd.f32 v37, v9  }
0x17e: {  	[tilespmem:s31+$0xC520] =	vst v8;
	v49 =	vadd.f32 v47, v46  }
0x17f: {  	v3 =	vadd.f32 v48, v3;
	[tilespmem:s31+$0xC530] =	vst v9  }
0x180: {  	[tilespmem:s31+$0xC540] =	vst v49  }
0x181: {  	[tilespmem:s31+$0xC550] =	vst v3  }
0x182: {  	v3 =	vld.idx.msk [tilespmem:v5+s20+$0x0], $0xffff  }
0x183: {  	v50 =	vld.idx.msk [tilespmem:v5+s21+$0x0], $0xffff  }
0x184: {  	s31 =	smul.u32 $0x60, s0;
	v6 =	vld.idx.msk [tilespmem:v5+s22+$0x0], $0xffff  }
0x185: {  	v5 =	vld.idx.msk [tilespmem:v5+s23+$0x0], $0xffff  }
0x186: {  	v51 =	vld [tilespmem:s31+$0x500]  }
0x187: {  	v8 =	vld [tilespmem:s31+$0x3500]  }
0x188: {  	v9 =	vld [tilespmem:s31+$0x6500]  }
0x189: {  	v10 =	vld [tilespmem:s31+$0x9500]  }
0x18a: {  	v52 =	vld [tilespmem:s31+$0x510]  }
0x18b: {  	v53 =	vld [tilespmem:s31+$0x3510]  }
0x18c: {  	v54 =	vld [tilespmem:s31+$0x6510]  }
0x18d: {  	v55 =	vld [tilespmem:s31+$0x9510]  }
0x18e: {  	v56 =	vld [tilespmem:s31+$0x520]  }
0x18f: {  	v57 =	vld [tilespmem:s31+$0x3520]  }
0x190: {  	v58 =	vld [tilespmem:s31+$0x6520]  }
0x191: {  	v59 =	vld [tilespmem:s31+$0x9520]  }
0x192: {  	v60 =	vld [tilespmem:s31+$0x530]  }
0x193: {  	v61 =	vld [tilespmem:s31+$0x3530]  }
0x194: {  	v62 =	vld [tilespmem:s31+$0x6530];
	v7 =	vmul.f32 v51, v3  }
0x195: {  	v25 =	vld [tilespmem:s31+$0x9530];
	v8 =	vmul.f32 v8, v50;
	v9 =	vmul.f32 v9, v6  }
0x196: {  	v22 =	vld [tilespmem:s31+$0x540];
	v63 =	vmul.f32 v52, v3;
	v24 =	vmul.f32 v53, v50  }
0x197: {  	v30 =	vld [tilespmem:s31+$0x550];
	v15 =	vmul.f32 v56, v3;
	v16 =	vmul.f32 v57, v50  }
0x198: {  	v33 =	vld [tilespmem:s31+$0x3550];
	v26 =	vmul.f32 v54, v6;
	v10 =	vmul.f32 v10, v5  }
0x199: {  	v27 =	vld [tilespmem:s31+$0x3540];
	v29 =	vmul.f32 v58, v6;
	v31 =	vmul.f32 v60, v3  }
0x19a: {  	v35 =	vld [tilespmem:s31+$0x6540];
	v32 =	vmul.f32 v61, v50;
	v14 =	vmul.f32 v55, v5  }
0x19b: {  	v37 =	vld [tilespmem:s31+$0x6550];
	v34 =	vmul.f32 v59, v5;
	v36 =	vmul.f32 v62, v6  }
0x19c: {  	s0 =	sor.u32 $0x8, s30;
	v40 =	vld [tilespmem:s31+$0x9550];
	v12 =	vmul.f32 v25, v5;
	v39 =	vmul.f32 v22, v3  }
0x19d: {  	v41 =	vmov s0;
	v3 =	vmul.f32 v30, v3;
	v4 =	vmul.f32 v33, v50  }
0x19e: {  	v11 =	vmul.f32 v27, v50;
	v7 =	vadd.f32 v8, v7;
	v8 =	vadd.f32 v24, v63  }
0x19f: {  	v42 =	vmul.f32 v35, v6;
	v28 =	vadd.f32 v16, v15;
	v3 =	vadd.f32 v4, v3  }
0x1a0: {  	v38 =	vld [tilespmem:s31+$0x9540];
	v43 =	vmul.f32 v37, v6;
	v7 =	vadd.f32 v9, v7;
	v8 =	vadd.f32 v26, v8  }
0x1a1: {  	v48 =	vmul.f32 v40, v5;
	v13 =	vadd.f32 v29, v28;
	v9 =	vadd.f32 v32, v31  }
0x1a2: {  	v16 =	vshrl.u32 v41, $0x3;
	v3 =	vadd.f32 v43, v3;
	v7 =	vadd.f32 v10, v7  }
0x1a3: {  	v44 =	vshll.u32 v16, v2;
	v8 =	vadd.f32 v14, v8;
	v10 =	vadd.f32 v11, v39  }
0x1a4: {  	v6 =	vbroadcast v44, $0x0;
	v13 =	vadd.f32 v34, v13;
	v9 =	vadd.f32 v36, v9;
	[tilespmem:s31+$0xC500] =	vst v7  }
0x1a5: {  	v46 =	vmul.f32 v38, v5;
	v3 =	vadd.f32 v48, v3;
	v45 =	vadd.f32 v42, v10;
	[tilespmem:s31+$0xC510] =	vst v8  }
0x1a6: {  	v47 =	vadd.f32 v12, v9;
	[tilespmem:s31+$0xC520] =	vst v13  }
0x1a7: {  	[tilespmem:s31+$0xC550] =	vst v3;
	v49 =	vadd.f32 v46, v45  }
0x1a8: {  	[tilespmem:s31+$0xC530] =	vst v47  }
0x1a9: {  	[tilespmem:s31+$0xC540] =	vst v49  }
0x1aa: {  	v3 =	vld.idx.msk [tilespmem:v6+s20+$0x0], $0xffff  }
0x1ab: {  	v50 =	vld.idx.msk [tilespmem:v6+s21+$0x0], $0xffff  }
0x1ac: {  	s31 =	smul.u32 $0x60, s0;
	v5 =	vld.idx.msk [tilespmem:v6+s22+$0x0], $0xffff  }
0x1ad: {  	v6 =	vld.idx.msk [tilespmem:v6+s23+$0x0], $0xffff  }
0x1ae: {  	v51 =	vld [tilespmem:s31+$0x500]  }
0x1af: {  	v8 =	vld [tilespmem:s31+$0x3500]  }
0x1b0: {  	v52 =	vld [tilespmem:s31+$0x6500]  }
0x1b1: {  	v53 =	vld [tilespmem:s31+$0x9500]  }
0x1b2: {  	v54 =	vld [tilespmem:s31+$0x510]  }
0x1b3: {  	v55 =	vld [tilespmem:s31+$0x3510]  }
0x1b4: {  	v13 =	vld [tilespmem:s31+$0x6510]  }
0x1b5: {  	v56 =	vld [tilespmem:s31+$0x9510]  }
0x1b6: {  	v57 =	vld [tilespmem:s31+$0x520]  }
0x1b7: {  	v58 =	vld [tilespmem:s31+$0x3520]  }
0x1b8: {  	v59 =	vld [tilespmem:s31+$0x6520]  }
0x1b9: {  	v60 =	vld [tilespmem:s31+$0x9520]  }
0x1ba: {  	v61 =	vld [tilespmem:s31+$0x530]  }
0x1bb: {  	v62 =	vld [tilespmem:s31+$0x3530]  }
0x1bc: {  	v63 =	vld [tilespmem:s31+$0x6530];
	v7 =	vmul.f32 v51, v3;
	v8 =	vmul.f32 v8, v50  }
0x1bd: {  	v24 =	vld [tilespmem:s31+$0x9530];
	v11 =	vmul.f32 v54, v3;
	v12 =	vmul.f32 v55, v50  }
0x1be: {  	s0 =	sor.u32 $0x9, s30;
	v25 =	vld [tilespmem:s31+$0x540];
	v22 =	vmul.f32 v57, v3;
	v23 =	vmul.f32 v58, v50  }
0x1bf: {  	v42 =	vmov s0;
	v27 =	vld [tilespmem:s31+$0x3540];
	v9 =	vmul.f32 v52, v5;
	v10 =	vmul.f32 v53, v6  }
0x1c0: {  	v32 =	vld [tilespmem:s31+$0x3550];
	v43 =	vshrl.u32 v42, $0x3;
	v13 =	vmul.f32 v13, v5;
	v26 =	vmul.f32 v59, v5  }
0x1c1: {  	v30 =	vld [tilespmem:s31+$0x550];
	v14 =	vshll.u32 v43, v2;
	v28 =	vmul.f32 v61, v3;
	v29 =	vmul.f32 v62, v50  }
0x1c2: {  	v35 =	vld [tilespmem:s31+$0x6540];
	v46 =	vadd.s32 $0x1, v14;
	v31 =	vmul.f32 v56, v6;
	v33 =	vmul.f32 v60, v6  }
0x1c3: {  	v37 =	vld [tilespmem:s31+$0x6550];
	v34 =	vmul.f32 v63, v5;
	v38 =	vmul.f32 v24, v6;
	v7 =	vadd.f32 v8, v7  }
0x1c4: {  	v39 =	vld [tilespmem:s31+$0x9540];
	v40 =	vmul.f32 v27, v50;
	v11 =	vadd.f32 v12, v11;
	v8 =	vadd.f32 v23, v22  }
0x1c5: {  	v4 =	vmul.f32 v32, v50;
	v12 =	vmul.f32 v25, v3;
	v7 =	vadd.f32 v9, v7  }
0x1c6: {  	v41 =	vld [tilespmem:s31+$0x9550];
	v3 =	vmul.f32 v30, v3;
	v11 =	vadd.f32 v13, v11;
	v8 =	vadd.f32 v26, v8  }
0x1c7: {  	v44 =	vmul.f32 v35, v5;
	v9 =	vadd.f32 v29, v28;
	v12 =	vadd.f32 v40, v12  }
0x1c8: {  	v45 =	vmul.f32 v37, v5;
	v3 =	vadd.f32 v4, v3;
	v7 =	vadd.f32 v10, v7  }
0x1c9: {  	v48 =	vmul.f32 v39, v6;
	v36 =	vadd.f32 v31, v11;
	v9 =	vadd.f32 v34, v9  }
0x1ca: {  	v5 =	vbroadcast v46, $0x0;
	v8 =	vadd.f32 v33, v8;
	v47 =	vadd.f32 v44, v12;
	[tilespmem:s31+$0xC500] =	vst v7  }
0x1cb: {  	v49 =	vmul.f32 v41, v6;
	v3 =	vadd.f32 v45, v3;
	[tilespmem:s31+$0xC510] =	vst v36;
	v9 =	vadd.f32 v38, v9  }
0x1cc: {  	[tilespmem:s31+$0xC520] =	vst v8;
	v50 =	vadd.f32 v48, v47  }
0x1cd: {  	v3 =	vadd.f32 v49, v3;
	[tilespmem:s31+$0xC530] =	vst v9  }
0x1ce: {  	[tilespmem:s31+$0xC540] =	vst v50  }
0x1cf: {  	[tilespmem:s31+$0xC550] =	vst v3  }
0x1d0: {  	v3 =	vld.idx.msk [tilespmem:v5+s20+$0x0], $0xffff  }
0x1d1: {  	v51 =	vld.idx.msk [tilespmem:v5+s21+$0x0], $0xffff  }
0x1d2: {  	s31 =	smul.u32 $0x60, s0;
	v6 =	vld.idx.msk [tilespmem:v5+s22+$0x0], $0xffff  }
0x1d3: {  	v5 =	vld.idx.msk [tilespmem:v5+s23+$0x0], $0xffff  }
0x1d4: {  	v52 =	vld [tilespmem:s31+$0x500]  }
0x1d5: {  	v8 =	vld [tilespmem:s31+$0x3500]  }
0x1d6: {  	v9 =	vld [tilespmem:s31+$0x6500]  }
0x1d7: {  	v10 =	vld [tilespmem:s31+$0x9500]  }
0x1d8: {  	v53 =	vld [tilespmem:s31+$0x510]  }
0x1d9: {  	v54 =	vld [tilespmem:s31+$0x3510]  }
0x1da: {  	v55 =	vld [tilespmem:s31+$0x6510]  }
0x1db: {  	v56 =	vld [tilespmem:s31+$0x9510]  }
0x1dc: {  	v57 =	vld [tilespmem:s31+$0x520]  }
0x1dd: {  	v58 =	vld [tilespmem:s31+$0x3520]  }
0x1de: {  	v59 =	vld [tilespmem:s31+$0x6520]  }
0x1df: {  	v60 =	vld [tilespmem:s31+$0x9520]  }
0x1e0: {  	v61 =	vld [tilespmem:s31+$0x530]  }
0x1e1: {  	v62 =	vld [tilespmem:s31+$0x3530]  }
0x1e2: {  	v63 =	vld [tilespmem:s31+$0x6530];
	v7 =	vmul.f32 v52, v3;
	v8 =	vmul.f32 v8, v51  }
0x1e3: {  	v26 =	vld [tilespmem:s31+$0x9530];
	v11 =	vmul.f32 v53, v3;
	v12 =	vmul.f32 v54, v51  }
0x1e4: {  	s0 =	sor.u32 $0xA, s30;
	v27 =	vld [tilespmem:s31+$0x540];
	v24 =	vmul.f32 v57, v3;
	v25 =	vmul.f32 v58, v51  }
0x1e5: {  	v44 =	vmov s0;
	v29 =	vld [tilespmem:s31+$0x3540];
	v9 =	vmul.f32 v9, v6;
	v10 =	vmul.f32 v10, v5  }
0x1e6: {  	v34 =	vld [tilespmem:s31+$0x3550];
	v45 =	vshrl.u32 v44, $0x3;
	v13 =	vmul.f32 v55, v6;
	v28 =	vmul.f32 v59, v6  }
0x1e7: {  	v32 =	vld [tilespmem:s31+$0x550];
	v14 =	vshll.u32 v45, v2;
	v30 =	vmul.f32 v61, v3;
	v31 =	vmul.f32 v62, v51  }
0x1e8: {  	v37 =	vld [tilespmem:s31+$0x6540];
	v48 =	vadd.s32 $0x2, v14;
	v33 =	vmul.f32 v56, v5;
	v35 =	vmul.f32 v60, v5  }
0x1e9: {  	v39 =	vld [tilespmem:s31+$0x6550];
	v36 =	vmul.f32 v63, v6;
	v40 =	vmul.f32 v26, v5;
	v7 =	vadd.f32 v8, v7  }
0x1ea: {  	v41 =	vld [tilespmem:s31+$0x9540];
	v42 =	vmul.f32 v29, v51;
	v11 =	vadd.f32 v12, v11;
	v8 =	vadd.f32 v25, v24  }
0x1eb: {  	v4 =	vmul.f32 v34, v51;
	v12 =	vmul.f32 v27, v3;
	v7 =	vadd.f32 v9, v7  }
0x1ec: {  	v43 =	vld [tilespmem:s31+$0x9550];
	v3 =	vmul.f32 v32, v3;
	v11 =	vadd.f32 v13, v11;
	v8 =	vadd.f32 v28, v8  }
0x1ed: {  	v46 =	vmul.f32 v37, v6;
	v9 =	vadd.f32 v31, v30;
	v12 =	vadd.f32 v42, v12  }
0x1ee: {  	v47 =	vmul.f32 v39, v6;
	v3 =	vadd.f32 v4, v3;
	v7 =	vadd.f32 v10, v7  }
0x1ef: {  	v50 =	vmul.f32 v41, v5;
	v38 =	vadd.f32 v33, v11;
	v9 =	vadd.f32 v36, v9  }
0x1f0: {  	v6 =	vbroadcast v48, $0x0;
	v8 =	vadd.f32 v35, v8;
	v49 =	vadd.f32 v46, v12;
	[tilespmem:s31+$0xC500] =	vst v7  }
0x1f1: {  	v51 =	vmul.f32 v43, v5;
	v3 =	vadd.f32 v47, v3;
	[tilespmem:s31+$0xC510] =	vst v38;
	v9 =	vadd.f32 v40, v9  }
0x1f2: {  	[tilespmem:s31+$0xC520] =	vst v8;
	v52 =	vadd.f32 v50, v49  }
0x1f3: {  	v3 =	vadd.f32 v51, v3;
	[tilespmem:s31+$0xC530] =	vst v9  }
0x1f4: {  	[tilespmem:s31+$0xC540] =	vst v52  }
0x1f5: {  	[tilespmem:s31+$0xC550] =	vst v3  }
0x1f6: {  	v3 =	vld.idx.msk [tilespmem:v6+s20+$0x0], $0xffff  }
0x1f7: {  	v53 =	vld.idx.msk [tilespmem:v6+s21+$0x0], $0xffff  }
0x1f8: {  	s31 =	smul.u32 $0x60, s0;
	v5 =	vld.idx.msk [tilespmem:v6+s22+$0x0], $0xffff  }
0x1f9: {  	v6 =	vld.idx.msk [tilespmem:v6+s23+$0x0], $0xffff  }
0x1fa: {  	v54 =	vld [tilespmem:s31+$0x500]  }
0x1fb: {  	v8 =	vld [tilespmem:s31+$0x3500]  }
0x1fc: {  	v9 =	vld [tilespmem:s31+$0x6500]  }
0x1fd: {  	v10 =	vld [tilespmem:s31+$0x9500]  }
0x1fe: {  	v55 =	vld [tilespmem:s31+$0x510]  }
0x1ff: {  	v56 =	vld [tilespmem:s31+$0x3510]  }
0x200: {  	v57 =	vld [tilespmem:s31+$0x6510]  }
0x201: {  	v58 =	vld [tilespmem:s31+$0x9510]  }
0x202: {  	v59 =	vld [tilespmem:s31+$0x520]  }
0x203: {  	v60 =	vld [tilespmem:s31+$0x3520]  }
0x204: {  	v61 =	vld [tilespmem:s31+$0x6520]  }
0x205: {  	v62 =	vld [tilespmem:s31+$0x9520]  }
0x206: {  	v63 =	vld [tilespmem:s31+$0x530]  }
0x207: {  	v24 =	vld [tilespmem:s31+$0x3530]  }
0x208: {  	v25 =	vld [tilespmem:s31+$0x6530];
	v7 =	vmul.f32 v54, v3;
	v8 =	vmul.f32 v8, v53  }
0x209: {  	v28 =	vld [tilespmem:s31+$0x9530];
	v11 =	vmul.f32 v55, v3;
	v12 =	vmul.f32 v56, v53  }
0x20a: {  	s0 =	sor.u32 $0xB, s30;
	v29 =	vld [tilespmem:s31+$0x540];
	v26 =	vmul.f32 v59, v3;
	v27 =	vmul.f32 v60, v53  }
0x20b: {  	v46 =	vmov s0;
	v31 =	vld [tilespmem:s31+$0x3540];
	v9 =	vmul.f32 v9, v5;
	v10 =	vmul.f32 v10, v6  }
0x20c: {  	v36 =	vld [tilespmem:s31+$0x3550];
	v47 =	vshrl.u32 v46, $0x3;
	v13 =	vmul.f32 v57, v5;
	v30 =	vmul.f32 v61, v5  }
0x20d: {  	v34 =	vld [tilespmem:s31+$0x550];
	v14 =	vshll.u32 v47, v2;
	v32 =	vmul.f32 v63, v3;
	v33 =	vmul.f32 v24, v53  }
0x20e: {  	v39 =	vld [tilespmem:s31+$0x6540];
	v50 =	vadd.s32 $0x3, v14;
	v35 =	vmul.f32 v58, v6;
	v37 =	vmul.f32 v62, v6  }
0x20f: {  	v41 =	vld [tilespmem:s31+$0x6550];
	v38 =	vmul.f32 v25, v5;
	v42 =	vmul.f32 v28, v6;
	v7 =	vadd.f32 v8, v7  }
0x210: {  	v43 =	vld [tilespmem:s31+$0x9540];
	v44 =	vmul.f32 v31, v53;
	v11 =	vadd.f32 v12, v11;
	v8 =	vadd.f32 v27, v26  }
0x211: {  	v4 =	vmul.f32 v36, v53;
	v12 =	vmul.f32 v29, v3;
	v7 =	vadd.f32 v9, v7  }
0x212: {  	v45 =	vld [tilespmem:s31+$0x9550];
	v3 =	vmul.f32 v34, v3;
	v11 =	vadd.f32 v13, v11;
	v8 =	vadd.f32 v30, v8  }
0x213: {  	v48 =	vmul.f32 v39, v5;
	v9 =	vadd.f32 v33, v32;
	v12 =	vadd.f32 v44, v12  }
0x214: {  	v49 =	vmul.f32 v41, v5;
	v3 =	vadd.f32 v4, v3;
	v7 =	vadd.f32 v10, v7  }
0x215: {  	v52 =	vmul.f32 v43, v6;
	v40 =	vadd.f32 v35, v11;
	v9 =	vadd.f32 v38, v9  }
0x216: {  	v5 =	vbroadcast v50, $0x0;
	v8 =	vadd.f32 v37, v8;
	v51 =	vadd.f32 v48, v12;
	[tilespmem:s31+$0xC500] =	vst v7  }
0x217: {  	v53 =	vmul.f32 v45, v6;
	v3 =	vadd.f32 v49, v3;
	[tilespmem:s31+$0xC510] =	vst v40;
	v9 =	vadd.f32 v42, v9  }
0x218: {  	[tilespmem:s31+$0xC520] =	vst v8;
	v54 =	vadd.f32 v52, v51  }
0x219: {  	v3 =	vadd.f32 v53, v3;
	[tilespmem:s31+$0xC530] =	vst v9  }
0x21a: {  	[tilespmem:s31+$0xC540] =	vst v54  }
0x21b: {  	[tilespmem:s31+$0xC550] =	vst v3  }
0x21c: {  	v3 =	vld.idx.msk [tilespmem:v5+s20+$0x0], $0xffff  }
0x21d: {  	v55 =	vld.idx.msk [tilespmem:v5+s21+$0x0], $0xffff  }
0x21e: {  	s31 =	smul.u32 $0x60, s0;
	v6 =	vld.idx.msk [tilespmem:v5+s22+$0x0], $0xffff  }
0x21f: {  	v5 =	vld.idx.msk [tilespmem:v5+s23+$0x0], $0xffff  }
0x220: {  	v56 =	vld [tilespmem:s31+$0x500]  }
0x221: {  	v8 =	vld [tilespmem:s31+$0x3500]  }
0x222: {  	v9 =	vld [tilespmem:s31+$0x6500]  }
0x223: {  	v10 =	vld [tilespmem:s31+$0x9500]  }
0x224: {  	v57 =	vld [tilespmem:s31+$0x510]  }
0x225: {  	v58 =	vld [tilespmem:s31+$0x3510]  }
0x226: {  	v59 =	vld [tilespmem:s31+$0x6510]  }
0x227: {  	v60 =	vld [tilespmem:s31+$0x9510]  }
0x228: {  	v61 =	vld [tilespmem:s31+$0x520]  }
0x229: {  	v62 =	vld [tilespmem:s31+$0x3520]  }
0x22a: {  	v63 =	vld [tilespmem:s31+$0x6520]  }
0x22b: {  	v24 =	vld [tilespmem:s31+$0x9520]  }
0x22c: {  	v25 =	vld [tilespmem:s31+$0x530]  }
0x22d: {  	v26 =	vld [tilespmem:s31+$0x3530]  }
0x22e: {  	v27 =	vld [tilespmem:s31+$0x6530];
	v7 =	vmul.f32 v56, v3;
	v8 =	vmul.f32 v8, v55  }
0x22f: {  	v30 =	vld [tilespmem:s31+$0x9530];
	v11 =	vmul.f32 v57, v3;
	v12 =	vmul.f32 v58, v55  }
0x230: {  	s0 =	sor.u32 $0xC, s30;
	v31 =	vld [tilespmem:s31+$0x540];
	v28 =	vmul.f32 v61, v3;
	v29 =	vmul.f32 v62, v55  }
0x231: {  	v48 =	vmov s0;
	v33 =	vld [tilespmem:s31+$0x3540];
	v9 =	vmul.f32 v9, v6;
	v10 =	vmul.f32 v10, v5  }
0x232: {  	v38 =	vld [tilespmem:s31+$0x3550];
	v49 =	vshrl.u32 v48, $0x3;
	v13 =	vmul.f32 v59, v6;
	v32 =	vmul.f32 v63, v6  }
0x233: {  	v36 =	vld [tilespmem:s31+$0x550];
	v14 =	vshll.u32 v49, v2;
	v34 =	vmul.f32 v25, v3;
	v35 =	vmul.f32 v26, v55  }
0x234: {  	v41 =	vld [tilespmem:s31+$0x6540];
	v52 =	vadd.s32 $0x4, v14;
	v37 =	vmul.f32 v60, v5;
	v39 =	vmul.f32 v24, v5  }
0x235: {  	v43 =	vld [tilespmem:s31+$0x6550];
	v40 =	vmul.f32 v27, v6;
	v44 =	vmul.f32 v30, v5;
	v7 =	vadd.f32 v8, v7  }
0x236: {  	v45 =	vld [tilespmem:s31+$0x9540];
	v46 =	vmul.f32 v33, v55;
	v11 =	vadd.f32 v12, v11;
	v8 =	vadd.f32 v29, v28  }
0x237: {  	v4 =	vmul.f32 v38, v55;
	v12 =	vmul.f32 v31, v3;
	v7 =	vadd.f32 v9, v7  }
0x238: {  	v47 =	vld [tilespmem:s31+$0x9550];
	v3 =	vmul.f32 v36, v3;
	v11 =	vadd.f32 v13, v11;
	v8 =	vadd.f32 v32, v8  }
0x239: {  	v50 =	vmul.f32 v41, v6;
	v9 =	vadd.f32 v35, v34;
	v12 =	vadd.f32 v46, v12  }
0x23a: {  	v51 =	vmul.f32 v43, v6;
	v3 =	vadd.f32 v4, v3;
	v7 =	vadd.f32 v10, v7  }
0x23b: {  	v54 =	vmul.f32 v45, v5;
	v42 =	vadd.f32 v37, v11;
	v9 =	vadd.f32 v40, v9  }
0x23c: {  	v6 =	vbroadcast v52, $0x0;
	v8 =	vadd.f32 v39, v8;
	v53 =	vadd.f32 v50, v12;
	[tilespmem:s31+$0xC500] =	vst v7  }
0x23d: {  	v55 =	vmul.f32 v47, v5;
	v3 =	vadd.f32 v51, v3;
	[tilespmem:s31+$0xC510] =	vst v42;
	v9 =	vadd.f32 v44, v9  }
0x23e: {  	[tilespmem:s31+$0xC520] =	vst v8;
	v56 =	vadd.f32 v54, v53  }
0x23f: {  	v3 =	vadd.f32 v55, v3;
	[tilespmem:s31+$0xC530] =	vst v9  }
0x240: {  	[tilespmem:s31+$0xC540] =	vst v56  }
0x241: {  	[tilespmem:s31+$0xC550] =	vst v3  }
0x242: {  	v3 =	vld.idx.msk [tilespmem:v6+s20+$0x0], $0xffff  }
0x243: {  	v57 =	vld.idx.msk [tilespmem:v6+s21+$0x0], $0xffff  }
0x244: {  	s31 =	smul.u32 $0x60, s0;
	v5 =	vld.idx.msk [tilespmem:v6+s22+$0x0], $0xffff  }
0x245: {  	v6 =	vld.idx.msk [tilespmem:v6+s23+$0x0], $0xffff  }
0x246: {  	v58 =	vld [tilespmem:s31+$0x500]  }
0x247: {  	v8 =	vld [tilespmem:s31+$0x3500]  }
0x248: {  	v9 =	vld [tilespmem:s31+$0x6500]  }
0x249: {  	v10 =	vld [tilespmem:s31+$0x9500]  }
0x24a: {  	v59 =	vld [tilespmem:s31+$0x510]  }
0x24b: {  	v60 =	vld [tilespmem:s31+$0x3510]  }
0x24c: {  	v61 =	vld [tilespmem:s31+$0x6510]  }
0x24d: {  	v62 =	vld [tilespmem:s31+$0x9510]  }
0x24e: {  	v63 =	vld [tilespmem:s31+$0x520]  }
0x24f: {  	v24 =	vld [tilespmem:s31+$0x3520]  }
0x250: {  	v25 =	vld [tilespmem:s31+$0x6520]  }
0x251: {  	v26 =	vld [tilespmem:s31+$0x9520]  }
0x252: {  	v27 =	vld [tilespmem:s31+$0x530]  }
0x253: {  	v28 =	vld [tilespmem:s31+$0x3530]  }
0x254: {  	v29 =	vld [tilespmem:s31+$0x6530];
	v7 =	vmul.f32 v58, v3;
	v8 =	vmul.f32 v8, v57  }
0x255: {  	v32 =	vld [tilespmem:s31+$0x9530];
	v11 =	vmul.f32 v59, v3;
	v12 =	vmul.f32 v60, v57  }
0x256: {  	s0 =	sor.u32 $0xD, s30;
	v33 =	vld [tilespmem:s31+$0x540];
	v30 =	vmul.f32 v63, v3;
	v31 =	vmul.f32 v24, v57  }
0x257: {  	v50 =	vmov s0;
	v35 =	vld [tilespmem:s31+$0x3540];
	v9 =	vmul.f32 v9, v5;
	v10 =	vmul.f32 v10, v6  }
0x258: {  	v40 =	vld [tilespmem:s31+$0x3550];
	v51 =	vshrl.u32 v50, $0x3;
	v13 =	vmul.f32 v61, v5;
	v34 =	vmul.f32 v25, v5  }
0x259: {  	v38 =	vld [tilespmem:s31+$0x550];
	v14 =	vshll.u32 v51, v2;
	v36 =	vmul.f32 v27, v3;
	v37 =	vmul.f32 v28, v57  }
0x25a: {  	v43 =	vld [tilespmem:s31+$0x6540];
	v54 =	vadd.s32 $0x5, v14;
	v39 =	vmul.f32 v62, v6;
	v41 =	vmul.f32 v26, v6  }
0x25b: {  	v45 =	vld [tilespmem:s31+$0x6550];
	v42 =	vmul.f32 v29, v5;
	v46 =	vmul.f32 v32, v6;
	v7 =	vadd.f32 v8, v7  }
0x25c: {  	v47 =	vld [tilespmem:s31+$0x9540];
	v48 =	vmul.f32 v35, v57;
	v11 =	vadd.f32 v12, v11;
	v8 =	vadd.f32 v31, v30  }
0x25d: {  	v4 =	vmul.f32 v40, v57;
	v12 =	vmul.f32 v33, v3;
	v7 =	vadd.f32 v9, v7  }
0x25e: {  	v49 =	vld [tilespmem:s31+$0x9550];
	v3 =	vmul.f32 v38, v3;
	v11 =	vadd.f32 v13, v11;
	v8 =	vadd.f32 v34, v8  }
0x25f: {  	v52 =	vmul.f32 v43, v5;
	v9 =	vadd.f32 v37, v36;
	v12 =	vadd.f32 v48, v12  }
0x260: {  	v53 =	vmul.f32 v45, v5;
	v3 =	vadd.f32 v4, v3;
	v7 =	vadd.f32 v10, v7  }
0x261: {  	v56 =	vmul.f32 v47, v6;
	v44 =	vadd.f32 v39, v11;
	v9 =	vadd.f32 v42, v9  }
0x262: {  	v5 =	vbroadcast v54, $0x0;
	v8 =	vadd.f32 v41, v8;
	v55 =	vadd.f32 v52, v12;
	[tilespmem:s31+$0xC500] =	vst v7  }
0x263: {  	v57 =	vmul.f32 v49, v6;
	v3 =	vadd.f32 v53, v3;
	[tilespmem:s31+$0xC510] =	vst v44;
	v9 =	vadd.f32 v46, v9  }
0x264: {  	[tilespmem:s31+$0xC520] =	vst v8;
	v58 =	vadd.f32 v56, v55  }
0x265: {  	v3 =	vadd.f32 v57, v3;
	[tilespmem:s31+$0xC530] =	vst v9  }
0x266: {  	[tilespmem:s31+$0xC540] =	vst v58  }
0x267: {  	[tilespmem:s31+$0xC550] =	vst v3  }
0x268: {  	v3 =	vld.idx.msk [tilespmem:v5+s20+$0x0], $0xffff  }
0x269: {  	v59 =	vld.idx.msk [tilespmem:v5+s21+$0x0], $0xffff  }
0x26a: {  	s0 =	smul.u32 $0x60, s0;
	v6 =	vld.idx.msk [tilespmem:v5+s22+$0x0], $0xffff  }
0x26b: {  	v5 =	vld.idx.msk [tilespmem:v5+s23+$0x0], $0xffff  }
0x26c: {  	v60 =	vld [tilespmem:s0+$0x500]  }
0x26d: {  	v8 =	vld [tilespmem:s0+$0x3500]  }
0x26e: {  	v9 =	vld [tilespmem:s0+$0x6500]  }
0x26f: {  	v10 =	vld [tilespmem:s0+$0x9500]  }
0x270: {  	v61 =	vld [tilespmem:s0+$0x510]  }
0x271: {  	v62 =	vld [tilespmem:s0+$0x3510]  }
0x272: {  	v63 =	vld [tilespmem:s0+$0x6510]  }
0x273: {  	v24 =	vld [tilespmem:s0+$0x9510]  }
0x274: {  	v25 =	vld [tilespmem:s0+$0x520]  }
0x275: {  	v26 =	vld [tilespmem:s0+$0x3520]  }
0x276: {  	v27 =	vld [tilespmem:s0+$0x6520]  }
0x277: {  	v28 =	vld [tilespmem:s0+$0x9520]  }
0x278: {  	v29 =	vld [tilespmem:s0+$0x530]  }
0x279: {  	v30 =	vld [tilespmem:s0+$0x3530]  }
0x27a: {  	v31 =	vld [tilespmem:s0+$0x6530];
	v7 =	vmul.f32 v60, v3;
	v8 =	vmul.f32 v8, v59  }
0x27b: {  	v34 =	vld [tilespmem:s0+$0x9530];
	v11 =	vmul.f32 v61, v3;
	v12 =	vmul.f32 v62, v59  }
0x27c: {  	s30 =	sor.u32 $0xE, s30;
	v35 =	vld [tilespmem:s0+$0x540];
	v32 =	vmul.f32 v25, v3;
	v33 =	vmul.f32 v26, v59  }
0x27d: {  	v52 =	vmov s30;
	v37 =	vld [tilespmem:s0+$0x3540];
	v9 =	vmul.f32 v9, v6;
	v10 =	vmul.f32 v10, v5  }
0x27e: {  	v53 =	vshrl.u32 v52, $0x3;
	v42 =	vld [tilespmem:s0+$0x3550];
	v13 =	vmul.f32 v63, v6;
	v36 =	vmul.f32 v27, v6  }
0x27f: {  	v14 =	vshll.u32 v53, v2;
	v40 =	vld [tilespmem:s0+$0x550];
	v38 =	vmul.f32 v29, v3;
	v39 =	vmul.f32 v30, v59  }
0x280: {  	v56 =	vadd.s32 $0x6, v14;
	v45 =	vld [tilespmem:s0+$0x6540];
	v41 =	vmul.f32 v24, v5;
	v43 =	vmul.f32 v28, v5  }
0x281: {  	v47 =	vld [tilespmem:s0+$0x6550];
	v44 =	vmul.f32 v31, v6;
	v48 =	vmul.f32 v34, v5;
	v7 =	vadd.f32 v8, v7  }
0x282: {  	v49 =	vld [tilespmem:s0+$0x9540];
	v50 =	vmul.f32 v37, v59;
	v11 =	vadd.f32 v12, v11;
	v8 =	vadd.f32 v33, v32  }
0x283: {  	v4 =	vmul.f32 v42, v59;
	v12 =	vmul.f32 v35, v3;
	v7 =	vadd.f32 v9, v7  }
0x284: {  	v51 =	vld [tilespmem:s0+$0x9550];
	v3 =	vmul.f32 v40, v3;
	v11 =	vadd.f32 v13, v11;
	v8 =	vadd.f32 v36, v8  }
0x285: {  	v54 =	vmul.f32 v45, v6;
	v9 =	vadd.f32 v39, v38;
	v12 =	vadd.f32 v50, v12  }
0x286: {  	v55 =	vmul.f32 v47, v6;
	v3 =	vadd.f32 v4, v3;
	v7 =	vadd.f32 v10, v7  }
0x287: {  	v58 =	vmul.f32 v49, v5;
	v46 =	vadd.f32 v41, v11;
	v9 =	vadd.f32 v44, v9  }
0x288: {  	v6 =	vbroadcast v56, $0x0;
	v8 =	vadd.f32 v43, v8;
	v57 =	vadd.f32 v54, v12;
	[tilespmem:s0+$0xC500] =	vst v7  }
0x289: {  	v59 =	vmul.f32 v51, v5;
	v3 =	vadd.f32 v55, v3;
	[tilespmem:s0+$0xC510] =	vst v46;
	v9 =	vadd.f32 v48, v9  }
0x28a: {  	[tilespmem:s0+$0xC520] =	vst v8;
	v60 =	vadd.f32 v58, v57  }
0x28b: {  	v3 =	vadd.f32 v59, v3;
	[tilespmem:s0+$0xC530] =	vst v9  }
0x28c: {  	[tilespmem:s0+$0xC540] =	vst v60  }
0x28d: {  	[tilespmem:s0+$0xC550] =	vst v3  }
0x28e: {  	v3 =	vld.idx.msk [tilespmem:v6+s20+$0x0], $0xffff  }
0x28f: {  	v61 =	vld.idx.msk [tilespmem:v6+s21+$0x0], $0xffff  }
0x290: {  	s30 =	smul.u32 $0x60, s30;
	v5 =	vld.idx.msk [tilespmem:v6+s22+$0x0], $0xffff  }
0x291: {  	v6 =	vld.idx.msk [tilespmem:v6+s23+$0x0], $0xffff  }
0x292: {  	v62 =	vld [tilespmem:s30+$0x500]  }
0x293: {  	v8 =	vld [tilespmem:s30+$0x3500]  }
0x294: {  	v9 =	vld [tilespmem:s30+$0x6500]  }
0x295: {  	v10 =	vld [tilespmem:s30+$0x9500]  }
0x296: {  	v63 =	vld [tilespmem:s30+$0x510]  }
0x297: {  	v24 =	vld [tilespmem:s30+$0x3510]  }
0x298: {  	v25 =	vld [tilespmem:s30+$0x6510]  }
0x299: {  	v26 =	vld [tilespmem:s30+$0x9510]  }
0x29a: {  	v27 =	vld [tilespmem:s30+$0x520]  }
0x29b: {  	v28 =	vld [tilespmem:s30+$0x3520]  }
0x29c: {  	v29 =	vld [tilespmem:s30+$0x6520]  }
0x29d: {  	v30 =	vld [tilespmem:s30+$0x9520]  }
0x29e: {  	v31 =	vld [tilespmem:s30+$0x530]  }
0x29f: {  	v32 =	vld [tilespmem:s30+$0x3530]  }
0x2a0: {  	v33 =	vld [tilespmem:s30+$0x6530];
	v7 =	vmul.f32 v62, v3;
	v8 =	vmul.f32 v8, v61  }
0x2a1: {  	v36 =	vld [tilespmem:s30+$0x9530];
	v11 =	vmul.f32 v63, v3;
	v12 =	vmul.f32 v24, v61  }
0x2a2: {  	s31 =	sshllo.u32 s29, $0x4;
	v37 =	vld [tilespmem:s30+$0x540];
	v34 =	vmul.f32 v27, v3;
	v35 =	vmul.f32 v28, v61  }
0x2a3: {  	v54 =	vmov s31;
	v39 =	vld [tilespmem:s30+$0x3540];
	v9 =	vmul.f32 v9, v5;
	v10 =	vmul.f32 v10, v6  }
0x2a4: {  	v55 =	vshrl.u32 v54, $0x3;
	v44 =	vld [tilespmem:s30+$0x3550];
	v13 =	vmul.f32 v25, v5;
	v38 =	vmul.f32 v29, v5  }
0x2a5: {  	v14 =	vshll.u32 v55, v2;
	v42 =	vld [tilespmem:s30+$0x550];
	v40 =	vmul.f32 v31, v3;
	v41 =	vmul.f32 v32, v61  }
0x2a6: {  	v58 =	vadd.s32 $0x7, v14;
	v47 =	vld [tilespmem:s30+$0x6540];
	v43 =	vmul.f32 v26, v6;
	v45 =	vmul.f32 v30, v6  }
0x2a7: {  	v49 =	vld [tilespmem:s30+$0x6550];
	v46 =	vmul.f32 v33, v5;
	v50 =	vmul.f32 v36, v6;
	v7 =	vadd.f32 v8, v7  }
0x2a8: {  	v51 =	vld [tilespmem:s30+$0x9540];
	v52 =	vmul.f32 v39, v61;
	v11 =	vadd.f32 v12, v11;
	v8 =	vadd.f32 v35, v34  }
0x2a9: {  	v4 =	vmul.f32 v44, v61;
	v12 =	vmul.f32 v37, v3;
	v7 =	vadd.f32 v9, v7  }
0x2aa: {  	v53 =	vld [tilespmem:s30+$0x9550];
	v3 =	vmul.f32 v42, v3;
	v11 =	vadd.f32 v13, v11;
	v8 =	vadd.f32 v38, v8  }
0x2ab: {  	v56 =	vmul.f32 v47, v5;
	v9 =	vadd.f32 v41, v40;
	v12 =	vadd.f32 v52, v12  }
0x2ac: {  	v57 =	vmul.f32 v49, v5;
	v3 =	vadd.f32 v4, v3;
	v7 =	vadd.f32 v10, v7  }
0x2ad: {  	v60 =	vmul.f32 v51, v6;
	v48 =	vadd.f32 v43, v11;
	v9 =	vadd.f32 v46, v9  }
0x2ae: {  	v5 =	vbroadcast v58, $0x0;
	v8 =	vadd.f32 v45, v8;
	v59 =	vadd.f32 v56, v12;
	[tilespmem:s30+$0xC500] =	vst v7  }
0x2af: {  	v61 =	vmul.f32 v53, v6;
	v3 =	vadd.f32 v57, v3;
	[tilespmem:s30+$0xC510] =	vst v48;
	v9 =	vadd.f32 v50, v9  }
0x2b0: {  	[tilespmem:s30+$0xC520] =	vst v8;
	v62 =	vadd.f32 v60, v59  }
0x2b1: {  	v3 =	vadd.f32 v61, v3;
	[tilespmem:s30+$0xC530] =	vst v9  }
0x2b2: {  	[tilespmem:s30+$0xC540] =	vst v62  }
0x2b3: {  	[tilespmem:s30+$0xC550] =	vst v3  }
0x2b4: {  	v3 =	vld.idx.msk [tilespmem:v5+s20+$0x0], $0xffff  }
0x2b5: {  	v63 =	vld.idx.msk [tilespmem:v5+s21+$0x0], $0xffff  }
0x2b6: {  	s31 =	smul.u32 $0x60, s31;
	v6 =	vld.idx.msk [tilespmem:v5+s22+$0x0], $0xffff  }
0x2b7: {  	v5 =	vld.idx.msk [tilespmem:v5+s23+$0x0], $0xffff  }
0x2b8: {  	v24 =	vld [tilespmem:s31+$0x500]  }
0x2b9: {  	v8 =	vld [tilespmem:s31+$0x3500]  }
0x2ba: {  	v9 =	vld [tilespmem:s31+$0x6500]  }
0x2bb: {  	v10 =	vld [tilespmem:s31+$0x9500]  }
0x2bc: {  	v25 =	vld [tilespmem:s31+$0x510]  }
0x2bd: {  	v26 =	vld [tilespmem:s31+$0x3510]  }
0x2be: {  	v27 =	vld [tilespmem:s31+$0x6510]  }
0x2bf: {  	v28 =	vld [tilespmem:s31+$0x9510]  }
0x2c0: {  	v29 =	vld [tilespmem:s31+$0x520]  }
0x2c1: {  	v30 =	vld [tilespmem:s31+$0x3520]  }
0x2c2: {  	v31 =	vld [tilespmem:s31+$0x6520]  }
0x2c3: {  	v33 =	vld [tilespmem:s31+$0x530]  }
0x2c4: {  	v34 =	vld [tilespmem:s31+$0x3530]  }
0x2c5: {  	v35 =	vld [tilespmem:s31+$0x6530];
	v7 =	vmul.f32 v24, v3;
	v8 =	vmul.f32 v8, v63  }
0x2c6: {  	v23 =	vld [tilespmem:s31+$0x540];
	v11 =	vmul.f32 v25, v3;
	v12 =	vmul.f32 v26, v63  }
0x2c7: {  	v39 =	vld [tilespmem:s31+$0x3540];
	v37 =	vmul.f32 v9, v6;
	v38 =	vmul.f32 v10, v5  }
0x2c8: {  	v42 =	vld [tilespmem:s31+$0x550];
	v40 =	vmul.f32 v27, v6;
	v41 =	vmul.f32 v28, v5  }
0x2c9: {  	v45 =	vld [tilespmem:s31+$0x3550];
	v43 =	vmul.f32 v29, v3;
	v44 =	vmul.f32 v30, v63  }
0x2ca: {  	v32 =	vld [tilespmem:s31+$0x9520];
	v46 =	vmul.f32 v33, v3;
	v47 =	vmul.f32 v34, v63  }
0x2cb: {  	v48 =	vld [tilespmem:s31+$0x6540];
	v49 =	vmul.f32 v31, v6;
	v51 =	vmul.f32 v35, v6  }
0x2cc: {  	v50 =	vld [tilespmem:s31+$0x6550];
	v53 =	vmul.f32 v23, v3;
	v10 =	vmul.f32 v39, v63  }
0x2cd: {  	v36 =	vld [tilespmem:s31+$0x9530];
	v3 =	vmul.f32 v42, v3;
	v7 =	vadd.f32 v8, v7;
	v11 =	vadd.f32 v12, v11  }
0x2ce: {  	v52 =	vld [tilespmem:s31+$0x9540];
	v4 =	vmul.f32 v45, v63;
	v8 =	vadd.f32 v44, v43;
	v12 =	vadd.f32 v47, v46  }
0x2cf: {  	v54 =	vld [tilespmem:s31+$0x9550];
	v55 =	vmul.f32 v32, v5;
	v9 =	vadd.f32 v10, v53;
	v7 =	vadd.f32 v37, v7  }
0x2d0: {  	v56 =	vmul.f32 v48, v6;
	v3 =	vadd.f32 v4, v3;
	v11 =	vadd.f32 v40, v11  }
0x2d1: {  	v57 =	vmul.f32 v50, v6;
	v8 =	vadd.f32 v49, v8;
	v7 =	vadd.f32 v38, v7  }
0x2d2: {  	v58 =	vmul.f32 v36, v5;
	v12 =	vadd.f32 v51, v12;
	v11 =	vadd.f32 v41, v11  }
0x2d3: {  	p0 =	sne.s32 s29, $0x7;
	v61 =	vmul.f32 v52, v5;
	v60 =	vadd.f32 v56, v9;
	v59 =	vadd.f32 v55, v8;
	[tilespmem:s31+$0xC500] =	vst v7  }
.Ltmp1:
0x2d4: {  	v62 =	vmul.f32 v54, v5;
	v3 =	vadd.f32 v57, v3;
	v6 =	vadd.f32 v58, v12;
	[tilespmem:s31+$0xC510] =	vst v11;
	(pc) =	sbr.rel @p0 .LBB2_5-.Ltmp1, $4  }
0x2d5: {  	v63 =	vadd.f32 v61, v60;
	[tilespmem:s31+$0xC520] =	vst v59  }
0x2d6: {  	v3 =	vadd.f32 v62, v3;
	[tilespmem:s31+$0xC530] =	vst v6  }
0x2d7: {  	[tilespmem:s31+$0xC540] =	vst v63  }
0x2d8: {  	s29 =	sadd.s32 $0x1, s29;
	[tilespmem:s31+$0xC550] =	vst v3  }
0x2d9: {  	s0 =	smul.u32 $0xC, s28;
	s26 =	sadd.s32 $0x1, s26  }
0x2da: {  	p0 =	sne.s32 s26, $0x24  }
.Ltmp2:
0x2db: {  	s0 =	sadd.s32 s1, s0;
	(pc) =	sbr.rel @p0 .LBB2_2-.Ltmp2, $4  }
0x2dc: {  	[hbm4b:s0+s3] =	stream.linear.scatter [tilespmem:s24], [sflag:$0x2], $0x3000, $0x38;
	[tilespmem:$0xF500] =	vst v63  }
0x2dd: {  	_ =	swait.ge [sflag:s9], $0x3000  }
0x2de: {  	[sflag:s9] =	ssyncset.done $0x0  }
0x2df: {  	[sflag:s9] =	ssyncadd.s32 $0xFFFFD000  }
0x2e0: {  	s25 =	sadd.s32 $0x1, s25  }
0x2e1: {  	p0 =	sne.s32 s25, s8  }
.Ltmp3:
0x2e2: {  	_ = 	snop;
	(pc) =	sbr.rel @p0 .LBB2_1-.Ltmp3, $1  }
0x2e3: {  	_ =	sdelay $0x3  }
0x2e4: {  	_ =	sfence.sel $0x180000  }
0x2e5: {  	[bflag:$0x0] =	sbarrier.arrive $0xFFFF  }
0x2e6: {  	_ =	strace $0x90000047  }
0x2e7: {  	[bflag:$0x2] =	sbarrier.arrive $0xFFFF  }
0x2e8: {  	p0 =	sne.s32 s2, $0x0;
	s0 =	rddreg [dreg:$0x2]  }
0x2e9: {  	s0 =	sadd.s32 @!p0 $0x100000, s0  }
0x2ea: {  	[sflag:s0] =	ssyncadd.tile.s32 @!p0 $0x1;
	_ =	shalt  }
.Lfunc_end2:
_tile_overlayer_lowered:
.L_overlay_start_2:
0x2eb: {  	(tag) =	ssettag $0x2  }
0x2ec: {  	s0 =	rddreg [dreg:$0x0];
	s2 =	stileid.u32  }
0x2ed: {  	s1 =	rddreg [dreg:$0x1];
	p0 =	sne.s32 s2, $0x0  }
0x2ee: {  	s3 =	rddreg [dreg:$0x2];
	[bflag:$0x3] =	sbarrier.arrive $0xFFFF;
	s2 =	simm.s32 @!p0 $0x1C02  }
0x2ef: {  	[timem:s3], [sflag:s2] =	dma.local @!p0 [hbm:s0], s1  }
0x2f0: {  	s0 =	simm.s32 @!p0 $0x2  }
0x2f1: {  	_ =	swait.ge @!p0 [sflag:s0], s1  }
0x2f2: {  	s1 =	ssub.s32 @!p0 $0x0, s1;
	[sflag:s0] =	ssyncset.done @!p0 $0x0  }
0x2f3: {  	[sflag:s0] =	ssyncadd.s32 @!p0 s1  }
0x2f4: {  	[bflag:$0x3] =	sbarrier.arrive $0xFFFF  }
0x2f5: {  	_ =	shalt  }

// kernel: sparse-core-data-format-call.cloned.1.call-start
scs
called_computation_lowered:
.L_overlay_start_0:
0x0: {  	s2 =	sld [smem:$0x3FD9]  }
0x1: {  	s3 =	sld [smem:$0x3FFE];
	_ =	sdelay $0x1  }
0x2: {  	s1 =	srdreg.scid  }
0x3: {  	s0 =	sand.u32 $0x1, s1  }
0x4: {  	s18 =	sshll.u32 s0, $0xA;
	s2 =	sadd.s32 s3, s2  }
0x5: {  	s2 =	sadd.s32 s2, s18  }
0x6: {  	[smem:$0x3FC6] =	sst s2  }
0x7: {  	_ = 	snop  }
0x8: {  	s2 =	sld [smem:$0x3FD0];
	(tm) =	ssettm $0x1  }
0x9: {  	s19 =	sld [smem:$0x3FFB];
	_ =	sdelay $0x3  }
0xa: {  	_ =	strace s19  }
0xb: {  	s3 =	sld [smem:$0x3FFC];
	_ =	sdelay $0x3  }
0xc: {  	_ =	strace s3  }
0xd: {  	s3 =	sld [smem:$0x3FFD];
	_ =	sdelay $0x3  }
0xe: {  	_ =	strace s3  }
0xf: {  	_ =	strace $0x8FFFFFFF  }
0x10: {  	s20 =	sld [smem:$0x3FDB];
	_ =	sdelay $0x1  }
0x11: {  	s4 =	simm.s32 $_scs_section_size  }
0x12: {  	s5 =	simm.s32 $_size__tile_overlayer_lowered;
	s6 =	simm.s32 $_tile_overlayer_lowered  }
0x13: {  	s23 =	simm.s32 $0x1BFF;
	s22 =	sshll.u32 s6, $0x1;
	s3 =	sadd.s32 s4, s20  }
0x14: {  	s7 =	simm.s32 $0x0;
	s21 =	sshll.u32 s5, $0x1;
	s5 =	sadd.s32 s22, s3  }
0x15: {  	[timem:s7], [sflag:s23] =	dma.local [hbm:s5], s21  }
0x16: {  	_ =	swait.ge [sflag:s23], s21  }
0x17: {  	s4 =	ssub.s32 $0x0, s21;
	[sflag:s23] =	ssyncset.done $0x0  }
0x18: {  	[sflag:s23] =	ssyncadd.s32 s4;
	_ =	sdelay $0x1  }
0x19: {  	s24 =	simm.s32 $0x1B8B  }
0x1a: {  	_ =	swait.ge [sflag:s24], $0x1  }
0x1b: {  	[sflag:s24] =	ssyncset.done $0x0  }
0x1c: {  	s26 =	simm.s32 $0x1B8E;
	s25 =	sld [smem:$0x3FFE];
	[sflag:s24] =	ssyncadd.s32 $0xFFFFFFFF  }
0x1d: {  	s27 =	simm.s32 $execute0_lowered;
	[smem:$0x3FD2] =	sst s26  }
0x1e: {  	s5 =	sshll.u32 s27, $0x1;
	_ =	strace $0x80000049;
	[dreg:$0x1] =	wrdreg $0xFFFFFFFF  }
0x1f: {  	s28 =	simm.s32 $_size_execute0_lowered;
	s3 =	sadd.s32 s3, s5;
	[dreg:$0x0] =	wrdreg $0x0  }
0x20: {  	s5 =	sshll.u32 s28, $0x1;
	[dreg:$0x2] =	wrdreg s3  }
0x21: {  	[dreg:$0x3] =	wrdreg s5  }
0x22: {  	[dreg:$0x4] =	wrdreg $0xC0  }
0x23: {  	_ =	task [dreg:s7], $0x5FFFF  }
0x24: {  	[dreg:$0x1] =	wrdreg $0xFFFFFFFF  }
0x25: {  	[dreg:$0x0] =	wrdreg $0x60  }
0x26: {  	[dreg:$0x2] =	wrdreg s25  }
0x27: {  	[dreg:$0x3] =	wrdreg s2  }
0x28: {  	[dreg:$0x4] =	wrdreg $0x9  }
0x29: {  	_ =	task.clear_ibuf [dreg:s7], $0x5FFFF;
	_ =	strace $0x90000049  }
0x2a: {  	s29 =	simm.s32 $0x9;
	_ =	strace $0x8000004B  }
0x2b: {  	_ =	swait.ge [sflag:s29], $0x1  }
0x2c: {  	[sflag:s29] =	ssyncadd.s32 $0xFFFFFFFF  }
0x2d: {  	_ =	strace $0x9000004B  }
0x2e: {  	_ =	sfence  }
0x2f: {  	s30 =	sld [smem:$0x0];
	_ =	sdelay $0x2  }
0x30: {  	s31 =	sshll.u32 s1, $0xD;
	s1 =	sshrl.u32 s1, $0x2  }
0x31: {  	s3 =	sand.u32 $0x4000, s31;
	s1 =	sadd.s32 s1, s30  }
0x32: {  	s0 =	sor.u32 s3, s0;
	s1 =	sshll.u32 s1, $0x11  }
0x33: {  	s0 =	sor.u32 s1, s0  }
0x34: {  	s0 =	sadd.s32 $0x8F2B, s0  }
0x35: {  	[sflag:s0] =	ssyncadd.remote.s32 $0x1  }
0x36: {  	_ =	sfence.sel $0xFFFF  }
0x37: {  	[dreg:$0x0] =	wrdreg $0xFFFFFFFF;
	(pc) =	sbr.abs _section_cstart, $3  }
0x38: {  	[dreg:$0x1] =	wrdreg $0xFFFFFFFF  }
0x39: {  	_ =	task.clear_ibuf [dreg:s7], $0x2FFFF;
	_ =	strace $0x9FFFFFFF  }
0x3a: {  	(tm) =	ssettm $0x7FFFFFFF  }
0x3b: {  	_ =	shalt  }
tec
execute0_lowered:
.L_overlay_start_1:
0x0: {  	(tag) =	ssettag $0x1  }
0x1: {  	s1 =	rddreg [dreg:$0x0]  }
0x2: {  	s2 =	rddreg [dreg:$0x1]  }
0x3: {  	s0 =	rddreg [dreg:$0x2];
	_ =	strace $0x8000004A;
	s4 =	srdreg.scid  }
0x4: {  	s6 =	simm.s32 $0x2;
	s14 =	simm.s32 $0x0;
	p0 =	por $0x0, $0x0  }
0x5: {  	s12 =	simm.s32 $0x0;
	s15 =	simm.s32 $0x0;
	s13 =	simm.s32 $0x0  }
.Ltmp0:
0x6: {  	s8 =	simm.s32 $0x0;
	s9 =	simm.s32 $0x0;
	(pc) =	sbr.rel .LBB1_1-.Ltmp0, $4  }
0x7: {  	s11 =	simm.s32 $0x0;
	s3 =	sadd.s32 $0x240C00, s1;
	s5 =	sshll.u32 s4, $0x4  }
0x8: {  	s1 =	stileid.u32;
	s4 =	simm.s32 $0x1;
	s5 =	sand.u32 $0x10, s5  }
0x9: {  	s7 =	simm.s32 $0x0;
	[sflag:s4] =	ssyncpa.u1 $0x0;
	s5 =	sor.u32 s1, s5  }
0xa: {  	[sflag:s6] =	ssyncpa.u1 $0x0;
	s6 =	simm.s32 $0x9000;
	s10 =	smov.u32 s5  }
.LBB1_7:
0xb: {  	s16 =	sadd.s32 $0x80, s8  }
0xc: {  	s12 =	sadd.s32 $0x8, s9;
	s17 =	smov.u32 s9;
	p2 =	sgt.s32 s16, $0x17F  }
0xd: {  	s17 =	smov.u32 @p2 s12  }
0xe: {  	s18 =	smov.u32 s10;
	s12 =	sadd.s32 $0x20, s10;
	p3 =	sgt.s32 s17, $0x7  }
0xf: {  	s18 =	smov.u32 @p3 s12  }
0x10: {  	s19 =	smov.u32 s11;
	s12 =	sadd.s32 $0x10, s11;
	p4 =	sgt.s32 s18, $0x5F  }
0x11: {  	p1 =	slt.u32 s7, $0x2;
	s19 =	smov.u32 @p4 s12  }
0x12: {  	s7 =	sadd.s32 $0x1, s7;
	s16 =	simm.s32 @p2 $0x0;
	p2 =	sgt.s32 s19, $0x2F  }
0x13: {  	s14 =	smov.u32 s8;
	s19 =	simm.s32 @p2 $0x0;
	p2 =	sne.s32 s7, $0x1D  }
.Ltmp1:
0x14: {  	s15 =	smov.u32 s10;
	s20 =	simm.s32 @!p1 $0x2;
	(pc) =	sbr.rel @!p2 .LBB1_8-.Ltmp1, $4  }
0x15: {  	s13 =	smov.u32 s11;
	p0 =	por !p0, !p0;
	_ =	swait.ge @!p1 [sflag:s20], $0x4000  }
0x16: {  	[sflag:s20] =	ssyncset.done @!p1 $0x0;
	s8 =	smov.u32 s16;
	s17 =	simm.s32 @p3 $0x0  }
0x17: {  	[sflag:s20] =	ssyncadd.s32 @!p1 $0xFFFFC000;
	s18 =	smov.u32 @p4 s5;
	s12 =	smov.u32 s9  }
0x18: {  	s9 =	smov.u32 s17;
	s10 =	smov.u32 s18;
	s11 =	smov.u32 s19  }
.LBB1_1:
0x19: {  	p1 =	sgt.u32 s7, $0x1A  }
0x1a: {  	s16 =	sshrl.u32 @!p1 s9, $0x3  }
0x1b: {  	s17 =	sshll.u32 @!p1 s8, $0x3;
	s16 =	smul.u32 @!p1 $0xC00, s16  }
0x1c: {  	s18 =	sshll.u32 @!p1 s9, $0x7;
	s17 =	sand.u32 @!p1 $0xFFFFFC00, s17  }
0x1d: {  	s16 =	sadd.s32 @!p1 s16, s17;
	s17 =	sand.u32 @!p1 $0x380, s18  }
0x1e: {  	s18 =	sand.u32 @!p1 $0x7F, s8;
	s16 =	sor.u32 @!p1 s17, s16  }
0x1f: {  	s17 =	sor.u32 @!p1 s18, s16  }
0x20: {  	s18 =	smulhi.u32 @!p1 $0xAAAAAAAB, s17  }
0x21: {  	s16 =	smulhi.u32 @!p1 $0xAAAAAAAB, s16  }
0x22: {  	s20 =	smul.u32 @!p1 $0x9000, s11;
	s18 =	sshrl.u32 @!p1 s18, $0x8  }
0x23: {  	s19 =	sxor.u32 @!p1 $0xFFFFFFFF, s7;
	s16 =	sshrl.u32 @!p1 s16, $0x8;
	s18 =	smul.u32 @!p1 $0x180, s18  }
0x24: {  	s21 =	smul.u32 @!p1 $0x180, s10;
	s19 =	sshll.u32 @!p1 s19, $0xE;
	s16 =	sand.u32 @!p1 $0x7, s16  }
0x25: {  	s16 =	smul.u32 @!p1 $0x30, s16;
	s17 =	ssub.s32 @!p1 s17, s18;
	s18 =	sadd.s32 @!p1 s3, s20  }
0x26: {  	s19 =	sand.u32 @!p1 $0x4000, s19;
	s18 =	sadd.s32 @!p1 s21, s18;
	s20 =	sand.u32 @!p1 $0x7, s17  }
0x27: {  	s17 =	sshrl.u32 @!p1 s17, $0x3;
	s16 =	sadd.s32 @!p1 s16, s18;
	s18 =	sshll.u32 @!p1 s20, $0x12  }
0x28: {  	s16 =	sadd.s32 @!p1 s17, s16;
	s17 =	sor.u32 @!p1 $0x400, s18;
	s18 =	simm.s32 @!p1 $0x48000  }
0x29: {  	[tilespmem:s19], [sflag:$0x1] =	stream.strided.gather @!p1 [hbm4b:s16+s17], $0x4000, s18, s17, $0x38;
	[tilespmem:$0x10000] =	vst v63  }
0x2a: {  	p1 =	seq.s32 s7, $0x0  }
0x2b: {  	p2 =	seq.s32 @!p1 s7, $0x1C  }
0x2c: {  	p1 =	por p1, p2  }
.Ltmp2:
0x2d: {  	_ = 	snop;
	(pc) =	sbr.rel @p1 .LBB1_7-.Ltmp2, $1  }
0x2e: {  	_ =	sdelay $0x3  }
0x2f: {  	s16 =	simm.s32 $0x1;
	_ =	swait.ge [sflag:s4], $0x4000;
	s19 =	sshll.u32 s7, $0xE  }
0x30: {  	s16 =	simm.s32 @!p0 $0x0;
	[sflag:s4] =	ssyncset.done $0x0;
	s31 =	sand.u32 $0x4000, s19  }
0x31: {  	s19 =	simm.s32 $0x0;
	s16 =	sshll.u32 s16, $0xE;
	[sflag:s4] =	ssyncadd.s32 $0xFFFFC000  }
0x32: {  	s17 =	sor.u32 $0x70, s16;
	s18 =	sor.u32 $0x8040, s16;
	s16 =	sor.u32 $0x8000, s31  }
.LBB1_3:
0x33: {  	v1 =	vmov s17;
	_ =	sdelay $0x3  }
0x34: {  	s20 =	simm.s32 $0x0  }
0x35: {  	v7 =	vld.idx.msk [tilespmem:v1+s20+$0x0 ss:$0x1], $0xffff  }
0x36: {  	v0 =	vmov s18;
	v8 =	vld.idx.msk [tilespmem:v1+s20+$0xFFFFFF90 ss:$0x1], $0xffff  }
0x37: {  	v6 =	vld.idx.msk [tilespmem:v1+s20+$0xFFFFFFA0 ss:$0x1], $0xffff  }
0x38: {  	v5 =	vld.idx.msk [tilespmem:v1+s20+$0xFFFFFFB0 ss:$0x1], $0xffff  }
0x39: {  	v4 =	vld.idx.msk [tilespmem:v1+s20+$0xFFFFFFC0 ss:$0x1], $0xffff  }
0x3a: {  	v2 =	vld.idx.msk [tilespmem:v1+s20+$0xFFFFFFD0 ss:$0x1], $0xffff  }
0x3b: {  	v3 =	vld.idx.msk [tilespmem:v1+s20+$0xFFFFFFE0 ss:$0x1], $0xffff;
	[tilespmem:v0+s20+$0x30 ss:$0x1] =	vst.idx.msk $0xffff, v7  }
0x3c: {  	s21 =	simm.s32 $0x80;
	s22 =	simm.s32 $0x400;
	[tilespmem:v0+s20+$0xFFFFFFC0 ss:$0x1] =	vst.idx.msk $0xffff, v8;
	v7 =	vld.idx.msk [tilespmem:v1+s20+$0xFFFFFFF0 ss:$0x1], $0xffff  }
.LBB1_4:
0x3d: {  	p1 =	sne.s32 s22, $0xE00;
	v8 =	vld.idx.msk [tilespmem:v1+s21+$0x0 ss:$0x1], $0xffff;
	[tilespmem:v0+s20+$0xFFFFFFD0 ss:$0x1] =	vst.idx.msk $0xffff, v6  }
0x3e: {  	v9 =	vld.idx.msk [tilespmem:v1+s21+$0xFFFFFF90 ss:$0x1], $0xffff;
	[tilespmem:v0+s20+$0xFFFFFFE0 ss:$0x1] =	vst.idx.msk $0xffff, v5  }
0x3f: {  	v6 =	vld.idx.msk [tilespmem:v1+s21+$0xFFFFFFA0 ss:$0x1], $0xffff;
	[tilespmem:v0+s20+$0xFFFFFFF0 ss:$0x1] =	vst.idx.msk $0xffff, v4  }
.Ltmp3:
0x40: {  	v5 =	vld.idx.msk [tilespmem:v1+s21+$0xFFFFFFB0 ss:$0x1], $0xffff;
	[tilespmem:v0+s20+$0x0 ss:$0x1] =	vst.idx.msk $0xffff, v2;
	(pc) =	sbr.rel @p1 .LBB1_4-.Ltmp3, $4  }
0x41: {  	v4 =	vld.idx.msk [tilespmem:v1+s21+$0xFFFFFFC0 ss:$0x1], $0xffff;
	[tilespmem:v0+s20+$0x10 ss:$0x1] =	vst.idx.msk $0xffff, v3  }
0x42: {  	v2 =	vld.idx.msk [tilespmem:v1+s21+$0xFFFFFFD0 ss:$0x1], $0xffff;
	[tilespmem:v0+s20+$0x20 ss:$0x1] =	vst.idx.msk $0xffff, v7;
	s20 =	smov.u32 s21  }
0x43: {  	v3 =	vld.idx.msk [tilespmem:v1+s20+$0xFFFFFFE0 ss:$0x1], $0xffff;
	[tilespmem:v0+s20+$0x30 ss:$0x1] =	vst.idx.msk $0xffff, v8  }
0x44: {  	s21 =	sshra.s32 s22, $0x2;
	s22 =	sadd.s32 $0x200, s22;
	[tilespmem:v0+s20+$0xFFFFFFC0 ss:$0x1] =	vst.idx.msk $0xffff, v9;
	v7 =	vld.idx.msk [tilespmem:v1+s20+$0xFFFFFFF0 ss:$0x1], $0xffff  }
0x45: {  	_ =	sdelay $0x3  }
0x46: {  	[tilespmem:v0+s20+$0xFFFFFFD0 ss:$0x1] =	vst.idx.msk $0xffff, v6  }
0x47: {  	v56 =	vld.idx.msk [tilespmem:v1+s21+$0x0 ss:$0x1], $0xffff;
	[tilespmem:v0+s20+$0xFFFFFFE0 ss:$0x1] =	vst.idx.msk $0xffff, v5  }
0x48: {  	v57 =	vld.idx.msk [tilespmem:v1+s21+$0xFFFFFF90 ss:$0x1], $0xffff;
	[tilespmem:v0+s20+$0xFFFFFFF0 ss:$0x1] =	vst.idx.msk $0xffff, v4  }
0x49: {  	v58 =	vld.idx.msk [tilespmem:v1+s21+$0xFFFFFFA0 ss:$0x1], $0xffff;
	[tilespmem:v0+s20+$0x0 ss:$0x1] =	vst.idx.msk $0xffff, v2  }
0x4a: {  	v59 =	vld.idx.msk [tilespmem:v1+s21+$0xFFFFFFB0 ss:$0x1], $0xffff;
	[tilespmem:v0+s20+$0x10 ss:$0x1] =	vst.idx.msk $0xffff, v3  }
0x4b: {  	v60 =	vld.idx.msk [tilespmem:v1+s21+$0xFFFFFFC0 ss:$0x1], $0xffff;
	[tilespmem:v0+s20+$0x20 ss:$0x1] =	vst.idx.msk $0xffff, v7  }
0x4c: {  	v61 =	vld.idx.msk [tilespmem:v1+s21+$0xFFFFFFD0 ss:$0x1], $0xffff;
	[tilespmem:v0+s21+$0x30 ss:$0x1] =	vst.idx.msk $0xffff, v56  }
0x4d: {  	v62 =	vld.idx.msk [tilespmem:v1+s21+$0xFFFFFFE0 ss:$0x1], $0xffff;
	s19 =	sadd.s32 $0x1, s19;
	[tilespmem:v0+s21+$0xFFFFFFC0 ss:$0x1] =	vst.idx.msk $0xffff, v57  }
0x4e: {  	v63 =	vld.idx.msk [tilespmem:v1+s21+$0xFFFFFFF0 ss:$0x1], $0xffff;
	p1 =	sne.s32 s19, $0x10;
	[tilespmem:v0+s21+$0xFFFFFFD0 ss:$0x1] =	vst.idx.msk $0xffff, v58  }
.Ltmp4:
0x4f: {  	[tilespmem:v0+s21+$0xFFFFFFE0 ss:$0x1] =	vst.idx.msk $0xffff, v59;
	(pc) =	sbr.rel @p1 .LBB1_3-.Ltmp4, $4  }
0x50: {  	[tilespmem:v0+s21+$0xFFFFFFF0 ss:$0x1] =	vst.idx.msk $0xffff, v60  }
0x51: {  	[tilespmem:v0+s21+$0x0 ss:$0x1] =	vst.idx.msk $0xffff, v61  }
0x52: {  	[tilespmem:v0+s21+$0x10 ss:$0x1] =	vst.idx.msk $0xffff, v62  }
0x53: {  	s17 =	sadd.s32 $0x400, s17;
	s18 =	sadd.s32 $0x400, s18;
	[tilespmem:v0+s21+$0x20 ss:$0x1] =	vst.idx.msk $0xffff, v63  }
0x54: {  	s17 =	sshrl.u32 s15, $0x3  }
0x55: {  	s18 =	sshll.u32 s14, $0x3;
	s17 =	smul.u32 $0xC00, s17  }
0x56: {  	s27 =	sshll.u32 s15, $0x7;
	s18 =	sand.u32 $0xFFFFFC00, s18  }
0x57: {  	s15 =	sand.u32 $0x380, s27;
	s17 =	sadd.s32 s17, s18  }
0x58: {  	s28 =	sand.u32 $0x7F, s14;
	s15 =	sor.u32 s15, s17  }
0x59: {  	s14 =	sor.u32 s28, s15;
	s15 =	smulhi.u32 $0xAAAAAAAB, s15;
	_ =	sdelay $0x1  }
0x5a: {  	s13 =	smul.u32 $0x9000, s13;
	s15 =	sshrl.u32 s15, $0x8  }
0x5b: {  	s30 =	smulhi.u32 $0x2AAAAAB, s15  }
0x5c: {  	s29 =	smulhi.u32 $0xAAAAAAAB, s14  }
0x5d: {  	s18 =	smul.u32 $0x60, s30  }
0x5e: {  	s12 =	smul.u32 $0x1200, s12;
	s17 =	sshrl.u32 s29, $0x8  }
0x5f: {  	s17 =	smul.u32 $0x180, s17;
	s15 =	ssub.s32 s15, s18  }
0x60: {  	s15 =	smul.u32 $0x30, s15  }
.Ltmp5:
0x61: {  	s13 =	sadd.s32 s2, s13;
	s14 =	ssub.s32 s14, s17;
	(pc) =	sbr.rel .LBB1_7-.Ltmp5, $4  }
0x62: {  	s12 =	sadd.s32 s12, s13;
	s31 =	sand.u32 $0x7, s14  }
0x63: {  	s14 =	sshrl.u32 s14, $0x3;
	s13 =	sshll.u32 s31, $0x12;
	s12 =	sadd.s32 s15, s12  }
0x64: {  	s13 =	sor.u32 $0x80, s13;
	s12 =	sadd.s32 s14, s12  }
0x65: {  	[hbm4b:s12+s13] =	stream.strided.scatter [tilespmem:s16], [sflag:$0x2], $0x4000, s6, s13, $0x38;
	[tilespmem:$0x10000] =	vst v63  }
.LBB1_8:
0x66: {  	_ =	sfence.sel $0x180000  }
0x67: {  	s2 =	simm.s32 $0x1;
	[bflag:$0x0] =	sbarrier.arrive $0xFFFF  }
0x68: {  	s31 =	simm.s32 $0x2;
	[sflag:s2] =	ssyncpa.u1 $0x1  }
0x69: {  	[sflag:s31] =	ssyncpa.u1 $0x1  }
0x6a: {  	p0 =	sne.s32 s1, $0x0;
	_ =	strace $0x9000004A  }
0x6b: {  	s0 =	sadd.s32 @!p0 $0x100000, s0;
	[bflag:$0x2] =	sbarrier.arrive $0xFFFF  }
0x6c: {  	[sflag:s0] =	ssyncadd.tile.s32 @!p0 $0x1;
	_ =	shalt  }
.Lfunc_end1:
_tile_overlayer_lowered:
.L_overlay_start_2:
0x6d: {  	(tag) =	ssettag $0x2  }
0x6e: {  	s0 =	rddreg [dreg:$0x0];
	s2 =	stileid.u32  }
0x6f: {  	s1 =	rddreg [dreg:$0x1];
	p0 =	sne.s32 s2, $0x0  }
0x70: {  	s3 =	rddreg [dreg:$0x2];
	[bflag:$0x3] =	sbarrier.arrive $0xFFFF;
	s2 =	simm.s32 @!p0 $0x1C01  }
0x71: {  	[timem:s3], [sflag:s2] =	dma.local @!p0 [hbm:s0], s1  }
0x72: {  	s0 =	simm.s32 @!p0 $0x1  }
0x73: {  	_ =	swait.ge @!p0 [sflag:s0], s1  }
0x74: {  	s1 =	ssub.s32 @!p0 $0x0, s1;
	[sflag:s0] =	ssyncset.done @!p0 $0x0  }
0x75: {  	[sflag:s0] =	ssyncadd.s32 @!p0 s1  }
0x76: {  	[bflag:$0x3] =	sbarrier.arrive $0xFFFF  }
0x77: {  	_ =	shalt  }

</sc_bundles>
